<compile_context>
chip_gen: v7x
topology: tpu7x:2x2x1
jax: 0.10.2.dev20260603
libtpu: 0.0.44.dev20260713+nightly
codegen_flags: <defaults>
</compile_context>

<pallas_src>
import dataclasses
import functools

import jax
import jax.numpy as jnp
from jax import lax
from jax.experimental import pallas as pl
from jax.experimental.pallas import tpu as pltpu
from jax.experimental.pallas import tpu_sc as plsc

F = 128
H = 4
C = 32
NP = 10240
TW = 80
T1W = 16
CHUNK = 128
NW = 32


def _f16(v):
    return jnp.full((16,), v, jnp.int32)


def _sc_params():
    cp = pltpu.CompilerParams()
    for field, val in (("needs_layout_passes", False),
                       ("use_tc_tiling_on_sc", False)):
        if field in pltpu.CompilerParams.__dataclass_fields__:
            cp = dataclasses.replace(cp, **{field: val})
    return cp


def _prep0_body(x_ref, w_ref, lw_ref, am_ref, bsk_ref, ta_ref, tb_ref, a_ref, s_ref):
    xb = x_ref[...]
    h = jnp.dot(xb, w_ref[...], preferred_element_type=jnp.float32)
    aa = jnp.dot(h, am_ref[...], preferred_element_type=jnp.float32)
    zp = jnp.zeros((xb.shape[0], 14), jnp.float32)
    ta_ref[...] = jnp.concatenate([h[:, 0:64], aa[:, 0:2], zp], axis=1)
    tb_ref[...] = jnp.concatenate([h[:, 64:128], aa[:, 2:4], zp], axis=1)
    a_ref[...] = jnp.concatenate([aa[:, 4:8], zp[:, 0:12]], axis=1)
    s_ref[...] = jnp.dot(xb, lw_ref[...], preferred_element_type=jnp.float32) + bsk_ref[...]


def _prep0(x_p, w0, lw0, am, bsk):
    bn = 1024
    return pl.pallas_call(
        _prep0_body,
        grid=(NP // bn,),
        in_specs=[
            pl.BlockSpec((bn, F), lambda i: (i, 0)),
            pl.BlockSpec((F, F), lambda i: (0, 0)),
            pl.BlockSpec((F, F), lambda i: (0, 0)),
            pl.BlockSpec((F, 8), lambda i: (0, 0)),
            pl.BlockSpec((1, F), lambda i: (0, 0)),
        ],
        out_specs=[
            pl.BlockSpec((bn, TW), lambda i: (i, 0)),
            pl.BlockSpec((bn, TW), lambda i: (i, 0)),
            pl.BlockSpec((bn, 16), lambda i: (i, 0)),
            pl.BlockSpec((bn, F), lambda i: (i, 0)),
        ],
        out_shape=[
            jax.ShapeDtypeStruct((NP, TW), jnp.float32),
            jax.ShapeDtypeStruct((NP, TW), jnp.float32),
            jax.ShapeDtypeStruct((NP, 16), jnp.float32),
            jax.ShapeDtypeStruct((NP, F), jnp.float32),
        ],
    )(x_p, w0, lw0, am, bsk)


def _edge0_body(ta_hbm, tb_hbm, a0_hbm, src_hbm, dst_hbm, out_hbm,
                srcbig, dstbig, rowv, av, acc, gsem0, gsem1, asem0, asem1):
    c = lax.axis_index("c")
    s = lax.axis_index("s")
    n_chunks = src_hbm.shape[0]
    per_s = n_chunks // 16
    rows_s = NP // 16
    gsems = (gsem0, gsem1)
    asems = (asem0, asem1)

    @pl.loop(0, CHUNK)
    def _(i):
        @pl.loop(0, TW, step=16)
        def _(j):
            rowv[0, i, pl.ds(j, 16)] = jnp.zeros((16,), jnp.float32)

    for k in range(rows_s // CHUNK):
        pltpu.sync_copy(rowv.at[0], acc.at[pl.ds(s * rows_s + k * CHUNK, CHUNK)])

    pltpu.sync_copy(src_hbm.at[pl.ds(s * per_s, per_s)], srcbig)
    pltpu.sync_copy(dst_hbm.at[pl.ds(s * per_s, per_s)], dstbig)
    plsc.subcore_barrier()

    def start(j, b):
        @pl.when(c == 0)
        def _():
            pltpu.async_copy(ta_hbm.at[srcbig.at[j]], rowv.at[b], gsems[b])

        @pl.when(c == 1)
        def _():
            pltpu.async_copy(tb_hbm.at[srcbig.at[j]], rowv.at[b], gsems[b])

        pltpu.async_copy(a0_hbm.at[dstbig.at[j]], av.at[b], asems[b])

    def wait(b):
        pltpu.make_async_copy(ta_hbm.at[srcbig.at[0]], rowv.at[b], gsems[b]).wait()
        pltpu.make_async_copy(a0_hbm.at[dstbig.at[0]], av.at[b], asems[b]).wait()

    def work(j, b):
        @pl.loop(0, CHUNK, step=16)
        def _(e0):
            iot = lax.iota(jnp.int32, 16) + e0
            for hl in range(2):
                a_s = plsc.load_gather(rowv.at[b], [iot, _f16(64 + hl)])
                a_d = plsc.load_gather(av.at[b], [iot, _f16(hl) + 2 * c])
                al = a_s + a_d
                al = jnp.where(al > 0, al, al * 0.2)
                ex = jnp.exp(al)
                plsc.store_scatter(rowv.at[b], [iot, _f16(64 + hl)], ex)

        @pl.loop(0, CHUNK)
        def _(e):
            exv = rowv[b, e, pl.ds(64, 16)]
            for hl in range(2):
                sc = exv[hl]
                for v in range(2):
                    off = hl * C + v * 16
                    rowv[b, e, pl.ds(off, 16)] = rowv[b, e, pl.ds(off, 16)] * sc

        pltpu.sync_copy(rowv.at[b], acc.at[dstbig.at[j]], add=True)

    start(0, 0)

    @pl.loop(0, per_s // 2)
    def _(jj):
        j0 = 2 * jj
        start(j0 + 1, 1)
        wait(0)
        work(j0, 0)

        @pl.when(j0 + 2 < per_s)
        def _():
            start(j0 + 2, 0)

        wait(1)
        work(j0 + 1, 1)

    if per_s % 2:
        wait(0)
        work(per_s - 1, 0)

    plsc.subcore_barrier()
    for k in range(rows_s // CHUNK):
        base = s * rows_s + k * CHUNK
        pltpu.sync_copy(acc.at[pl.ds(base, CHUNK)], out_hbm.at[c, pl.ds(base, CHUNK)])


def _edge0(ta, tb, a0, src2d, dst2d):
    per_s = src2d.shape[0] // 16
    mesh = plsc.VectorSubcoreMesh(core_axis_name="c", subcore_axis_name="s")
    kern = functools.partial(
        pl.kernel,
        mesh=mesh,
        out_type=jax.ShapeDtypeStruct((2, NP, TW), jnp.float32),
        scratch_types=[
            pltpu.VMEM((per_s, CHUNK), jnp.int32),
            pltpu.VMEM((per_s, CHUNK), jnp.int32),
            pltpu.VMEM((2, CHUNK, TW), jnp.float32),
            pltpu.VMEM((2, CHUNK, 16), jnp.float32),
            pltpu.VMEM_SHARED((NP, TW), jnp.float32),
            pltpu.SemaphoreType.DMA,
            pltpu.SemaphoreType.DMA,
            pltpu.SemaphoreType.DMA,
            pltpu.SemaphoreType.DMA,
        ],
        compiler_params=_sc_params(),
    )(_edge0_body)
    return kern(ta, tb, a0, src2d, dst2d)


def _comb0_body(aA_ref, aB_ref, ta_ref, tb_ref, a0_ref, sk_ref, sel_ref, ar_ref,
                wmix_ref, brow_ref, t1_ref):
    aA = aA_ref[...]
    aB = aB_ref[...]
    h = jnp.concatenate([ta_ref[...][:, 0:64], tb_ref[...][:, 0:64]], axis=1)
    asrc0 = jnp.concatenate([ta_ref[...][:, 64:66], tb_ref[...][:, 64:66]], axis=1)
    als = asrc0 + a0_ref[...][:, 0:4]
    als = jnp.where(als > 0, als, 0.2 * als)
    exs = jnp.exp(als)
    selw = sel_ref[...]
    num = jnp.concatenate([aA[:, 0:64], aB[:, 0:64]], axis=1) \
        + jnp.dot(exs, selw, preferred_element_type=jnp.float32) * h
    den4 = jnp.concatenate([aA[:, 64:66], aB[:, 64:66]], axis=1) + exs
    den = jnp.dot(den4, selw, preferred_element_type=jnp.float32) + 1e-16
    z = num / den + sk_ref[...]
    h1 = jnp.where(z > 0, z, jnp.exp(jnp.minimum(z, 0.0)) - 1.0)
    hwsk = jnp.dot(h1, wmix_ref[...], preferred_element_type=jnp.float32) + brow_ref[...]
    hw1 = hwsk[:, 0:4]
    ar = ar_ref[...]
    zp = jnp.zeros((h.shape[0], 3), jnp.float32)
    t1_ref[...] = jnp.concatenate(
        [hw1, hw1 * ar[:, 0:4], hw1 * ar[:, 4:8], hwsk[:, 4:5], zp], axis=1)


def _comb0(accA, accB, ta, tb, a0, sk0, selw, arow, wmix, brow):
    bn = 1024
    return pl.pallas_call(
        _comb0_body,
        grid=(NP // bn,),
        in_specs=[
            pl.BlockSpec((bn, TW), lambda i: (i, 0)),
            pl.BlockSpec((bn, TW), lambda i: (i, 0)),
            pl.BlockSpec((bn, TW), lambda i: (i, 0)),
            pl.BlockSpec((bn, TW), lambda i: (i, 0)),
            pl.BlockSpec((bn, 16), lambda i: (i, 0)),
            pl.BlockSpec((bn, F), lambda i: (i, 0)),
            pl.BlockSpec((4, F), lambda i: (0, 0)),
            pl.BlockSpec((1, 8), lambda i: (0, 0)),
            pl.BlockSpec((F, 8), lambda i: (0, 0)),
            pl.BlockSpec((1, 8), lambda i: (0, 0)),
        ],
        out_specs=[pl.BlockSpec((bn, T1W), lambda i: (i, 0))],
        out_shape=[jax.ShapeDtypeStruct((NP, T1W), jnp.float32)],
    )(accA, accB, ta, tb, a0, sk0, selw, arow, wmix, brow)[0]


def _edge1_body(t1_hbm, src_hbm, dst_hbm, out_hbm, srcbig, dstbig, rowv, drow,
                acc, gsem0, gsem1, dsem0, dsem1):
    c = lax.axis_index("c")
    s = lax.axis_index("s")
    wid = s * 2 + c
    per_w = src_hbm.shape[0] // NW
    rows_s = NP // 16
    gsems = (gsem0, gsem1)
    dsems = (dsem0, dsem1)

    @pl.loop(0, CHUNK)
    def _(i):
        rowv[0, i, pl.ds(0, 16)] = jnp.zeros((16,), jnp.float32)

    for k in range(rows_s // CHUNK):
        pltpu.sync_copy(rowv.at[0], acc.at[pl.ds(s * rows_s + k * CHUNK, CHUNK)])

    pltpu.sync_copy(src_hbm.at[pl.ds(wid * per_w, per_w)], srcbig)
    pltpu.sync_copy(dst_hbm.at[pl.ds(wid * per_w, per_w)], dstbig)
    plsc.subcore_barrier()

    def start(j, b):
        pltpu.async_copy(t1_hbm.at[srcbig.at[j]], rowv.at[b], gsems[b])
        pltpu.async_copy(t1_hbm.at[dstbig.at[j]], drow.at[b], dsems[b])

    def wait(b):
        pltpu.make_async_copy(t1_hbm.at[srcbig.at[0]], rowv.at[b], gsems[b]).wait()
        pltpu.make_async_copy(t1_hbm.at[dstbig.at[0]], drow.at[b], dsems[b]).wait()

    def work(j, b):
        @pl.loop(0, CHUNK, step=16)
        def _(e0):
            iot = lax.iota(jnp.int32, 16) + e0
            for hd in range(H):
                a_s = plsc.load_gather(rowv.at[b], [iot, _f16(4 + hd)])
                a_d = plsc.load_gather(drow.at[b], [iot, _f16(8 + hd)])
                al = a_s + a_d
                al = jnp.where(al > 0, al, al * 0.2)
                ex = jnp.exp(al)
                hsrc = plsc.load_gather(rowv.at[b], [iot, _f16(hd)])
                plsc.store_scatter(rowv.at[b], [iot, _f16(hd)], hsrc * ex)
                plsc.store_scatter(rowv.at[b], [iot, _f16(4 + hd)], ex)

        pltpu.sync_copy(rowv.at[b], acc.at[dstbig.at[j]], add=True)

    start(0, 0)

    @pl.loop(0, per_w // 2)
    def _(jj):
        j0 = 2 * jj
        start(j0 + 1, 1)
        wait(0)
        work(j0, 0)

        @pl.when(j0 + 2 < per_w)
        def _():
            start(j0 + 2, 0)

        wait(1)
        work(j0 + 1, 1)

    if per_w % 2:
        wait(0)
        work(per_w - 1, 0)

    plsc.subcore_barrier()
    for k in range(rows_s // CHUNK):
        base = s * rows_s + k * CHUNK
        pltpu.sync_copy(acc.at[pl.ds(base, CHUNK)], out_hbm.at[c, pl.ds(base, CHUNK)])


def _edge1(t1, src2d, dst2d):
    per_w = src2d.shape[0] // NW
    mesh = plsc.VectorSubcoreMesh(core_axis_name="c", subcore_axis_name="s")
    kern = functools.partial(
        pl.kernel,
        mesh=mesh,
        out_type=jax.ShapeDtypeStruct((2, NP, T1W), jnp.float32),
        scratch_types=[
            pltpu.VMEM((per_w, CHUNK), jnp.int32),
            pltpu.VMEM((per_w, CHUNK), jnp.int32),
            pltpu.VMEM((2, CHUNK, T1W), jnp.float32),
            pltpu.VMEM((2, CHUNK, T1W), jnp.float32),
            pltpu.VMEM_SHARED((NP, T1W), jnp.float32),
            pltpu.SemaphoreType.DMA,
            pltpu.SemaphoreType.DMA,
            pltpu.SemaphoreType.DMA,
            pltpu.SemaphoreType.DMA,
        ],
        compiler_params=_sc_params(),
    )(_edge1_body)
    return kern(t1, src2d, dst2d)


def _final_body(aA_ref, aB_ref, t1_ref, o_ref):
    t1 = t1_ref[...]
    hw1 = t1[:, 0:4]
    als = t1[:, 4:8] + t1[:, 8:12]
    als = jnp.where(als > 0, als, 0.2 * als)
    exs = jnp.exp(als)
    aA = aA_ref[...]
    aB = aB_ref[...]
    num = aA[:, 0:4] + aB[:, 0:4] + exs * hw1
    den = aA[:, 4:8] + aB[:, 4:8] + exs + 1e-16
    o_ref[...] = jnp.mean(num / den, axis=1, keepdims=True) + t1[:, 12:13]


def _final(acc1A, acc1B, t1):
    bn = 512
    return pl.pallas_call(
        _final_body,
        grid=(NP // bn,),
        in_specs=[
            pl.BlockSpec((bn, T1W), lambda i: (i, 0)),
            pl.BlockSpec((bn, T1W), lambda i: (i, 0)),
            pl.BlockSpec((bn, T1W), lambda i: (i, 0)),
        ],
        out_specs=[pl.BlockSpec((bn, 1), lambda i: (i, 0))],
        out_shape=[jax.ShapeDtypeStruct((NP, 1), jnp.float32)],
    )(acc1A, acc1B, t1)[0]


def kernel(x, edge_index, batch, W0, a_src0, a_dst0, b0, lw0, lb0,
           W1, a_src1, a_dst1, b1, lw1, lb1):
    N = x.shape[0]
    E = edge_index.shape[1]
    ep = ((E + NW * CHUNK - 1) // (NW * CHUNK)) * (NW * CHUNK)

    x_p = jnp.pad(x, ((0, NP - N), (0, 0)))
    src = jnp.pad(edge_index[0], (0, ep - E)).reshape(ep // CHUNK, CHUNK)
    dst = jnp.pad(edge_index[1], (0, ep - E), constant_values=N).reshape(ep // CHUNK, CHUNK)

    eyeH = jnp.eye(H, dtype=jnp.float32)
    am = jnp.concatenate([
        jnp.repeat(eyeH, C, axis=0) * a_src0.reshape(-1, 1),
        jnp.repeat(eyeH, C, axis=0) * a_dst0.reshape(-1, 1),
    ], axis=1)
    selw = jnp.repeat(eyeH, C, axis=1)
    bsk = (b0 + lb0).reshape(1, F)
    arow = jnp.concatenate([a_src1[:, 0], a_dst1[:, 0]]).reshape(1, 8)
    wmix = jnp.concatenate([W1, lw1, jnp.zeros((F, 3), jnp.float32)], axis=1)
    brow = jnp.zeros((8,), jnp.float32).at[4].set(b1[0] + lb1[0]).reshape(1, 8)

    ta, tb, a0, sk0 = _prep0(x_p, W0, lw0, am, bsk)
    acc0 = _edge0(ta, tb, a0, src, dst)
    t1 = _comb0(acc0[0], acc0[1], ta, tb, a0, sk0, selw, arow, wmix, brow)
    acc1 = _edge1(t1, src, dst)
    out = _final(acc1[0], acc1[1], t1)
    return out[:N]

# --- scband reference (transcript-rebuilt; emitter-appended) ---
"""Pipeline reference for scband-gatlin-net-18116172055283 (READ-ONLY COPY).

The authoritative reference and input builder live on the scoring server;
editing this copy changes nothing except your own understanding.
"""

import jax, jax.numpy as jnp
import numpy as np


def gat_conv(x, edge_index, W, att_src, att_dst, bias, heads, out_ch, concat):
    N = x.shape[0]
    loop = jnp.arange(N, dtype=edge_index.dtype)
    src = jnp.concatenate([edge_index[0], loop])
    dst = jnp.concatenate([edge_index[1], loop])
    h = (x @ W).reshape(N, heads, out_ch)
    alpha_src = (h * att_src[None]).sum(-1)  # [N, H]
    alpha_dst = (h * att_dst[None]).sum(-1)  # [N, H]
    alpha = alpha_src[src] + alpha_dst[dst]  # [E+N, H]
    alpha = jnp.where(alpha > 0, alpha, 0.2 * alpha)  # leaky_relu(0.2)
    amax = jax.ops.segment_max(alpha, dst, num_segments=N)
    amax = jnp.where(jnp.isfinite(amax), amax, 0.0)
    ex = jnp.exp(alpha - amax[dst])
    denom = jax.ops.segment_sum(ex, dst, num_segments=N)
    coef = ex / (denom[dst] + 1e-16)
    msg = h[src] * coef[:, :, None]
    out = jax.ops.segment_sum(msg, dst, num_segments=N)  # [N, H, C]
    if concat:
        out = out.reshape(N, heads * out_ch)
    else:
        out = out.mean(axis=1)
    return out + bias


def setup_inputs(seed: int = 0):
    key = jax.random.key(seed)
    ks = jax.random.split(key, 16)
    N, E, F_in, H, C = 10000, 320000, 128, 4, 32
    x = jax.random.normal(ks[0], (N, F_in), dtype=jnp.float32)
    edge_index = jax.random.randint(ks[1], (2, E), 0, N, dtype=jnp.int32)
    batch = jnp.zeros((N,), dtype=jnp.int32)
    W0 = jax.random.normal(ks[2], (F_in, H * C), dtype=jnp.float32) * 0.1
    a_src0 = jax.random.normal(ks[3], (H, C), dtype=jnp.float32) * 0.1
    a_dst0 = jax.random.normal(ks[4], (H, C), dtype=jnp.float32) * 0.1
    b0 = jnp.zeros((H * C,), dtype=jnp.float32)
    lw0 = jax.random.normal(ks[5], (F_in, H * C), dtype=jnp.float32) * 0.1
    lb0 = jnp.zeros((H * C,), dtype=jnp.float32)
    W1 = jax.random.normal(ks[6], (H * C, H * 1), dtype=jnp.float32) * 0.1
    a_src1 = jax.random.normal(ks[7], (H, 1), dtype=jnp.float32) * 0.1
    a_dst1 = jax.random.normal(ks[8], (H, 1), dtype=jnp.float32) * 0.1
    b1 = jnp.zeros((1,), dtype=jnp.float32)
    lw1 = jax.random.normal(ks[9], (H * C, 1), dtype=jnp.float32) * 0.1
    lb1 = jnp.zeros((1,), dtype=jnp.float32)
    return {"x": x, "edge_index": edge_index, "batch": batch,
            "W0": W0, "a_src0": a_src0, "a_dst0": a_dst0, "b0": b0, "lw0": lw0, "lb0": lb0,
            "W1": W1, "a_src1": a_src1, "a_dst1": a_dst1, "b1": b1, "lw1": lw1, "lb1": lb1}


def reference(x, edge_index, batch, W0, a_src0, a_dst0, b0, lw0, lb0, W1, a_src1, a_dst1, b1, lw1, lb1):
    h = gat_conv(x, edge_index, W0, a_src0, a_dst0, b0, 4, 32, True) + (x @ lw0 + lb0)
    h = jax.nn.elu(h)
    out = gat_conv(h, edge_index, W1, a_src1, a_dst1, b1, 4, 1, False) + (h @ lw1 + lb1)
    return out

if __name__ == "__main__":
    import jax
    _d = setup_inputs()
    print(jax.jit(kernel)(*tuple(_d.values())))

</pallas_src>

<mosaic_0001>
#map = affine_map<(d0, d1) -> (0, 0)>
#map1 = affine_map<(d0, d1) -> (0, 0, 0)>
module attributes {stable_mosaic.version = 14 : i64} {
  func.func @_edge0_body(%arg0: i32, %arg1: i32, %arg2: memref<10240x80xf32, #tpu.memory_space<hbm>>, %arg3: memref<10240x80xf32, #tpu.memory_space<hbm>>, %arg4: memref<10240x16xf32, #tpu.memory_space<hbm>>, %arg5: memref<2528x128xi32, #tpu.memory_space<hbm>>, %arg6: memref<2528x128xi32, #tpu.memory_space<hbm>>, %arg7: memref<2x10240x80xf32, #tpu.memory_space<hbm>>, %arg8: memref<158x128xi32, #tpu.memory_space<vmem>>, %arg9: memref<158x128xi32, #tpu.memory_space<vmem>>, %arg10: memref<2x128x80xf32, #tpu.memory_space<vmem>>, %arg11: memref<2x128x16xf32, #tpu.memory_space<vmem>>, %arg12: memref<10240x80xf32, #tpu.memory_space<vmem_shared>>, %arg13: memref<!tpu.dma_semaphore, #tpu.memory_space<semaphore_mem>>, %arg14: memref<!tpu.dma_semaphore, #tpu.memory_space<semaphore_mem>>, %arg15: memref<!tpu.dma_semaphore, #tpu.memory_space<semaphore_mem>>, %arg16: memref<!tpu.dma_semaphore, #tpu.memory_space<semaphore_mem>>) attributes {dimension_semantics = [#tpu.dimension_semantics<core_parallel>, #tpu.dimension_semantics<subcore_parallel>], iteration_bounds = array<i64: 2, 16>, scalar_prefetch = 0 : i64, scratch_operands = 9 : i64, tpu.core_type = #tpu.core_type<sc_vector_subcore>, window_params = [{transform_indices = #map}, {transform_indices = #map}, {transform_indices = #map}, {transform_indices = #map}, {transform_indices = #map}, {transform_indices = #map1}]} {
    %scan3A = arith.constant 0 : i32
    %scan3A_0 = arith.constant 128 : i32
    %scan3A_1 = arith.addi %scan3A, %scan3A_0 : i32
    %scan3A_2 = arith.constant 1 : i32
    scf.for %scan3A_74 = %scan3A to %scan3A_1 step %scan3A_2  : i32 {
      %mul3A_75 = arith.constant 1 : i32
      %mul3A_76 = arith.muli %scan3A_74, %mul3A_75 : i32
      %add3A_77 = arith.constant 0 : i32
      %add3A_78 = arith.addi %add3A_77, %mul3A_76 : i32
      %scan3A_79 = arith.constant 0 : i32
      %scan3A_80 = arith.constant 5 : i32
      %scan3A_81 = arith.addi %scan3A_79, %scan3A_80 : i32
      %scan3A_82 = arith.constant 1 : i32
      scf.for %scan3A_84 = %scan3A_79 to %scan3A_81 step %scan3A_82  : i32 {
        %mul3A_85 = arith.constant 16 : i32
        %mul3A_86 = arith.muli %scan3A_84, %mul3A_85 : i32
        %add3A_87 = arith.constant 0 : i32
        %add3A_88 = arith.addi %add3A_87, %mul3A_86 : i32
        %broadcast_in_dim3A = arith.constant 0.000000e+00 : f32
        %broadcast_in_dim3A_89 = vector.broadcast %broadcast_in_dim3A : f32 to vector<16xf32>
        %swap3A = arith.constant 0 : i32
        %swap3A_90 = arith.index_cast %swap3A : i32 to index
        %swap3A_91 = arith.index_cast %add3A_78 : i32 to index
        %swap3A_92 = arith.index_cast %add3A_88 : i32 to index
        %swap3A_93 = tpu.vector_load %arg10[%swap3A_90, %swap3A_91, %swap3A_92] {strides = array<i32>} : memref<2x128x80xf32, #tpu.memory_space<vmem>>, vector<16xf32>,
        tpu.vector_store %arg10[%swap3A_90, %swap3A_91, %swap3A_92], %broadcast_in_dim3A_89 {strides = array<i32>} : memref<2x128x80xf32, #tpu.memory_space<vmem>>, vector<16xf32>,
      }
      %scan3A_83 = arith.constant 5 : i32
    }
    %scan3A_3 = arith.constant 128 : i32
    %mul3A = arith.constant 640 : i32
    %mul3A_4 = arith.muli %arg1, %mul3A : i32
    %add3A = arith.constant 0 : i32
    %add3A_5 = arith.addi %mul3A_4, %add3A : i32
    %run_scoped3A = arith.constant 0 : i32
    "tpu.region"() ({
      %run_scoped3A_74 = tpu.sem_alloc : memref<!tpu.dma_semaphore, #tpu.memory_space<semaphore_mem>>
      %dma_start3A_75 = arith.constant 0 : i32
      %dma_start3A_76 = arith.constant 0 : i32
      %dma_start3A_77 = tpu.memref_slice %arg10[%run_scoped3A, %dma_start3A_75, %dma_start3A_76] : memref<2x128x80xf32, #tpu.memory_space<vmem>> -> memref<1x128x80xf32, #tpu.memory_space<vmem>>
      %dma_start3A_78 = tpu.memref_squeeze %dma_start3A_77 : memref<1x128x80xf32, #tpu.memory_space<vmem>> -> memref<128x80xf32, #tpu.memory_space<vmem>>
      %dma_start3A_79 = arith.constant 0 : i32
      %dma_start3A_80 = tpu.memref_slice %arg12[%add3A_5, %dma_start3A_79] : memref<10240x80xf32, #tpu.memory_space<vmem_shared>> -> memref<128x80xf32, #tpu.memory_space<vmem_shared>>
      %dma_start3A_81 = arith.constant 0 : i32
      %dma_start3A_82 = tpu.memref_slice %arg12[%add3A_5, %dma_start3A_81] : memref<10240x80xf32, #tpu.memory_space<vmem_shared>> -> memref<128x80xf32, #tpu.memory_space<vmem_shared>>
      %dma_start3A_83 = arith.constant 0 : i32
      %dma_start3A_84 = arith.constant 0 : i32
      %dma_start3A_85 = tpu.memref_slice %arg10[%run_scoped3A, %dma_start3A_83, %dma_start3A_84] : memref<2x128x80xf32, #tpu.memory_space<vmem>> -> memref<1x128x80xf32, #tpu.memory_space<vmem>>
      %dma_start3A_86 = tpu.memref_squeeze %dma_start3A_85 : memref<1x128x80xf32, #tpu.memory_space<vmem>> -> memref<128x80xf32, #tpu.memory_space<vmem>>
      tpu.enqueue_dma source(%dma_start3A_86 : memref<128x80xf32, #tpu.memory_space<vmem>>) target(%dma_start3A_82 : memref<128x80xf32, #tpu.memory_space<vmem_shared>>) target_semaphore(%run_scoped3A_74 : memref<!tpu.dma_semaphore, #tpu.memory_space<semaphore_mem>>)
      %dma_wait3A = arith.constant 0 : i32
      %dma_wait3A_87 = arith.constant 0 : i32
      %dma_wait3A_88 = tpu.memref_slice %arg10[%run_scoped3A, %dma_wait3A, %dma_wait3A_87] : memref<2x128x80xf32, #tpu.memory_space<vmem>> -> memref<1x128x80xf32, #tpu.memory_space<vmem>>
      %dma_wait3A_89 = tpu.memref_squeeze %dma_wait3A_88 : memref<1x128x80xf32, #tpu.memory_space<vmem>> -> memref<128x80xf32, #tpu.memory_space<vmem>>
      %dma_wait3A_90 = arith.constant 0 : i32
      %dma_wait3A_91 = tpu.memref_slice %arg12[%add3A_5, %dma_wait3A_90] : memref<10240x80xf32, #tpu.memory_space<vmem_shared>> -> memref<128x80xf32, #tpu.memory_space<vmem_shared>>
      %dma_wait3A_92 = arith.constant 0 : i32
      %dma_wait3A_93 = tpu.memref_slice %arg12[%add3A_5, %dma_wait3A_92] : memref<10240x80xf32, #tpu.memory_space<vmem_shared>> -> memref<128x80xf32, #tpu.memory_space<vmem_shared>>
      %dma_wait3A_94 = arith.constant 0 : i32
      %dma_wait3A_95 = arith.constant 0 : i32
      %dma_wait3A_96 = tpu.memref_slice %arg10[%run_scoped3A, %dma_wait3A_94, %dma_wait3A_95] : memref<2x128x80xf32, #tpu.memory_space<vmem>> -> memref<1x128x80xf32, #tpu.memory_space<vmem>>
      %dma_wait3A_97 = tpu.memref_squeeze %dma_wait3A_96 : memref<1x128x80xf32, #tpu.memory_space<vmem>> -> memref<128x80xf32, #tpu.memory_space<vmem>>
      tpu.wait_dma2 semaphore(%run_scoped3A_74 : memref<!tpu.dma_semaphore, #tpu.memory_space<semaphore_mem>>) src(%dma_wait3A_97 : memref<128x80xf32, #tpu.memory_space<vmem>>) dst(%dma_wait3A_93 : memref<128x80xf32, #tpu.memory_space<vmem_shared>>)
      tpu.yield
    }) : () -> ()
    %mul3A_6 = arith.constant 640 : i32
    %mul3A_7 = arith.muli %arg1, %mul3A_6 : i32
    %add3A_8 = arith.constant 128 : i32
    %add3A_9 = arith.addi %mul3A_7, %add3A_8 : i32
    %run_scoped3A_10 = arith.constant 0 : i32
    "tpu.region"() ({
      %run_scoped3A_74 = tpu.sem_alloc : memref<!tpu.dma_semaphore, #tpu.memory_space<semaphore_mem>>
      %dma_start3A_75 = arith.constant 0 : i32
      %dma_start3A_76 = arith.constant 0 : i32
      %dma_start3A_77 = tpu.memref_slice %arg10[%run_scoped3A_10, %dma_start3A_75, %dma_start3A_76] : memref<2x128x80xf32, #tpu.memory_space<vmem>> -> memref<1x128x80xf32, #tpu.memory_space<vmem>>
      %dma_start3A_78 = tpu.memref_squeeze %dma_start3A_77 : memref<1x128x80xf32, #tpu.memory_space<vmem>> -> memref<128x80xf32, #tpu.memory_space<vmem>>
      %dma_start3A_79 = arith.constant 0 : i32
      %dma_start3A_80 = tpu.memref_slice %arg12[%add3A_9, %dma_start3A_79] : memref<10240x80xf32, #tpu.memory_space<vmem_shared>> -> memref<128x80xf32, #tpu.memory_space<vmem_shared>>
      %dma_start3A_81 = arith.constant 0 : i32
      %dma_start3A_82 = tpu.memref_slice %arg12[%add3A_9, %dma_start3A_81] : memref<10240x80xf32, #tpu.memory_space<vmem_shared>> -> memref<128x80xf32, #tpu.memory_space<vmem_shared>>
      %dma_start3A_83 = arith.constant 0 : i32
      %dma_start3A_84 = arith.constant 0 : i32
      %dma_start3A_85 = tpu.memref_slice %arg10[%run_scoped3A_10, %dma_start3A_83, %dma_start3A_84] : memref<2x128x80xf32, #tpu.memory_space<vmem>> -> memref<1x128x80xf32, #tpu.memory_space<vmem>>
      %dma_start3A_86 = tpu.memref_squeeze %dma_start3A_85 : memref<1x128x80xf32, #tpu.memory_space<vmem>> -> memref<128x80xf32, #tpu.memory_space<vmem>>
      tpu.enqueue_dma source(%dma_start3A_86 : memref<128x80xf32, #tpu.memory_space<vmem>>) target(%dma_start3A_82 : memref<128x80xf32, #tpu.memory_space<vmem_shared>>) target_semaphore(%run_scoped3A_74 : memref<!tpu.dma_semaphore, #tpu.memory_space<semaphore_mem>>)
      %dma_wait3A = arith.constant 0 : i32
      %dma_wait3A_87 = arith.constant 0 : i32
      %dma_wait3A_88 = tpu.memref_slice %arg10[%run_scoped3A_10, %dma_wait3A, %dma_wait3A_87] : memref<2x128x80xf32, #tpu.memory_space<vmem>> -> memref<1x128x80xf32, #tpu.memory_space<vmem>>
      %dma_wait3A_89 = tpu.memref_squeeze %dma_wait3A_88 : memref<1x128x80xf32, #tpu.memory_space<vmem>> -> memref<128x80xf32, #tpu.memory_space<vmem>>
      %dma_wait3A_90 = arith.constant 0 : i32
      %dma_wait3A_91 = tpu.memref_slice %arg12[%add3A_9, %dma_wait3A_90] : memref<10240x80xf32, #tpu.memory_space<vmem_shared>> -> memref<128x80xf32, #tpu.memory_space<vmem_shared>>
      %dma_wait3A_92 = arith.constant 0 : i32
      %dma_wait3A_93 = tpu.memref_slice %arg12[%add3A_9, %dma_wait3A_92] : memref<10240x80xf32, #tpu.memory_space<vmem_shared>> -> memref<128x80xf32, #tpu.memory_space<vmem_shared>>
      %dma_wait3A_94 = arith.constant 0 : i32
      %dma_wait3A_95 = arith.constant 0 : i32
      %dma_wait3A_96 = tpu.memref_slice %arg10[%run_scoped3A_10, %dma_wait3A_94, %dma_wait3A_95] : memref<2x128x80xf32, #tpu.memory_space<vmem>> -> memref<1x128x80xf32, #tpu.memory_space<vmem>>
      %dma_wait3A_97 = tpu.memref_squeeze %dma_wait3A_96 : memref<1x128x80xf32, #tpu.memory_space<vmem>> -> memref<128x80xf32, #tpu.memory_space<vmem>>
      tpu.wait_dma2 semaphore(%run_scoped3A_74 : memref<!tpu.dma_semaphore, #tpu.memory_space<semaphore_mem>>) src(%dma_wait3A_97 : memref<128x80xf32, #tpu.memory_space<vmem>>) dst(%dma_wait3A_93 : memref<128x80xf32, #tpu.memory_space<vmem_shared>>)
      tpu.yield
    }) : () -> ()
    %mul3A_11 = arith.constant 640 : i32
    %mul3A_12 = arith.muli %arg1, %mul3A_11 : i32
    %add3A_13 = arith.constant 256 : i32
    %add3A_14 = arith.addi %mul3A_12, %add3A_13 : i32
    %run_scoped3A_15 = arith.constant 0 : i32
    "tpu.region"() ({
      %run_scoped3A_74 = tpu.sem_alloc : memref<!tpu.dma_semaphore, #tpu.memory_space<semaphore_mem>>
      %dma_start3A_75 = arith.constant 0 : i32
      %dma_start3A_76 = arith.constant 0 : i32
      %dma_start3A_77 = tpu.memref_slice %arg10[%run_scoped3A_15, %dma_start3A_75, %dma_start3A_76] : memref<2x128x80xf32, #tpu.memory_space<vmem>> -> memref<1x128x80xf32, #tpu.memory_space<vmem>>
      %dma_start3A_78 = tpu.memref_squeeze %dma_start3A_77 : memref<1x128x80xf32, #tpu.memory_space<vmem>> -> memref<128x80xf32, #tpu.memory_space<vmem>>
      %dma_start3A_79 = arith.constant 0 : i32
      %dma_start3A_80 = tpu.memref_slice %arg12[%add3A_14, %dma_start3A_79] : memref<10240x80xf32, #tpu.memory_space<vmem_shared>> -> memref<128x80xf32, #tpu.memory_space<vmem_shared>>
      %dma_start3A_81 = arith.constant 0 : i32
      %dma_start3A_82 = tpu.memref_slice %arg12[%add3A_14, %dma_start3A_81] : memref<10240x80xf32, #tpu.memory_space<vmem_shared>> -> memref<128x80xf32, #tpu.memory_space<vmem_shared>>
      %dma_start3A_83 = arith.constant 0 : i32
      %dma_start3A_84 = arith.constant 0 : i32
      %dma_start3A_85 = tpu.memref_slice %arg10[%run_scoped3A_15, %dma_start3A_83, %dma_start3A_84] : memref<2x128x80xf32, #tpu.memory_space<vmem>> -> memref<1x128x80xf32, #tpu.memory_space<vmem>>
      %dma_start3A_86 = tpu.memref_squeeze %dma_start3A_85 : memref<1x128x80xf32, #tpu.memory_space<vmem>> -> memref<128x80xf32, #tpu.memory_space<vmem>>
      tpu.enqueue_dma source(%dma_start3A_86 : memref<128x80xf32, #tpu.memory_space<vmem>>) target(%dma_start3A_82 : memref<128x80xf32, #tpu.memory_space<vmem_shared>>) target_semaphore(%run_scoped3A_74 : memref<!tpu.dma_semaphore, #tpu.memory_space<semaphore_mem>>)
      %dma_wait3A = arith.constant 0 : i32
      %dma_wait3A_87 = arith.constant 0 : i32
      %dma_wait3A_88 = tpu.memref_slice %arg10[%run_scoped3A_15, %dma_wait3A, %dma_wait3A_87] : memref<2x128x80xf32, #tpu.memory_space<vmem>> -> memref<1x128x80xf32, #tpu.memory_space<vmem>>
      %dma_wait3A_89 = tpu.memref_squeeze %dma_wait3A_88 : memref<1x128x80xf32, #tpu.memory_space<vmem>> -> memref<128x80xf32, #tpu.memory_space<vmem>>
      %dma_wait3A_90 = arith.constant 0 : i32
      %dma_wait3A_91 = tpu.memref_slice %arg12[%add3A_14, %dma_wait3A_90] : memref<10240x80xf32, #tpu.memory_space<vmem_shared>> -> memref<128x80xf32, #tpu.memory_space<vmem_shared>>
      %dma_wait3A_92 = arith.constant 0 : i32
      %dma_wait3A_93 = tpu.memref_slice %arg12[%add3A_14, %dma_wait3A_92] : memref<10240x80xf32, #tpu.memory_space<vmem_shared>> -> memref<128x80xf32, #tpu.memory_space<vmem_shared>>
      %dma_wait3A_94 = arith.constant 0 : i32
      %dma_wait3A_95 = arith.constant 0 : i32
      %dma_wait3A_96 = tpu.memref_slice %arg10[%run_scoped3A_15, %dma_wait3A_94, %dma_wait3A_95] : memref<2x128x80xf32, #tpu.memory_space<vmem>> -> memref<1x128x80xf32, #tpu.memory_space<vmem>>
      %dma_wait3A_97 = tpu.memref_squeeze %dma_wait3A_96 : memref<1x128x80xf32, #tpu.memory_space<vmem>> -> memref<128x80xf32, #tpu.memory_space<vmem>>
      tpu.wait_dma2 semaphore(%run_scoped3A_74 : memref<!tpu.dma_semaphore, #tpu.memory_space<semaphore_mem>>) src(%dma_wait3A_97 : memref<128x80xf32, #tpu.memory_space<vmem>>) dst(%dma_wait3A_93 : memref<128x80xf32, #tpu.memory_space<vmem_shared>>)
      tpu.yield
    }) : () -> ()
    %mul3A_16 = arith.constant 640 : i32
    %mul3A_17 = arith.muli %arg1, %mul3A_16 : i32
    %add3A_18 = arith.constant 384 : i32
    %add3A_19 = arith.addi %mul3A_17, %add3A_18 : i32
    %run_scoped3A_20 = arith.constant 0 : i32
    "tpu.region"() ({
      %run_scoped3A_74 = tpu.sem_alloc : memref<!tpu.dma_semaphore, #tpu.memory_space<semaphore_mem>>
      %dma_start3A_75 = arith.constant 0 : i32
      %dma_start3A_76 = arith.constant 0 : i32
      %dma_start3A_77 = tpu.memref_slice %arg10[%run_scoped3A_20, %dma_start3A_75, %dma_start3A_76] : memref<2x128x80xf32, #tpu.memory_space<vmem>> -> memref<1x128x80xf32, #tpu.memory_space<vmem>>
      %dma_start3A_78 = tpu.memref_squeeze %dma_start3A_77 : memref<1x128x80xf32, #tpu.memory_space<vmem>> -> memref<128x80xf32, #tpu.memory_space<vmem>>
      %dma_start3A_79 = arith.constant 0 : i32
      %dma_start3A_80 = tpu.memref_slice %arg12[%add3A_19, %dma_start3A_79] : memref<10240x80xf32, #tpu.memory_space<vmem_shared>> -> memref<128x80xf32, #tpu.memory_space<vmem_shared>>
      %dma_start3A_81 = arith.constant 0 : i32
      %dma_start3A_82 = tpu.memref_slice %arg12[%add3A_19, %dma_start3A_81] : memref<10240x80xf32, #tpu.memory_space<vmem_shared>> -> memref<128x80xf32, #tpu.memory_space<vmem_shared>>
      %dma_start3A_83 = arith.constant 0 : i32
      %dma_start3A_84 = arith.constant 0 : i32
      %dma_start3A_85 = tpu.memref_slice %arg10[%run_scoped3A_20, %dma_start3A_83, %dma_start3A_84] : memref<2x128x80xf32, #tpu.memory_space<vmem>> -> memref<1x128x80xf32, #tpu.memory_space<vmem>>
      %dma_start3A_86 = tpu.memref_squeeze %dma_start3A_85 : memref<1x128x80xf32, #tpu.memory_space<vmem>> -> memref<128x80xf32, #tpu.memory_space<vmem>>
      tpu.enqueue_dma source(%dma_start3A_86 : memref<128x80xf32, #tpu.memory_space<vmem>>) target(%dma_start3A_82 : memref<128x80xf32, #tpu.memory_space<vmem_shared>>) target_semaphore(%run_scoped3A_74 : memref<!tpu.dma_semaphore, #tpu.memory_space<semaphore_mem>>)
      %dma_wait3A = arith.constant 0 : i32
      %dma_wait3A_87 = arith.constant 0 : i32
      %dma_wait3A_88 = tpu.memref_slice %arg10[%run_scoped3A_20, %dma_wait3A, %dma_wait3A_87] : memref<2x128x80xf32, #tpu.memory_space<vmem>> -> memref<1x128x80xf32, #tpu.memory_space<vmem>>
      %dma_wait3A_89 = tpu.memref_squeeze %dma_wait3A_88 : memref<1x128x80xf32, #tpu.memory_space<vmem>> -> memref<128x80xf32, #tpu.memory_space<vmem>>
      %dma_wait3A_90 = arith.constant 0 : i32
      %dma_wait3A_91 = tpu.memref_slice %arg12[%add3A_19, %dma_wait3A_90] : memref<10240x80xf32, #tpu.memory_space<vmem_shared>> -> memref<128x80xf32, #tpu.memory_space<vmem_shared>>
      %dma_wait3A_92 = arith.constant 0 : i32
      %dma_wait3A_93 = tpu.memref_slice %arg12[%add3A_19, %dma_wait3A_92] : memref<10240x80xf32, #tpu.memory_space<vmem_shared>> -> memref<128x80xf32, #tpu.memory_space<vmem_shared>>
      %dma_wait3A_94 = arith.constant 0 : i32
      %dma_wait3A_95 = arith.constant 0 : i32
      %dma_wait3A_96 = tpu.memref_slice %arg10[%run_scoped3A_20, %dma_wait3A_94, %dma_wait3A_95] : memref<2x128x80xf32, #tpu.memory_space<vmem>> -> memref<1x128x80xf32, #tpu.memory_space<vmem>>
      %dma_wait3A_97 = tpu.memref_squeeze %dma_wait3A_96 : memref<1x128x80xf32, #tpu.memory_space<vmem>> -> memref<128x80xf32, #tpu.memory_space<vmem>>
      tpu.wait_dma2 semaphore(%run_scoped3A_74 : memref<!tpu.dma_semaphore, #tpu.memory_space<semaphore_mem>>) src(%dma_wait3A_97 : memref<128x80xf32, #tpu.memory_space<vmem>>) dst(%dma_wait3A_93 : memref<128x80xf32, #tpu.memory_space<vmem_shared>>)
      tpu.yield
    }) : () -> ()
    %mul3A_21 = arith.constant 640 : i32
    %mul3A_22 = arith.muli %arg1, %mul3A_21 : i32
    %add3A_23 = arith.constant 512 : i32
    %add3A_24 = arith.addi %mul3A_22, %add3A_23 : i32
    %run_scoped3A_25 = arith.constant 0 : i32
    "tpu.region"() ({
      %run_scoped3A_74 = tpu.sem_alloc : memref<!tpu.dma_semaphore, #tpu.memory_space<semaphore_mem>>
      %dma_start3A_75 = arith.constant 0 : i32
      %dma_start3A_76 = arith.constant 0 : i32
      %dma_start3A_77 = tpu.memref_slice %arg10[%run_scoped3A_25, %dma_start3A_75, %dma_start3A_76] : memref<2x128x80xf32, #tpu.memory_space<vmem>> -> memref<1x128x80xf32, #tpu.memory_space<vmem>>
      %dma_start3A_78 = tpu.memref_squeeze %dma_start3A_77 : memref<1x128x80xf32, #tpu.memory_space<vmem>> -> memref<128x80xf32, #tpu.memory_space<vmem>>
      %dma_start3A_79 = arith.constant 0 : i32
      %dma_start3A_80 = tpu.memref_slice %arg12[%add3A_24, %dma_start3A_79] : memref<10240x80xf32, #tpu.memory_space<vmem_shared>> -> memref<128x80xf32, #tpu.memory_space<vmem_shared>>
      %dma_start3A_81 = arith.constant 0 : i32
      %dma_start3A_82 = tpu.memref_slice %arg12[%add3A_24, %dma_start3A_81] : memref<10240x80xf32, #tpu.memory_space<vmem_shared>> -> memref<128x80xf32, #tpu.memory_space<vmem_shared>>
      %dma_start3A_83 = arith.constant 0 : i32
      %dma_start3A_84 = arith.constant 0 : i32
      %dma_start3A_85 = tpu.memref_slice %arg10[%run_scoped3A_25, %dma_start3A_83, %dma_start3A_84] : memref<2x128x80xf32, #tpu.memory_space<vmem>> -> memref<1x128x80xf32, #tpu.memory_space<vmem>>
      %dma_start3A_86 = tpu.memref_squeeze %dma_start3A_85 : memref<1x128x80xf32, #tpu.memory_space<vmem>> -> memref<128x80xf32, #tpu.memory_space<vmem>>
      tpu.enqueue_dma source(%dma_start3A_86 : memref<128x80xf32, #tpu.memory_space<vmem>>) target(%dma_start3A_82 : memref<128x80xf32, #tpu.memory_space<vmem_shared>>) target_semaphore(%run_scoped3A_74 : memref<!tpu.dma_semaphore, #tpu.memory_space<semaphore_mem>>)
      %dma_wait3A = arith.constant 0 : i32
      %dma_wait3A_87 = arith.constant 0 : i32
      %dma_wait3A_88 = tpu.memref_slice %arg10[%run_scoped3A_25, %dma_wait3A, %dma_wait3A_87] : memref<2x128x80xf32, #tpu.memory_space<vmem>> -> memref<1x128x80xf32, #tpu.memory_space<vmem>>
      %dma_wait3A_89 = tpu.memref_squeeze %dma_wait3A_88 : memref<1x128x80xf32, #tpu.memory_space<vmem>> -> memref<128x80xf32, #tpu.memory_space<vmem>>
      %dma_wait3A_90 = arith.constant 0 : i32
      %dma_wait3A_91 = tpu.memref_slice %arg12[%add3A_24, %dma_wait3A_90] : memref<10240x80xf32, #tpu.memory_space<vmem_shared>> -> memref<128x80xf32, #tpu.memory_space<vmem_shared>>
      %dma_wait3A_92 = arith.constant 0 : i32
      %dma_wait3A_93 = tpu.memref_slice %arg12[%add3A_24, %dma_wait3A_92] : memref<10240x80xf32, #tpu.memory_space<vmem_shared>> -> memref<128x80xf32, #tpu.memory_space<vmem_shared>>
      %dma_wait3A_94 = arith.constant 0 : i32
      %dma_wait3A_95 = arith.constant 0 : i32
      %dma_wait3A_96 = tpu.memref_slice %arg10[%run_scoped3A_25, %dma_wait3A_94, %dma_wait3A_95] : memref<2x128x80xf32, #tpu.memory_space<vmem>> -> memref<1x128x80xf32, #tpu.memory_space<vmem>>
      %dma_wait3A_97 = tpu.memref_squeeze %dma_wait3A_96 : memref<1x128x80xf32, #tpu.memory_space<vmem>> -> memref<128x80xf32, #tpu.memory_space<vmem>>
      tpu.wait_dma2 semaphore(%run_scoped3A_74 : memref<!tpu.dma_semaphore, #tpu.memory_space<semaphore_mem>>) src(%dma_wait3A_97 : memref<128x80xf32, #tpu.memory_space<vmem>>) dst(%dma_wait3A_93 : memref<128x80xf32, #tpu.memory_space<vmem_shared>>)
      tpu.yield
    }) : () -> ()
    %mul3A_26 = arith.constant 158 : i32
    %mul3A_27 = arith.muli %arg1, %mul3A_26 : i32
    "tpu.region"() ({
      %run_scoped3A_74 = tpu.sem_alloc : memref<!tpu.dma_semaphore, #tpu.memory_space<semaphore_mem>>
      %dma_start3A_75 = arith.constant 0 : i32
      %dma_start3A_76 = tpu.memref_slice %arg5[%mul3A_27, %dma_start3A_75] : memref<2528x128xi32, #tpu.memory_space<hbm>> -> memref<158x128xi32, #tpu.memory_space<hbm>>
      %dma_start3A_77 = arith.constant 0 : i32
      %dma_start3A_78 = tpu.memref_slice %arg5[%mul3A_27, %dma_start3A_77] : memref<2528x128xi32, #tpu.memory_space<hbm>> -> memref<158x128xi32, #tpu.memory_space<hbm>>
      tpu.enqueue_dma source(%dma_start3A_78 : memref<158x128xi32, #tpu.memory_space<hbm>>) target(%arg8 : memref<158x128xi32, #tpu.memory_space<vmem>>) target_semaphore(%run_scoped3A_74 : memref<!tpu.dma_semaphore, #tpu.memory_space<semaphore_mem>>)
      %dma_wait3A = arith.constant 0 : i32
      %dma_wait3A_79 = tpu.memref_slice %arg5[%mul3A_27, %dma_wait3A] : memref<2528x128xi32, #tpu.memory_space<hbm>> -> memref<158x128xi32, #tpu.memory_space<hbm>>
      %dma_wait3A_80 = arith.constant 0 : i32
      %dma_wait3A_81 = tpu.memref_slice %arg5[%mul3A_27, %dma_wait3A_80] : memref<2528x128xi32, #tpu.memory_space<hbm>> -> memref<158x128xi32, #tpu.memory_space<hbm>>
      tpu.wait_dma2 semaphore(%run_scoped3A_74 : memref<!tpu.dma_semaphore, #tpu.memory_space<semaphore_mem>>) src(%dma_wait3A_81 : memref<158x128xi32, #tpu.memory_space<hbm>>) dst(%arg8 : memref<158x128xi32, #tpu.memory_space<vmem>>)
      tpu.yield
    }) : () -> ()
    %mul3A_28 = arith.constant 158 : i32
    %mul3A_29 = arith.muli %arg1, %mul3A_28 : i32
    "tpu.region"() ({
      %run_scoped3A_74 = tpu.sem_alloc : memref<!tpu.dma_semaphore, #tpu.memory_space<semaphore_mem>>
      %dma_start3A_75 = arith.constant 0 : i32
      %dma_start3A_76 = tpu.memref_slice %arg6[%mul3A_29, %dma_start3A_75] : memref<2528x128xi32, #tpu.memory_space<hbm>> -> memref<158x128xi32, #tpu.memory_space<hbm>>
      %dma_start3A_77 = arith.constant 0 : i32
      %dma_start3A_78 = tpu.memref_slice %arg6[%mul3A_29, %dma_start3A_77] : memref<2528x128xi32, #tpu.memory_space<hbm>> -> memref<158x128xi32, #tpu.memory_space<hbm>>
      tpu.enqueue_dma source(%dma_start3A_78 : memref<158x128xi32, #tpu.memory_space<hbm>>) target(%arg9 : memref<158x128xi32, #tpu.memory_space<vmem>>) target_semaphore(%run_scoped3A_74 : memref<!tpu.dma_semaphore, #tpu.memory_space<semaphore_mem>>)
      %dma_wait3A = arith.constant 0 : i32
      %dma_wait3A_79 = tpu.memref_slice %arg6[%mul3A_29, %dma_wait3A] : memref<2528x128xi32, #tpu.memory_space<hbm>> -> memref<158x128xi32, #tpu.memory_space<hbm>>
      %dma_wait3A_80 = arith.constant 0 : i32
      %dma_wait3A_81 = tpu.memref_slice %arg6[%mul3A_29, %dma_wait3A_80] : memref<2528x128xi32, #tpu.memory_space<hbm>> -> memref<158x128xi32, #tpu.memory_space<hbm>>
      tpu.wait_dma2 semaphore(%run_scoped3A_74 : memref<!tpu.dma_semaphore, #tpu.memory_space<semaphore_mem>>) src(%dma_wait3A_81 : memref<158x128xi32, #tpu.memory_space<hbm>>) dst(%arg9 : memref<158x128xi32, #tpu.memory_space<vmem>>)
      tpu.yield
    }) : () -> ()
    %barrier3A = arith.constant 0 : index
    tpu.barrier barrier_id(%barrier3A)
    %eq3A = arith.constant 0 : i32
    %eq3A_30 = arith.cmpi eq, %arg0, %eq3A : i32
    %convert_element_type3A = arith.extui %eq3A_30 : i1 to i32
    %cond3A = arith.constant 0 : i32
    %cond3A_31 = arith.cmpi ne, %convert_element_type3A, %cond3A : i32
    scf.if %cond3A_31 {
      %dma_start3A_74 = arith.constant 0 : i32
      %dma_start3A_75 = arith.constant 0 : i32
      %dma_start3A_76 = arith.constant 0 : i32
      %dma_start3A_77 = arith.constant 0 : i32
      %dma_start3A_78 = tpu.memref_slice %arg10[%dma_start3A_75, %dma_start3A_76, %dma_start3A_77] : memref<2x128x80xf32, #tpu.memory_space<vmem>> -> memref<1x128x80xf32, #tpu.memory_space<vmem>>
      %dma_start3A_79 = tpu.memref_squeeze %dma_start3A_78 : memref<1x128x80xf32, #tpu.memory_space<vmem>> -> memref<128x80xf32, #tpu.memory_space<vmem>>
      %dma_start3A_80 = arith.constant 0 : i32
      %dma_start3A_81 = tpu.memref_slice %arg8[%dma_start3A_74, %dma_start3A_80] : memref<158x128xi32, #tpu.memory_space<vmem>> -> memref<1x128xi32, #tpu.memory_space<vmem>>
      %dma_start3A_82 = tpu.memref_squeeze %dma_start3A_81 : memref<1x128xi32, #tpu.memory_space<vmem>> -> memref<128xi32, #tpu.memory_space<vmem>>
      %dma_start3A_83 = arith.constant 0 : i32
      %dma_start3A_84 = arith.constant 0 : i32
      %dma_start3A_85 = tpu.memref_slice %arg2[%dma_start3A_83, %dma_start3A_84] : memref<10240x80xf32, #tpu.memory_space<hbm>> -> memref<10240x80xf32, #tpu.memory_space<hbm>>
      tpu.enqueue_indirect_dma source(%dma_start3A_85 : memref<10240x80xf32, #tpu.memory_space<hbm>>) target(%dma_start3A_79 : memref<128x80xf32, #tpu.memory_space<vmem>>) offsets(%dma_start3A_82 : memref<128xi32, #tpu.memory_space<vmem>>) semaphore(%arg13 : memref<!tpu.dma_semaphore, #tpu.memory_space<semaphore_mem>>)
    } else {
    }
    %eq3A_32 = arith.constant 1 : i32
    %eq3A_33 = arith.cmpi eq, %arg0, %eq3A_32 : i32
    %convert_element_type3A_34 = arith.extui %eq3A_33 : i1 to i32
    %cond3A_35 = arith.constant 0 : i32
    %cond3A_36 = arith.cmpi ne, %convert_element_type3A_34, %cond3A_35 : i32
    scf.if %cond3A_36 {
      %dma_start3A_74 = arith.constant 0 : i32
      %dma_start3A_75 = arith.constant 0 : i32
      %dma_start3A_76 = arith.constant 0 : i32
      %dma_start3A_77 = arith.constant 0 : i32
      %dma_start3A_78 = tpu.memref_slice %arg10[%dma_start3A_75, %dma_start3A_76, %dma_start3A_77] : memref<2x128x80xf32, #tpu.memory_space<vmem>> -> memref<1x128x80xf32, #tpu.memory_space<vmem>>
      %dma_start3A_79 = tpu.memref_squeeze %dma_start3A_78 : memref<1x128x80xf32, #tpu.memory_space<vmem>> -> memref<128x80xf32, #tpu.memory_space<vmem>>
      %dma_start3A_80 = arith.constant 0 : i32
      %dma_start3A_81 = tpu.memref_slice %arg8[%dma_start3A_74, %dma_start3A_80] : memref<158x128xi32, #tpu.memory_space<vmem>> -> memref<1x128xi32, #tpu.memory_space<vmem>>
      %dma_start3A_82 = tpu.memref_squeeze %dma_start3A_81 : memref<1x128xi32, #tpu.memory_space<vmem>> -> memref<128xi32, #tpu.memory_space<vmem>>
      %dma_start3A_83 = arith.constant 0 : i32
      %dma_start3A_84 = arith.constant 0 : i32
      %dma_start3A_85 = tpu.memref_slice %arg3[%dma_start3A_83, %dma_start3A_84] : memref<10240x80xf32, #tpu.memory_space<hbm>> -> memref<10240x80xf32, #tpu.memory_space<hbm>>
      tpu.enqueue_indirect_dma source(%dma_start3A_85 : memref<10240x80xf32, #tpu.memory_space<hbm>>) target(%dma_start3A_79 : memref<128x80xf32, #tpu.memory_space<vmem>>) offsets(%dma_start3A_82 : memref<128xi32, #tpu.memory_space<vmem>>) semaphore(%arg13 : memref<!tpu.dma_semaphore, #tpu.memory_space<semaphore_mem>>)
    } else {
    }
    %dma_start3A = arith.constant 0 : i32
    %dma_start3A_37 = arith.constant 0 : i32
    %dma_start3A_38 = arith.constant 0 : i32
    %dma_start3A_39 = arith.constant 0 : i32
    %dma_start3A_40 = tpu.memref_slice %arg11[%dma_start3A_37, %dma_start3A_38, %dma_start3A_39] : memref<2x128x16xf32, #tpu.memory_space<vmem>> -> memref<1x128x16xf32, #tpu.memory_space<vmem>>
    %dma_start3A_41 = tpu.memref_squeeze %dma_start3A_40 : memref<1x128x16xf32, #tpu.memory_space<vmem>> -> memref<128x16xf32, #tpu.memory_space<vmem>>
    %dma_start3A_42 = arith.constant 0 : i32
    %dma_start3A_43 = tpu.memref_slice %arg9[%dma_start3A, %dma_start3A_42] : memref<158x128xi32, #tpu.memory_space<vmem>> -> memref<1x128xi32, #tpu.memory_space<vmem>>
    %dma_start3A_44 = tpu.memref_squeeze %dma_start3A_43 : memref<1x128xi32, #tpu.memory_space<vmem>> -> memref<128xi32, #tpu.memory_space<vmem>>
    %dma_start3A_45 = arith.constant 0 : i32
    %dma_start3A_46 = arith.constant 0 : i32
    %dma_start3A_47 = tpu.memref_slice %arg4[%dma_start3A_45, %dma_start3A_46] : memref<10240x16xf32, #tpu.memory_space<hbm>> -> memref<10240x16xf32, #tpu.memory_space<hbm>>
    tpu.enqueue_indirect_dma source(%dma_start3A_47 : memref<10240x16xf32, #tpu.memory_space<hbm>>) target(%dma_start3A_41 : memref<128x16xf32, #tpu.memory_space<vmem>>) offsets(%dma_start3A_44 : memref<128xi32, #tpu.memory_space<vmem>>) semaphore(%arg15 : memref<!tpu.dma_semaphore, #tpu.memory_space<semaphore_mem>>)
    %scan3A_48 = arith.constant 0 : i32
    %scan3A_49 = arith.constant 79 : i32
    %scan3A_50 = arith.addi %scan3A_48, %scan3A_49 : i32
    %scan3A_51 = arith.constant 1 : i32
    scf.for %scan3A_74 = %scan3A_48 to %scan3A_50 step %scan3A_51  : i32 {
      %mul3A_75 = arith.constant 1 : i32
      %mul3A_76 = arith.muli %scan3A_74, %mul3A_75 : i32
      %add3A_77 = arith.constant 0 : i32
      %add3A_78 = arith.addi %add3A_77, %mul3A_76 : i32
      %mul3A_79 = arith.constant 2 : i32
      %mul3A_80 = arith.muli %mul3A_79, %add3A_78 : i32
      %add3A_81 = arith.constant 1 : i32
      %add3A_82 = arith.addi %mul3A_80, %add3A_81 : i32
      %eq3A_83 = arith.constant 0 : i32
      %eq3A_84 = arith.cmpi eq, %arg0, %eq3A_83 : i32
      %convert_element_type3A_85 = arith.extui %eq3A_84 : i1 to i32
      %cond3A_86 = arith.constant 0 : i32
      %cond3A_87 = arith.cmpi ne, %convert_element_type3A_85, %cond3A_86 : i32
      scf.if %cond3A_87 {
        %dma_start3A_181 = arith.constant 1 : i32
        %dma_start3A_182 = arith.constant 0 : i32
        %dma_start3A_183 = arith.constant 0 : i32
        %dma_start3A_184 = tpu.memref_slice %arg10[%dma_start3A_181, %dma_start3A_182, %dma_start3A_183] : memref<2x128x80xf32, #tpu.memory_space<vmem>> -> memref<1x128x80xf32, #tpu.memory_space<vmem>>
        %dma_start3A_185 = tpu.memref_squeeze %dma_start3A_184 : memref<1x128x80xf32, #tpu.memory_space<vmem>> -> memref<128x80xf32, #tpu.memory_space<vmem>>
        %dma_start3A_186 = arith.constant 0 : i32
        %dma_start3A_187 = tpu.memref_slice %arg8[%add3A_82, %dma_start3A_186] : memref<158x128xi32, #tpu.memory_space<vmem>> -> memref<1x128xi32, #tpu.memory_space<vmem>>
        %dma_start3A_188 = tpu.memref_squeeze %dma_start3A_187 : memref<1x128xi32, #tpu.memory_space<vmem>> -> memref<128xi32, #tpu.memory_space<vmem>>
        %dma_start3A_189 = arith.constant 0 : i32
        %dma_start3A_190 = arith.constant 0 : i32
        %dma_start3A_191 = tpu.memref_slice %arg2[%dma_start3A_189, %dma_start3A_190] : memref<10240x80xf32, #tpu.memory_space<hbm>> -> memref<10240x80xf32, #tpu.memory_space<hbm>>
        tpu.enqueue_indirect_dma source(%dma_start3A_191 : memref<10240x80xf32, #tpu.memory_space<hbm>>) target(%dma_start3A_185 : memref<128x80xf32, #tpu.memory_space<vmem>>) offsets(%dma_start3A_188 : memref<128xi32, #tpu.memory_space<vmem>>) semaphore(%arg14 : memref<!tpu.dma_semaphore, #tpu.memory_space<semaphore_mem>>)
      } else {
      }
      %eq3A_88 = arith.constant 1 : i32
      %eq3A_89 = arith.cmpi eq, %arg0, %eq3A_88 : i32
      %convert_element_type3A_90 = arith.extui %eq3A_89 : i1 to i32
      %cond3A_91 = arith.constant 0 : i32
      %cond3A_92 = arith.cmpi ne, %convert_element_type3A_90, %cond3A_91 : i32
      scf.if %cond3A_92 {
        %dma_start3A_181 = arith.constant 1 : i32
        %dma_start3A_182 = arith.constant 0 : i32
        %dma_start3A_183 = arith.constant 0 : i32
        %dma_start3A_184 = tpu.memref_slice %arg10[%dma_start3A_181, %dma_start3A_182, %dma_start3A_183] : memref<2x128x80xf32, #tpu.memory_space<vmem>> -> memref<1x128x80xf32, #tpu.memory_space<vmem>>
        %dma_start3A_185 = tpu.memref_squeeze %dma_start3A_184 : memref<1x128x80xf32, #tpu.memory_space<vmem>> -> memref<128x80xf32, #tpu.memory_space<vmem>>
        %dma_start3A_186 = arith.constant 0 : i32
        %dma_start3A_187 = tpu.memref_slice %arg8[%add3A_82, %dma_start3A_186] : memref<158x128xi32, #tpu.memory_space<vmem>> -> memref<1x128xi32, #tpu.memory_space<vmem>>
        %dma_start3A_188 = tpu.memref_squeeze %dma_start3A_187 : memref<1x128xi32, #tpu.memory_space<vmem>> -> memref<128xi32, #tpu.memory_space<vmem>>
        %dma_start3A_189 = arith.constant 0 : i32
        %dma_start3A_190 = arith.constant 0 : i32
        %dma_start3A_191 = tpu.memref_slice %arg3[%dma_start3A_189, %dma_start3A_190] : memref<10240x80xf32, #tpu.memory_space<hbm>> -> memref<10240x80xf32, #tpu.memory_space<hbm>>
        tpu.enqueue_indirect_dma source(%dma_start3A_191 : memref<10240x80xf32, #tpu.memory_space<hbm>>) target(%dma_start3A_185 : memref<128x80xf32, #tpu.memory_space<vmem>>) offsets(%dma_start3A_188 : memref<128xi32, #tpu.memory_space<vmem>>) semaphore(%arg14 : memref<!tpu.dma_semaphore, #tpu.memory_space<semaphore_mem>>)
      } else {
      }
      %dma_start3A_93 = arith.constant 1 : i32
      %dma_start3A_94 = arith.constant 0 : i32
      %dma_start3A_95 = arith.constant 0 : i32
      %dma_start3A_96 = tpu.memref_slice %arg11[%dma_start3A_93, %dma_start3A_94, %dma_start3A_95] : memref<2x128x16xf32, #tpu.memory_space<vmem>> -> memref<1x128x16xf32, #tpu.memory_space<vmem>>
      %dma_start3A_97 = tpu.memref_squeeze %dma_start3A_96 : memref<1x128x16xf32, #tpu.memory_space<vmem>> -> memref<128x16xf32, #tpu.memory_space<vmem>>
      %dma_start3A_98 = arith.constant 0 : i32
      %dma_start3A_99 = tpu.memref_slice %arg9[%add3A_82, %dma_start3A_98] : memref<158x128xi32, #tpu.memory_space<vmem>> -> memref<1x128xi32, #tpu.memory_space<vmem>>
      %dma_start3A_100 = tpu.memref_squeeze %dma_start3A_99 : memref<1x128xi32, #tpu.memory_space<vmem>> -> memref<128xi32, #tpu.memory_space<vmem>>
      %dma_start3A_101 = arith.constant 0 : i32
      %dma_start3A_102 = arith.constant 0 : i32
      %dma_start3A_103 = tpu.memref_slice %arg4[%dma_start3A_101, %dma_start3A_102] : memref<10240x16xf32, #tpu.memory_space<hbm>> -> memref<10240x16xf32, #tpu.memory_space<hbm>>
      tpu.enqueue_indirect_dma source(%dma_start3A_103 : memref<10240x16xf32, #tpu.memory_space<hbm>>) target(%dma_start3A_97 : memref<128x16xf32, #tpu.memory_space<vmem>>) offsets(%dma_start3A_100 : memref<128xi32, #tpu.memory_space<vmem>>) semaphore(%arg16 : memref<!tpu.dma_semaphore, #tpu.memory_space<semaphore_mem>>)
      %dma_wait3A = arith.constant 0 : i32
      %dma_wait3A_104 = arith.constant 0 : i32
      %dma_wait3A_105 = arith.constant 0 : i32
      %dma_wait3A_106 = arith.constant 0 : i32
      %dma_wait3A_107 = tpu.memref_slice %arg10[%dma_wait3A_104, %dma_wait3A_105, %dma_wait3A_106] : memref<2x128x80xf32, #tpu.memory_space<vmem>> -> memref<1x128x80xf32, #tpu.memory_space<vmem>>
      %dma_wait3A_108 = tpu.memref_squeeze %dma_wait3A_107 : memref<1x128x80xf32, #tpu.memory_space<vmem>> -> memref<128x80xf32, #tpu.memory_space<vmem>>
      %dma_wait3A_109 = arith.constant 0 : i32
      %dma_wait3A_110 = tpu.memref_slice %arg8[%dma_wait3A, %dma_wait3A_109] : memref<158x128xi32, #tpu.memory_space<vmem>> -> memref<1x128xi32, #tpu.memory_space<vmem>>
      %dma_wait3A_111 = tpu.memref_squeeze %dma_wait3A_110 : memref<1x128xi32, #tpu.memory_space<vmem>> -> memref<128xi32, #tpu.memory_space<vmem>>
      %dma_wait3A_112 = arith.constant 0 : i32
      %dma_wait3A_113 = arith.constant 0 : i32
      %dma_wait3A_114 = tpu.memref_slice %arg2[%dma_wait3A_112, %dma_wait3A_113] : memref<10240x80xf32, #tpu.memory_space<hbm>> -> memref<10240x80xf32, #tpu.memory_space<hbm>>
      tpu.wait_indirect_dma semaphore(%arg13 : memref<!tpu.dma_semaphore, #tpu.memory_space<semaphore_mem>>) src(%dma_wait3A_114 : memref<10240x80xf32, #tpu.memory_space<hbm>>) dst(%dma_wait3A_108 : memref<128x80xf32, #tpu.memory_space<vmem>>)
      %dma_wait3A_115 = arith.constant 0 : i32
      %dma_wait3A_116 = arith.constant 0 : i32
      %dma_wait3A_117 = arith.constant 0 : i32
      %dma_wait3A_118 = arith.constant 0 : i32
      %dma_wait3A_119 = tpu.memref_slice %arg11[%dma_wait3A_116, %dma_wait3A_117, %dma_wait3A_118] : memref<2x128x16xf32, #tpu.memory_space<vmem>> -> memref<1x128x16xf32, #tpu.memory_space<vmem>>
      %dma_wait3A_120 = tpu.memref_squeeze %dma_wait3A_119 : memref<1x128x16xf32, #tpu.memory_space<vmem>> -> memref<128x16xf32, #tpu.memory_space<vmem>>
      %dma_wait3A_121 = arith.constant 0 : i32
      %dma_wait3A_122 = tpu.memref_slice %arg9[%dma_wait3A_115, %dma_wait3A_121] : memref<158x128xi32, #tpu.memory_space<vmem>> -> memref<1x128xi32, #tpu.memory_space<vmem>>
      %dma_wait3A_123 = tpu.memref_squeeze %dma_wait3A_122 : memref<1x128xi32, #tpu.memory_space<vmem>> -> memref<128xi32, #tpu.memory_space<vmem>>
      %dma_wait3A_124 = arith.constant 0 : i32
      %dma_wait3A_125 = arith.constant 0 : i32
      %dma_wait3A_126 = tpu.memref_slice %arg4[%dma_wait3A_124, %dma_wait3A_125] : memref<10240x16xf32, #tpu.memory_space<hbm>> -> memref<10240x16xf32, #tpu.memory_space<hbm>>
      tpu.wait_indirect_dma semaphore(%arg15 : memref<!tpu.dma_semaphore, #tpu.memory_space<semaphore_mem>>) src(%dma_wait3A_126 : memref<10240x16xf32, #tpu.memory_space<hbm>>) dst(%dma_wait3A_120 : memref<128x16xf32, #tpu.memory_space<vmem>>)
      %scan3A_127 = arith.constant 0 : i32
      %scan3A_128 = arith.constant 8 : i32
      %scan3A_129 = arith.addi %scan3A_127, %scan3A_128 : i32
      %scan3A_130 = arith.constant 1 : i32
      scf.for %scan3A_181 = %scan3A_127 to %scan3A_129 step %scan3A_130  : i32 {
        %mul3A_182 = arith.constant 16 : i32
        %mul3A_183 = arith.muli %scan3A_181, %mul3A_182 : i32
        %add3A_184 = arith.constant 0 : i32
        %add3A_185 = arith.addi %add3A_184, %mul3A_183 : i32
        %iota3A = tpu.iota {dimensions = array<i32: 0>} : vector<16xi32>
        %add3A_186 = vector.broadcast %add3A_185 : i32 to vector<16xi32>
        %add3A_187 = arith.addi %iota3A, %add3A_186 : vector<16xi32>
        %broadcast_in_dim3A = arith.constant 64 : i32
        %broadcast_in_dim3A_188 = vector.broadcast %broadcast_in_dim3A : i32 to vector<16xi32>
        %gather3A = arith.constant 0 : i32
        %gather3A_189 = arith.constant 0 : i32
        %gather3A_190 = arith.constant 0 : i32
        %gather3A_191 = tpu.memref_slice %arg10[%gather3A, %gather3A_189, %gather3A_190] : memref<2x128x80xf32, #tpu.memory_space<vmem>> -> memref<1x128x80xf32, #tpu.memory_space<vmem>>
        %gather3A_192 = tpu.memref_squeeze %gather3A_191 : memref<1x128x80xf32, #tpu.memory_space<vmem>> -> memref<128x80xf32, #tpu.memory_space<vmem>>
        %gather3A_193 = tpu.vector_load_idx %gather3A_192[%add3A_187, %broadcast_in_dim3A_188] : memref<128x80xf32, #tpu.memory_space<vmem>>[vector<16xi32>, vector<16xi32>], vector<16xf32>,
        %broadcast_in_dim3A_194 = arith.constant 0 : i32
        %broadcast_in_dim3A_195 = vector.broadcast %broadcast_in_dim3A_194 : i32 to vector<16xi32>
        %mul3A_196 = arith.constant 2 : i32
        %mul3A_197 = arith.muli %mul3A_196, %arg0 : i32
        %add3A_198 = vector.broadcast %mul3A_197 : i32 to vector<16xi32>
        %add3A_199 = arith.addi %broadcast_in_dim3A_195, %add3A_198 : vector<16xi32>
        %gather3A_200 = arith.constant 0 : i32
        %gather3A_201 = arith.constant 0 : i32
        %gather3A_202 = arith.constant 0 : i32
        %gather3A_203 = tpu.memref_slice %arg11[%gather3A_200, %gather3A_201, %gather3A_202] : memref<2x128x16xf32, #tpu.memory_space<vmem>> -> memref<1x128x16xf32, #tpu.memory_space<vmem>>
        %gather3A_204 = tpu.memref_squeeze %gather3A_203 : memref<1x128x16xf32, #tpu.memory_space<vmem>> -> memref<128x16xf32, #tpu.memory_space<vmem>>
        %gather3A_205 = tpu.vector_load_idx %gather3A_204[%add3A_187, %add3A_199] : memref<128x16xf32, #tpu.memory_space<vmem>>[vector<16xi32>, vector<16xi32>], vector<16xf32>,
        %add3A_206 = arith.addf %gather3A_193, %gather3A_205 : vector<16xf32>
        %gt3A = arith.constant 0.000000e+00 : f32
        %gt3A_207 = vector.broadcast %gt3A : f32 to vector<16xf32>
        %gt3A_208 = arith.cmpf ogt, %add3A_206, %gt3A_207 : vector<16xf32>
        %mul3A_209 = arith.constant 2.000000e-01 : f32
        %mul3A_210 = vector.broadcast %mul3A_209 : f32 to vector<16xf32>
        %mul3A_211 = arith.mulf %add3A_206, %mul3A_210 : vector<16xf32>
        %select_n3A = arith.select %gt3A_208, %add3A_206, %mul3A_211 : vector<16xi1>, vector<16xf32>
        %exp3A = math.exp %select_n3A : vector<16xf32>
        %broadcast_in_dim3A_212 = arith.constant 64 : i32
        %broadcast_in_dim3A_213 = vector.broadcast %broadcast_in_dim3A_212 : i32 to vector<16xi32>
        %scatter3A = arith.constant 0 : i32
        %scatter3A_214 = arith.constant 0 : i32
        %scatter3A_215 = arith.constant 0 : i32
        %scatter3A_216 = tpu.memref_slice %arg10[%scatter3A, %scatter3A_214, %scatter3A_215] : memref<2x128x80xf32, #tpu.memory_space<vmem>> -> memref<1x128x80xf32, #tpu.memory_space<vmem>>
        %scatter3A_217 = tpu.memref_squeeze %scatter3A_216 : memref<1x128x80xf32, #tpu.memory_space<vmem>> -> memref<128x80xf32, #tpu.memory_space<vmem>>
        tpu.vector_store_idx %scatter3A_217[%add3A_187, %broadcast_in_dim3A_213], %exp3A : memref<128x80xf32, #tpu.memory_space<vmem>>[vector<16xi32>, vector<16xi32>], vector<16xf32>,
        %broadcast_in_dim3A_218 = arith.constant 65 : i32
        %broadcast_in_dim3A_219 = vector.broadcast %broadcast_in_dim3A_218 : i32 to vector<16xi32>
        %gather3A_220 = arith.constant 0 : i32
        %gather3A_221 = arith.constant 0 : i32
        %gather3A_222 = arith.constant 0 : i32
        %gather3A_223 = tpu.memref_slice %arg10[%gather3A_220, %gather3A_221, %gather3A_222] : memref<2x128x80xf32, #tpu.memory_space<vmem>> -> memref<1x128x80xf32, #tpu.memory_space<vmem>>
        %gather3A_224 = tpu.memref_squeeze %gather3A_223 : memref<1x128x80xf32, #tpu.memory_space<vmem>> -> memref<128x80xf32, #tpu.memory_space<vmem>>
        %gather3A_225 = tpu.vector_load_idx %gather3A_224[%add3A_187, %broadcast_in_dim3A_219] : memref<128x80xf32, #tpu.memory_space<vmem>>[vector<16xi32>, vector<16xi32>], vector<16xf32>,
        %broadcast_in_dim3A_226 = arith.constant 1 : i32
        %broadcast_in_dim3A_227 = vector.broadcast %broadcast_in_dim3A_226 : i32 to vector<16xi32>
        %mul3A_228 = arith.constant 2 : i32
        %mul3A_229 = arith.muli %mul3A_228, %arg0 : i32
        %add3A_230 = vector.broadcast %mul3A_229 : i32 to vector<16xi32>
        %add3A_231 = arith.addi %broadcast_in_dim3A_227, %add3A_230 : vector<16xi32>
        %gather3A_232 = arith.constant 0 : i32
        %gather3A_233 = arith.constant 0 : i32
        %gather3A_234 = arith.constant 0 : i32
        %gather3A_235 = tpu.memref_slice %arg11[%gather3A_232, %gather3A_233, %gather3A_234] : memref<2x128x16xf32, #tpu.memory_space<vmem>> -> memref<1x128x16xf32, #tpu.memory_space<vmem>>
        %gather3A_236 = tpu.memref_squeeze %gather3A_235 : memref<1x128x16xf32, #tpu.memory_space<vmem>> -> memref<128x16xf32, #tpu.memory_space<vmem>>
        %gather3A_237 = tpu.vector_load_idx %gather3A_236[%add3A_187, %add3A_231] : memref<128x16xf32, #tpu.memory_space<vmem>>[vector<16xi32>, vector<16xi32>], vector<16xf32>,
        %add3A_238 = arith.addf %gather3A_225, %gather3A_237 : vector<16xf32>
        %gt3A_239 = arith.constant 0.000000e+00 : f32
        %gt3A_240 = vector.broadcast %gt3A_239 : f32 to vector<16xf32>
        %gt3A_241 = arith.cmpf ogt, %add3A_238, %gt3A_240 : vector<16xf32>
        %mul3A_242 = arith.constant 2.000000e-01 : f32
        %mul3A_243 = vector.broadcast %mul3A_242 : f32 to vector<16xf32>
        %mul3A_244 = arith.mulf %add3A_238, %mul3A_243 : vector<16xf32>
        %select_n3A_245 = arith.select %gt3A_241, %add3A_238, %mul3A_244 : vector<16xi1>, vector<16xf32>
        %exp3A_246 = math.exp %select_n3A_245 : vector<16xf32>
        %broadcast_in_dim3A_247 = arith.constant 65 : i32
        %broadcast_in_dim3A_248 = vector.broadcast %broadcast_in_dim3A_247 : i32 to vector<16xi32>
        %scatter3A_249 = arith.constant 0 : i32
        %scatter3A_250 = arith.constant 0 : i32
        %scatter3A_251 = arith.constant 0 : i32
        %scatter3A_252 = tpu.memref_slice %arg10[%scatter3A_249, %scatter3A_250, %scatter3A_251] : memref<2x128x80xf32, #tpu.memory_space<vmem>> -> memref<1x128x80xf32, #tpu.memory_space<vmem>>
        %scatter3A_253 = tpu.memref_squeeze %scatter3A_252 : memref<1x128x80xf32, #tpu.memory_space<vmem>> -> memref<128x80xf32, #tpu.memory_space<vmem>>
        tpu.vector_store_idx %scatter3A_253[%add3A_187, %broadcast_in_dim3A_248], %exp3A_246 : memref<128x80xf32, #tpu.memory_space<vmem>>[vector<16xi32>, vector<16xi32>], vector<16xf32>,
      }
      %scan3A_131 = arith.constant 8 : i32
      %scan3A_132 = arith.constant 0 : i32
      %scan3A_133 = arith.constant 128 : i32
      %scan3A_134 = arith.addi %scan3A_132, %scan3A_133 : i32
      %scan3A_135 = arith.constant 1 : i32
      scf.for %scan3A_181 = %scan3A_132 to %scan3A_134 step %scan3A_135  : i32 {
        %mul3A_182 = arith.constant 1 : i32
        %mul3A_183 = arith.muli %scan3A_181, %mul3A_182 : i32
        %add3A_184 = arith.constant 0 : i32
        %add3A_185 = arith.addi %add3A_184, %mul3A_183 : i32
        %get3A = arith.constant 0 : i32
        %get3A_186 = arith.index_cast %get3A : i32 to index
        %get3A_187 = arith.index_cast %add3A_185 : i32 to index
        %get3A_188 = arith.constant 64 : index
        %get3A_189 = tpu.vector_load %arg10[%get3A_186, %get3A_187, %get3A_188] {strides = array<i32>} : memref<2x128x80xf32, #tpu.memory_space<vmem>>, vector<16xf32>,
        %slice3A = vector.extract_strided_slice %get3A_189 {offsets = [0], sizes = [1], strides = [1]} : vector<16xf32> to vector<1xf32>
        %squeeze3A = vector.extract %slice3A[0] : f32 from vector<1xf32>
        %get3A_190 = arith.constant 0 : i32
        %get3A_191 = arith.index_cast %get3A_190 : i32 to index
        %get3A_192 = arith.index_cast %add3A_185 : i32 to index
        %get3A_193 = arith.constant 0 : index
        %get3A_194 = tpu.vector_load %arg10[%get3A_191, %get3A_192, %get3A_193] {strides = array<i32>} : memref<2x128x80xf32, #tpu.memory_space<vmem>>, vector<16xf32>,
        %mul3A_195 = vector.broadcast %squeeze3A : f32 to vector<16xf32>
        %mul3A_196 = arith.mulf %get3A_194, %mul3A_195 : vector<16xf32>
        %swap3A = arith.constant 0 : i32
        %swap3A_197 = arith.index_cast %swap3A : i32 to index
        %swap3A_198 = arith.index_cast %add3A_185 : i32 to index
        %swap3A_199 = arith.constant 0 : index
        %swap3A_200 = tpu.vector_load %arg10[%swap3A_197, %swap3A_198, %swap3A_199] {strides = array<i32>} : memref<2x128x80xf32, #tpu.memory_space<vmem>>, vector<16xf32>,
        tpu.vector_store %arg10[%swap3A_197, %swap3A_198, %swap3A_199], %mul3A_196 {strides = array<i32>} : memref<2x128x80xf32, #tpu.memory_space<vmem>>, vector<16xf32>,
        %get3A_201 = arith.constant 0 : i32
        %get3A_202 = arith.index_cast %get3A_201 : i32 to index
        %get3A_203 = arith.index_cast %add3A_185 : i32 to index
        %get3A_204 = arith.constant 16 : index
        %get3A_205 = tpu.vector_load %arg10[%get3A_202, %get3A_203, %get3A_204] {strides = array<i32>} : memref<2x128x80xf32, #tpu.memory_space<vmem>>, vector<16xf32>,
        %mul3A_206 = vector.broadcast %squeeze3A : f32 to vector<16xf32>
        %mul3A_207 = arith.mulf %get3A_205, %mul3A_206 : vector<16xf32>
        %swap3A_208 = arith.constant 0 : i32
        %swap3A_209 = arith.index_cast %swap3A_208 : i32 to index
        %swap3A_210 = arith.index_cast %add3A_185 : i32 to index
        %swap3A_211 = arith.constant 16 : index
        %swap3A_212 = tpu.vector_load %arg10[%swap3A_209, %swap3A_210, %swap3A_211] {strides = array<i32>} : memref<2x128x80xf32, #tpu.memory_space<vmem>>, vector<16xf32>,
        tpu.vector_store %arg10[%swap3A_209, %swap3A_210, %swap3A_211], %mul3A_207 {strides = array<i32>} : memref<2x128x80xf32, #tpu.memory_space<vmem>>, vector<16xf32>,
        %slice3A_213 = vector.extract_strided_slice %get3A_189 {offsets = [1], sizes = [1], strides = [1]} : vector<16xf32> to vector<1xf32>
        %squeeze3A_214 = vector.extract %slice3A_213[0] : f32 from vector<1xf32>
        %get3A_215 = arith.constant 0 : i32
        %get3A_216 = arith.index_cast %get3A_215 : i32 to index
        %get3A_217 = arith.index_cast %add3A_185 : i32 to index
        %get3A_218 = arith.constant 32 : index
        %get3A_219 = tpu.vector_load %arg10[%get3A_216, %get3A_217, %get3A_218] {strides = array<i32>} : memref<2x128x80xf32, #tpu.memory_space<vmem>>, vector<16xf32>,
        %mul3A_220 = vector.broadcast %squeeze3A_214 : f32 to vector<16xf32>
        %mul3A_221 = arith.mulf %get3A_219, %mul3A_220 : vector<16xf32>
        %swap3A_222 = arith.constant 0 : i32
        %swap3A_223 = arith.index_cast %swap3A_222 : i32 to index
        %swap3A_224 = arith.index_cast %add3A_185 : i32 to index
        %swap3A_225 = arith.constant 32 : index
        %swap3A_226 = tpu.vector_load %arg10[%swap3A_223, %swap3A_224, %swap3A_225] {strides = array<i32>} : memref<2x128x80xf32, #tpu.memory_space<vmem>>, vector<16xf32>,
        tpu.vector_store %arg10[%swap3A_223, %swap3A_224, %swap3A_225], %mul3A_221 {strides = array<i32>} : memref<2x128x80xf32, #tpu.memory_space<vmem>>, vector<16xf32>,
        %get3A_227 = arith.constant 0 : i32
        %get3A_228 = arith.index_cast %get3A_227 : i32 to index
        %get3A_229 = arith.index_cast %add3A_185 : i32 to index
        %get3A_230 = arith.constant 48 : index
        %get3A_231 = tpu.vector_load %arg10[%get3A_228, %get3A_229, %get3A_230] {strides = array<i32>} : memref<2x128x80xf32, #tpu.memory_space<vmem>>, vector<16xf32>,
        %mul3A_232 = vector.broadcast %squeeze3A_214 : f32 to vector<16xf32>
        %mul3A_233 = arith.mulf %get3A_231, %mul3A_232 : vector<16xf32>
        %swap3A_234 = arith.constant 0 : i32
        %swap3A_235 = arith.index_cast %swap3A_234 : i32 to index
        %swap3A_236 = arith.index_cast %add3A_185 : i32 to index
        %swap3A_237 = arith.constant 48 : index
        %swap3A_238 = tpu.vector_load %arg10[%swap3A_235, %swap3A_236, %swap3A_237] {strides = array<i32>} : memref<2x128x80xf32, #tpu.memory_space<vmem>>, vector<16xf32>,
        tpu.vector_store %arg10[%swap3A_235, %swap3A_236, %swap3A_237], %mul3A_233 {strides = array<i32>} : memref<2x128x80xf32, #tpu.memory_space<vmem>>, vector<16xf32>,
      }
      %scan3A_136 = arith.constant 128 : i32
      %run_scoped3A_137 = arith.constant 0 : i32
      "tpu.region"() ({
        %run_scoped3A_181 = tpu.sem_alloc : memref<!tpu.dma_semaphore, #tpu.memory_space<semaphore_mem>>
        %dma_start3A_182 = arith.constant 0 : i32
        %dma_start3A_183 = arith.constant 0 : i32
        %dma_start3A_184 = tpu.memref_slice %arg10[%run_scoped3A_137, %dma_start3A_182, %dma_start3A_183] : memref<2x128x80xf32, #tpu.memory_space<vmem>> -> memref<1x128x80xf32, #tpu.memory_space<vmem>>
        %dma_start3A_185 = tpu.memref_squeeze %dma_start3A_184 : memref<1x128x80xf32, #tpu.memory_space<vmem>> -> memref<128x80xf32, #tpu.memory_space<vmem>>
        %dma_start3A_186 = arith.constant 0 : i32
        %dma_start3A_187 = tpu.memref_slice %arg9[%mul3A_80, %dma_start3A_186] : memref<158x128xi32, #tpu.memory_space<vmem>> -> memref<1x128xi32, #tpu.memory_space<vmem>>
        %dma_start3A_188 = tpu.memref_squeeze %dma_start3A_187 : memref<1x128xi32, #tpu.memory_space<vmem>> -> memref<128xi32, #tpu.memory_space<vmem>>
        %dma_start3A_189 = arith.constant 0 : i32
        %dma_start3A_190 = arith.constant 0 : i32
        %dma_start3A_191 = tpu.memref_slice %arg12[%dma_start3A_189, %dma_start3A_190] : memref<10240x80xf32, #tpu.memory_space<vmem_shared>> -> memref<10240x80xf32, #tpu.memory_space<vmem_shared>>
        tpu.enqueue_indirect_dma source(%dma_start3A_185 : memref<128x80xf32, #tpu.memory_space<vmem>>) target(%dma_start3A_191 : memref<10240x80xf32, #tpu.memory_space<vmem_shared>>) offsets(%dma_start3A_188 : memref<128xi32, #tpu.memory_space<vmem>>) semaphore(%run_scoped3A_181 : memref<!tpu.dma_semaphore, #tpu.memory_space<semaphore_mem>>) {add = true}
        %dma_wait3A_192 = arith.constant 0 : i32
        %dma_wait3A_193 = arith.constant 0 : i32
        %dma_wait3A_194 = tpu.memref_slice %arg10[%run_scoped3A_137, %dma_wait3A_192, %dma_wait3A_193] : memref<2x128x80xf32, #tpu.memory_space<vmem>> -> memref<1x128x80xf32, #tpu.memory_space<vmem>>
        %dma_wait3A_195 = tpu.memref_squeeze %dma_wait3A_194 : memref<1x128x80xf32, #tpu.memory_space<vmem>> -> memref<128x80xf32, #tpu.memory_space<vmem>>
        %dma_wait3A_196 = arith.constant 0 : i32
        %dma_wait3A_197 = tpu.memref_slice %arg9[%mul3A_80, %dma_wait3A_196] : memref<158x128xi32, #tpu.memory_space<vmem>> -> memref<1x128xi32, #tpu.memory_space<vmem>>
        %dma_wait3A_198 = tpu.memref_squeeze %dma_wait3A_197 : memref<1x128xi32, #tpu.memory_space<vmem>> -> memref<128xi32, #tpu.memory_space<vmem>>
        %dma_wait3A_199 = arith.constant 0 : i32
        %dma_wait3A_200 = arith.constant 0 : i32
        %dma_wait3A_201 = tpu.memref_slice %arg12[%dma_wait3A_199, %dma_wait3A_200] : memref<10240x80xf32, #tpu.memory_space<vmem_shared>> -> memref<10240x80xf32, #tpu.memory_space<vmem_shared>>
        tpu.wait_indirect_dma semaphore(%run_scoped3A_181 : memref<!tpu.dma_semaphore, #tpu.memory_space<semaphore_mem>>) src(%dma_wait3A_195 : memref<128x80xf32, #tpu.memory_space<vmem>>) dst(%dma_wait3A_201 : memref<10240x80xf32, #tpu.memory_space<vmem_shared>>)
        tpu.yield
      }) : () -> ()
      %add3A_138 = arith.constant 2 : i32
      %add3A_139 = arith.addi %mul3A_80, %add3A_138 : i32
      %lt3A = arith.constant 158 : i32
      %lt3A_140 = arith.cmpi slt, %add3A_139, %lt3A : i32
      %convert_element_type3A_141 = arith.extui %lt3A_140 : i1 to i32
      %cond3A_142 = arith.constant 0 : i32
      %cond3A_143 = arith.cmpi ne, %convert_element_type3A_141, %cond3A_142 : i32
      scf.if %cond3A_143 {
        %add3A_181 = arith.constant 2 : i32
        %add3A_182 = arith.addi %mul3A_80, %add3A_181 : i32
        %eq3A_183 = arith.constant 0 : i32
        %eq3A_184 = arith.cmpi eq, %arg0, %eq3A_183 : i32
        %convert_element_type3A_185 = arith.extui %eq3A_184 : i1 to i32
        %cond3A_186 = arith.constant 0 : i32
        %cond3A_187 = arith.cmpi ne, %convert_element_type3A_185, %cond3A_186 : i32
        scf.if %cond3A_187 {
          %dma_start3A_204 = arith.constant 0 : i32
          %dma_start3A_205 = arith.constant 0 : i32
          %dma_start3A_206 = arith.constant 0 : i32
          %dma_start3A_207 = tpu.memref_slice %arg10[%dma_start3A_204, %dma_start3A_205, %dma_start3A_206] : memref<2x128x80xf32, #tpu.memory_space<vmem>> -> memref<1x128x80xf32, #tpu.memory_space<vmem>>
          %dma_start3A_208 = tpu.memref_squeeze %dma_start3A_207 : memref<1x128x80xf32, #tpu.memory_space<vmem>> -> memref<128x80xf32, #tpu.memory_space<vmem>>
          %dma_start3A_209 = arith.constant 0 : i32
          %dma_start3A_210 = tpu.memref_slice %arg8[%add3A_182, %dma_start3A_209] : memref<158x128xi32, #tpu.memory_space<vmem>> -> memref<1x128xi32, #tpu.memory_space<vmem>>
          %dma_start3A_211 = tpu.memref_squeeze %dma_start3A_210 : memref<1x128xi32, #tpu.memory_space<vmem>> -> memref<128xi32, #tpu.memory_space<vmem>>
          %dma_start3A_212 = arith.constant 0 : i32
          %dma_start3A_213 = arith.constant 0 : i32
          %dma_start3A_214 = tpu.memref_slice %arg2[%dma_start3A_212, %dma_start3A_213] : memref<10240x80xf32, #tpu.memory_space<hbm>> -> memref<10240x80xf32, #tpu.memory_space<hbm>>
          tpu.enqueue_indirect_dma source(%dma_start3A_214 : memref<10240x80xf32, #tpu.memory_space<hbm>>) target(%dma_start3A_208 : memref<128x80xf32, #tpu.memory_space<vmem>>) offsets(%dma_start3A_211 : memref<128xi32, #tpu.memory_space<vmem>>) semaphore(%arg13 : memref<!tpu.dma_semaphore, #tpu.memory_space<semaphore_mem>>)
        } else {
        }
        %eq3A_188 = arith.constant 1 : i32
        %eq3A_189 = arith.cmpi eq, %arg0, %eq3A_188 : i32
        %convert_element_type3A_190 = arith.extui %eq3A_189 : i1 to i32
        %cond3A_191 = arith.constant 0 : i32
        %cond3A_192 = arith.cmpi ne, %convert_element_type3A_190, %cond3A_191 : i32
        scf.if %cond3A_192 {
          %dma_start3A_204 = arith.constant 0 : i32
          %dma_start3A_205 = arith.constant 0 : i32
          %dma_start3A_206 = arith.constant 0 : i32
          %dma_start3A_207 = tpu.memref_slice %arg10[%dma_start3A_204, %dma_start3A_205, %dma_start3A_206] : memref<2x128x80xf32, #tpu.memory_space<vmem>> -> memref<1x128x80xf32, #tpu.memory_space<vmem>>
          %dma_start3A_208 = tpu.memref_squeeze %dma_start3A_207 : memref<1x128x80xf32, #tpu.memory_space<vmem>> -> memref<128x80xf32, #tpu.memory_space<vmem>>
          %dma_start3A_209 = arith.constant 0 : i32
          %dma_start3A_210 = tpu.memref_slice %arg8[%add3A_182, %dma_start3A_209] : memref<158x128xi32, #tpu.memory_space<vmem>> -> memref<1x128xi32, #tpu.memory_space<vmem>>
          %dma_start3A_211 = tpu.memref_squeeze %dma_start3A_210 : memref<1x128xi32, #tpu.memory_space<vmem>> -> memref<128xi32, #tpu.memory_space<vmem>>
          %dma_start3A_212 = arith.constant 0 : i32
          %dma_start3A_213 = arith.constant 0 : i32
          %dma_start3A_214 = tpu.memref_slice %arg3[%dma_start3A_212, %dma_start3A_213] : memref<10240x80xf32, #tpu.memory_space<hbm>> -> memref<10240x80xf32, #tpu.memory_space<hbm>>
          tpu.enqueue_indirect_dma source(%dma_start3A_214 : memref<10240x80xf32, #tpu.memory_space<hbm>>) target(%dma_start3A_208 : memref<128x80xf32, #tpu.memory_space<vmem>>) offsets(%dma_start3A_211 : memref<128xi32, #tpu.memory_space<vmem>>) semaphore(%arg13 : memref<!tpu.dma_semaphore, #tpu.memory_space<semaphore_mem>>)
        } else {
        }
        %dma_start3A_193 = arith.constant 0 : i32
        %dma_start3A_194 = arith.constant 0 : i32
        %dma_start3A_195 = arith.constant 0 : i32
        %dma_start3A_196 = tpu.memref_slice %arg11[%dma_start3A_193, %dma_start3A_194, %dma_start3A_195] : memref<2x128x16xf32, #tpu.memory_space<vmem>> -> memref<1x128x16xf32, #tpu.memory_space<vmem>>
        %dma_start3A_197 = tpu.memref_squeeze %dma_start3A_196 : memref<1x128x16xf32, #tpu.memory_space<vmem>> -> memref<128x16xf32, #tpu.memory_space<vmem>>
        %dma_start3A_198 = arith.constant 0 : i32
        %dma_start3A_199 = tpu.memref_slice %arg9[%add3A_182, %dma_start3A_198] : memref<158x128xi32, #tpu.memory_space<vmem>> -> memref<1x128xi32, #tpu.memory_space<vmem>>
        %dma_start3A_200 = tpu.memref_squeeze %dma_start3A_199 : memref<1x128xi32, #tpu.memory_space<vmem>> -> memref<128xi32, #tpu.memory_space<vmem>>
        %dma_start3A_201 = arith.constant 0 : i32
        %dma_start3A_202 = arith.constant 0 : i32
        %dma_start3A_203 = tpu.memref_slice %arg4[%dma_start3A_201, %dma_start3A_202] : memref<10240x16xf32, #tpu.memory_space<hbm>> -> memref<10240x16xf32, #tpu.memory_space<hbm>>
        tpu.enqueue_indirect_dma source(%dma_start3A_203 : memref<10240x16xf32, #tpu.memory_space<hbm>>) target(%dma_start3A_197 : memref<128x16xf32, #tpu.memory_space<vmem>>) offsets(%dma_start3A_200 : memref<128xi32, #tpu.memory_space<vmem>>) semaphore(%arg15 : memref<!tpu.dma_semaphore, #tpu.memory_space<semaphore_mem>>)
      } else {
      }
      %dma_wait3A_144 = arith.constant 0 : i32
      %dma_wait3A_145 = arith.constant 1 : i32
      %dma_wait3A_146 = arith.constant 0 : i32
      %dma_wait3A_147 = arith.constant 0 : i32
      %dma_wait3A_148 = tpu.memref_slice %arg10[%dma_wait3A_145, %dma_wait3A_146, %dma_wait3A_147] : memref<2x128x80xf32, #tpu.memory_space<vmem>> -> memref<1x128x80xf32, #tpu.memory_space<vmem>>
      %dma_wait3A_149 = tpu.memref_squeeze %dma_wait3A_148 : memref<1x128x80xf32, #tpu.memory_space<vmem>> -> memref<128x80xf32, #tpu.memory_space<vmem>>
      %dma_wait3A_150 = arith.constant 0 : i32
      %dma_wait3A_151 = tpu.memref_slice %arg8[%dma_wait3A_144, %dma_wait3A_150] : memref<158x128xi32, #tpu.memory_space<vmem>> -> memref<1x128xi32, #tpu.memory_space<vmem>>
      %dma_wait3A_152 = tpu.memref_squeeze %dma_wait3A_151 : memref<1x128xi32, #tpu.memory_space<vmem>> -> memref<128xi32, #tpu.memory_space<vmem>>
      %dma_wait3A_153 = arith.constant 0 : i32
      %dma_wait3A_154 = arith.constant 0 : i32
      %dma_wait3A_155 = tpu.memref_slice %arg2[%dma_wait3A_153, %dma_wait3A_154] : memref<10240x80xf32, #tpu.memory_space<hbm>> -> memref<10240x80xf32, #tpu.memory_space<hbm>>
      tpu.wait_indirect_dma semaphore(%arg14 : memref<!tpu.dma_semaphore, #tpu.memory_space<semaphore_mem>>) src(%dma_wait3A_155 : memref<10240x80xf32, #tpu.memory_space<hbm>>) dst(%dma_wait3A_149 : memref<128x80xf32, #tpu.memory_space<vmem>>)
      %dma_wait3A_156 = arith.constant 0 : i32
      %dma_wait3A_157 = arith.constant 1 : i32
      %dma_wait3A_158 = arith.constant 0 : i32
      %dma_wait3A_159 = arith.constant 0 : i32
      %dma_wait3A_160 = tpu.memref_slice %arg11[%dma_wait3A_157, %dma_wait3A_158, %dma_wait3A_159] : memref<2x128x16xf32, #tpu.memory_space<vmem>> -> memref<1x128x16xf32, #tpu.memory_space<vmem>>
      %dma_wait3A_161 = tpu.memref_squeeze %dma_wait3A_160 : memref<1x128x16xf32, #tpu.memory_space<vmem>> -> memref<128x16xf32, #tpu.memory_space<vmem>>
      %dma_wait3A_162 = arith.constant 0 : i32
      %dma_wait3A_163 = tpu.memref_slice %arg9[%dma_wait3A_156, %dma_wait3A_162] : memref<158x128xi32, #tpu.memory_space<vmem>> -> memref<1x128xi32, #tpu.memory_space<vmem>>
      %dma_wait3A_164 = tpu.memref_squeeze %dma_wait3A_163 : memref<1x128xi32, #tpu.memory_space<vmem>> -> memref<128xi32, #tpu.memory_space<vmem>>
      %dma_wait3A_165 = arith.constant 0 : i32
      %dma_wait3A_166 = arith.constant 0 : i32
      %dma_wait3A_167 = tpu.memref_slice %arg4[%dma_wait3A_165, %dma_wait3A_166] : memref<10240x16xf32, #tpu.memory_space<hbm>> -> memref<10240x16xf32, #tpu.memory_space<hbm>>
      tpu.wait_indirect_dma semaphore(%arg16 : memref<!tpu.dma_semaphore, #tpu.memory_space<semaphore_mem>>) src(%dma_wait3A_167 : memref<10240x16xf32, #tpu.memory_space<hbm>>) dst(%dma_wait3A_161 : memref<128x16xf32, #tpu.memory_space<vmem>>)
      %add3A_168 = arith.constant 1 : i32
      %add3A_169 = arith.addi %mul3A_80, %add3A_168 : i32
      %scan3A_170 = arith.constant 0 : i32
      %scan3A_171 = arith.constant 8 : i32
      %scan3A_172 = arith.addi %scan3A_170, %scan3A_171 : i32
      %scan3A_173 = arith.constant 1 : i32
      scf.for %scan3A_181 = %scan3A_170 to %scan3A_172 step %scan3A_173  : i32 {
        %mul3A_182 = arith.constant 16 : i32
        %mul3A_183 = arith.muli %scan3A_181, %mul3A_182 : i32
        %add3A_184 = arith.constant 0 : i32
        %add3A_185 = arith.addi %add3A_184, %mul3A_183 : i32
        %iota3A = tpu.iota {dimensions = array<i32: 0>} : vector<16xi32>
        %add3A_186 = vector.broadcast %add3A_185 : i32 to vector<16xi32>
        %add3A_187 = arith.addi %iota3A, %add3A_186 : vector<16xi32>
        %broadcast_in_dim3A = arith.constant 64 : i32
        %broadcast_in_dim3A_188 = vector.broadcast %broadcast_in_dim3A : i32 to vector<16xi32>
        %gather3A = arith.constant 1 : i32
        %gather3A_189 = arith.constant 0 : i32
        %gather3A_190 = arith.constant 0 : i32
        %gather3A_191 = tpu.memref_slice %arg10[%gather3A, %gather3A_189, %gather3A_190] : memref<2x128x80xf32, #tpu.memory_space<vmem>> -> memref<1x128x80xf32, #tpu.memory_space<vmem>>
        %gather3A_192 = tpu.memref_squeeze %gather3A_191 : memref<1x128x80xf32, #tpu.memory_space<vmem>> -> memref<128x80xf32, #tpu.memory_space<vmem>>
        %gather3A_193 = tpu.vector_load_idx %gather3A_192[%add3A_187, %broadcast_in_dim3A_188] : memref<128x80xf32, #tpu.memory_space<vmem>>[vector<16xi32>, vector<16xi32>], vector<16xf32>,
        %broadcast_in_dim3A_194 = arith.constant 0 : i32
        %broadcast_in_dim3A_195 = vector.broadcast %broadcast_in_dim3A_194 : i32 to vector<16xi32>
        %mul3A_196 = arith.constant 2 : i32
        %mul3A_197 = arith.muli %mul3A_196, %arg0 : i32
        %add3A_198 = vector.broadcast %mul3A_197 : i32 to vector<16xi32>
        %add3A_199 = arith.addi %broadcast_in_dim3A_195, %add3A_198 : vector<16xi32>
        %gather3A_200 = arith.constant 1 : i32
        %gather3A_201 = arith.constant 0 : i32
        %gather3A_202 = arith.constant 0 : i32
        %gather3A_203 = tpu.memref_slice %arg11[%gather3A_200, %gather3A_201, %gather3A_202] : memref<2x128x16xf32, #tpu.memory_space<vmem>> -> memref<1x128x16xf32, #tpu.memory_space<vmem>>
        %gather3A_204 = tpu.memref_squeeze %gather3A_203 : memref<1x128x16xf32, #tpu.memory_space<vmem>> -> memref<128x16xf32, #tpu.memory_space<vmem>>
        %gather3A_205 = tpu.vector_load_idx %gather3A_204[%add3A_187, %add3A_199] : memref<128x16xf32, #tpu.memory_space<vmem>>[vector<16xi32>, vector<16xi32>], vector<16xf32>,
        %add3A_206 = arith.addf %gather3A_193, %gather3A_205 : vector<16xf32>
        %gt3A = arith.constant 0.000000e+00 : f32
        %gt3A_207 = vector.broadcast %gt3A : f32 to vector<16xf32>
        %gt3A_208 = arith.cmpf ogt, %add3A_206, %gt3A_207 : vector<16xf32>
        %mul3A_209 = arith.constant 2.000000e-01 : f32
        %mul3A_210 = vector.broadcast %mul3A_209 : f32 to vector<16xf32>
        %mul3A_211 = arith.mulf %add3A_206, %mul3A_210 : vector<16xf32>
        %select_n3A = arith.select %gt3A_208, %add3A_206, %mul3A_211 : vector<16xi1>, vector<16xf32>
        %exp3A = math.exp %select_n3A : vector<16xf32>
        %broadcast_in_dim3A_212 = arith.constant 64 : i32
        %broadcast_in_dim3A_213 = vector.broadcast %broadcast_in_dim3A_212 : i32 to vector<16xi32>
        %scatter3A = arith.constant 1 : i32
        %scatter3A_214 = arith.constant 0 : i32
        %scatter3A_215 = arith.constant 0 : i32
        %scatter3A_216 = tpu.memref_slice %arg10[%scatter3A, %scatter3A_214, %scatter3A_215] : memref<2x128x80xf32, #tpu.memory_space<vmem>> -> memref<1x128x80xf32, #tpu.memory_space<vmem>>
        %scatter3A_217 = tpu.memref_squeeze %scatter3A_216 : memref<1x128x80xf32, #tpu.memory_space<vmem>> -> memref<128x80xf32, #tpu.memory_space<vmem>>
        tpu.vector_store_idx %scatter3A_217[%add3A_187, %broadcast_in_dim3A_213], %exp3A : memref<128x80xf32, #tpu.memory_space<vmem>>[vector<16xi32>, vector<16xi32>], vector<16xf32>,
        %broadcast_in_dim3A_218 = arith.constant 65 : i32
        %broadcast_in_dim3A_219 = vector.broadcast %broadcast_in_dim3A_218 : i32 to vector<16xi32>
        %gather3A_220 = arith.constant 1 : i32
        %gather3A_221 = arith.constant 0 : i32
        %gather3A_222 = arith.constant 0 : i32
        %gather3A_223 = tpu.memref_slice %arg10[%gather3A_220, %gather3A_221, %gather3A_222] : memref<2x128x80xf32, #tpu.memory_space<vmem>> -> memref<1x128x80xf32, #tpu.memory_space<vmem>>
        %gather3A_224 = tpu.memref_squeeze %gather3A_223 : memref<1x128x80xf32, #tpu.memory_space<vmem>> -> memref<128x80xf32, #tpu.memory_space<vmem>>
        %gather3A_225 = tpu.vector_load_idx %gather3A_224[%add3A_187, %broadcast_in_dim3A_219] : memref<128x80xf32, #tpu.memory_space<vmem>>[vector<16xi32>, vector<16xi32>], vector<16xf32>,
        %broadcast_in_dim3A_226 = arith.constant 1 : i32
        %broadcast_in_dim3A_227 = vector.broadcast %broadcast_in_dim3A_226 : i32 to vector<16xi32>
        %mul3A_228 = arith.constant 2 : i32
        %mul3A_229 = arith.muli %mul3A_228, %arg0 : i32
        %add3A_230 = vector.broadcast %mul3A_229 : i32 to vector<16xi32>
        %add3A_231 = arith.addi %broadcast_in_dim3A_227, %add3A_230 : vector<16xi32>
        %gather3A_232 = arith.constant 1 : i32
        %gather3A_233 = arith.constant 0 : i32
        %gather3A_234 = arith.constant 0 : i32
        %gather3A_235 = tpu.memref_slice %arg11[%gather3A_232, %gather3A_233, %gather3A_234] : memref<2x128x16xf32, #tpu.memory_space<vmem>> -> memref<1x128x16xf32, #tpu.memory_space<vmem>>
        %gather3A_236 = tpu.memref_squeeze %gather3A_235 : memref<1x128x16xf32, #tpu.memory_space<vmem>> -> memref<128x16xf32, #tpu.memory_space<vmem>>
        %gather3A_237 = tpu.vector_load_idx %gather3A_236[%add3A_187, %add3A_231] : memref<128x16xf32, #tpu.memory_space<vmem>>[vector<16xi32>, vector<16xi32>], vector<16xf32>,
        %add3A_238 = arith.addf %gather3A_225, %gather3A_237 : vector<16xf32>
        %gt3A_239 = arith.constant 0.000000e+00 : f32
        %gt3A_240 = vector.broadcast %gt3A_239 : f32 to vector<16xf32>
        %gt3A_241 = arith.cmpf ogt, %add3A_238, %gt3A_240 : vector<16xf32>
        %mul3A_242 = arith.constant 2.000000e-01 : f32
        %mul3A_243 = vector.broadcast %mul3A_242 : f32 to vector<16xf32>
        %mul3A_244 = arith.mulf %add3A_238, %mul3A_243 : vector<16xf32>
        %select_n3A_245 = arith.select %gt3A_241, %add3A_238, %mul3A_244 : vector<16xi1>, vector<16xf32>
        %exp3A_246 = math.exp %select_n3A_245 : vector<16xf32>
        %broadcast_in_dim3A_247 = arith.constant 65 : i32
        %broadcast_in_dim3A_248 = vector.broadcast %broadcast_in_dim3A_247 : i32 to vector<16xi32>
        %scatter3A_249 = arith.constant 1 : i32
        %scatter3A_250 = arith.constant 0 : i32
        %scatter3A_251 = arith.constant 0 : i32
        %scatter3A_252 = tpu.memref_slice %arg10[%scatter3A_249, %scatter3A_250, %scatter3A_251] : memref<2x128x80xf32, #tpu.memory_space<vmem>> -> memref<1x128x80xf32, #tpu.memory_space<vmem>>
        %scatter3A_253 = tpu.memref_squeeze %scatter3A_252 : memref<1x128x80xf32, #tpu.memory_space<vmem>> -> memref<128x80xf32, #tpu.memory_space<vmem>>
        tpu.vector_store_idx %scatter3A_253[%add3A_187, %broadcast_in_dim3A_248], %exp3A_246 : memref<128x80xf32, #tpu.memory_space<vmem>>[vector<16xi32>, vector<16xi32>], vector<16xf32>,
      }
      %scan3A_174 = arith.constant 8 : i32
      %scan3A_175 = arith.constant 0 : i32
      %scan3A_176 = arith.constant 128 : i32
      %scan3A_177 = arith.addi %scan3A_175, %scan3A_176 : i32
      %scan3A_178 = arith.constant 1 : i32
      scf.for %scan3A_181 = %scan3A_175 to %scan3A_177 step %scan3A_178  : i32 {
        %mul3A_182 = arith.constant 1 : i32
        %mul3A_183 = arith.muli %scan3A_181, %mul3A_182 : i32
        %add3A_184 = arith.constant 0 : i32
        %add3A_185 = arith.addi %add3A_184, %mul3A_183 : i32
        %get3A = arith.constant 1 : i32
        %get3A_186 = arith.index_cast %get3A : i32 to index
        %get3A_187 = arith.index_cast %add3A_185 : i32 to index
        %get3A_188 = arith.constant 64 : index
        %get3A_189 = tpu.vector_load %arg10[%get3A_186, %get3A_187, %get3A_188] {strides = array<i32>} : memref<2x128x80xf32, #tpu.memory_space<vmem>>, vector<16xf32>,
        %slice3A = vector.extract_strided_slice %get3A_189 {offsets = [0], sizes = [1], strides = [1]} : vector<16xf32> to vector<1xf32>
        %squeeze3A = vector.extract %slice3A[0] : f32 from vector<1xf32>
        %get3A_190 = arith.constant 1 : i32
        %get3A_191 = arith.index_cast %get3A_190 : i32 to index
        %get3A_192 = arith.index_cast %add3A_185 : i32 to index
        %get3A_193 = arith.constant 0 : index
        %get3A_194 = tpu.vector_load %arg10[%get3A_191, %get3A_192, %get3A_193] {strides = array<i32>} : memref<2x128x80xf32, #tpu.memory_space<vmem>>, vector<16xf32>,
        %mul3A_195 = vector.broadcast %squeeze3A : f32 to vector<16xf32>
        %mul3A_196 = arith.mulf %get3A_194, %mul3A_195 : vector<16xf32>
        %swap3A = arith.constant 1 : i32
        %swap3A_197 = arith.index_cast %swap3A : i32 to index
        %swap3A_198 = arith.index_cast %add3A_185 : i32 to index
        %swap3A_199 = arith.constant 0 : index
        %swap3A_200 = tpu.vector_load %arg10[%swap3A_197, %swap3A_198, %swap3A_199] {strides = array<i32>} : memref<2x128x80xf32, #tpu.memory_space<vmem>>, vector<16xf32>,
        tpu.vector_store %arg10[%swap3A_197, %swap3A_198, %swap3A_199], %mul3A_196 {strides = array<i32>} : memref<2x128x80xf32, #tpu.memory_space<vmem>>, vector<16xf32>,
        %get3A_201 = arith.constant 1 : i32
        %get3A_202 = arith.index_cast %get3A_201 : i32 to index
        %get3A_203 = arith.index_cast %add3A_185 : i32 to index
        %get3A_204 = arith.constant 16 : index
        %get3A_205 = tpu.vector_load %arg10[%get3A_202, %get3A_203, %get3A_204] {strides = array<i32>} : memref<2x128x80xf32, #tpu.memory_space<vmem>>, vector<16xf32>,
        %mul3A_206 = vector.broadcast %squeeze3A : f32 to vector<16xf32>
        %mul3A_207 = arith.mulf %get3A_205, %mul3A_206 : vector<16xf32>
        %swap3A_208 = arith.constant 1 : i32
        %swap3A_209 = arith.index_cast %swap3A_208 : i32 to index
        %swap3A_210 = arith.index_cast %add3A_185 : i32 to index
        %swap3A_211 = arith.constant 16 : index
        %swap3A_212 = tpu.vector_load %arg10[%swap3A_209, %swap3A_210, %swap3A_211] {strides = array<i32>} : memref<2x128x80xf32, #tpu.memory_space<vmem>>, vector<16xf32>,
        tpu.vector_store %arg10[%swap3A_209, %swap3A_210, %swap3A_211], %mul3A_207 {strides = array<i32>} : memref<2x128x80xf32, #tpu.memory_space<vmem>>, vector<16xf32>,
        %slice3A_213 = vector.extract_strided_slice %get3A_189 {offsets = [1], sizes = [1], strides = [1]} : vector<16xf32> to vector<1xf32>
        %squeeze3A_214 = vector.extract %slice3A_213[0] : f32 from vector<1xf32>
        %get3A_215 = arith.constant 1 : i32
        %get3A_216 = arith.index_cast %get3A_215 : i32 to index
        %get3A_217 = arith.index_cast %add3A_185 : i32 to index
        %get3A_218 = arith.constant 32 : index
        %get3A_219 = tpu.vector_load %arg10[%get3A_216, %get3A_217, %get3A_218] {strides = array<i32>} : memref<2x128x80xf32, #tpu.memory_space<vmem>>, vector<16xf32>,
        %mul3A_220 = vector.broadcast %squeeze3A_214 : f32 to vector<16xf32>
        %mul3A_221 = arith.mulf %get3A_219, %mul3A_220 : vector<16xf32>
        %swap3A_222 = arith.constant 1 : i32
        %swap3A_223 = arith.index_cast %swap3A_222 : i32 to index
        %swap3A_224 = arith.index_cast %add3A_185 : i32 to index
        %swap3A_225 = arith.constant 32 : index
        %swap3A_226 = tpu.vector_load %arg10[%swap3A_223, %swap3A_224, %swap3A_225] {strides = array<i32>} : memref<2x128x80xf32, #tpu.memory_space<vmem>>, vector<16xf32>,
        tpu.vector_store %arg10[%swap3A_223, %swap3A_224, %swap3A_225], %mul3A_221 {strides = array<i32>} : memref<2x128x80xf32, #tpu.memory_space<vmem>>, vector<16xf32>,
        %get3A_227 = arith.constant 1 : i32
        %get3A_228 = arith.index_cast %get3A_227 : i32 to index
        %get3A_229 = arith.index_cast %add3A_185 : i32 to index
        %get3A_230 = arith.constant 48 : index
        %get3A_231 = tpu.vector_load %arg10[%get3A_228, %get3A_229, %get3A_230] {strides = array<i32>} : memref<2x128x80xf32, #tpu.memory_space<vmem>>, vector<16xf32>,
        %mul3A_232 = vector.broadcast %squeeze3A_214 : f32 to vector<16xf32>
        %mul3A_233 = arith.mulf %get3A_231, %mul3A_232 : vector<16xf32>
        %swap3A_234 = arith.constant 1 : i32
        %swap3A_235 = arith.index_cast %swap3A_234 : i32 to index
        %swap3A_236 = arith.index_cast %add3A_185 : i32 to index
        %swap3A_237 = arith.constant 48 : index
        %swap3A_238 = tpu.vector_load %arg10[%swap3A_235, %swap3A_236, %swap3A_237] {strides = array<i32>} : memref<2x128x80xf32, #tpu.memory_space<vmem>>, vector<16xf32>,
        tpu.vector_store %arg10[%swap3A_235, %swap3A_236, %swap3A_237], %mul3A_233 {strides = array<i32>} : memref<2x128x80xf32, #tpu.memory_space<vmem>>, vector<16xf32>,
      }
      %scan3A_179 = arith.constant 128 : i32
      %run_scoped3A_180 = arith.constant 1 : i32
      "tpu.region"() ({
        %run_scoped3A_181 = tpu.sem_alloc : memref<!tpu.dma_semaphore, #tpu.memory_space<semaphore_mem>>
        %dma_start3A_182 = arith.constant 0 : i32
        %dma_start3A_183 = arith.constant 0 : i32
        %dma_start3A_184 = tpu.memref_slice %arg10[%run_scoped3A_180, %dma_start3A_182, %dma_start3A_183] : memref<2x128x80xf32, #tpu.memory_space<vmem>> -> memref<1x128x80xf32, #tpu.memory_space<vmem>>
        %dma_start3A_185 = tpu.memref_squeeze %dma_start3A_184 : memref<1x128x80xf32, #tpu.memory_space<vmem>> -> memref<128x80xf32, #tpu.memory_space<vmem>>
        %dma_start3A_186 = arith.constant 0 : i32
        %dma_start3A_187 = tpu.memref_slice %arg9[%add3A_169, %dma_start3A_186] : memref<158x128xi32, #tpu.memory_space<vmem>> -> memref<1x128xi32, #tpu.memory_space<vmem>>
        %dma_start3A_188 = tpu.memref_squeeze %dma_start3A_187 : memref<1x128xi32, #tpu.memory_space<vmem>> -> memref<128xi32, #tpu.memory_space<vmem>>
        %dma_start3A_189 = arith.constant 0 : i32
        %dma_start3A_190 = arith.constant 0 : i32
        %dma_start3A_191 = tpu.memref_slice %arg12[%dma_start3A_189, %dma_start3A_190] : memref<10240x80xf32, #tpu.memory_space<vmem_shared>> -> memref<10240x80xf32, #tpu.memory_space<vmem_shared>>
        tpu.enqueue_indirect_dma source(%dma_start3A_185 : memref<128x80xf32, #tpu.memory_space<vmem>>) target(%dma_start3A_191 : memref<10240x80xf32, #tpu.memory_space<vmem_shared>>) offsets(%dma_start3A_188 : memref<128xi32, #tpu.memory_space<vmem>>) semaphore(%run_scoped3A_181 : memref<!tpu.dma_semaphore, #tpu.memory_space<semaphore_mem>>) {add = true}
        %dma_wait3A_192 = arith.constant 0 : i32
        %dma_wait3A_193 = arith.constant 0 : i32
        %dma_wait3A_194 = tpu.memref_slice %arg10[%run_scoped3A_180, %dma_wait3A_192, %dma_wait3A_193] : memref<2x128x80xf32, #tpu.memory_space<vmem>> -> memref<1x128x80xf32, #tpu.memory_space<vmem>>
        %dma_wait3A_195 = tpu.memref_squeeze %dma_wait3A_194 : memref<1x128x80xf32, #tpu.memory_space<vmem>> -> memref<128x80xf32, #tpu.memory_space<vmem>>
        %dma_wait3A_196 = arith.constant 0 : i32
        %dma_wait3A_197 = tpu.memref_slice %arg9[%add3A_169, %dma_wait3A_196] : memref<158x128xi32, #tpu.memory_space<vmem>> -> memref<1x128xi32, #tpu.memory_space<vmem>>
        %dma_wait3A_198 = tpu.memref_squeeze %dma_wait3A_197 : memref<1x128xi32, #tpu.memory_space<vmem>> -> memref<128xi32, #tpu.memory_space<vmem>>
        %dma_wait3A_199 = arith.constant 0 : i32
        %dma_wait3A_200 = arith.constant 0 : i32
        %dma_wait3A_201 = tpu.memref_slice %arg12[%dma_wait3A_199, %dma_wait3A_200] : memref<10240x80xf32, #tpu.memory_space<vmem_shared>> -> memref<10240x80xf32, #tpu.memory_space<vmem_shared>>
        tpu.wait_indirect_dma semaphore(%run_scoped3A_181 : memref<!tpu.dma_semaphore, #tpu.memory_space<semaphore_mem>>) src(%dma_wait3A_195 : memref<128x80xf32, #tpu.memory_space<vmem>>) dst(%dma_wait3A_201 : memref<10240x80xf32, #tpu.memory_space<vmem_shared>>)
        tpu.yield
      }) : () -> ()
    }
    %scan3A_52 = arith.constant 79 : i32
    %barrier3A_53 = arith.constant 0 : index
    tpu.barrier barrier_id(%barrier3A_53)
    %mul3A_54 = arith.constant 640 : i32
    %mul3A_55 = arith.muli %arg1, %mul3A_54 : i32
    %add3A_56 = arith.constant 0 : i32
    %add3A_57 = arith.addi %mul3A_55, %add3A_56 : i32
    "tpu.region"() ({
      %run_scoped3A_74 = tpu.sem_alloc : memref<!tpu.dma_semaphore, #tpu.memory_space<semaphore_mem>>
      %dma_start3A_75 = arith.constant 0 : i32
      %dma_start3A_76 = tpu.memref_slice %arg7[%arg0, %add3A_57, %dma_start3A_75] : memref<2x10240x80xf32, #tpu.memory_space<hbm>> -> memref<1x128x80xf32, #tpu.memory_space<hbm>>
      %dma_start3A_77 = tpu.memref_squeeze %dma_start3A_76 : memref<1x128x80xf32, #tpu.memory_space<hbm>> -> memref<128x80xf32, #tpu.memory_space<hbm>>
      %dma_start3A_78 = arith.constant 0 : i32
      %dma_start3A_79 = tpu.memref_slice %arg12[%add3A_57, %dma_start3A_78] : memref<10240x80xf32, #tpu.memory_space<vmem_shared>> -> memref<128x80xf32, #tpu.memory_space<vmem_shared>>
      tpu.enqueue_dma source(%dma_start3A_79 : memref<128x80xf32, #tpu.memory_space<vmem_shared>>) target(%dma_start3A_77 : memref<128x80xf32, #tpu.memory_space<hbm>>) target_semaphore(%run_scoped3A_74 : memref<!tpu.dma_semaphore, #tpu.memory_space<semaphore_mem>>)
      %dma_wait3A = arith.constant 0 : i32
      %dma_wait3A_80 = tpu.memref_slice %arg7[%arg0, %add3A_57, %dma_wait3A] : memref<2x10240x80xf32, #tpu.memory_space<hbm>> -> memref<1x128x80xf32, #tpu.memory_space<hbm>>
      %dma_wait3A_81 = tpu.memref_squeeze %dma_wait3A_80 : memref<1x128x80xf32, #tpu.memory_space<hbm>> -> memref<128x80xf32, #tpu.memory_space<hbm>>
      %dma_wait3A_82 = arith.constant 0 : i32
      %dma_wait3A_83 = tpu.memref_slice %arg12[%add3A_57, %dma_wait3A_82] : memref<10240x80xf32, #tpu.memory_space<vmem_shared>> -> memref<128x80xf32, #tpu.memory_space<vmem_shared>>
      tpu.wait_dma2 semaphore(%run_scoped3A_74 : memref<!tpu.dma_semaphore, #tpu.memory_space<semaphore_mem>>) src(%dma_wait3A_83 : memref<128x80xf32, #tpu.memory_space<vmem_shared>>) dst(%dma_wait3A_81 : memref<128x80xf32, #tpu.memory_space<hbm>>)
      tpu.yield
    }) : () -> ()
    %mul3A_58 = arith.constant 640 : i32
    %mul3A_59 = arith.muli %arg1, %mul3A_58 : i32
    %add3A_60 = arith.constant 128 : i32
    %add3A_61 = arith.addi %mul3A_59, %add3A_60 : i32
    "tpu.region"() ({
      %run_scoped3A_74 = tpu.sem_alloc : memref<!tpu.dma_semaphore, #tpu.memory_space<semaphore_mem>>
      %dma_start3A_75 = arith.constant 0 : i32
      %dma_start3A_76 = tpu.memref_slice %arg7[%arg0, %add3A_61, %dma_start3A_75] : memref<2x10240x80xf32, #tpu.memory_space<hbm>> -> memref<1x128x80xf32, #tpu.memory_space<hbm>>
      %dma_start3A_77 = tpu.memref_squeeze %dma_start3A_76 : memref<1x128x80xf32, #tpu.memory_space<hbm>> -> memref<128x80xf32, #tpu.memory_space<hbm>>
      %dma_start3A_78 = arith.constant 0 : i32
      %dma_start3A_79 = tpu.memref_slice %arg12[%add3A_61, %dma_start3A_78] : memref<10240x80xf32, #tpu.memory_space<vmem_shared>> -> memref<128x80xf32, #tpu.memory_space<vmem_shared>>
      tpu.enqueue_dma source(%dma_start3A_79 : memref<128x80xf32, #tpu.memory_space<vmem_shared>>) target(%dma_start3A_77 : memref<128x80xf32, #tpu.memory_space<hbm>>) target_semaphore(%run_scoped3A_74 : memref<!tpu.dma_semaphore, #tpu.memory_space<semaphore_mem>>)
      %dma_wait3A = arith.constant 0 : i32
      %dma_wait3A_80 = tpu.memref_slice %arg7[%arg0, %add3A_61, %dma_wait3A] : memref<2x10240x80xf32, #tpu.memory_space<hbm>> -> memref<1x128x80xf32, #tpu.memory_space<hbm>>
      %dma_wait3A_81 = tpu.memref_squeeze %dma_wait3A_80 : memref<1x128x80xf32, #tpu.memory_space<hbm>> -> memref<128x80xf32, #tpu.memory_space<hbm>>
      %dma_wait3A_82 = arith.constant 0 : i32
      %dma_wait3A_83 = tpu.memref_slice %arg12[%add3A_61, %dma_wait3A_82] : memref<10240x80xf32, #tpu.memory_space<vmem_shared>> -> memref<128x80xf32, #tpu.memory_space<vmem_shared>>
      tpu.wait_dma2 semaphore(%run_scoped3A_74 : memref<!tpu.dma_semaphore, #tpu.memory_space<semaphore_mem>>) src(%dma_wait3A_83 : memref<128x80xf32, #tpu.memory_space<vmem_shared>>) dst(%dma_wait3A_81 : memref<128x80xf32, #tpu.memory_space<hbm>>)
      tpu.yield
    }) : () -> ()
    %mul3A_62 = arith.constant 640 : i32
    %mul3A_63 = arith.muli %arg1, %mul3A_62 : i32
    %add3A_64 = arith.constant 256 : i32
    %add3A_65 = arith.addi %mul3A_63, %add3A_64 : i32
    "tpu.region"() ({
      %run_scoped3A_74 = tpu.sem_alloc : memref<!tpu.dma_semaphore, #tpu.memory_space<semaphore_mem>>
      %dma_start3A_75 = arith.constant 0 : i32
      %dma_start3A_76 = tpu.memref_slice %arg7[%arg0, %add3A_65, %dma_start3A_75] : memref<2x10240x80xf32, #tpu.memory_space<hbm>> -> memref<1x128x80xf32, #tpu.memory_space<hbm>>
      %dma_start3A_77 = tpu.memref_squeeze %dma_start3A_76 : memref<1x128x80xf32, #tpu.memory_space<hbm>> -> memref<128x80xf32, #tpu.memory_space<hbm>>
      %dma_start3A_78 = arith.constant 0 : i32
      %dma_start3A_79 = tpu.memref_slice %arg12[%add3A_65, %dma_start3A_78] : memref<10240x80xf32, #tpu.memory_space<vmem_shared>> -> memref<128x80xf32, #tpu.memory_space<vmem_shared>>
      tpu.enqueue_dma source(%dma_start3A_79 : memref<128x80xf32, #tpu.memory_space<vmem_shared>>) target(%dma_start3A_77 : memref<128x80xf32, #tpu.memory_space<hbm>>) target_semaphore(%run_scoped3A_74 : memref<!tpu.dma_semaphore, #tpu.memory_space<semaphore_mem>>)
      %dma_wait3A = arith.constant 0 : i32
      %dma_wait3A_80 = tpu.memref_slice %arg7[%arg0, %add3A_65, %dma_wait3A] : memref<2x10240x80xf32, #tpu.memory_space<hbm>> -> memref<1x128x80xf32, #tpu.memory_space<hbm>>
      %dma_wait3A_81 = tpu.memref_squeeze %dma_wait3A_80 : memref<1x128x80xf32, #tpu.memory_space<hbm>> -> memref<128x80xf32, #tpu.memory_space<hbm>>
      %dma_wait3A_82 = arith.constant 0 : i32
      %dma_wait3A_83 = tpu.memref_slice %arg12[%add3A_65, %dma_wait3A_82] : memref<10240x80xf32, #tpu.memory_space<vmem_shared>> -> memref<128x80xf32, #tpu.memory_space<vmem_shared>>
      tpu.wait_dma2 semaphore(%run_scoped3A_74 : memref<!tpu.dma_semaphore, #tpu.memory_space<semaphore_mem>>) src(%dma_wait3A_83 : memref<128x80xf32, #tpu.memory_space<vmem_shared>>) dst(%dma_wait3A_81 : memref<128x80xf32, #tpu.memory_space<hbm>>)
      tpu.yield
    }) : () -> ()
    %mul3A_66 = arith.constant 640 : i32
    %mul3A_67 = arith.muli %arg1, %mul3A_66 : i32
    %add3A_68 = arith.constant 384 : i32
    %add3A_69 = arith.addi %mul3A_67, %add3A_68 : i32
    "tpu.region"() ({
      %run_scoped3A_74 = tpu.sem_alloc : memref<!tpu.dma_semaphore, #tpu.memory_space<semaphore_mem>>
      %dma_start3A_75 = arith.constant 0 : i32
      %dma_start3A_76 = tpu.memref_slice %arg7[%arg0, %add3A_69, %dma_start3A_75] : memref<2x10240x80xf32, #tpu.memory_space<hbm>> -> memref<1x128x80xf32, #tpu.memory_space<hbm>>
      %dma_start3A_77 = tpu.memref_squeeze %dma_start3A_76 : memref<1x128x80xf32, #tpu.memory_space<hbm>> -> memref<128x80xf32, #tpu.memory_space<hbm>>
      %dma_start3A_78 = arith.constant 0 : i32
      %dma_start3A_79 = tpu.memref_slice %arg12[%add3A_69, %dma_start3A_78] : memref<10240x80xf32, #tpu.memory_space<vmem_shared>> -> memref<128x80xf32, #tpu.memory_space<vmem_shared>>
      tpu.enqueue_dma source(%dma_start3A_79 : memref<128x80xf32, #tpu.memory_space<vmem_shared>>) target(%dma_start3A_77 : memref<128x80xf32, #tpu.memory_space<hbm>>) target_semaphore(%run_scoped3A_74 : memref<!tpu.dma_semaphore, #tpu.memory_space<semaphore_mem>>)
      %dma_wait3A = arith.constant 0 : i32
      %dma_wait3A_80 = tpu.memref_slice %arg7[%arg0, %add3A_69, %dma_wait3A] : memref<2x10240x80xf32, #tpu.memory_space<hbm>> -> memref<1x128x80xf32, #tpu.memory_space<hbm>>
      %dma_wait3A_81 = tpu.memref_squeeze %dma_wait3A_80 : memref<1x128x80xf32, #tpu.memory_space<hbm>> -> memref<128x80xf32, #tpu.memory_space<hbm>>
      %dma_wait3A_82 = arith.constant 0 : i32
      %dma_wait3A_83 = tpu.memref_slice %arg12[%add3A_69, %dma_wait3A_82] : memref<10240x80xf32, #tpu.memory_space<vmem_shared>> -> memref<128x80xf32, #tpu.memory_space<vmem_shared>>
      tpu.wait_dma2 semaphore(%run_scoped3A_74 : memref<!tpu.dma_semaphore, #tpu.memory_space<semaphore_mem>>) src(%dma_wait3A_83 : memref<128x80xf32, #tpu.memory_space<vmem_shared>>) dst(%dma_wait3A_81 : memref<128x80xf32, #tpu.memory_space<hbm>>)
      tpu.yield
    }) : () -> ()
    %mul3A_70 = arith.constant 640 : i32
    %mul3A_71 = arith.muli %arg1, %mul3A_70 : i32
    %add3A_72 = arith.constant 512 : i32
    %add3A_73 = arith.addi %mul3A_71, %add3A_72 : i32
    "tpu.region"() ({
      %run_scoped3A_74 = tpu.sem_alloc : memref<!tpu.dma_semaphore, #tpu.memory_space<semaphore_mem>>
      %dma_start3A_75 = arith.constant 0 : i32
      %dma_start3A_76 = tpu.memref_slice %arg7[%arg0, %add3A_73, %dma_start3A_75] : memref<2x10240x80xf32, #tpu.memory_space<hbm>> -> memref<1x128x80xf32, #tpu.memory_space<hbm>>
      %dma_start3A_77 = tpu.memref_squeeze %dma_start3A_76 : memref<1x128x80xf32, #tpu.memory_space<hbm>> -> memref<128x80xf32, #tpu.memory_space<hbm>>
      %dma_start3A_78 = arith.constant 0 : i32
      %dma_start3A_79 = tpu.memref_slice %arg12[%add3A_73, %dma_start3A_78] : memref<10240x80xf32, #tpu.memory_space<vmem_shared>> -> memref<128x80xf32, #tpu.memory_space<vmem_shared>>
      tpu.enqueue_dma source(%dma_start3A_79 : memref<128x80xf32, #tpu.memory_space<vmem_shared>>) target(%dma_start3A_77 : memref<128x80xf32, #tpu.memory_space<hbm>>) target_semaphore(%run_scoped3A_74 : memref<!tpu.dma_semaphore, #tpu.memory_space<semaphore_mem>>)
      %dma_wait3A = arith.constant 0 : i32
      %dma_wait3A_80 = tpu.memref_slice %arg7[%arg0, %add3A_73, %dma_wait3A] : memref<2x10240x80xf32, #tpu.memory_space<hbm>> -> memref<1x128x80xf32, #tpu.memory_space<hbm>>
      %dma_wait3A_81 = tpu.memref_squeeze %dma_wait3A_80 : memref<1x128x80xf32, #tpu.memory_space<hbm>> -> memref<128x80xf32, #tpu.memory_space<hbm>>
      %dma_wait3A_82 = arith.constant 0 : i32
      %dma_wait3A_83 = tpu.memref_slice %arg12[%add3A_73, %dma_wait3A_82] : memref<10240x80xf32, #tpu.memory_space<vmem_shared>> -> memref<128x80xf32, #tpu.memory_space<vmem_shared>>
      tpu.wait_dma2 semaphore(%run_scoped3A_74 : memref<!tpu.dma_semaphore, #tpu.memory_space<semaphore_mem>>) src(%dma_wait3A_83 : memref<128x80xf32, #tpu.memory_space<vmem_shared>>) dst(%dma_wait3A_81 : memref<128x80xf32, #tpu.memory_space<hbm>>)
      tpu.yield
    }) : () -> ()
    return
  }
}

#map = affine_map<(d0, d1) -> (0, 0)>
#map1 = affine_map<(d0, d1) -> (0, 0, 0)>
module attributes {stable_mosaic.version = 14 : i64} {
  func.func @_edge1_body(%arg0: i32, %arg1: i32, %arg2: memref<10240x16xf32, #tpu.memory_space<hbm>>, %arg3: memref<2528x128xi32, #tpu.memory_space<hbm>>, %arg4: memref<2528x128xi32, #tpu.memory_space<hbm>>, %arg5: memref<2x10240x16xf32, #tpu.memory_space<hbm>>, %arg6: memref<79x128xi32, #tpu.memory_space<vmem>>, %arg7: memref<79x128xi32, #tpu.memory_space<vmem>>, %arg8: memref<2x128x16xf32, #tpu.memory_space<vmem>>, %arg9: memref<2x128x16xf32, #tpu.memory_space<vmem>>, %arg10: memref<10240x16xf32, #tpu.memory_space<vmem_shared>>, %arg11: memref<!tpu.dma_semaphore, #tpu.memory_space<semaphore_mem>>, %arg12: memref<!tpu.dma_semaphore, #tpu.memory_space<semaphore_mem>>, %arg13: memref<!tpu.dma_semaphore, #tpu.memory_space<semaphore_mem>>, %arg14: memref<!tpu.dma_semaphore, #tpu.memory_space<semaphore_mem>>) attributes {dimension_semantics = [#tpu.dimension_semantics<core_parallel>, #tpu.dimension_semantics<subcore_parallel>], iteration_bounds = array<i64: 2, 16>, scalar_prefetch = 0 : i64, scratch_operands = 9 : i64, tpu.core_type = #tpu.core_type<sc_vector_subcore>, window_params = [{transform_indices = #map}, {transform_indices = #map}, {transform_indices = #map}, {transform_indices = #map1}]} {
    %mul3A = arith.constant 2 : i32
    %mul3A_0 = arith.muli %arg1, %mul3A : i32
    %add3A = arith.addi %mul3A_0, %arg0 : i32
    %scan3A = arith.constant 0 : i32
    %scan3A_1 = arith.constant 128 : i32
    %scan3A_2 = arith.addi %scan3A, %scan3A_1 : i32
    %scan3A_3 = arith.constant 1 : i32
    scf.for %scan3A_112 = %scan3A to %scan3A_2 step %scan3A_3  : i32 {
      %mul3A_113 = arith.constant 1 : i32
      %mul3A_114 = arith.muli %scan3A_112, %mul3A_113 : i32
      %add3A_115 = arith.constant 0 : i32
      %add3A_116 = arith.addi %add3A_115, %mul3A_114 : i32
      %broadcast_in_dim3A = arith.constant 0.000000e+00 : f32
      %broadcast_in_dim3A_117 = vector.broadcast %broadcast_in_dim3A : f32 to vector<16xf32>
      %swap3A = arith.constant 0 : i32
      %swap3A_118 = arith.index_cast %swap3A : i32 to index
      %swap3A_119 = arith.index_cast %add3A_116 : i32 to index
      %swap3A_120 = arith.constant 0 : index
      %swap3A_121 = tpu.vector_load %arg8[%swap3A_118, %swap3A_119, %swap3A_120] {strides = array<i32>} : memref<2x128x16xf32, #tpu.memory_space<vmem>>, vector<16xf32>,
      tpu.vector_store %arg8[%swap3A_118, %swap3A_119, %swap3A_120], %broadcast_in_dim3A_117 {strides = array<i32>} : memref<2x128x16xf32, #tpu.memory_space<vmem>>, vector<16xf32>,
    }
    %scan3A_4 = arith.constant 128 : i32
    %mul3A_5 = arith.constant 640 : i32
    %mul3A_6 = arith.muli %arg1, %mul3A_5 : i32
    %add3A_7 = arith.constant 0 : i32
    %add3A_8 = arith.addi %mul3A_6, %add3A_7 : i32
    %run_scoped3A = arith.constant 0 : i32
    "tpu.region"() ({
      %run_scoped3A_112 = tpu.sem_alloc : memref<!tpu.dma_semaphore, #tpu.memory_space<semaphore_mem>>
      %dma_start3A_113 = arith.constant 0 : i32
      %dma_start3A_114 = arith.constant 0 : i32
      %dma_start3A_115 = tpu.memref_slice %arg8[%run_scoped3A, %dma_start3A_113, %dma_start3A_114] : memref<2x128x16xf32, #tpu.memory_space<vmem>> -> memref<1x128x16xf32, #tpu.memory_space<vmem>>
      %dma_start3A_116 = tpu.memref_squeeze %dma_start3A_115 : memref<1x128x16xf32, #tpu.memory_space<vmem>> -> memref<128x16xf32, #tpu.memory_space<vmem>>
      %dma_start3A_117 = arith.constant 0 : i32
      %dma_start3A_118 = tpu.memref_slice %arg10[%add3A_8, %dma_start3A_117] : memref<10240x16xf32, #tpu.memory_space<vmem_shared>> -> memref<128x16xf32, #tpu.memory_space<vmem_shared>>
      %dma_start3A_119 = arith.constant 0 : i32
      %dma_start3A_120 = tpu.memref_slice %arg10[%add3A_8, %dma_start3A_119] : memref<10240x16xf32, #tpu.memory_space<vmem_shared>> -> memref<128x16xf32, #tpu.memory_space<vmem_shared>>
      %dma_start3A_121 = arith.constant 0 : i32
      %dma_start3A_122 = arith.constant 0 : i32
      %dma_start3A_123 = tpu.memref_slice %arg8[%run_scoped3A, %dma_start3A_121, %dma_start3A_122] : memref<2x128x16xf32, #tpu.memory_space<vmem>> -> memref<1x128x16xf32, #tpu.memory_space<vmem>>
      %dma_start3A_124 = tpu.memref_squeeze %dma_start3A_123 : memref<1x128x16xf32, #tpu.memory_space<vmem>> -> memref<128x16xf32, #tpu.memory_space<vmem>>
      tpu.enqueue_dma source(%dma_start3A_124 : memref<128x16xf32, #tpu.memory_space<vmem>>) target(%dma_start3A_120 : memref<128x16xf32, #tpu.memory_space<vmem_shared>>) target_semaphore(%run_scoped3A_112 : memref<!tpu.dma_semaphore, #tpu.memory_space<semaphore_mem>>)
      %dma_wait3A_125 = arith.constant 0 : i32
      %dma_wait3A_126 = arith.constant 0 : i32
      %dma_wait3A_127 = tpu.memref_slice %arg8[%run_scoped3A, %dma_wait3A_125, %dma_wait3A_126] : memref<2x128x16xf32, #tpu.memory_space<vmem>> -> memref<1x128x16xf32, #tpu.memory_space<vmem>>
      %dma_wait3A_128 = tpu.memref_squeeze %dma_wait3A_127 : memref<1x128x16xf32, #tpu.memory_space<vmem>> -> memref<128x16xf32, #tpu.memory_space<vmem>>
      %dma_wait3A_129 = arith.constant 0 : i32
      %dma_wait3A_130 = tpu.memref_slice %arg10[%add3A_8, %dma_wait3A_129] : memref<10240x16xf32, #tpu.memory_space<vmem_shared>> -> memref<128x16xf32, #tpu.memory_space<vmem_shared>>
      %dma_wait3A_131 = arith.constant 0 : i32
      %dma_wait3A_132 = tpu.memref_slice %arg10[%add3A_8, %dma_wait3A_131] : memref<10240x16xf32, #tpu.memory_space<vmem_shared>> -> memref<128x16xf32, #tpu.memory_space<vmem_shared>>
      %dma_wait3A_133 = arith.constant 0 : i32
      %dma_wait3A_134 = arith.constant 0 : i32
      %dma_wait3A_135 = tpu.memref_slice %arg8[%run_scoped3A, %dma_wait3A_133, %dma_wait3A_134] : memref<2x128x16xf32, #tpu.memory_space<vmem>> -> memref<1x128x16xf32, #tpu.memory_space<vmem>>
      %dma_wait3A_136 = tpu.memref_squeeze %dma_wait3A_135 : memref<1x128x16xf32, #tpu.memory_space<vmem>> -> memref<128x16xf32, #tpu.memory_space<vmem>>
      tpu.wait_dma2 semaphore(%run_scoped3A_112 : memref<!tpu.dma_semaphore, #tpu.memory_space<semaphore_mem>>) src(%dma_wait3A_136 : memref<128x16xf32, #tpu.memory_space<vmem>>) dst(%dma_wait3A_132 : memref<128x16xf32, #tpu.memory_space<vmem_shared>>)
      tpu.yield
    }) : () -> ()
    %mul3A_9 = arith.constant 640 : i32
    %mul3A_10 = arith.muli %arg1, %mul3A_9 : i32
    %add3A_11 = arith.constant 128 : i32
    %add3A_12 = arith.addi %mul3A_10, %add3A_11 : i32
    %run_scoped3A_13 = arith.constant 0 : i32
    "tpu.region"() ({
      %run_scoped3A_112 = tpu.sem_alloc : memref<!tpu.dma_semaphore, #tpu.memory_space<semaphore_mem>>
      %dma_start3A_113 = arith.constant 0 : i32
      %dma_start3A_114 = arith.constant 0 : i32
      %dma_start3A_115 = tpu.memref_slice %arg8[%run_scoped3A_13, %dma_start3A_113, %dma_start3A_114] : memref<2x128x16xf32, #tpu.memory_space<vmem>> -> memref<1x128x16xf32, #tpu.memory_space<vmem>>
      %dma_start3A_116 = tpu.memref_squeeze %dma_start3A_115 : memref<1x128x16xf32, #tpu.memory_space<vmem>> -> memref<128x16xf32, #tpu.memory_space<vmem>>
      %dma_start3A_117 = arith.constant 0 : i32
      %dma_start3A_118 = tpu.memref_slice %arg10[%add3A_12, %dma_start3A_117] : memref<10240x16xf32, #tpu.memory_space<vmem_shared>> -> memref<128x16xf32, #tpu.memory_space<vmem_shared>>
      %dma_start3A_119 = arith.constant 0 : i32
      %dma_start3A_120 = tpu.memref_slice %arg10[%add3A_12, %dma_start3A_119] : memref<10240x16xf32, #tpu.memory_space<vmem_shared>> -> memref<128x16xf32, #tpu.memory_space<vmem_shared>>
      %dma_start3A_121 = arith.constant 0 : i32
      %dma_start3A_122 = arith.constant 0 : i32
      %dma_start3A_123 = tpu.memref_slice %arg8[%run_scoped3A_13, %dma_start3A_121, %dma_start3A_122] : memref<2x128x16xf32, #tpu.memory_space<vmem>> -> memref<1x128x16xf32, #tpu.memory_space<vmem>>
      %dma_start3A_124 = tpu.memref_squeeze %dma_start3A_123 : memref<1x128x16xf32, #tpu.memory_space<vmem>> -> memref<128x16xf32, #tpu.memory_space<vmem>>
      tpu.enqueue_dma source(%dma_start3A_124 : memref<128x16xf32, #tpu.memory_space<vmem>>) target(%dma_start3A_120 : memref<128x16xf32, #tpu.memory_space<vmem_shared>>) target_semaphore(%run_scoped3A_112 : memref<!tpu.dma_semaphore, #tpu.memory_space<semaphore_mem>>)
      %dma_wait3A_125 = arith.constant 0 : i32
      %dma_wait3A_126 = arith.constant 0 : i32
      %dma_wait3A_127 = tpu.memref_slice %arg8[%run_scoped3A_13, %dma_wait3A_125, %dma_wait3A_126] : memref<2x128x16xf32, #tpu.memory_space<vmem>> -> memref<1x128x16xf32, #tpu.memory_space<vmem>>
      %dma_wait3A_128 = tpu.memref_squeeze %dma_wait3A_127 : memref<1x128x16xf32, #tpu.memory_space<vmem>> -> memref<128x16xf32, #tpu.memory_space<vmem>>
      %dma_wait3A_129 = arith.constant 0 : i32
      %dma_wait3A_130 = tpu.memref_slice %arg10[%add3A_12, %dma_wait3A_129] : memref<10240x16xf32, #tpu.memory_space<vmem_shared>> -> memref<128x16xf32, #tpu.memory_space<vmem_shared>>
      %dma_wait3A_131 = arith.constant 0 : i32
      %dma_wait3A_132 = tpu.memref_slice %arg10[%add3A_12, %dma_wait3A_131] : memref<10240x16xf32, #tpu.memory_space<vmem_shared>> -> memref<128x16xf32, #tpu.memory_space<vmem_shared>>
      %dma_wait3A_133 = arith.constant 0 : i32
      %dma_wait3A_134 = arith.constant 0 : i32
      %dma_wait3A_135 = tpu.memref_slice %arg8[%run_scoped3A_13, %dma_wait3A_133, %dma_wait3A_134] : memref<2x128x16xf32, #tpu.memory_space<vmem>> -> memref<1x128x16xf32, #tpu.memory_space<vmem>>
      %dma_wait3A_136 = tpu.memref_squeeze %dma_wait3A_135 : memref<1x128x16xf32, #tpu.memory_space<vmem>> -> memref<128x16xf32, #tpu.memory_space<vmem>>
      tpu.wait_dma2 semaphore(%run_scoped3A_112 : memref<!tpu.dma_semaphore, #tpu.memory_space<semaphore_mem>>) src(%dma_wait3A_136 : memref<128x16xf32, #tpu.memory_space<vmem>>) dst(%dma_wait3A_132 : memref<128x16xf32, #tpu.memory_space<vmem_shared>>)
      tpu.yield
    }) : () -> ()
    %mul3A_14 = arith.constant 640 : i32
    %mul3A_15 = arith.muli %arg1, %mul3A_14 : i32
    %add3A_16 = arith.constant 256 : i32
    %add3A_17 = arith.addi %mul3A_15, %add3A_16 : i32
    %run_scoped3A_18 = arith.constant 0 : i32
    "tpu.region"() ({
      %run_scoped3A_112 = tpu.sem_alloc : memref<!tpu.dma_semaphore, #tpu.memory_space<semaphore_mem>>
      %dma_start3A_113 = arith.constant 0 : i32
      %dma_start3A_114 = arith.constant 0 : i32
      %dma_start3A_115 = tpu.memref_slice %arg8[%run_scoped3A_18, %dma_start3A_113, %dma_start3A_114] : memref<2x128x16xf32, #tpu.memory_space<vmem>> -> memref<1x128x16xf32, #tpu.memory_space<vmem>>
      %dma_start3A_116 = tpu.memref_squeeze %dma_start3A_115 : memref<1x128x16xf32, #tpu.memory_space<vmem>> -> memref<128x16xf32, #tpu.memory_space<vmem>>
      %dma_start3A_117 = arith.constant 0 : i32
      %dma_start3A_118 = tpu.memref_slice %arg10[%add3A_17, %dma_start3A_117] : memref<10240x16xf32, #tpu.memory_space<vmem_shared>> -> memref<128x16xf32, #tpu.memory_space<vmem_shared>>
      %dma_start3A_119 = arith.constant 0 : i32
      %dma_start3A_120 = tpu.memref_slice %arg10[%add3A_17, %dma_start3A_119] : memref<10240x16xf32, #tpu.memory_space<vmem_shared>> -> memref<128x16xf32, #tpu.memory_space<vmem_shared>>
      %dma_start3A_121 = arith.constant 0 : i32
      %dma_start3A_122 = arith.constant 0 : i32
      %dma_start3A_123 = tpu.memref_slice %arg8[%run_scoped3A_18, %dma_start3A_121, %dma_start3A_122] : memref<2x128x16xf32, #tpu.memory_space<vmem>> -> memref<1x128x16xf32, #tpu.memory_space<vmem>>
      %dma_start3A_124 = tpu.memref_squeeze %dma_start3A_123 : memref<1x128x16xf32, #tpu.memory_space<vmem>> -> memref<128x16xf32, #tpu.memory_space<vmem>>
      tpu.enqueue_dma source(%dma_start3A_124 : memref<128x16xf32, #tpu.memory_space<vmem>>) target(%dma_start3A_120 : memref<128x16xf32, #tpu.memory_space<vmem_shared>>) target_semaphore(%run_scoped3A_112 : memref<!tpu.dma_semaphore, #tpu.memory_space<semaphore_mem>>)
      %dma_wait3A_125 = arith.constant 0 : i32
      %dma_wait3A_126 = arith.constant 0 : i32
      %dma_wait3A_127 = tpu.memref_slice %arg8[%run_scoped3A_18, %dma_wait3A_125, %dma_wait3A_126] : memref<2x128x16xf32, #tpu.memory_space<vmem>> -> memref<1x128x16xf32, #tpu.memory_space<vmem>>
      %dma_wait3A_128 = tpu.memref_squeeze %dma_wait3A_127 : memref<1x128x16xf32, #tpu.memory_space<vmem>> -> memref<128x16xf32, #tpu.memory_space<vmem>>
      %dma_wait3A_129 = arith.constant 0 : i32
      %dma_wait3A_130 = tpu.memref_slice %arg10[%add3A_17, %dma_wait3A_129] : memref<10240x16xf32, #tpu.memory_space<vmem_shared>> -> memref<128x16xf32, #tpu.memory_space<vmem_shared>>
      %dma_wait3A_131 = arith.constant 0 : i32
      %dma_wait3A_132 = tpu.memref_slice %arg10[%add3A_17, %dma_wait3A_131] : memref<10240x16xf32, #tpu.memory_space<vmem_shared>> -> memref<128x16xf32, #tpu.memory_space<vmem_shared>>
      %dma_wait3A_133 = arith.constant 0 : i32
      %dma_wait3A_134 = arith.constant 0 : i32
      %dma_wait3A_135 = tpu.memref_slice %arg8[%run_scoped3A_18, %dma_wait3A_133, %dma_wait3A_134] : memref<2x128x16xf32, #tpu.memory_space<vmem>> -> memref<1x128x16xf32, #tpu.memory_space<vmem>>
      %dma_wait3A_136 = tpu.memref_squeeze %dma_wait3A_135 : memref<1x128x16xf32, #tpu.memory_space<vmem>> -> memref<128x16xf32, #tpu.memory_space<vmem>>
      tpu.wait_dma2 semaphore(%run_scoped3A_112 : memref<!tpu.dma_semaphore, #tpu.memory_space<semaphore_mem>>) src(%dma_wait3A_136 : memref<128x16xf32, #tpu.memory_space<vmem>>) dst(%dma_wait3A_132 : memref<128x16xf32, #tpu.memory_space<vmem_shared>>)
      tpu.yield
    }) : () -> ()
    %mul3A_19 = arith.constant 640 : i32
    %mul3A_20 = arith.muli %arg1, %mul3A_19 : i32
    %add3A_21 = arith.constant 384 : i32
    %add3A_22 = arith.addi %mul3A_20, %add3A_21 : i32
    %run_scoped3A_23 = arith.constant 0 : i32
    "tpu.region"() ({
      %run_scoped3A_112 = tpu.sem_alloc : memref<!tpu.dma_semaphore, #tpu.memory_space<semaphore_mem>>
      %dma_start3A_113 = arith.constant 0 : i32
      %dma_start3A_114 = arith.constant 0 : i32
      %dma_start3A_115 = tpu.memref_slice %arg8[%run_scoped3A_23, %dma_start3A_113, %dma_start3A_114] : memref<2x128x16xf32, #tpu.memory_space<vmem>> -> memref<1x128x16xf32, #tpu.memory_space<vmem>>
      %dma_start3A_116 = tpu.memref_squeeze %dma_start3A_115 : memref<1x128x16xf32, #tpu.memory_space<vmem>> -> memref<128x16xf32, #tpu.memory_space<vmem>>
      %dma_start3A_117 = arith.constant 0 : i32
      %dma_start3A_118 = tpu.memref_slice %arg10[%add3A_22, %dma_start3A_117] : memref<10240x16xf32, #tpu.memory_space<vmem_shared>> -> memref<128x16xf32, #tpu.memory_space<vmem_shared>>
      %dma_start3A_119 = arith.constant 0 : i32
      %dma_start3A_120 = tpu.memref_slice %arg10[%add3A_22, %dma_start3A_119] : memref<10240x16xf32, #tpu.memory_space<vmem_shared>> -> memref<128x16xf32, #tpu.memory_space<vmem_shared>>
      %dma_start3A_121 = arith.constant 0 : i32
      %dma_start3A_122 = arith.constant 0 : i32
      %dma_start3A_123 = tpu.memref_slice %arg8[%run_scoped3A_23, %dma_start3A_121, %dma_start3A_122] : memref<2x128x16xf32, #tpu.memory_space<vmem>> -> memref<1x128x16xf32, #tpu.memory_space<vmem>>
      %dma_start3A_124 = tpu.memref_squeeze %dma_start3A_123 : memref<1x128x16xf32, #tpu.memory_space<vmem>> -> memref<128x16xf32, #tpu.memory_space<vmem>>
      tpu.enqueue_dma source(%dma_start3A_124 : memref<128x16xf32, #tpu.memory_space<vmem>>) target(%dma_start3A_120 : memref<128x16xf32, #tpu.memory_space<vmem_shared>>) target_semaphore(%run_scoped3A_112 : memref<!tpu.dma_semaphore, #tpu.memory_space<semaphore_mem>>)
      %dma_wait3A_125 = arith.constant 0 : i32
      %dma_wait3A_126 = arith.constant 0 : i32
      %dma_wait3A_127 = tpu.memref_slice %arg8[%run_scoped3A_23, %dma_wait3A_125, %dma_wait3A_126] : memref<2x128x16xf32, #tpu.memory_space<vmem>> -> memref<1x128x16xf32, #tpu.memory_space<vmem>>
      %dma_wait3A_128 = tpu.memref_squeeze %dma_wait3A_127 : memref<1x128x16xf32, #tpu.memory_space<vmem>> -> memref<128x16xf32, #tpu.memory_space<vmem>>
      %dma_wait3A_129 = arith.constant 0 : i32
      %dma_wait3A_130 = tpu.memref_slice %arg10[%add3A_22, %dma_wait3A_129] : memref<10240x16xf32, #tpu.memory_space<vmem_shared>> -> memref<128x16xf32, #tpu.memory_space<vmem_shared>>
      %dma_wait3A_131 = arith.constant 0 : i32
      %dma_wait3A_132 = tpu.memref_slice %arg10[%add3A_22, %dma_wait3A_131] : memref<10240x16xf32, #tpu.memory_space<vmem_shared>> -> memref<128x16xf32, #tpu.memory_space<vmem_shared>>
      %dma_wait3A_133 = arith.constant 0 : i32
      %dma_wait3A_134 = arith.constant 0 : i32
      %dma_wait3A_135 = tpu.memref_slice %arg8[%run_scoped3A_23, %dma_wait3A_133, %dma_wait3A_134] : memref<2x128x16xf32, #tpu.memory_space<vmem>> -> memref<1x128x16xf32, #tpu.memory_space<vmem>>
      %dma_wait3A_136 = tpu.memref_squeeze %dma_wait3A_135 : memref<1x128x16xf32, #tpu.memory_space<vmem>> -> memref<128x16xf32, #tpu.memory_space<vmem>>
      tpu.wait_dma2 semaphore(%run_scoped3A_112 : memref<!tpu.dma_semaphore, #tpu.memory_space<semaphore_mem>>) src(%dma_wait3A_136 : memref<128x16xf32, #tpu.memory_space<vmem>>) dst(%dma_wait3A_132 : memref<128x16xf32, #tpu.memory_space<vmem_shared>>)
      tpu.yield
    }) : () -> ()
    %mul3A_24 = arith.constant 640 : i32
    %mul3A_25 = arith.muli %arg1, %mul3A_24 : i32
    %add3A_26 = arith.constant 512 : i32
    %add3A_27 = arith.addi %mul3A_25, %add3A_26 : i32
    %run_scoped3A_28 = arith.constant 0 : i32
    "tpu.region"() ({
      %run_scoped3A_112 = tpu.sem_alloc : memref<!tpu.dma_semaphore, #tpu.memory_space<semaphore_mem>>
      %dma_start3A_113 = arith.constant 0 : i32
      %dma_start3A_114 = arith.constant 0 : i32
      %dma_start3A_115 = tpu.memref_slice %arg8[%run_scoped3A_28, %dma_start3A_113, %dma_start3A_114] : memref<2x128x16xf32, #tpu.memory_space<vmem>> -> memref<1x128x16xf32, #tpu.memory_space<vmem>>
      %dma_start3A_116 = tpu.memref_squeeze %dma_start3A_115 : memref<1x128x16xf32, #tpu.memory_space<vmem>> -> memref<128x16xf32, #tpu.memory_space<vmem>>
      %dma_start3A_117 = arith.constant 0 : i32
      %dma_start3A_118 = tpu.memref_slice %arg10[%add3A_27, %dma_start3A_117] : memref<10240x16xf32, #tpu.memory_space<vmem_shared>> -> memref<128x16xf32, #tpu.memory_space<vmem_shared>>
      %dma_start3A_119 = arith.constant 0 : i32
      %dma_start3A_120 = tpu.memref_slice %arg10[%add3A_27, %dma_start3A_119] : memref<10240x16xf32, #tpu.memory_space<vmem_shared>> -> memref<128x16xf32, #tpu.memory_space<vmem_shared>>
      %dma_start3A_121 = arith.constant 0 : i32
      %dma_start3A_122 = arith.constant 0 : i32
      %dma_start3A_123 = tpu.memref_slice %arg8[%run_scoped3A_28, %dma_start3A_121, %dma_start3A_122] : memref<2x128x16xf32, #tpu.memory_space<vmem>> -> memref<1x128x16xf32, #tpu.memory_space<vmem>>
      %dma_start3A_124 = tpu.memref_squeeze %dma_start3A_123 : memref<1x128x16xf32, #tpu.memory_space<vmem>> -> memref<128x16xf32, #tpu.memory_space<vmem>>
      tpu.enqueue_dma source(%dma_start3A_124 : memref<128x16xf32, #tpu.memory_space<vmem>>) target(%dma_start3A_120 : memref<128x16xf32, #tpu.memory_space<vmem_shared>>) target_semaphore(%run_scoped3A_112 : memref<!tpu.dma_semaphore, #tpu.memory_space<semaphore_mem>>)
      %dma_wait3A_125 = arith.constant 0 : i32
      %dma_wait3A_126 = arith.constant 0 : i32
      %dma_wait3A_127 = tpu.memref_slice %arg8[%run_scoped3A_28, %dma_wait3A_125, %dma_wait3A_126] : memref<2x128x16xf32, #tpu.memory_space<vmem>> -> memref<1x128x16xf32, #tpu.memory_space<vmem>>
      %dma_wait3A_128 = tpu.memref_squeeze %dma_wait3A_127 : memref<1x128x16xf32, #tpu.memory_space<vmem>> -> memref<128x16xf32, #tpu.memory_space<vmem>>
      %dma_wait3A_129 = arith.constant 0 : i32
      %dma_wait3A_130 = tpu.memref_slice %arg10[%add3A_27, %dma_wait3A_129] : memref<10240x16xf32, #tpu.memory_space<vmem_shared>> -> memref<128x16xf32, #tpu.memory_space<vmem_shared>>
      %dma_wait3A_131 = arith.constant 0 : i32
      %dma_wait3A_132 = tpu.memref_slice %arg10[%add3A_27, %dma_wait3A_131] : memref<10240x16xf32, #tpu.memory_space<vmem_shared>> -> memref<128x16xf32, #tpu.memory_space<vmem_shared>>
      %dma_wait3A_133 = arith.constant 0 : i32
      %dma_wait3A_134 = arith.constant 0 : i32
      %dma_wait3A_135 = tpu.memref_slice %arg8[%run_scoped3A_28, %dma_wait3A_133, %dma_wait3A_134] : memref<2x128x16xf32, #tpu.memory_space<vmem>> -> memref<1x128x16xf32, #tpu.memory_space<vmem>>
      %dma_wait3A_136 = tpu.memref_squeeze %dma_wait3A_135 : memref<1x128x16xf32, #tpu.memory_space<vmem>> -> memref<128x16xf32, #tpu.memory_space<vmem>>
      tpu.wait_dma2 semaphore(%run_scoped3A_112 : memref<!tpu.dma_semaphore, #tpu.memory_space<semaphore_mem>>) src(%dma_wait3A_136 : memref<128x16xf32, #tpu.memory_space<vmem>>) dst(%dma_wait3A_132 : memref<128x16xf32, #tpu.memory_space<vmem_shared>>)
      tpu.yield
    }) : () -> ()
    %mul3A_29 = arith.constant 79 : i32
    %mul3A_30 = arith.muli %add3A, %mul3A_29 : i32
    "tpu.region"() ({
      %run_scoped3A_112 = tpu.sem_alloc : memref<!tpu.dma_semaphore, #tpu.memory_space<semaphore_mem>>
      %dma_start3A_113 = arith.constant 0 : i32
      %dma_start3A_114 = tpu.memref_slice %arg3[%mul3A_30, %dma_start3A_113] : memref<2528x128xi32, #tpu.memory_space<hbm>> -> memref<79x128xi32, #tpu.memory_space<hbm>>
      %dma_start3A_115 = arith.constant 0 : i32
      %dma_start3A_116 = tpu.memref_slice %arg3[%mul3A_30, %dma_start3A_115] : memref<2528x128xi32, #tpu.memory_space<hbm>> -> memref<79x128xi32, #tpu.memory_space<hbm>>
      tpu.enqueue_dma source(%dma_start3A_116 : memref<79x128xi32, #tpu.memory_space<hbm>>) target(%arg6 : memref<79x128xi32, #tpu.memory_space<vmem>>) target_semaphore(%run_scoped3A_112 : memref<!tpu.dma_semaphore, #tpu.memory_space<semaphore_mem>>)
      %dma_wait3A_117 = arith.constant 0 : i32
      %dma_wait3A_118 = tpu.memref_slice %arg3[%mul3A_30, %dma_wait3A_117] : memref<2528x128xi32, #tpu.memory_space<hbm>> -> memref<79x128xi32, #tpu.memory_space<hbm>>
      %dma_wait3A_119 = arith.constant 0 : i32
      %dma_wait3A_120 = tpu.memref_slice %arg3[%mul3A_30, %dma_wait3A_119] : memref<2528x128xi32, #tpu.memory_space<hbm>> -> memref<79x128xi32, #tpu.memory_space<hbm>>
      tpu.wait_dma2 semaphore(%run_scoped3A_112 : memref<!tpu.dma_semaphore, #tpu.memory_space<semaphore_mem>>) src(%dma_wait3A_120 : memref<79x128xi32, #tpu.memory_space<hbm>>) dst(%arg6 : memref<79x128xi32, #tpu.memory_space<vmem>>)
      tpu.yield
    }) : () -> ()
    %mul3A_31 = arith.constant 79 : i32
    %mul3A_32 = arith.muli %add3A, %mul3A_31 : i32
    "tpu.region"() ({
      %run_scoped3A_112 = tpu.sem_alloc : memref<!tpu.dma_semaphore, #tpu.memory_space<semaphore_mem>>
      %dma_start3A_113 = arith.constant 0 : i32
      %dma_start3A_114 = tpu.memref_slice %arg4[%mul3A_32, %dma_start3A_113] : memref<2528x128xi32, #tpu.memory_space<hbm>> -> memref<79x128xi32, #tpu.memory_space<hbm>>
      %dma_start3A_115 = arith.constant 0 : i32
      %dma_start3A_116 = tpu.memref_slice %arg4[%mul3A_32, %dma_start3A_115] : memref<2528x128xi32, #tpu.memory_space<hbm>> -> memref<79x128xi32, #tpu.memory_space<hbm>>
      tpu.enqueue_dma source(%dma_start3A_116 : memref<79x128xi32, #tpu.memory_space<hbm>>) target(%arg7 : memref<79x128xi32, #tpu.memory_space<vmem>>) target_semaphore(%run_scoped3A_112 : memref<!tpu.dma_semaphore, #tpu.memory_space<semaphore_mem>>)
      %dma_wait3A_117 = arith.constant 0 : i32
      %dma_wait3A_118 = tpu.memref_slice %arg4[%mul3A_32, %dma_wait3A_117] : memref<2528x128xi32, #tpu.memory_space<hbm>> -> memref<79x128xi32, #tpu.memory_space<hbm>>
      %dma_wait3A_119 = arith.constant 0 : i32
      %dma_wait3A_120 = tpu.memref_slice %arg4[%mul3A_32, %dma_wait3A_119] : memref<2528x128xi32, #tpu.memory_space<hbm>> -> memref<79x128xi32, #tpu.memory_space<hbm>>
      tpu.wait_dma2 semaphore(%run_scoped3A_112 : memref<!tpu.dma_semaphore, #tpu.memory_space<semaphore_mem>>) src(%dma_wait3A_120 : memref<79x128xi32, #tpu.memory_space<hbm>>) dst(%arg7 : memref<79x128xi32, #tpu.memory_space<vmem>>)
      tpu.yield
    }) : () -> ()
    %barrier3A = arith.constant 0 : index
    tpu.barrier barrier_id(%barrier3A)
    %dma_start3A = arith.constant 0 : i32
    %dma_start3A_33 = arith.constant 0 : i32
    %dma_start3A_34 = arith.constant 0 : i32
    %dma_start3A_35 = arith.constant 0 : i32
    %dma_start3A_36 = tpu.memref_slice %arg8[%dma_start3A_33, %dma_start3A_34, %dma_start3A_35] : memref<2x128x16xf32, #tpu.memory_space<vmem>> -> memref<1x128x16xf32, #tpu.memory_space<vmem>>
    %dma_start3A_37 = tpu.memref_squeeze %dma_start3A_36 : memref<1x128x16xf32, #tpu.memory_space<vmem>> -> memref<128x16xf32, #tpu.memory_space<vmem>>
    %dma_start3A_38 = arith.constant 0 : i32
    %dma_start3A_39 = tpu.memref_slice %arg6[%dma_start3A, %dma_start3A_38] : memref<79x128xi32, #tpu.memory_space<vmem>> -> memref<1x128xi32, #tpu.memory_space<vmem>>
    %dma_start3A_40 = tpu.memref_squeeze %dma_start3A_39 : memref<1x128xi32, #tpu.memory_space<vmem>> -> memref<128xi32, #tpu.memory_space<vmem>>
    %dma_start3A_41 = arith.constant 0 : i32
    %dma_start3A_42 = arith.constant 0 : i32
    %dma_start3A_43 = tpu.memref_slice %arg2[%dma_start3A_41, %dma_start3A_42] : memref<10240x16xf32, #tpu.memory_space<hbm>> -> memref<10240x16xf32, #tpu.memory_space<hbm>>
    tpu.enqueue_indirect_dma source(%dma_start3A_43 : memref<10240x16xf32, #tpu.memory_space<hbm>>) target(%dma_start3A_37 : memref<128x16xf32, #tpu.memory_space<vmem>>) offsets(%dma_start3A_40 : memref<128xi32, #tpu.memory_space<vmem>>) semaphore(%arg11 : memref<!tpu.dma_semaphore, #tpu.memory_space<semaphore_mem>>)
    %dma_start3A_44 = arith.constant 0 : i32
    %dma_start3A_45 = arith.constant 0 : i32
    %dma_start3A_46 = arith.constant 0 : i32
    %dma_start3A_47 = arith.constant 0 : i32
    %dma_start3A_48 = tpu.memref_slice %arg9[%dma_start3A_45, %dma_start3A_46, %dma_start3A_47] : memref<2x128x16xf32, #tpu.memory_space<vmem>> -> memref<1x128x16xf32, #tpu.memory_space<vmem>>
    %dma_start3A_49 = tpu.memref_squeeze %dma_start3A_48 : memref<1x128x16xf32, #tpu.memory_space<vmem>> -> memref<128x16xf32, #tpu.memory_space<vmem>>
    %dma_start3A_50 = arith.constant 0 : i32
    %dma_start3A_51 = tpu.memref_slice %arg7[%dma_start3A_44, %dma_start3A_50] : memref<79x128xi32, #tpu.memory_space<vmem>> -> memref<1x128xi32, #tpu.memory_space<vmem>>
    %dma_start3A_52 = tpu.memref_squeeze %dma_start3A_51 : memref<1x128xi32, #tpu.memory_space<vmem>> -> memref<128xi32, #tpu.memory_space<vmem>>
    %dma_start3A_53 = arith.constant 0 : i32
    %dma_start3A_54 = arith.constant 0 : i32
    %dma_start3A_55 = tpu.memref_slice %arg2[%dma_start3A_53, %dma_start3A_54] : memref<10240x16xf32, #tpu.memory_space<hbm>> -> memref<10240x16xf32, #tpu.memory_space<hbm>>
    tpu.enqueue_indirect_dma source(%dma_start3A_55 : memref<10240x16xf32, #tpu.memory_space<hbm>>) target(%dma_start3A_49 : memref<128x16xf32, #tpu.memory_space<vmem>>) offsets(%dma_start3A_52 : memref<128xi32, #tpu.memory_space<vmem>>) semaphore(%arg13 : memref<!tpu.dma_semaphore, #tpu.memory_space<semaphore_mem>>)
    %scan3A_56 = arith.constant 0 : i32
    %scan3A_57 = arith.constant 39 : i32
    %scan3A_58 = arith.addi %scan3A_56, %scan3A_57 : i32
    %scan3A_59 = arith.constant 1 : i32
    scf.for %scan3A_112 = %scan3A_56 to %scan3A_58 step %scan3A_59  : i32 {
      %mul3A_113 = arith.constant 1 : i32
      %mul3A_114 = arith.muli %scan3A_112, %mul3A_113 : i32
      %add3A_115 = arith.constant 0 : i32
      %add3A_116 = arith.addi %add3A_115, %mul3A_114 : i32
      %mul3A_117 = arith.constant 2 : i32
      %mul3A_118 = arith.muli %mul3A_117, %add3A_116 : i32
      %add3A_119 = arith.constant 1 : i32
      %add3A_120 = arith.addi %mul3A_118, %add3A_119 : i32
      %dma_start3A_121 = arith.constant 1 : i32
      %dma_start3A_122 = arith.constant 0 : i32
      %dma_start3A_123 = arith.constant 0 : i32
      %dma_start3A_124 = tpu.memref_slice %arg8[%dma_start3A_121, %dma_start3A_122, %dma_start3A_123] : memref<2x128x16xf32, #tpu.memory_space<vmem>> -> memref<1x128x16xf32, #tpu.memory_space<vmem>>
      %dma_start3A_125 = tpu.memref_squeeze %dma_start3A_124 : memref<1x128x16xf32, #tpu.memory_space<vmem>> -> memref<128x16xf32, #tpu.memory_space<vmem>>
      %dma_start3A_126 = arith.constant 0 : i32
      %dma_start3A_127 = tpu.memref_slice %arg6[%add3A_120, %dma_start3A_126] : memref<79x128xi32, #tpu.memory_space<vmem>> -> memref<1x128xi32, #tpu.memory_space<vmem>>
      %dma_start3A_128 = tpu.memref_squeeze %dma_start3A_127 : memref<1x128xi32, #tpu.memory_space<vmem>> -> memref<128xi32, #tpu.memory_space<vmem>>
      %dma_start3A_129 = arith.constant 0 : i32
      %dma_start3A_130 = arith.constant 0 : i32
      %dma_start3A_131 = tpu.memref_slice %arg2[%dma_start3A_129, %dma_start3A_130] : memref<10240x16xf32, #tpu.memory_space<hbm>> -> memref<10240x16xf32, #tpu.memory_space<hbm>>
      tpu.enqueue_indirect_dma source(%dma_start3A_131 : memref<10240x16xf32, #tpu.memory_space<hbm>>) target(%dma_start3A_125 : memref<128x16xf32, #tpu.memory_space<vmem>>) offsets(%dma_start3A_128 : memref<128xi32, #tpu.memory_space<vmem>>) semaphore(%arg12 : memref<!tpu.dma_semaphore, #tpu.memory_space<semaphore_mem>>)
      %dma_start3A_132 = arith.constant 1 : i32
      %dma_start3A_133 = arith.constant 0 : i32
      %dma_start3A_134 = arith.constant 0 : i32
      %dma_start3A_135 = tpu.memref_slice %arg9[%dma_start3A_132, %dma_start3A_133, %dma_start3A_134] : memref<2x128x16xf32, #tpu.memory_space<vmem>> -> memref<1x128x16xf32, #tpu.memory_space<vmem>>
      %dma_start3A_136 = tpu.memref_squeeze %dma_start3A_135 : memref<1x128x16xf32, #tpu.memory_space<vmem>> -> memref<128x16xf32, #tpu.memory_space<vmem>>
      %dma_start3A_137 = arith.constant 0 : i32
      %dma_start3A_138 = tpu.memref_slice %arg7[%add3A_120, %dma_start3A_137] : memref<79x128xi32, #tpu.memory_space<vmem>> -> memref<1x128xi32, #tpu.memory_space<vmem>>
      %dma_start3A_139 = tpu.memref_squeeze %dma_start3A_138 : memref<1x128xi32, #tpu.memory_space<vmem>> -> memref<128xi32, #tpu.memory_space<vmem>>
      %dma_start3A_140 = arith.constant 0 : i32
      %dma_start3A_141 = arith.constant 0 : i32
      %dma_start3A_142 = tpu.memref_slice %arg2[%dma_start3A_140, %dma_start3A_141] : memref<10240x16xf32, #tpu.memory_space<hbm>> -> memref<10240x16xf32, #tpu.memory_space<hbm>>
      tpu.enqueue_indirect_dma source(%dma_start3A_142 : memref<10240x16xf32, #tpu.memory_space<hbm>>) target(%dma_start3A_136 : memref<128x16xf32, #tpu.memory_space<vmem>>) offsets(%dma_start3A_139 : memref<128xi32, #tpu.memory_space<vmem>>) semaphore(%arg14 : memref<!tpu.dma_semaphore, #tpu.memory_space<semaphore_mem>>)
      %dma_wait3A_143 = arith.constant 0 : i32
      %dma_wait3A_144 = arith.constant 0 : i32
      %dma_wait3A_145 = arith.constant 0 : i32
      %dma_wait3A_146 = arith.constant 0 : i32
      %dma_wait3A_147 = tpu.memref_slice %arg8[%dma_wait3A_144, %dma_wait3A_145, %dma_wait3A_146] : memref<2x128x16xf32, #tpu.memory_space<vmem>> -> memref<1x128x16xf32, #tpu.memory_space<vmem>>
      %dma_wait3A_148 = tpu.memref_squeeze %dma_wait3A_147 : memref<1x128x16xf32, #tpu.memory_space<vmem>> -> memref<128x16xf32, #tpu.memory_space<vmem>>
      %dma_wait3A_149 = arith.constant 0 : i32
      %dma_wait3A_150 = tpu.memref_slice %arg6[%dma_wait3A_143, %dma_wait3A_149] : memref<79x128xi32, #tpu.memory_space<vmem>> -> memref<1x128xi32, #tpu.memory_space<vmem>>
      %dma_wait3A_151 = tpu.memref_squeeze %dma_wait3A_150 : memref<1x128xi32, #tpu.memory_space<vmem>> -> memref<128xi32, #tpu.memory_space<vmem>>
      %dma_wait3A_152 = arith.constant 0 : i32
      %dma_wait3A_153 = arith.constant 0 : i32
      %dma_wait3A_154 = tpu.memref_slice %arg2[%dma_wait3A_152, %dma_wait3A_153] : memref<10240x16xf32, #tpu.memory_space<hbm>> -> memref<10240x16xf32, #tpu.memory_space<hbm>>
      tpu.wait_indirect_dma semaphore(%arg11 : memref<!tpu.dma_semaphore, #tpu.memory_space<semaphore_mem>>) src(%dma_wait3A_154 : memref<10240x16xf32, #tpu.memory_space<hbm>>) dst(%dma_wait3A_148 : memref<128x16xf32, #tpu.memory_space<vmem>>)
      %dma_wait3A_155 = arith.constant 0 : i32
      %dma_wait3A_156 = arith.constant 0 : i32
      %dma_wait3A_157 = arith.constant 0 : i32
      %dma_wait3A_158 = arith.constant 0 : i32
      %dma_wait3A_159 = tpu.memref_slice %arg9[%dma_wait3A_156, %dma_wait3A_157, %dma_wait3A_158] : memref<2x128x16xf32, #tpu.memory_space<vmem>> -> memref<1x128x16xf32, #tpu.memory_space<vmem>>
      %dma_wait3A_160 = tpu.memref_squeeze %dma_wait3A_159 : memref<1x128x16xf32, #tpu.memory_space<vmem>> -> memref<128x16xf32, #tpu.memory_space<vmem>>
      %dma_wait3A_161 = arith.constant 0 : i32
      %dma_wait3A_162 = tpu.memref_slice %arg7[%dma_wait3A_155, %dma_wait3A_161] : memref<79x128xi32, #tpu.memory_space<vmem>> -> memref<1x128xi32, #tpu.memory_space<vmem>>
      %dma_wait3A_163 = tpu.memref_squeeze %dma_wait3A_162 : memref<1x128xi32, #tpu.memory_space<vmem>> -> memref<128xi32, #tpu.memory_space<vmem>>
      %dma_wait3A_164 = arith.constant 0 : i32
      %dma_wait3A_165 = arith.constant 0 : i32
      %dma_wait3A_166 = tpu.memref_slice %arg2[%dma_wait3A_164, %dma_wait3A_165] : memref<10240x16xf32, #tpu.memory_space<hbm>> -> memref<10240x16xf32, #tpu.memory_space<hbm>>
      tpu.wait_indirect_dma semaphore(%arg13 : memref<!tpu.dma_semaphore, #tpu.memory_space<semaphore_mem>>) src(%dma_wait3A_166 : memref<10240x16xf32, #tpu.memory_space<hbm>>) dst(%dma_wait3A_160 : memref<128x16xf32, #tpu.memory_space<vmem>>)
      %scan3A_167 = arith.constant 0 : i32
      %scan3A_168 = arith.constant 8 : i32
      %scan3A_169 = arith.addi %scan3A_167, %scan3A_168 : i32
      %scan3A_170 = arith.constant 1 : i32
      scf.for %scan3A_209 = %scan3A_167 to %scan3A_169 step %scan3A_170  : i32 {
        %mul3A_210 = arith.constant 16 : i32
        %mul3A_211 = arith.muli %scan3A_209, %mul3A_210 : i32
        %add3A_212 = arith.constant 0 : i32
        %add3A_213 = arith.addi %add3A_212, %mul3A_211 : i32
        %iota3A = tpu.iota {dimensions = array<i32: 0>} : vector<16xi32>
        %add3A_214 = vector.broadcast %add3A_213 : i32 to vector<16xi32>
        %add3A_215 = arith.addi %iota3A, %add3A_214 : vector<16xi32>
        %broadcast_in_dim3A = arith.constant 4 : i32
        %broadcast_in_dim3A_216 = vector.broadcast %broadcast_in_dim3A : i32 to vector<16xi32>
        %gather3A = arith.constant 0 : i32
        %gather3A_217 = arith.constant 0 : i32
        %gather3A_218 = arith.constant 0 : i32
        %gather3A_219 = tpu.memref_slice %arg8[%gather3A, %gather3A_217, %gather3A_218] : memref<2x128x16xf32, #tpu.memory_space<vmem>> -> memref<1x128x16xf32, #tpu.memory_space<vmem>>
        %gather3A_220 = tpu.memref_squeeze %gather3A_219 : memref<1x128x16xf32, #tpu.memory_space<vmem>> -> memref<128x16xf32, #tpu.memory_space<vmem>>
        %gather3A_221 = tpu.vector_load_idx %gather3A_220[%add3A_215, %broadcast_in_dim3A_216] : memref<128x16xf32, #tpu.memory_space<vmem>>[vector<16xi32>, vector<16xi32>], vector<16xf32>,
        %broadcast_in_dim3A_222 = arith.constant 8 : i32
        %broadcast_in_dim3A_223 = vector.broadcast %broadcast_in_dim3A_222 : i32 to vector<16xi32>
        %gather3A_224 = arith.constant 0 : i32
        %gather3A_225 = arith.constant 0 : i32
        %gather3A_226 = arith.constant 0 : i32
        %gather3A_227 = tpu.memref_slice %arg9[%gather3A_224, %gather3A_225, %gather3A_226] : memref<2x128x16xf32, #tpu.memory_space<vmem>> -> memref<1x128x16xf32, #tpu.memory_space<vmem>>
        %gather3A_228 = tpu.memref_squeeze %gather3A_227 : memref<1x128x16xf32, #tpu.memory_space<vmem>> -> memref<128x16xf32, #tpu.memory_space<vmem>>
        %gather3A_229 = tpu.vector_load_idx %gather3A_228[%add3A_215, %broadcast_in_dim3A_223] : memref<128x16xf32, #tpu.memory_space<vmem>>[vector<16xi32>, vector<16xi32>], vector<16xf32>,
        %add3A_230 = arith.addf %gather3A_221, %gather3A_229 : vector<16xf32>
        %gt3A = arith.constant 0.000000e+00 : f32
        %gt3A_231 = vector.broadcast %gt3A : f32 to vector<16xf32>
        %gt3A_232 = arith.cmpf ogt, %add3A_230, %gt3A_231 : vector<16xf32>
        %mul3A_233 = arith.constant 2.000000e-01 : f32
        %mul3A_234 = vector.broadcast %mul3A_233 : f32 to vector<16xf32>
        %mul3A_235 = arith.mulf %add3A_230, %mul3A_234 : vector<16xf32>
        %select_n3A = arith.select %gt3A_232, %add3A_230, %mul3A_235 : vector<16xi1>, vector<16xf32>
        %exp3A = math.exp %select_n3A : vector<16xf32>
        %broadcast_in_dim3A_236 = arith.constant 0 : i32
        %broadcast_in_dim3A_237 = vector.broadcast %broadcast_in_dim3A_236 : i32 to vector<16xi32>
        %gather3A_238 = arith.constant 0 : i32
        %gather3A_239 = arith.constant 0 : i32
        %gather3A_240 = arith.constant 0 : i32
        %gather3A_241 = tpu.memref_slice %arg8[%gather3A_238, %gather3A_239, %gather3A_240] : memref<2x128x16xf32, #tpu.memory_space<vmem>> -> memref<1x128x16xf32, #tpu.memory_space<vmem>>
        %gather3A_242 = tpu.memref_squeeze %gather3A_241 : memref<1x128x16xf32, #tpu.memory_space<vmem>> -> memref<128x16xf32, #tpu.memory_space<vmem>>
        %gather3A_243 = tpu.vector_load_idx %gather3A_242[%add3A_215, %broadcast_in_dim3A_237] : memref<128x16xf32, #tpu.memory_space<vmem>>[vector<16xi32>, vector<16xi32>], vector<16xf32>,
        %broadcast_in_dim3A_244 = arith.constant 0 : i32
        %broadcast_in_dim3A_245 = vector.broadcast %broadcast_in_dim3A_244 : i32 to vector<16xi32>
        %mul3A_246 = arith.mulf %gather3A_243, %exp3A : vector<16xf32>
        %scatter3A = arith.constant 0 : i32
        %scatter3A_247 = arith.constant 0 : i32
        %scatter3A_248 = arith.constant 0 : i32
        %scatter3A_249 = tpu.memref_slice %arg8[%scatter3A, %scatter3A_247, %scatter3A_248] : memref<2x128x16xf32, #tpu.memory_space<vmem>> -> memref<1x128x16xf32, #tpu.memory_space<vmem>>
        %scatter3A_250 = tpu.memref_squeeze %scatter3A_249 : memref<1x128x16xf32, #tpu.memory_space<vmem>> -> memref<128x16xf32, #tpu.memory_space<vmem>>
        tpu.vector_store_idx %scatter3A_250[%add3A_215, %broadcast_in_dim3A_245], %mul3A_246 : memref<128x16xf32, #tpu.memory_space<vmem>>[vector<16xi32>, vector<16xi32>], vector<16xf32>,
        %broadcast_in_dim3A_251 = arith.constant 4 : i32
        %broadcast_in_dim3A_252 = vector.broadcast %broadcast_in_dim3A_251 : i32 to vector<16xi32>
        %scatter3A_253 = arith.constant 0 : i32
        %scatter3A_254 = arith.constant 0 : i32
        %scatter3A_255 = arith.constant 0 : i32
        %scatter3A_256 = tpu.memref_slice %arg8[%scatter3A_253, %scatter3A_254, %scatter3A_255] : memref<2x128x16xf32, #tpu.memory_space<vmem>> -> memref<1x128x16xf32, #tpu.memory_space<vmem>>
        %scatter3A_257 = tpu.memref_squeeze %scatter3A_256 : memref<1x128x16xf32, #tpu.memory_space<vmem>> -> memref<128x16xf32, #tpu.memory_space<vmem>>
        tpu.vector_store_idx %scatter3A_257[%add3A_215, %broadcast_in_dim3A_252], %exp3A : memref<128x16xf32, #tpu.memory_space<vmem>>[vector<16xi32>, vector<16xi32>], vector<16xf32>,
        %broadcast_in_dim3A_258 = arith.constant 5 : i32
        %broadcast_in_dim3A_259 = vector.broadcast %broadcast_in_dim3A_258 : i32 to vector<16xi32>
        %gather3A_260 = arith.constant 0 : i32
        %gather3A_261 = arith.constant 0 : i32
        %gather3A_262 = arith.constant 0 : i32
        %gather3A_263 = tpu.memref_slice %arg8[%gather3A_260, %gather3A_261, %gather3A_262] : memref<2x128x16xf32, #tpu.memory_space<vmem>> -> memref<1x128x16xf32, #tpu.memory_space<vmem>>
        %gather3A_264 = tpu.memref_squeeze %gather3A_263 : memref<1x128x16xf32, #tpu.memory_space<vmem>> -> memref<128x16xf32, #tpu.memory_space<vmem>>
        %gather3A_265 = tpu.vector_load_idx %gather3A_264[%add3A_215, %broadcast_in_dim3A_259] : memref<128x16xf32, #tpu.memory_space<vmem>>[vector<16xi32>, vector<16xi32>], vector<16xf32>,
        %broadcast_in_dim3A_266 = arith.constant 9 : i32
        %broadcast_in_dim3A_267 = vector.broadcast %broadcast_in_dim3A_266 : i32 to vector<16xi32>
        %gather3A_268 = arith.constant 0 : i32
        %gather3A_269 = arith.constant 0 : i32
        %gather3A_270 = arith.constant 0 : i32
        %gather3A_271 = tpu.memref_slice %arg9[%gather3A_268, %gather3A_269, %gather3A_270] : memref<2x128x16xf32, #tpu.memory_space<vmem>> -> memref<1x128x16xf32, #tpu.memory_space<vmem>>
        %gather3A_272 = tpu.memref_squeeze %gather3A_271 : memref<1x128x16xf32, #tpu.memory_space<vmem>> -> memref<128x16xf32, #tpu.memory_space<vmem>>
        %gather3A_273 = tpu.vector_load_idx %gather3A_272[%add3A_215, %broadcast_in_dim3A_267] : memref<128x16xf32, #tpu.memory_space<vmem>>[vector<16xi32>, vector<16xi32>], vector<16xf32>,
        %add3A_274 = arith.addf %gather3A_265, %gather3A_273 : vector<16xf32>
        %gt3A_275 = arith.constant 0.000000e+00 : f32
        %gt3A_276 = vector.broadcast %gt3A_275 : f32 to vector<16xf32>
        %gt3A_277 = arith.cmpf ogt, %add3A_274, %gt3A_276 : vector<16xf32>
        %mul3A_278 = arith.constant 2.000000e-01 : f32
        %mul3A_279 = vector.broadcast %mul3A_278 : f32 to vector<16xf32>
        %mul3A_280 = arith.mulf %add3A_274, %mul3A_279 : vector<16xf32>
        %select_n3A_281 = arith.select %gt3A_277, %add3A_274, %mul3A_280 : vector<16xi1>, vector<16xf32>
        %exp3A_282 = math.exp %select_n3A_281 : vector<16xf32>
        %broadcast_in_dim3A_283 = arith.constant 1 : i32
        %broadcast_in_dim3A_284 = vector.broadcast %broadcast_in_dim3A_283 : i32 to vector<16xi32>
        %gather3A_285 = arith.constant 0 : i32
        %gather3A_286 = arith.constant 0 : i32
        %gather3A_287 = arith.constant 0 : i32
        %gather3A_288 = tpu.memref_slice %arg8[%gather3A_285, %gather3A_286, %gather3A_287] : memref<2x128x16xf32, #tpu.memory_space<vmem>> -> memref<1x128x16xf32, #tpu.memory_space<vmem>>
        %gather3A_289 = tpu.memref_squeeze %gather3A_288 : memref<1x128x16xf32, #tpu.memory_space<vmem>> -> memref<128x16xf32, #tpu.memory_space<vmem>>
        %gather3A_290 = tpu.vector_load_idx %gather3A_289[%add3A_215, %broadcast_in_dim3A_284] : memref<128x16xf32, #tpu.memory_space<vmem>>[vector<16xi32>, vector<16xi32>], vector<16xf32>,
        %broadcast_in_dim3A_291 = arith.constant 1 : i32
        %broadcast_in_dim3A_292 = vector.broadcast %broadcast_in_dim3A_291 : i32 to vector<16xi32>
        %mul3A_293 = arith.mulf %gather3A_290, %exp3A_282 : vector<16xf32>
        %scatter3A_294 = arith.constant 0 : i32
        %scatter3A_295 = arith.constant 0 : i32
        %scatter3A_296 = arith.constant 0 : i32
        %scatter3A_297 = tpu.memref_slice %arg8[%scatter3A_294, %scatter3A_295, %scatter3A_296] : memref<2x128x16xf32, #tpu.memory_space<vmem>> -> memref<1x128x16xf32, #tpu.memory_space<vmem>>
        %scatter3A_298 = tpu.memref_squeeze %scatter3A_297 : memref<1x128x16xf32, #tpu.memory_space<vmem>> -> memref<128x16xf32, #tpu.memory_space<vmem>>
        tpu.vector_store_idx %scatter3A_298[%add3A_215, %broadcast_in_dim3A_292], %mul3A_293 : memref<128x16xf32, #tpu.memory_space<vmem>>[vector<16xi32>, vector<16xi32>], vector<16xf32>,
        %broadcast_in_dim3A_299 = arith.constant 5 : i32
        %broadcast_in_dim3A_300 = vector.broadcast %broadcast_in_dim3A_299 : i32 to vector<16xi32>
        %scatter3A_301 = arith.constant 0 : i32
        %scatter3A_302 = arith.constant 0 : i32
        %scatter3A_303 = arith.constant 0 : i32
        %scatter3A_304 = tpu.memref_slice %arg8[%scatter3A_301, %scatter3A_302, %scatter3A_303] : memref<2x128x16xf32, #tpu.memory_space<vmem>> -> memref<1x128x16xf32, #tpu.memory_space<vmem>>
        %scatter3A_305 = tpu.memref_squeeze %scatter3A_304 : memref<1x128x16xf32, #tpu.memory_space<vmem>> -> memref<128x16xf32, #tpu.memory_space<vmem>>
        tpu.vector_store_idx %scatter3A_305[%add3A_215, %broadcast_in_dim3A_300], %exp3A_282 : memref<128x16xf32, #tpu.memory_space<vmem>>[vector<16xi32>, vector<16xi32>], vector<16xf32>,
        %broadcast_in_dim3A_306 = arith.constant 6 : i32
        %broadcast_in_dim3A_307 = vector.broadcast %broadcast_in_dim3A_306 : i32 to vector<16xi32>
        %gather3A_308 = arith.constant 0 : i32
        %gather3A_309 = arith.constant 0 : i32
        %gather3A_310 = arith.constant 0 : i32
        %gather3A_311 = tpu.memref_slice %arg8[%gather3A_308, %gather3A_309, %gather3A_310] : memref<2x128x16xf32, #tpu.memory_space<vmem>> -> memref<1x128x16xf32, #tpu.memory_space<vmem>>
        %gather3A_312 = tpu.memref_squeeze %gather3A_311 : memref<1x128x16xf32, #tpu.memory_space<vmem>> -> memref<128x16xf32, #tpu.memory_space<vmem>>
        %gather3A_313 = tpu.vector_load_idx %gather3A_312[%add3A_215, %broadcast_in_dim3A_307] : memref<128x16xf32, #tpu.memory_space<vmem>>[vector<16xi32>, vector<16xi32>], vector<16xf32>,
        %broadcast_in_dim3A_314 = arith.constant 10 : i32
        %broadcast_in_dim3A_315 = vector.broadcast %broadcast_in_dim3A_314 : i32 to vector<16xi32>
        %gather3A_316 = arith.constant 0 : i32
        %gather3A_317 = arith.constant 0 : i32
        %gather3A_318 = arith.constant 0 : i32
        %gather3A_319 = tpu.memref_slice %arg9[%gather3A_316, %gather3A_317, %gather3A_318] : memref<2x128x16xf32, #tpu.memory_space<vmem>> -> memref<1x128x16xf32, #tpu.memory_space<vmem>>
        %gather3A_320 = tpu.memref_squeeze %gather3A_319 : memref<1x128x16xf32, #tpu.memory_space<vmem>> -> memref<128x16xf32, #tpu.memory_space<vmem>>
        %gather3A_321 = tpu.vector_load_idx %gather3A_320[%add3A_215, %broadcast_in_dim3A_315] : memref<128x16xf32, #tpu.memory_space<vmem>>[vector<16xi32>, vector<16xi32>], vector<16xf32>,
        %add3A_322 = arith.addf %gather3A_313, %gather3A_321 : vector<16xf32>
        %gt3A_323 = arith.constant 0.000000e+00 : f32
        %gt3A_324 = vector.broadcast %gt3A_323 : f32 to vector<16xf32>
        %gt3A_325 = arith.cmpf ogt, %add3A_322, %gt3A_324 : vector<16xf32>
        %mul3A_326 = arith.constant 2.000000e-01 : f32
        %mul3A_327 = vector.broadcast %mul3A_326 : f32 to vector<16xf32>
        %mul3A_328 = arith.mulf %add3A_322, %mul3A_327 : vector<16xf32>
        %select_n3A_329 = arith.select %gt3A_325, %add3A_322, %mul3A_328 : vector<16xi1>, vector<16xf32>
        %exp3A_330 = math.exp %select_n3A_329 : vector<16xf32>
        %broadcast_in_dim3A_331 = arith.constant 2 : i32
        %broadcast_in_dim3A_332 = vector.broadcast %broadcast_in_dim3A_331 : i32 to vector<16xi32>
        %gather3A_333 = arith.constant 0 : i32
        %gather3A_334 = arith.constant 0 : i32
        %gather3A_335 = arith.constant 0 : i32
        %gather3A_336 = tpu.memref_slice %arg8[%gather3A_333, %gather3A_334, %gather3A_335] : memref<2x128x16xf32, #tpu.memory_space<vmem>> -> memref<1x128x16xf32, #tpu.memory_space<vmem>>
        %gather3A_337 = tpu.memref_squeeze %gather3A_336 : memref<1x128x16xf32, #tpu.memory_space<vmem>> -> memref<128x16xf32, #tpu.memory_space<vmem>>
        %gather3A_338 = tpu.vector_load_idx %gather3A_337[%add3A_215, %broadcast_in_dim3A_332] : memref<128x16xf32, #tpu.memory_space<vmem>>[vector<16xi32>, vector<16xi32>], vector<16xf32>,
        %broadcast_in_dim3A_339 = arith.constant 2 : i32
        %broadcast_in_dim3A_340 = vector.broadcast %broadcast_in_dim3A_339 : i32 to vector<16xi32>
        %mul3A_341 = arith.mulf %gather3A_338, %exp3A_330 : vector<16xf32>
        %scatter3A_342 = arith.constant 0 : i32
        %scatter3A_343 = arith.constant 0 : i32
        %scatter3A_344 = arith.constant 0 : i32
        %scatter3A_345 = tpu.memref_slice %arg8[%scatter3A_342, %scatter3A_343, %scatter3A_344] : memref<2x128x16xf32, #tpu.memory_space<vmem>> -> memref<1x128x16xf32, #tpu.memory_space<vmem>>
        %scatter3A_346 = tpu.memref_squeeze %scatter3A_345 : memref<1x128x16xf32, #tpu.memory_space<vmem>> -> memref<128x16xf32, #tpu.memory_space<vmem>>
        tpu.vector_store_idx %scatter3A_346[%add3A_215, %broadcast_in_dim3A_340], %mul3A_341 : memref<128x16xf32, #tpu.memory_space<vmem>>[vector<16xi32>, vector<16xi32>], vector<16xf32>,
        %broadcast_in_dim3A_347 = arith.constant 6 : i32
        %broadcast_in_dim3A_348 = vector.broadcast %broadcast_in_dim3A_347 : i32 to vector<16xi32>
        %scatter3A_349 = arith.constant 0 : i32
        %scatter3A_350 = arith.constant 0 : i32
        %scatter3A_351 = arith.constant 0 : i32
        %scatter3A_352 = tpu.memref_slice %arg8[%scatter3A_349, %scatter3A_350, %scatter3A_351] : memref<2x128x16xf32, #tpu.memory_space<vmem>> -> memref<1x128x16xf32, #tpu.memory_space<vmem>>
        %scatter3A_353 = tpu.memref_squeeze %scatter3A_352 : memref<1x128x16xf32, #tpu.memory_space<vmem>> -> memref<128x16xf32, #tpu.memory_space<vmem>>
        tpu.vector_store_idx %scatter3A_353[%add3A_215, %broadcast_in_dim3A_348], %exp3A_330 : memref<128x16xf32, #tpu.memory_space<vmem>>[vector<16xi32>, vector<16xi32>], vector<16xf32>,
        %broadcast_in_dim3A_354 = arith.constant 7 : i32
        %broadcast_in_dim3A_355 = vector.broadcast %broadcast_in_dim3A_354 : i32 to vector<16xi32>
        %gather3A_356 = arith.constant 0 : i32
        %gather3A_357 = arith.constant 0 : i32
        %gather3A_358 = arith.constant 0 : i32
        %gather3A_359 = tpu.memref_slice %arg8[%gather3A_356, %gather3A_357, %gather3A_358] : memref<2x128x16xf32, #tpu.memory_space<vmem>> -> memref<1x128x16xf32, #tpu.memory_space<vmem>>
        %gather3A_360 = tpu.memref_squeeze %gather3A_359 : memref<1x128x16xf32, #tpu.memory_space<vmem>> -> memref<128x16xf32, #tpu.memory_space<vmem>>
        %gather3A_361 = tpu.vector_load_idx %gather3A_360[%add3A_215, %broadcast_in_dim3A_355] : memref<128x16xf32, #tpu.memory_space<vmem>>[vector<16xi32>, vector<16xi32>], vector<16xf32>,
        %broadcast_in_dim3A_362 = arith.constant 11 : i32
        %broadcast_in_dim3A_363 = vector.broadcast %broadcast_in_dim3A_362 : i32 to vector<16xi32>
        %gather3A_364 = arith.constant 0 : i32
        %gather3A_365 = arith.constant 0 : i32
        %gather3A_366 = arith.constant 0 : i32
        %gather3A_367 = tpu.memref_slice %arg9[%gather3A_364, %gather3A_365, %gather3A_366] : memref<2x128x16xf32, #tpu.memory_space<vmem>> -> memref<1x128x16xf32, #tpu.memory_space<vmem>>
        %gather3A_368 = tpu.memref_squeeze %gather3A_367 : memref<1x128x16xf32, #tpu.memory_space<vmem>> -> memref<128x16xf32, #tpu.memory_space<vmem>>
        %gather3A_369 = tpu.vector_load_idx %gather3A_368[%add3A_215, %broadcast_in_dim3A_363] : memref<128x16xf32, #tpu.memory_space<vmem>>[vector<16xi32>, vector<16xi32>], vector<16xf32>,
        %add3A_370 = arith.addf %gather3A_361, %gather3A_369 : vector<16xf32>
        %gt3A_371 = arith.constant 0.000000e+00 : f32
        %gt3A_372 = vector.broadcast %gt3A_371 : f32 to vector<16xf32>
        %gt3A_373 = arith.cmpf ogt, %add3A_370, %gt3A_372 : vector<16xf32>
        %mul3A_374 = arith.constant 2.000000e-01 : f32
        %mul3A_375 = vector.broadcast %mul3A_374 : f32 to vector<16xf32>
        %mul3A_376 = arith.mulf %add3A_370, %mul3A_375 : vector<16xf32>
        %select_n3A_377 = arith.select %gt3A_373, %add3A_370, %mul3A_376 : vector<16xi1>, vector<16xf32>
        %exp3A_378 = math.exp %select_n3A_377 : vector<16xf32>
        %broadcast_in_dim3A_379 = arith.constant 3 : i32
        %broadcast_in_dim3A_380 = vector.broadcast %broadcast_in_dim3A_379 : i32 to vector<16xi32>
        %gather3A_381 = arith.constant 0 : i32
        %gather3A_382 = arith.constant 0 : i32
        %gather3A_383 = arith.constant 0 : i32
        %gather3A_384 = tpu.memref_slice %arg8[%gather3A_381, %gather3A_382, %gather3A_383] : memref<2x128x16xf32, #tpu.memory_space<vmem>> -> memref<1x128x16xf32, #tpu.memory_space<vmem>>
        %gather3A_385 = tpu.memref_squeeze %gather3A_384 : memref<1x128x16xf32, #tpu.memory_space<vmem>> -> memref<128x16xf32, #tpu.memory_space<vmem>>
        %gather3A_386 = tpu.vector_load_idx %gather3A_385[%add3A_215, %broadcast_in_dim3A_380] : memref<128x16xf32, #tpu.memory_space<vmem>>[vector<16xi32>, vector<16xi32>], vector<16xf32>,
        %broadcast_in_dim3A_387 = arith.constant 3 : i32
        %broadcast_in_dim3A_388 = vector.broadcast %broadcast_in_dim3A_387 : i32 to vector<16xi32>
        %mul3A_389 = arith.mulf %gather3A_386, %exp3A_378 : vector<16xf32>
        %scatter3A_390 = arith.constant 0 : i32
        %scatter3A_391 = arith.constant 0 : i32
        %scatter3A_392 = arith.constant 0 : i32
        %scatter3A_393 = tpu.memref_slice %arg8[%scatter3A_390, %scatter3A_391, %scatter3A_392] : memref<2x128x16xf32, #tpu.memory_space<vmem>> -> memref<1x128x16xf32, #tpu.memory_space<vmem>>
        %scatter3A_394 = tpu.memref_squeeze %scatter3A_393 : memref<1x128x16xf32, #tpu.memory_space<vmem>> -> memref<128x16xf32, #tpu.memory_space<vmem>>
        tpu.vector_store_idx %scatter3A_394[%add3A_215, %broadcast_in_dim3A_388], %mul3A_389 : memref<128x16xf32, #tpu.memory_space<vmem>>[vector<16xi32>, vector<16xi32>], vector<16xf32>,
        %broadcast_in_dim3A_395 = arith.constant 7 : i32
        %broadcast_in_dim3A_396 = vector.broadcast %broadcast_in_dim3A_395 : i32 to vector<16xi32>
        %scatter3A_397 = arith.constant 0 : i32
        %scatter3A_398 = arith.constant 0 : i32
        %scatter3A_399 = arith.constant 0 : i32
        %scatter3A_400 = tpu.memref_slice %arg8[%scatter3A_397, %scatter3A_398, %scatter3A_399] : memref<2x128x16xf32, #tpu.memory_space<vmem>> -> memref<1x128x16xf32, #tpu.memory_space<vmem>>
        %scatter3A_401 = tpu.memref_squeeze %scatter3A_400 : memref<1x128x16xf32, #tpu.memory_space<vmem>> -> memref<128x16xf32, #tpu.memory_space<vmem>>
        tpu.vector_store_idx %scatter3A_401[%add3A_215, %broadcast_in_dim3A_396], %exp3A_378 : memref<128x16xf32, #tpu.memory_space<vmem>>[vector<16xi32>, vector<16xi32>], vector<16xf32>,
      }
      %scan3A_171 = arith.constant 8 : i32
      %run_scoped3A_172 = arith.constant 0 : i32
      "tpu.region"() ({
        %run_scoped3A_209 = tpu.sem_alloc : memref<!tpu.dma_semaphore, #tpu.memory_space<semaphore_mem>>
        %dma_start3A_210 = arith.constant 0 : i32
        %dma_start3A_211 = arith.constant 0 : i32
        %dma_start3A_212 = tpu.memref_slice %arg8[%run_scoped3A_172, %dma_start3A_210, %dma_start3A_211] : memref<2x128x16xf32, #tpu.memory_space<vmem>> -> memref<1x128x16xf32, #tpu.memory_space<vmem>>
        %dma_start3A_213 = tpu.memref_squeeze %dma_start3A_212 : memref<1x128x16xf32, #tpu.memory_space<vmem>> -> memref<128x16xf32, #tpu.memory_space<vmem>>
        %dma_start3A_214 = arith.constant 0 : i32
        %dma_start3A_215 = tpu.memref_slice %arg7[%mul3A_118, %dma_start3A_214] : memref<79x128xi32, #tpu.memory_space<vmem>> -> memref<1x128xi32, #tpu.memory_space<vmem>>
        %dma_start3A_216 = tpu.memref_squeeze %dma_start3A_215 : memref<1x128xi32, #tpu.memory_space<vmem>> -> memref<128xi32, #tpu.memory_space<vmem>>
        %dma_start3A_217 = arith.constant 0 : i32
        %dma_start3A_218 = arith.constant 0 : i32
        %dma_start3A_219 = tpu.memref_slice %arg10[%dma_start3A_217, %dma_start3A_218] : memref<10240x16xf32, #tpu.memory_space<vmem_shared>> -> memref<10240x16xf32, #tpu.memory_space<vmem_shared>>
        tpu.enqueue_indirect_dma source(%dma_start3A_213 : memref<128x16xf32, #tpu.memory_space<vmem>>) target(%dma_start3A_219 : memref<10240x16xf32, #tpu.memory_space<vmem_shared>>) offsets(%dma_start3A_216 : memref<128xi32, #tpu.memory_space<vmem>>) semaphore(%run_scoped3A_209 : memref<!tpu.dma_semaphore, #tpu.memory_space<semaphore_mem>>) {add = true}
        %dma_wait3A_220 = arith.constant 0 : i32
        %dma_wait3A_221 = arith.constant 0 : i32
        %dma_wait3A_222 = tpu.memref_slice %arg8[%run_scoped3A_172, %dma_wait3A_220, %dma_wait3A_221] : memref<2x128x16xf32, #tpu.memory_space<vmem>> -> memref<1x128x16xf32, #tpu.memory_space<vmem>>
        %dma_wait3A_223 = tpu.memref_squeeze %dma_wait3A_222 : memref<1x128x16xf32, #tpu.memory_space<vmem>> -> memref<128x16xf32, #tpu.memory_space<vmem>>
        %dma_wait3A_224 = arith.constant 0 : i32
        %dma_wait3A_225 = tpu.memref_slice %arg7[%mul3A_118, %dma_wait3A_224] : memref<79x128xi32, #tpu.memory_space<vmem>> -> memref<1x128xi32, #tpu.memory_space<vmem>>
        %dma_wait3A_226 = tpu.memref_squeeze %dma_wait3A_225 : memref<1x128xi32, #tpu.memory_space<vmem>> -> memref<128xi32, #tpu.memory_space<vmem>>
        %dma_wait3A_227 = arith.constant 0 : i32
        %dma_wait3A_228 = arith.constant 0 : i32
        %dma_wait3A_229 = tpu.memref_slice %arg10[%dma_wait3A_227, %dma_wait3A_228] : memref<10240x16xf32, #tpu.memory_space<vmem_shared>> -> memref<10240x16xf32, #tpu.memory_space<vmem_shared>>
        tpu.wait_indirect_dma semaphore(%run_scoped3A_209 : memref<!tpu.dma_semaphore, #tpu.memory_space<semaphore_mem>>) src(%dma_wait3A_223 : memref<128x16xf32, #tpu.memory_space<vmem>>) dst(%dma_wait3A_229 : memref<10240x16xf32, #tpu.memory_space<vmem_shared>>)
        tpu.yield
      }) : () -> ()
      %add3A_173 = arith.constant 2 : i32
      %add3A_174 = arith.addi %mul3A_118, %add3A_173 : i32
      %lt3A = arith.constant 79 : i32
      %lt3A_175 = arith.cmpi slt, %add3A_174, %lt3A : i32
      %convert_element_type3A = arith.extui %lt3A_175 : i1 to i32
      %cond3A = arith.constant 0 : i32
      %cond3A_176 = arith.cmpi ne, %convert_element_type3A, %cond3A : i32
      scf.if %cond3A_176 {
        %add3A_209 = arith.constant 2 : i32
        %add3A_210 = arith.addi %mul3A_118, %add3A_209 : i32
        %dma_start3A_211 = arith.constant 0 : i32
        %dma_start3A_212 = arith.constant 0 : i32
        %dma_start3A_213 = arith.constant 0 : i32
        %dma_start3A_214 = tpu.memref_slice %arg8[%dma_start3A_211, %dma_start3A_212, %dma_start3A_213] : memref<2x128x16xf32, #tpu.memory_space<vmem>> -> memref<1x128x16xf32, #tpu.memory_space<vmem>>
        %dma_start3A_215 = tpu.memref_squeeze %dma_start3A_214 : memref<1x128x16xf32, #tpu.memory_space<vmem>> -> memref<128x16xf32, #tpu.memory_space<vmem>>
        %dma_start3A_216 = arith.constant 0 : i32
        %dma_start3A_217 = tpu.memref_slice %arg6[%add3A_210, %dma_start3A_216] : memref<79x128xi32, #tpu.memory_space<vmem>> -> memref<1x128xi32, #tpu.memory_space<vmem>>
        %dma_start3A_218 = tpu.memref_squeeze %dma_start3A_217 : memref<1x128xi32, #tpu.memory_space<vmem>> -> memref<128xi32, #tpu.memory_space<vmem>>
        %dma_start3A_219 = arith.constant 0 : i32
        %dma_start3A_220 = arith.constant 0 : i32
        %dma_start3A_221 = tpu.memref_slice %arg2[%dma_start3A_219, %dma_start3A_220] : memref<10240x16xf32, #tpu.memory_space<hbm>> -> memref<10240x16xf32, #tpu.memory_space<hbm>>
        tpu.enqueue_indirect_dma source(%dma_start3A_221 : memref<10240x16xf32, #tpu.memory_space<hbm>>) target(%dma_start3A_215 : memref<128x16xf32, #tpu.memory_space<vmem>>) offsets(%dma_start3A_218 : memref<128xi32, #tpu.memory_space<vmem>>) semaphore(%arg11 : memref<!tpu.dma_semaphore, #tpu.memory_space<semaphore_mem>>)
        %dma_start3A_222 = arith.constant 0 : i32
        %dma_start3A_223 = arith.constant 0 : i32
        %dma_start3A_224 = arith.constant 0 : i32
        %dma_start3A_225 = tpu.memref_slice %arg9[%dma_start3A_222, %dma_start3A_223, %dma_start3A_224] : memref<2x128x16xf32, #tpu.memory_space<vmem>> -> memref<1x128x16xf32, #tpu.memory_space<vmem>>
        %dma_start3A_226 = tpu.memref_squeeze %dma_start3A_225 : memref<1x128x16xf32, #tpu.memory_space<vmem>> -> memref<128x16xf32, #tpu.memory_space<vmem>>
        %dma_start3A_227 = arith.constant 0 : i32
        %dma_start3A_228 = tpu.memref_slice %arg7[%add3A_210, %dma_start3A_227] : memref<79x128xi32, #tpu.memory_space<vmem>> -> memref<1x128xi32, #tpu.memory_space<vmem>>
        %dma_start3A_229 = tpu.memref_squeeze %dma_start3A_228 : memref<1x128xi32, #tpu.memory_space<vmem>> -> memref<128xi32, #tpu.memory_space<vmem>>
        %dma_start3A_230 = arith.constant 0 : i32
        %dma_start3A_231 = arith.constant 0 : i32
        %dma_start3A_232 = tpu.memref_slice %arg2[%dma_start3A_230, %dma_start3A_231] : memref<10240x16xf32, #tpu.memory_space<hbm>> -> memref<10240x16xf32, #tpu.memory_space<hbm>>
        tpu.enqueue_indirect_dma source(%dma_start3A_232 : memref<10240x16xf32, #tpu.memory_space<hbm>>) target(%dma_start3A_226 : memref<128x16xf32, #tpu.memory_space<vmem>>) offsets(%dma_start3A_229 : memref<128xi32, #tpu.memory_space<vmem>>) semaphore(%arg13 : memref<!tpu.dma_semaphore, #tpu.memory_space<semaphore_mem>>)
      } else {
      }
      %dma_wait3A_177 = arith.constant 0 : i32
      %dma_wait3A_178 = arith.constant 1 : i32
      %dma_wait3A_179 = arith.constant 0 : i32
      %dma_wait3A_180 = arith.constant 0 : i32
      %dma_wait3A_181 = tpu.memref_slice %arg8[%dma_wait3A_178, %dma_wait3A_179, %dma_wait3A_180] : memref<2x128x16xf32, #tpu.memory_space<vmem>> -> memref<1x128x16xf32, #tpu.memory_space<vmem>>
      %dma_wait3A_182 = tpu.memref_squeeze %dma_wait3A_181 : memref<1x128x16xf32, #tpu.memory_space<vmem>> -> memref<128x16xf32, #tpu.memory_space<vmem>>
      %dma_wait3A_183 = arith.constant 0 : i32
      %dma_wait3A_184 = tpu.memref_slice %arg6[%dma_wait3A_177, %dma_wait3A_183] : memref<79x128xi32, #tpu.memory_space<vmem>> -> memref<1x128xi32, #tpu.memory_space<vmem>>
      %dma_wait3A_185 = tpu.memref_squeeze %dma_wait3A_184 : memref<1x128xi32, #tpu.memory_space<vmem>> -> memref<128xi32, #tpu.memory_space<vmem>>
      %dma_wait3A_186 = arith.constant 0 : i32
      %dma_wait3A_187 = arith.constant 0 : i32
      %dma_wait3A_188 = tpu.memref_slice %arg2[%dma_wait3A_186, %dma_wait3A_187] : memref<10240x16xf32, #tpu.memory_space<hbm>> -> memref<10240x16xf32, #tpu.memory_space<hbm>>
      tpu.wait_indirect_dma semaphore(%arg12 : memref<!tpu.dma_semaphore, #tpu.memory_space<semaphore_mem>>) src(%dma_wait3A_188 : memref<10240x16xf32, #tpu.memory_space<hbm>>) dst(%dma_wait3A_182 : memref<128x16xf32, #tpu.memory_space<vmem>>)
      %dma_wait3A_189 = arith.constant 0 : i32
      %dma_wait3A_190 = arith.constant 1 : i32
      %dma_wait3A_191 = arith.constant 0 : i32
      %dma_wait3A_192 = arith.constant 0 : i32
      %dma_wait3A_193 = tpu.memref_slice %arg9[%dma_wait3A_190, %dma_wait3A_191, %dma_wait3A_192] : memref<2x128x16xf32, #tpu.memory_space<vmem>> -> memref<1x128x16xf32, #tpu.memory_space<vmem>>
      %dma_wait3A_194 = tpu.memref_squeeze %dma_wait3A_193 : memref<1x128x16xf32, #tpu.memory_space<vmem>> -> memref<128x16xf32, #tpu.memory_space<vmem>>
      %dma_wait3A_195 = arith.constant 0 : i32
      %dma_wait3A_196 = tpu.memref_slice %arg7[%dma_wait3A_189, %dma_wait3A_195] : memref<79x128xi32, #tpu.memory_space<vmem>> -> memref<1x128xi32, #tpu.memory_space<vmem>>
      %dma_wait3A_197 = tpu.memref_squeeze %dma_wait3A_196 : memref<1x128xi32, #tpu.memory_space<vmem>> -> memref<128xi32, #tpu.memory_space<vmem>>
      %dma_wait3A_198 = arith.constant 0 : i32
      %dma_wait3A_199 = arith.constant 0 : i32
      %dma_wait3A_200 = tpu.memref_slice %arg2[%dma_wait3A_198, %dma_wait3A_199] : memref<10240x16xf32, #tpu.memory_space<hbm>> -> memref<10240x16xf32, #tpu.memory_space<hbm>>
      tpu.wait_indirect_dma semaphore(%arg14 : memref<!tpu.dma_semaphore, #tpu.memory_space<semaphore_mem>>) src(%dma_wait3A_200 : memref<10240x16xf32, #tpu.memory_space<hbm>>) dst(%dma_wait3A_194 : memref<128x16xf32, #tpu.memory_space<vmem>>)
      %add3A_201 = arith.constant 1 : i32
      %add3A_202 = arith.addi %mul3A_118, %add3A_201 : i32
      %scan3A_203 = arith.constant 0 : i32
      %scan3A_204 = arith.constant 8 : i32
      %scan3A_205 = arith.addi %scan3A_203, %scan3A_204 : i32
      %scan3A_206 = arith.constant 1 : i32
      scf.for %scan3A_209 = %scan3A_203 to %scan3A_205 step %scan3A_206  : i32 {
        %mul3A_210 = arith.constant 16 : i32
        %mul3A_211 = arith.muli %scan3A_209, %mul3A_210 : i32
        %add3A_212 = arith.constant 0 : i32
        %add3A_213 = arith.addi %add3A_212, %mul3A_211 : i32
        %iota3A = tpu.iota {dimensions = array<i32: 0>} : vector<16xi32>
        %add3A_214 = vector.broadcast %add3A_213 : i32 to vector<16xi32>
        %add3A_215 = arith.addi %iota3A, %add3A_214 : vector<16xi32>
        %broadcast_in_dim3A = arith.constant 4 : i32
        %broadcast_in_dim3A_216 = vector.broadcast %broadcast_in_dim3A : i32 to vector<16xi32>
        %gather3A = arith.constant 1 : i32
        %gather3A_217 = arith.constant 0 : i32
        %gather3A_218 = arith.constant 0 : i32
        %gather3A_219 = tpu.memref_slice %arg8[%gather3A, %gather3A_217, %gather3A_218] : memref<2x128x16xf32, #tpu.memory_space<vmem>> -> memref<1x128x16xf32, #tpu.memory_space<vmem>>
        %gather3A_220 = tpu.memref_squeeze %gather3A_219 : memref<1x128x16xf32, #tpu.memory_space<vmem>> -> memref<128x16xf32, #tpu.memory_space<vmem>>
        %gather3A_221 = tpu.vector_load_idx %gather3A_220[%add3A_215, %broadcast_in_dim3A_216] : memref<128x16xf32, #tpu.memory_space<vmem>>[vector<16xi32>, vector<16xi32>], vector<16xf32>,
        %broadcast_in_dim3A_222 = arith.constant 8 : i32
        %broadcast_in_dim3A_223 = vector.broadcast %broadcast_in_dim3A_222 : i32 to vector<16xi32>
        %gather3A_224 = arith.constant 1 : i32
        %gather3A_225 = arith.constant 0 : i32
        %gather3A_226 = arith.constant 0 : i32
        %gather3A_227 = tpu.memref_slice %arg9[%gather3A_224, %gather3A_225, %gather3A_226] : memref<2x128x16xf32, #tpu.memory_space<vmem>> -> memref<1x128x16xf32, #tpu.memory_space<vmem>>
        %gather3A_228 = tpu.memref_squeeze %gather3A_227 : memref<1x128x16xf32, #tpu.memory_space<vmem>> -> memref<128x16xf32, #tpu.memory_space<vmem>>
        %gather3A_229 = tpu.vector_load_idx %gather3A_228[%add3A_215, %broadcast_in_dim3A_223] : memref<128x16xf32, #tpu.memory_space<vmem>>[vector<16xi32>, vector<16xi32>], vector<16xf32>,
        %add3A_230 = arith.addf %gather3A_221, %gather3A_229 : vector<16xf32>
        %gt3A = arith.constant 0.000000e+00 : f32
        %gt3A_231 = vector.broadcast %gt3A : f32 to vector<16xf32>
        %gt3A_232 = arith.cmpf ogt, %add3A_230, %gt3A_231 : vector<16xf32>
        %mul3A_233 = arith.constant 2.000000e-01 : f32
        %mul3A_234 = vector.broadcast %mul3A_233 : f32 to vector<16xf32>
        %mul3A_235 = arith.mulf %add3A_230, %mul3A_234 : vector<16xf32>
        %select_n3A = arith.select %gt3A_232, %add3A_230, %mul3A_235 : vector<16xi1>, vector<16xf32>
        %exp3A = math.exp %select_n3A : vector<16xf32>
        %broadcast_in_dim3A_236 = arith.constant 0 : i32
        %broadcast_in_dim3A_237 = vector.broadcast %broadcast_in_dim3A_236 : i32 to vector<16xi32>
        %gather3A_238 = arith.constant 1 : i32
        %gather3A_239 = arith.constant 0 : i32
        %gather3A_240 = arith.constant 0 : i32
        %gather3A_241 = tpu.memref_slice %arg8[%gather3A_238, %gather3A_239, %gather3A_240] : memref<2x128x16xf32, #tpu.memory_space<vmem>> -> memref<1x128x16xf32, #tpu.memory_space<vmem>>
        %gather3A_242 = tpu.memref_squeeze %gather3A_241 : memref<1x128x16xf32, #tpu.memory_space<vmem>> -> memref<128x16xf32, #tpu.memory_space<vmem>>
        %gather3A_243 = tpu.vector_load_idx %gather3A_242[%add3A_215, %broadcast_in_dim3A_237] : memref<128x16xf32, #tpu.memory_space<vmem>>[vector<16xi32>, vector<16xi32>], vector<16xf32>,
        %broadcast_in_dim3A_244 = arith.constant 0 : i32
        %broadcast_in_dim3A_245 = vector.broadcast %broadcast_in_dim3A_244 : i32 to vector<16xi32>
        %mul3A_246 = arith.mulf %gather3A_243, %exp3A : vector<16xf32>
        %scatter3A = arith.constant 1 : i32
        %scatter3A_247 = arith.constant 0 : i32
        %scatter3A_248 = arith.constant 0 : i32
        %scatter3A_249 = tpu.memref_slice %arg8[%scatter3A, %scatter3A_247, %scatter3A_248] : memref<2x128x16xf32, #tpu.memory_space<vmem>> -> memref<1x128x16xf32, #tpu.memory_space<vmem>>
        %scatter3A_250 = tpu.memref_squeeze %scatter3A_249 : memref<1x128x16xf32, #tpu.memory_space<vmem>> -> memref<128x16xf32, #tpu.memory_space<vmem>>
        tpu.vector_store_idx %scatter3A_250[%add3A_215, %broadcast_in_dim3A_245], %mul3A_246 : memref<128x16xf32, #tpu.memory_space<vmem>>[vector<16xi32>, vector<16xi32>], vector<16xf32>,
        %broadcast_in_dim3A_251 = arith.constant 4 : i32
        %broadcast_in_dim3A_252 = vector.broadcast %broadcast_in_dim3A_251 : i32 to vector<16xi32>
        %scatter3A_253 = arith.constant 1 : i32
        %scatter3A_254 = arith.constant 0 : i32
        %scatter3A_255 = arith.constant 0 : i32
        %scatter3A_256 = tpu.memref_slice %arg8[%scatter3A_253, %scatter3A_254, %scatter3A_255] : memref<2x128x16xf32, #tpu.memory_space<vmem>> -> memref<1x128x16xf32, #tpu.memory_space<vmem>>
        %scatter3A_257 = tpu.memref_squeeze %scatter3A_256 : memref<1x128x16xf32, #tpu.memory_space<vmem>> -> memref<128x16xf32, #tpu.memory_space<vmem>>
        tpu.vector_store_idx %scatter3A_257[%add3A_215, %broadcast_in_dim3A_252], %exp3A : memref<128x16xf32, #tpu.memory_space<vmem>>[vector<16xi32>, vector<16xi32>], vector<16xf32>,
        %broadcast_in_dim3A_258 = arith.constant 5 : i32
        %broadcast_in_dim3A_259 = vector.broadcast %broadcast_in_dim3A_258 : i32 to vector<16xi32>
        %gather3A_260 = arith.constant 1 : i32
        %gather3A_261 = arith.constant 0 : i32
        %gather3A_262 = arith.constant 0 : i32
        %gather3A_263 = tpu.memref_slice %arg8[%gather3A_260, %gather3A_261, %gather3A_262] : memref<2x128x16xf32, #tpu.memory_space<vmem>> -> memref<1x128x16xf32, #tpu.memory_space<vmem>>
        %gather3A_264 = tpu.memref_squeeze %gather3A_263 : memref<1x128x16xf32, #tpu.memory_space<vmem>> -> memref<128x16xf32, #tpu.memory_space<vmem>>
        %gather3A_265 = tpu.vector_load_idx %gather3A_264[%add3A_215, %broadcast_in_dim3A_259] : memref<128x16xf32, #tpu.memory_space<vmem>>[vector<16xi32>, vector<16xi32>], vector<16xf32>,
        %broadcast_in_dim3A_266 = arith.constant 9 : i32
        %broadcast_in_dim3A_267 = vector.broadcast %broadcast_in_dim3A_266 : i32 to vector<16xi32>
        %gather3A_268 = arith.constant 1 : i32
        %gather3A_269 = arith.constant 0 : i32
        %gather3A_270 = arith.constant 0 : i32
        %gather3A_271 = tpu.memref_slice %arg9[%gather3A_268, %gather3A_269, %gather3A_270] : memref<2x128x16xf32, #tpu.memory_space<vmem>> -> memref<1x128x16xf32, #tpu.memory_space<vmem>>
        %gather3A_272 = tpu.memref_squeeze %gather3A_271 : memref<1x128x16xf32, #tpu.memory_space<vmem>> -> memref<128x16xf32, #tpu.memory_space<vmem>>
        %gather3A_273 = tpu.vector_load_idx %gather3A_272[%add3A_215, %broadcast_in_dim3A_267] : memref<128x16xf32, #tpu.memory_space<vmem>>[vector<16xi32>, vector<16xi32>], vector<16xf32>,
        %add3A_274 = arith.addf %gather3A_265, %gather3A_273 : vector<16xf32>
        %gt3A_275 = arith.constant 0.000000e+00 : f32
        %gt3A_276 = vector.broadcast %gt3A_275 : f32 to vector<16xf32>
        %gt3A_277 = arith.cmpf ogt, %add3A_274, %gt3A_276 : vector<16xf32>
        %mul3A_278 = arith.constant 2.000000e-01 : f32
        %mul3A_279 = vector.broadcast %mul3A_278 : f32 to vector<16xf32>
        %mul3A_280 = arith.mulf %add3A_274, %mul3A_279 : vector<16xf32>
        %select_n3A_281 = arith.select %gt3A_277, %add3A_274, %mul3A_280 : vector<16xi1>, vector<16xf32>
        %exp3A_282 = math.exp %select_n3A_281 : vector<16xf32>
        %broadcast_in_dim3A_283 = arith.constant 1 : i32
        %broadcast_in_dim3A_284 = vector.broadcast %broadcast_in_dim3A_283 : i32 to vector<16xi32>
        %gather3A_285 = arith.constant 1 : i32
        %gather3A_286 = arith.constant 0 : i32
        %gather3A_287 = arith.constant 0 : i32
        %gather3A_288 = tpu.memref_slice %arg8[%gather3A_285, %gather3A_286, %gather3A_287] : memref<2x128x16xf32, #tpu.memory_space<vmem>> -> memref<1x128x16xf32, #tpu.memory_space<vmem>>
        %gather3A_289 = tpu.memref_squeeze %gather3A_288 : memref<1x128x16xf32, #tpu.memory_space<vmem>> -> memref<128x16xf32, #tpu.memory_space<vmem>>
        %gather3A_290 = tpu.vector_load_idx %gather3A_289[%add3A_215, %broadcast_in_dim3A_284] : memref<128x16xf32, #tpu.memory_space<vmem>>[vector<16xi32>, vector<16xi32>], vector<16xf32>,
        %broadcast_in_dim3A_291 = arith.constant 1 : i32
        %broadcast_in_dim3A_292 = vector.broadcast %broadcast_in_dim3A_291 : i32 to vector<16xi32>
        %mul3A_293 = arith.mulf %gather3A_290, %exp3A_282 : vector<16xf32>
        %scatter3A_294 = arith.constant 1 : i32
        %scatter3A_295 = arith.constant 0 : i32
        %scatter3A_296 = arith.constant 0 : i32
        %scatter3A_297 = tpu.memref_slice %arg8[%scatter3A_294, %scatter3A_295, %scatter3A_296] : memref<2x128x16xf32, #tpu.memory_space<vmem>> -> memref<1x128x16xf32, #tpu.memory_space<vmem>>
        %scatter3A_298 = tpu.memref_squeeze %scatter3A_297 : memref<1x128x16xf32, #tpu.memory_space<vmem>> -> memref<128x16xf32, #tpu.memory_space<vmem>>
        tpu.vector_store_idx %scatter3A_298[%add3A_215, %broadcast_in_dim3A_292], %mul3A_293 : memref<128x16xf32, #tpu.memory_space<vmem>>[vector<16xi32>, vector<16xi32>], vector<16xf32>,
        %broadcast_in_dim3A_299 = arith.constant 5 : i32
        %broadcast_in_dim3A_300 = vector.broadcast %broadcast_in_dim3A_299 : i32 to vector<16xi32>
        %scatter3A_301 = arith.constant 1 : i32
        %scatter3A_302 = arith.constant 0 : i32
        %scatter3A_303 = arith.constant 0 : i32
        %scatter3A_304 = tpu.memref_slice %arg8[%scatter3A_301, %scatter3A_302, %scatter3A_303] : memref<2x128x16xf32, #tpu.memory_space<vmem>> -> memref<1x128x16xf32, #tpu.memory_space<vmem>>
        %scatter3A_305 = tpu.memref_squeeze %scatter3A_304 : memref<1x128x16xf32, #tpu.memory_space<vmem>> -> memref<128x16xf32, #tpu.memory_space<vmem>>
        tpu.vector_store_idx %scatter3A_305[%add3A_215, %broadcast_in_dim3A_300], %exp3A_282 : memref<128x16xf32, #tpu.memory_space<vmem>>[vector<16xi32>, vector<16xi32>], vector<16xf32>,
        %broadcast_in_dim3A_306 = arith.constant 6 : i32
        %broadcast_in_dim3A_307 = vector.broadcast %broadcast_in_dim3A_306 : i32 to vector<16xi32>
        %gather3A_308 = arith.constant 1 : i32
        %gather3A_309 = arith.constant 0 : i32
        %gather3A_310 = arith.constant 0 : i32
        %gather3A_311 = tpu.memref_slice %arg8[%gather3A_308, %gather3A_309, %gather3A_310] : memref<2x128x16xf32, #tpu.memory_space<vmem>> -> memref<1x128x16xf32, #tpu.memory_space<vmem>>
        %gather3A_312 = tpu.memref_squeeze %gather3A_311 : memref<1x128x16xf32, #tpu.memory_space<vmem>> -> memref<128x16xf32, #tpu.memory_space<vmem>>
        %gather3A_313 = tpu.vector_load_idx %gather3A_312[%add3A_215, %broadcast_in_dim3A_307] : memref<128x16xf32, #tpu.memory_space<vmem>>[vector<16xi32>, vector<16xi32>], vector<16xf32>,
        %broadcast_in_dim3A_314 = arith.constant 10 : i32
        %broadcast_in_dim3A_315 = vector.broadcast %broadcast_in_dim3A_314 : i32 to vector<16xi32>
        %gather3A_316 = arith.constant 1 : i32
        %gather3A_317 = arith.constant 0 : i32
        %gather3A_318 = arith.constant 0 : i32
        %gather3A_319 = tpu.memref_slice %arg9[%gather3A_316, %gather3A_317, %gather3A_318] : memref<2x128x16xf32, #tpu.memory_space<vmem>> -> memref<1x128x16xf32, #tpu.memory_space<vmem>>
        %gather3A_320 = tpu.memref_squeeze %gather3A_319 : memref<1x128x16xf32, #tpu.memory_space<vmem>> -> memref<128x16xf32, #tpu.memory_space<vmem>>
        %gather3A_321 = tpu.vector_load_idx %gather3A_320[%add3A_215, %broadcast_in_dim3A_315] : memref<128x16xf32, #tpu.memory_space<vmem>>[vector<16xi32>, vector<16xi32>], vector<16xf32>,
        %add3A_322 = arith.addf %gather3A_313, %gather3A_321 : vector<16xf32>
        %gt3A_323 = arith.constant 0.000000e+00 : f32
        %gt3A_324 = vector.broadcast %gt3A_323 : f32 to vector<16xf32>
        %gt3A_325 = arith.cmpf ogt, %add3A_322, %gt3A_324 : vector<16xf32>
        %mul3A_326 = arith.constant 2.000000e-01 : f32
        %mul3A_327 = vector.broadcast %mul3A_326 : f32 to vector<16xf32>
        %mul3A_328 = arith.mulf %add3A_322, %mul3A_327 : vector<16xf32>
        %select_n3A_329 = arith.select %gt3A_325, %add3A_322, %mul3A_328 : vector<16xi1>, vector<16xf32>
        %exp3A_330 = math.exp %select_n3A_329 : vector<16xf32>
        %broadcast_in_dim3A_331 = arith.constant 2 : i32
        %broadcast_in_dim3A_332 = vector.broadcast %broadcast_in_dim3A_331 : i32 to vector<16xi32>
        %gather3A_333 = arith.constant 1 : i32
        %gather3A_334 = arith.constant 0 : i32
        %gather3A_335 = arith.constant 0 : i32
        %gather3A_336 = tpu.memref_slice %arg8[%gather3A_333, %gather3A_334, %gather3A_335] : memref<2x128x16xf32, #tpu.memory_space<vmem>> -> memref<1x128x16xf32, #tpu.memory_space<vmem>>
        %gather3A_337 = tpu.memref_squeeze %gather3A_336 : memref<1x128x16xf32, #tpu.memory_space<vmem>> -> memref<128x16xf32, #tpu.memory_space<vmem>>
        %gather3A_338 = tpu.vector_load_idx %gather3A_337[%add3A_215, %broadcast_in_dim3A_332] : memref<128x16xf32, #tpu.memory_space<vmem>>[vector<16xi32>, vector<16xi32>], vector<16xf32>,
        %broadcast_in_dim3A_339 = arith.constant 2 : i32
        %broadcast_in_dim3A_340 = vector.broadcast %broadcast_in_dim3A_339 : i32 to vector<16xi32>
        %mul3A_341 = arith.mulf %gather3A_338, %exp3A_330 : vector<16xf32>
        %scatter3A_342 = arith.constant 1 : i32
        %scatter3A_343 = arith.constant 0 : i32
        %scatter3A_344 = arith.constant 0 : i32
        %scatter3A_345 = tpu.memref_slice %arg8[%scatter3A_342, %scatter3A_343, %scatter3A_344] : memref<2x128x16xf32, #tpu.memory_space<vmem>> -> memref<1x128x16xf32, #tpu.memory_space<vmem>>
        %scatter3A_346 = tpu.memref_squeeze %scatter3A_345 : memref<1x128x16xf32, #tpu.memory_space<vmem>> -> memref<128x16xf32, #tpu.memory_space<vmem>>
        tpu.vector_store_idx %scatter3A_346[%add3A_215, %broadcast_in_dim3A_340], %mul3A_341 : memref<128x16xf32, #tpu.memory_space<vmem>>[vector<16xi32>, vector<16xi32>], vector<16xf32>,
        %broadcast_in_dim3A_347 = arith.constant 6 : i32
        %broadcast_in_dim3A_348 = vector.broadcast %broadcast_in_dim3A_347 : i32 to vector<16xi32>
        %scatter3A_349 = arith.constant 1 : i32
        %scatter3A_350 = arith.constant 0 : i32
        %scatter3A_351 = arith.constant 0 : i32
        %scatter3A_352 = tpu.memref_slice %arg8[%scatter3A_349, %scatter3A_350, %scatter3A_351] : memref<2x128x16xf32, #tpu.memory_space<vmem>> -> memref<1x128x16xf32, #tpu.memory_space<vmem>>
        %scatter3A_353 = tpu.memref_squeeze %scatter3A_352 : memref<1x128x16xf32, #tpu.memory_space<vmem>> -> memref<128x16xf32, #tpu.memory_space<vmem>>
        tpu.vector_store_idx %scatter3A_353[%add3A_215, %broadcast_in_dim3A_348], %exp3A_330 : memref<128x16xf32, #tpu.memory_space<vmem>>[vector<16xi32>, vector<16xi32>], vector<16xf32>,
        %broadcast_in_dim3A_354 = arith.constant 7 : i32
        %broadcast_in_dim3A_355 = vector.broadcast %broadcast_in_dim3A_354 : i32 to vector<16xi32>
        %gather3A_356 = arith.constant 1 : i32
        %gather3A_357 = arith.constant 0 : i32
        %gather3A_358 = arith.constant 0 : i32
        %gather3A_359 = tpu.memref_slice %arg8[%gather3A_356, %gather3A_357, %gather3A_358] : memref<2x128x16xf32, #tpu.memory_space<vmem>> -> memref<1x128x16xf32, #tpu.memory_space<vmem>>
        %gather3A_360 = tpu.memref_squeeze %gather3A_359 : memref<1x128x16xf32, #tpu.memory_space<vmem>> -> memref<128x16xf32, #tpu.memory_space<vmem>>
        %gather3A_361 = tpu.vector_load_idx %gather3A_360[%add3A_215, %broadcast_in_dim3A_355] : memref<128x16xf32, #tpu.memory_space<vmem>>[vector<16xi32>, vector<16xi32>], vector<16xf32>,
        %broadcast_in_dim3A_362 = arith.constant 11 : i32
        %broadcast_in_dim3A_363 = vector.broadcast %broadcast_in_dim3A_362 : i32 to vector<16xi32>
        %gather3A_364 = arith.constant 1 : i32
        %gather3A_365 = arith.constant 0 : i32
        %gather3A_366 = arith.constant 0 : i32
        %gather3A_367 = tpu.memref_slice %arg9[%gather3A_364, %gather3A_365, %gather3A_366] : memref<2x128x16xf32, #tpu.memory_space<vmem>> -> memref<1x128x16xf32, #tpu.memory_space<vmem>>
        %gather3A_368 = tpu.memref_squeeze %gather3A_367 : memref<1x128x16xf32, #tpu.memory_space<vmem>> -> memref<128x16xf32, #tpu.memory_space<vmem>>
        %gather3A_369 = tpu.vector_load_idx %gather3A_368[%add3A_215, %broadcast_in_dim3A_363] : memref<128x16xf32, #tpu.memory_space<vmem>>[vector<16xi32>, vector<16xi32>], vector<16xf32>,
        %add3A_370 = arith.addf %gather3A_361, %gather3A_369 : vector<16xf32>
        %gt3A_371 = arith.constant 0.000000e+00 : f32
        %gt3A_372 = vector.broadcast %gt3A_371 : f32 to vector<16xf32>
        %gt3A_373 = arith.cmpf ogt, %add3A_370, %gt3A_372 : vector<16xf32>
        %mul3A_374 = arith.constant 2.000000e-01 : f32
        %mul3A_375 = vector.broadcast %mul3A_374 : f32 to vector<16xf32>
        %mul3A_376 = arith.mulf %add3A_370, %mul3A_375 : vector<16xf32>
        %select_n3A_377 = arith.select %gt3A_373, %add3A_370, %mul3A_376 : vector<16xi1>, vector<16xf32>
        %exp3A_378 = math.exp %select_n3A_377 : vector<16xf32>
        %broadcast_in_dim3A_379 = arith.constant 3 : i32
        %broadcast_in_dim3A_380 = vector.broadcast %broadcast_in_dim3A_379 : i32 to vector<16xi32>
        %gather3A_381 = arith.constant 1 : i32
        %gather3A_382 = arith.constant 0 : i32
        %gather3A_383 = arith.constant 0 : i32
        %gather3A_384 = tpu.memref_slice %arg8[%gather3A_381, %gather3A_382, %gather3A_383] : memref<2x128x16xf32, #tpu.memory_space<vmem>> -> memref<1x128x16xf32, #tpu.memory_space<vmem>>
        %gather3A_385 = tpu.memref_squeeze %gather3A_384 : memref<1x128x16xf32, #tpu.memory_space<vmem>> -> memref<128x16xf32, #tpu.memory_space<vmem>>
        %gather3A_386 = tpu.vector_load_idx %gather3A_385[%add3A_215, %broadcast_in_dim3A_380] : memref<128x16xf32, #tpu.memory_space<vmem>>[vector<16xi32>, vector<16xi32>], vector<16xf32>,
        %broadcast_in_dim3A_387 = arith.constant 3 : i32
        %broadcast_in_dim3A_388 = vector.broadcast %broadcast_in_dim3A_387 : i32 to vector<16xi32>
        %mul3A_389 = arith.mulf %gather3A_386, %exp3A_378 : vector<16xf32>
        %scatter3A_390 = arith.constant 1 : i32
        %scatter3A_391 = arith.constant 0 : i32
        %scatter3A_392 = arith.constant 0 : i32
        %scatter3A_393 = tpu.memref_slice %arg8[%scatter3A_390, %scatter3A_391, %scatter3A_392] : memref<2x128x16xf32, #tpu.memory_space<vmem>> -> memref<1x128x16xf32, #tpu.memory_space<vmem>>
        %scatter3A_394 = tpu.memref_squeeze %scatter3A_393 : memref<1x128x16xf32, #tpu.memory_space<vmem>> -> memref<128x16xf32, #tpu.memory_space<vmem>>
        tpu.vector_store_idx %scatter3A_394[%add3A_215, %broadcast_in_dim3A_388], %mul3A_389 : memref<128x16xf32, #tpu.memory_space<vmem>>[vector<16xi32>, vector<16xi32>], vector<16xf32>,
        %broadcast_in_dim3A_395 = arith.constant 7 : i32
        %broadcast_in_dim3A_396 = vector.broadcast %broadcast_in_dim3A_395 : i32 to vector<16xi32>
        %scatter3A_397 = arith.constant 1 : i32
        %scatter3A_398 = arith.constant 0 : i32
        %scatter3A_399 = arith.constant 0 : i32
        %scatter3A_400 = tpu.memref_slice %arg8[%scatter3A_397, %scatter3A_398, %scatter3A_399] : memref<2x128x16xf32, #tpu.memory_space<vmem>> -> memref<1x128x16xf32, #tpu.memory_space<vmem>>
        %scatter3A_401 = tpu.memref_squeeze %scatter3A_400 : memref<1x128x16xf32, #tpu.memory_space<vmem>> -> memref<128x16xf32, #tpu.memory_space<vmem>>
        tpu.vector_store_idx %scatter3A_401[%add3A_215, %broadcast_in_dim3A_396], %exp3A_378 : memref<128x16xf32, #tpu.memory_space<vmem>>[vector<16xi32>, vector<16xi32>], vector<16xf32>,
      }
      %scan3A_207 = arith.constant 8 : i32
      %run_scoped3A_208 = arith.constant 1 : i32
      "tpu.region"() ({
        %run_scoped3A_209 = tpu.sem_alloc : memref<!tpu.dma_semaphore, #tpu.memory_space<semaphore_mem>>
        %dma_start3A_210 = arith.constant 0 : i32
        %dma_start3A_211 = arith.constant 0 : i32
        %dma_start3A_212 = tpu.memref_slice %arg8[%run_scoped3A_208, %dma_start3A_210, %dma_start3A_211] : memref<2x128x16xf32, #tpu.memory_space<vmem>> -> memref<1x128x16xf32, #tpu.memory_space<vmem>>
        %dma_start3A_213 = tpu.memref_squeeze %dma_start3A_212 : memref<1x128x16xf32, #tpu.memory_space<vmem>> -> memref<128x16xf32, #tpu.memory_space<vmem>>
        %dma_start3A_214 = arith.constant 0 : i32
        %dma_start3A_215 = tpu.memref_slice %arg7[%add3A_202, %dma_start3A_214] : memref<79x128xi32, #tpu.memory_space<vmem>> -> memref<1x128xi32, #tpu.memory_space<vmem>>
        %dma_start3A_216 = tpu.memref_squeeze %dma_start3A_215 : memref<1x128xi32, #tpu.memory_space<vmem>> -> memref<128xi32, #tpu.memory_space<vmem>>
        %dma_start3A_217 = arith.constant 0 : i32
        %dma_start3A_218 = arith.constant 0 : i32
        %dma_start3A_219 = tpu.memref_slice %arg10[%dma_start3A_217, %dma_start3A_218] : memref<10240x16xf32, #tpu.memory_space<vmem_shared>> -> memref<10240x16xf32, #tpu.memory_space<vmem_shared>>
        tpu.enqueue_indirect_dma source(%dma_start3A_213 : memref<128x16xf32, #tpu.memory_space<vmem>>) target(%dma_start3A_219 : memref<10240x16xf32, #tpu.memory_space<vmem_shared>>) offsets(%dma_start3A_216 : memref<128xi32, #tpu.memory_space<vmem>>) semaphore(%run_scoped3A_209 : memref<!tpu.dma_semaphore, #tpu.memory_space<semaphore_mem>>) {add = true}
        %dma_wait3A_220 = arith.constant 0 : i32
        %dma_wait3A_221 = arith.constant 0 : i32
        %dma_wait3A_222 = tpu.memref_slice %arg8[%run_scoped3A_208, %dma_wait3A_220, %dma_wait3A_221] : memref<2x128x16xf32, #tpu.memory_space<vmem>> -> memref<1x128x16xf32, #tpu.memory_space<vmem>>
        %dma_wait3A_223 = tpu.memref_squeeze %dma_wait3A_222 : memref<1x128x16xf32, #tpu.memory_space<vmem>> -> memref<128x16xf32, #tpu.memory_space<vmem>>
        %dma_wait3A_224 = arith.constant 0 : i32
        %dma_wait3A_225 = tpu.memref_slice %arg7[%add3A_202, %dma_wait3A_224] : memref<79x128xi32, #tpu.memory_space<vmem>> -> memref<1x128xi32, #tpu.memory_space<vmem>>
        %dma_wait3A_226 = tpu.memref_squeeze %dma_wait3A_225 : memref<1x128xi32, #tpu.memory_space<vmem>> -> memref<128xi32, #tpu.memory_space<vmem>>
        %dma_wait3A_227 = arith.constant 0 : i32
        %dma_wait3A_228 = arith.constant 0 : i32
        %dma_wait3A_229 = tpu.memref_slice %arg10[%dma_wait3A_227, %dma_wait3A_228] : memref<10240x16xf32, #tpu.memory_space<vmem_shared>> -> memref<10240x16xf32, #tpu.memory_space<vmem_shared>>
        tpu.wait_indirect_dma semaphore(%run_scoped3A_209 : memref<!tpu.dma_semaphore, #tpu.memory_space<semaphore_mem>>) src(%dma_wait3A_223 : memref<128x16xf32, #tpu.memory_space<vmem>>) dst(%dma_wait3A_229 : memref<10240x16xf32, #tpu.memory_space<vmem_shared>>)
        tpu.yield
      }) : () -> ()
    }
    %scan3A_60 = arith.constant 39 : i32
    %dma_wait3A = arith.constant 0 : i32
    %dma_wait3A_61 = arith.constant 0 : i32
    %dma_wait3A_62 = arith.constant 0 : i32
    %dma_wait3A_63 = arith.constant 0 : i32
    %dma_wait3A_64 = tpu.memref_slice %arg8[%dma_wait3A_61, %dma_wait3A_62, %dma_wait3A_63] : memref<2x128x16xf32, #tpu.memory_space<vmem>> -> memref<1x128x16xf32, #tpu.memory_space<vmem>>
    %dma_wait3A_65 = tpu.memref_squeeze %dma_wait3A_64 : memref<1x128x16xf32, #tpu.memory_space<vmem>> -> memref<128x16xf32, #tpu.memory_space<vmem>>
    %dma_wait3A_66 = arith.constant 0 : i32
    %dma_wait3A_67 = tpu.memref_slice %arg6[%dma_wait3A, %dma_wait3A_66] : memref<79x128xi32, #tpu.memory_space<vmem>> -> memref<1x128xi32, #tpu.memory_space<vmem>>
    %dma_wait3A_68 = tpu.memref_squeeze %dma_wait3A_67 : memref<1x128xi32, #tpu.memory_space<vmem>> -> memref<128xi32, #tpu.memory_space<vmem>>
    %dma_wait3A_69 = arith.constant 0 : i32
    %dma_wait3A_70 = arith.constant 0 : i32
    %dma_wait3A_71 = tpu.memref_slice %arg2[%dma_wait3A_69, %dma_wait3A_70] : memref<10240x16xf32, #tpu.memory_space<hbm>> -> memref<10240x16xf32, #tpu.memory_space<hbm>>
    tpu.wait_indirect_dma semaphore(%arg11 : memref<!tpu.dma_semaphore, #tpu.memory_space<semaphore_mem>>) src(%dma_wait3A_71 : memref<10240x16xf32, #tpu.memory_space<hbm>>) dst(%dma_wait3A_65 : memref<128x16xf32, #tpu.memory_space<vmem>>)
    %dma_wait3A_72 = arith.constant 0 : i32
    %dma_wait3A_73 = arith.constant 0 : i32
    %dma_wait3A_74 = arith.constant 0 : i32
    %dma_wait3A_75 = arith.constant 0 : i32
    %dma_wait3A_76 = tpu.memref_slice %arg9[%dma_wait3A_73, %dma_wait3A_74, %dma_wait3A_75] : memref<2x128x16xf32, #tpu.memory_space<vmem>> -> memref<1x128x16xf32, #tpu.memory_space<vmem>>
    %dma_wait3A_77 = tpu.memref_squeeze %dma_wait3A_76 : memref<1x128x16xf32, #tpu.memory_space<vmem>> -> memref<128x16xf32, #tpu.memory_space<vmem>>
    %dma_wait3A_78 = arith.constant 0 : i32
    %dma_wait3A_79 = tpu.memref_slice %arg7[%dma_wait3A_72, %dma_wait3A_78] : memref<79x128xi32, #tpu.memory_space<vmem>> -> memref<1x128xi32, #tpu.memory_space<vmem>>
    %dma_wait3A_80 = tpu.memref_squeeze %dma_wait3A_79 : memref<1x128xi32, #tpu.memory_space<vmem>> -> memref<128xi32, #tpu.memory_space<vmem>>
    %dma_wait3A_81 = arith.constant 0 : i32
    %dma_wait3A_82 = arith.constant 0 : i32
    %dma_wait3A_83 = tpu.memref_slice %arg2[%dma_wait3A_81, %dma_wait3A_82] : memref<10240x16xf32, #tpu.memory_space<hbm>> -> memref<10240x16xf32, #tpu.memory_space<hbm>>
    tpu.wait_indirect_dma semaphore(%arg13 : memref<!tpu.dma_semaphore, #tpu.memory_space<semaphore_mem>>) src(%dma_wait3A_83 : memref<10240x16xf32, #tpu.memory_space<hbm>>) dst(%dma_wait3A_77 : memref<128x16xf32, #tpu.memory_space<vmem>>)
    %scan3A_84 = arith.constant 0 : i32
    %scan3A_85 = arith.constant 8 : i32
    %scan3A_86 = arith.addi %scan3A_84, %scan3A_85 : i32
    %scan3A_87 = arith.constant 1 : i32
    scf.for %scan3A_112 = %scan3A_84 to %scan3A_86 step %scan3A_87  : i32 {
      %mul3A_113 = arith.constant 16 : i32
      %mul3A_114 = arith.muli %scan3A_112, %mul3A_113 : i32
      %add3A_115 = arith.constant 0 : i32
      %add3A_116 = arith.addi %add3A_115, %mul3A_114 : i32
      %iota3A = tpu.iota {dimensions = array<i32: 0>} : vector<16xi32>
      %add3A_117 = vector.broadcast %add3A_116 : i32 to vector<16xi32>
      %add3A_118 = arith.addi %iota3A, %add3A_117 : vector<16xi32>
      %broadcast_in_dim3A = arith.constant 4 : i32
      %broadcast_in_dim3A_119 = vector.broadcast %broadcast_in_dim3A : i32 to vector<16xi32>
      %gather3A = arith.constant 0 : i32
      %gather3A_120 = arith.constant 0 : i32
      %gather3A_121 = arith.constant 0 : i32
      %gather3A_122 = tpu.memref_slice %arg8[%gather3A, %gather3A_120, %gather3A_121] : memref<2x128x16xf32, #tpu.memory_space<vmem>> -> memref<1x128x16xf32, #tpu.memory_space<vmem>>
      %gather3A_123 = tpu.memref_squeeze %gather3A_122 : memref<1x128x16xf32, #tpu.memory_space<vmem>> -> memref<128x16xf32, #tpu.memory_space<vmem>>
      %gather3A_124 = tpu.vector_load_idx %gather3A_123[%add3A_118, %broadcast_in_dim3A_119] : memref<128x16xf32, #tpu.memory_space<vmem>>[vector<16xi32>, vector<16xi32>], vector<16xf32>,
      %broadcast_in_dim3A_125 = arith.constant 8 : i32
      %broadcast_in_dim3A_126 = vector.broadcast %broadcast_in_dim3A_125 : i32 to vector<16xi32>
      %gather3A_127 = arith.constant 0 : i32
      %gather3A_128 = arith.constant 0 : i32
      %gather3A_129 = arith.constant 0 : i32
      %gather3A_130 = tpu.memref_slice %arg9[%gather3A_127, %gather3A_128, %gather3A_129] : memref<2x128x16xf32, #tpu.memory_space<vmem>> -> memref<1x128x16xf32, #tpu.memory_space<vmem>>
      %gather3A_131 = tpu.memref_squeeze %gather3A_130 : memref<1x128x16xf32, #tpu.memory_space<vmem>> -> memref<128x16xf32, #tpu.memory_space<vmem>>
      %gather3A_132 = tpu.vector_load_idx %gather3A_131[%add3A_118, %broadcast_in_dim3A_126] : memref<128x16xf32, #tpu.memory_space<vmem>>[vector<16xi32>, vector<16xi32>], vector<16xf32>,
      %add3A_133 = arith.addf %gather3A_124, %gather3A_132 : vector<16xf32>
      %gt3A = arith.constant 0.000000e+00 : f32
      %gt3A_134 = vector.broadcast %gt3A : f32 to vector<16xf32>
      %gt3A_135 = arith.cmpf ogt, %add3A_133, %gt3A_134 : vector<16xf32>
      %mul3A_136 = arith.constant 2.000000e-01 : f32
      %mul3A_137 = vector.broadcast %mul3A_136 : f32 to vector<16xf32>
      %mul3A_138 = arith.mulf %add3A_133, %mul3A_137 : vector<16xf32>
      %select_n3A = arith.select %gt3A_135, %add3A_133, %mul3A_138 : vector<16xi1>, vector<16xf32>
      %exp3A = math.exp %select_n3A : vector<16xf32>
      %broadcast_in_dim3A_139 = arith.constant 0 : i32
      %broadcast_in_dim3A_140 = vector.broadcast %broadcast_in_dim3A_139 : i32 to vector<16xi32>
      %gather3A_141 = arith.constant 0 : i32
      %gather3A_142 = arith.constant 0 : i32
      %gather3A_143 = arith.constant 0 : i32
      %gather3A_144 = tpu.memref_slice %arg8[%gather3A_141, %gather3A_142, %gather3A_143] : memref<2x128x16xf32, #tpu.memory_space<vmem>> -> memref<1x128x16xf32, #tpu.memory_space<vmem>>
      %gather3A_145 = tpu.memref_squeeze %gather3A_144 : memref<1x128x16xf32, #tpu.memory_space<vmem>> -> memref<128x16xf32, #tpu.memory_space<vmem>>
      %gather3A_146 = tpu.vector_load_idx %gather3A_145[%add3A_118, %broadcast_in_dim3A_140] : memref<128x16xf32, #tpu.memory_space<vmem>>[vector<16xi32>, vector<16xi32>], vector<16xf32>,
      %broadcast_in_dim3A_147 = arith.constant 0 : i32
      %broadcast_in_dim3A_148 = vector.broadcast %broadcast_in_dim3A_147 : i32 to vector<16xi32>
      %mul3A_149 = arith.mulf %gather3A_146, %exp3A : vector<16xf32>
      %scatter3A = arith.constant 0 : i32
      %scatter3A_150 = arith.constant 0 : i32
      %scatter3A_151 = arith.constant 0 : i32
      %scatter3A_152 = tpu.memref_slice %arg8[%scatter3A, %scatter3A_150, %scatter3A_151] : memref<2x128x16xf32, #tpu.memory_space<vmem>> -> memref<1x128x16xf32, #tpu.memory_space<vmem>>
      %scatter3A_153 = tpu.memref_squeeze %scatter3A_152 : memref<1x128x16xf32, #tpu.memory_space<vmem>> -> memref<128x16xf32, #tpu.memory_space<vmem>>
      tpu.vector_store_idx %scatter3A_153[%add3A_118, %broadcast_in_dim3A_148], %mul3A_149 : memref<128x16xf32, #tpu.memory_space<vmem>>[vector<16xi32>, vector<16xi32>], vector<16xf32>,
      %broadcast_in_dim3A_154 = arith.constant 4 : i32
      %broadcast_in_dim3A_155 = vector.broadcast %broadcast_in_dim3A_154 : i32 to vector<16xi32>
      %scatter3A_156 = arith.constant 0 : i32
      %scatter3A_157 = arith.constant 0 : i32
      %scatter3A_158 = arith.constant 0 : i32
      %scatter3A_159 = tpu.memref_slice %arg8[%scatter3A_156, %scatter3A_157, %scatter3A_158] : memref<2x128x16xf32, #tpu.memory_space<vmem>> -> memref<1x128x16xf32, #tpu.memory_space<vmem>>
      %scatter3A_160 = tpu.memref_squeeze %scatter3A_159 : memref<1x128x16xf32, #tpu.memory_space<vmem>> -> memref<128x16xf32, #tpu.memory_space<vmem>>
      tpu.vector_store_idx %scatter3A_160[%add3A_118, %broadcast_in_dim3A_155], %exp3A : memref<128x16xf32, #tpu.memory_space<vmem>>[vector<16xi32>, vector<16xi32>], vector<16xf32>,
      %broadcast_in_dim3A_161 = arith.constant 5 : i32
      %broadcast_in_dim3A_162 = vector.broadcast %broadcast_in_dim3A_161 : i32 to vector<16xi32>
      %gather3A_163 = arith.constant 0 : i32
      %gather3A_164 = arith.constant 0 : i32
      %gather3A_165 = arith.constant 0 : i32
      %gather3A_166 = tpu.memref_slice %arg8[%gather3A_163, %gather3A_164, %gather3A_165] : memref<2x128x16xf32, #tpu.memory_space<vmem>> -> memref<1x128x16xf32, #tpu.memory_space<vmem>>
      %gather3A_167 = tpu.memref_squeeze %gather3A_166 : memref<1x128x16xf32, #tpu.memory_space<vmem>> -> memref<128x16xf32, #tpu.memory_space<vmem>>
      %gather3A_168 = tpu.vector_load_idx %gather3A_167[%add3A_118, %broadcast_in_dim3A_162] : memref<128x16xf32, #tpu.memory_space<vmem>>[vector<16xi32>, vector<16xi32>], vector<16xf32>,
      %broadcast_in_dim3A_169 = arith.constant 9 : i32
      %broadcast_in_dim3A_170 = vector.broadcast %broadcast_in_dim3A_169 : i32 to vector<16xi32>
      %gather3A_171 = arith.constant 0 : i32
      %gather3A_172 = arith.constant 0 : i32
      %gather3A_173 = arith.constant 0 : i32
      %gather3A_174 = tpu.memref_slice %arg9[%gather3A_171, %gather3A_172, %gather3A_173] : memref<2x128x16xf32, #tpu.memory_space<vmem>> -> memref<1x128x16xf32, #tpu.memory_space<vmem>>
      %gather3A_175 = tpu.memref_squeeze %gather3A_174 : memref<1x128x16xf32, #tpu.memory_space<vmem>> -> memref<128x16xf32, #tpu.memory_space<vmem>>
      %gather3A_176 = tpu.vector_load_idx %gather3A_175[%add3A_118, %broadcast_in_dim3A_170] : memref<128x16xf32, #tpu.memory_space<vmem>>[vector<16xi32>, vector<16xi32>], vector<16xf32>,
      %add3A_177 = arith.addf %gather3A_168, %gather3A_176 : vector<16xf32>
      %gt3A_178 = arith.constant 0.000000e+00 : f32
      %gt3A_179 = vector.broadcast %gt3A_178 : f32 to vector<16xf32>
      %gt3A_180 = arith.cmpf ogt, %add3A_177, %gt3A_179 : vector<16xf32>
      %mul3A_181 = arith.constant 2.000000e-01 : f32
      %mul3A_182 = vector.broadcast %mul3A_181 : f32 to vector<16xf32>
      %mul3A_183 = arith.mulf %add3A_177, %mul3A_182 : vector<16xf32>
      %select_n3A_184 = arith.select %gt3A_180, %add3A_177, %mul3A_183 : vector<16xi1>, vector<16xf32>
      %exp3A_185 = math.exp %select_n3A_184 : vector<16xf32>
      %broadcast_in_dim3A_186 = arith.constant 1 : i32
      %broadcast_in_dim3A_187 = vector.broadcast %broadcast_in_dim3A_186 : i32 to vector<16xi32>
      %gather3A_188 = arith.constant 0 : i32
      %gather3A_189 = arith.constant 0 : i32
      %gather3A_190 = arith.constant 0 : i32
      %gather3A_191 = tpu.memref_slice %arg8[%gather3A_188, %gather3A_189, %gather3A_190] : memref<2x128x16xf32, #tpu.memory_space<vmem>> -> memref<1x128x16xf32, #tpu.memory_space<vmem>>
      %gather3A_192 = tpu.memref_squeeze %gather3A_191 : memref<1x128x16xf32, #tpu.memory_space<vmem>> -> memref<128x16xf32, #tpu.memory_space<vmem>>
      %gather3A_193 = tpu.vector_load_idx %gather3A_192[%add3A_118, %broadcast_in_dim3A_187] : memref<128x16xf32, #tpu.memory_space<vmem>>[vector<16xi32>, vector<16xi32>], vector<16xf32>,
      %broadcast_in_dim3A_194 = arith.constant 1 : i32
      %broadcast_in_dim3A_195 = vector.broadcast %broadcast_in_dim3A_194 : i32 to vector<16xi32>
      %mul3A_196 = arith.mulf %gather3A_193, %exp3A_185 : vector<16xf32>
      %scatter3A_197 = arith.constant 0 : i32
      %scatter3A_198 = arith.constant 0 : i32
      %scatter3A_199 = arith.constant 0 : i32
      %scatter3A_200 = tpu.memref_slice %arg8[%scatter3A_197, %scatter3A_198, %scatter3A_199] : memref<2x128x16xf32, #tpu.memory_space<vmem>> -> memref<1x128x16xf32, #tpu.memory_space<vmem>>
      %scatter3A_201 = tpu.memref_squeeze %scatter3A_200 : memref<1x128x16xf32, #tpu.memory_space<vmem>> -> memref<128x16xf32, #tpu.memory_space<vmem>>
      tpu.vector_store_idx %scatter3A_201[%add3A_118, %broadcast_in_dim3A_195], %mul3A_196 : memref<128x16xf32, #tpu.memory_space<vmem>>[vector<16xi32>, vector<16xi32>], vector<16xf32>,
      %broadcast_in_dim3A_202 = arith.constant 5 : i32
      %broadcast_in_dim3A_203 = vector.broadcast %broadcast_in_dim3A_202 : i32 to vector<16xi32>
      %scatter3A_204 = arith.constant 0 : i32
      %scatter3A_205 = arith.constant 0 : i32
      %scatter3A_206 = arith.constant 0 : i32
      %scatter3A_207 = tpu.memref_slice %arg8[%scatter3A_204, %scatter3A_205, %scatter3A_206] : memref<2x128x16xf32, #tpu.memory_space<vmem>> -> memref<1x128x16xf32, #tpu.memory_space<vmem>>
      %scatter3A_208 = tpu.memref_squeeze %scatter3A_207 : memref<1x128x16xf32, #tpu.memory_space<vmem>> -> memref<128x16xf32, #tpu.memory_space<vmem>>
      tpu.vector_store_idx %scatter3A_208[%add3A_118, %broadcast_in_dim3A_203], %exp3A_185 : memref<128x16xf32, #tpu.memory_space<vmem>>[vector<16xi32>, vector<16xi32>], vector<16xf32>,
      %broadcast_in_dim3A_209 = arith.constant 6 : i32
      %broadcast_in_dim3A_210 = vector.broadcast %broadcast_in_dim3A_209 : i32 to vector<16xi32>
      %gather3A_211 = arith.constant 0 : i32
      %gather3A_212 = arith.constant 0 : i32
      %gather3A_213 = arith.constant 0 : i32
      %gather3A_214 = tpu.memref_slice %arg8[%gather3A_211, %gather3A_212, %gather3A_213] : memref<2x128x16xf32, #tpu.memory_space<vmem>> -> memref<1x128x16xf32, #tpu.memory_space<vmem>>
      %gather3A_215 = tpu.memref_squeeze %gather3A_214 : memref<1x128x16xf32, #tpu.memory_space<vmem>> -> memref<128x16xf32, #tpu.memory_space<vmem>>
      %gather3A_216 = tpu.vector_load_idx %gather3A_215[%add3A_118, %broadcast_in_dim3A_210] : memref<128x16xf32, #tpu.memory_space<vmem>>[vector<16xi32>, vector<16xi32>], vector<16xf32>,
      %broadcast_in_dim3A_217 = arith.constant 10 : i32
      %broadcast_in_dim3A_218 = vector.broadcast %broadcast_in_dim3A_217 : i32 to vector<16xi32>
      %gather3A_219 = arith.constant 0 : i32
      %gather3A_220 = arith.constant 0 : i32
      %gather3A_221 = arith.constant 0 : i32
      %gather3A_222 = tpu.memref_slice %arg9[%gather3A_219, %gather3A_220, %gather3A_221] : memref<2x128x16xf32, #tpu.memory_space<vmem>> -> memref<1x128x16xf32, #tpu.memory_space<vmem>>
      %gather3A_223 = tpu.memref_squeeze %gather3A_222 : memref<1x128x16xf32, #tpu.memory_space<vmem>> -> memref<128x16xf32, #tpu.memory_space<vmem>>
      %gather3A_224 = tpu.vector_load_idx %gather3A_223[%add3A_118, %broadcast_in_dim3A_218] : memref<128x16xf32, #tpu.memory_space<vmem>>[vector<16xi32>, vector<16xi32>], vector<16xf32>,
      %add3A_225 = arith.addf %gather3A_216, %gather3A_224 : vector<16xf32>
      %gt3A_226 = arith.constant 0.000000e+00 : f32
      %gt3A_227 = vector.broadcast %gt3A_226 : f32 to vector<16xf32>
      %gt3A_228 = arith.cmpf ogt, %add3A_225, %gt3A_227 : vector<16xf32>
      %mul3A_229 = arith.constant 2.000000e-01 : f32
      %mul3A_230 = vector.broadcast %mul3A_229 : f32 to vector<16xf32>
      %mul3A_231 = arith.mulf %add3A_225, %mul3A_230 : vector<16xf32>
      %select_n3A_232 = arith.select %gt3A_228, %add3A_225, %mul3A_231 : vector<16xi1>, vector<16xf32>
      %exp3A_233 = math.exp %select_n3A_232 : vector<16xf32>
      %broadcast_in_dim3A_234 = arith.constant 2 : i32
      %broadcast_in_dim3A_235 = vector.broadcast %broadcast_in_dim3A_234 : i32 to vector<16xi32>
      %gather3A_236 = arith.constant 0 : i32
      %gather3A_237 = arith.constant 0 : i32
      %gather3A_238 = arith.constant 0 : i32
      %gather3A_239 = tpu.memref_slice %arg8[%gather3A_236, %gather3A_237, %gather3A_238] : memref<2x128x16xf32, #tpu.memory_space<vmem>> -> memref<1x128x16xf32, #tpu.memory_space<vmem>>
      %gather3A_240 = tpu.memref_squeeze %gather3A_239 : memref<1x128x16xf32, #tpu.memory_space<vmem>> -> memref<128x16xf32, #tpu.memory_space<vmem>>
      %gather3A_241 = tpu.vector_load_idx %gather3A_240[%add3A_118, %broadcast_in_dim3A_235] : memref<128x16xf32, #tpu.memory_space<vmem>>[vector<16xi32>, vector<16xi32>], vector<16xf32>,
      %broadcast_in_dim3A_242 = arith.constant 2 : i32
      %broadcast_in_dim3A_243 = vector.broadcast %broadcast_in_dim3A_242 : i32 to vector<16xi32>
      %mul3A_244 = arith.mulf %gather3A_241, %exp3A_233 : vector<16xf32>
      %scatter3A_245 = arith.constant 0 : i32
      %scatter3A_246 = arith.constant 0 : i32
      %scatter3A_247 = arith.constant 0 : i32
      %scatter3A_248 = tpu.memref_slice %arg8[%scatter3A_245, %scatter3A_246, %scatter3A_247] : memref<2x128x16xf32, #tpu.memory_space<vmem>> -> memref<1x128x16xf32, #tpu.memory_space<vmem>>
      %scatter3A_249 = tpu.memref_squeeze %scatter3A_248 : memref<1x128x16xf32, #tpu.memory_space<vmem>> -> memref<128x16xf32, #tpu.memory_space<vmem>>
      tpu.vector_store_idx %scatter3A_249[%add3A_118, %broadcast_in_dim3A_243], %mul3A_244 : memref<128x16xf32, #tpu.memory_space<vmem>>[vector<16xi32>, vector<16xi32>], vector<16xf32>,
      %broadcast_in_dim3A_250 = arith.constant 6 : i32
      %broadcast_in_dim3A_251 = vector.broadcast %broadcast_in_dim3A_250 : i32 to vector<16xi32>
      %scatter3A_252 = arith.constant 0 : i32
      %scatter3A_253 = arith.constant 0 : i32
      %scatter3A_254 = arith.constant 0 : i32
      %scatter3A_255 = tpu.memref_slice %arg8[%scatter3A_252, %scatter3A_253, %scatter3A_254] : memref<2x128x16xf32, #tpu.memory_space<vmem>> -> memref<1x128x16xf32, #tpu.memory_space<vmem>>
      %scatter3A_256 = tpu.memref_squeeze %scatter3A_255 : memref<1x128x16xf32, #tpu.memory_space<vmem>> -> memref<128x16xf32, #tpu.memory_space<vmem>>
      tpu.vector_store_idx %scatter3A_256[%add3A_118, %broadcast_in_dim3A_251], %exp3A_233 : memref<128x16xf32, #tpu.memory_space<vmem>>[vector<16xi32>, vector<16xi32>], vector<16xf32>,
      %broadcast_in_dim3A_257 = arith.constant 7 : i32
      %broadcast_in_dim3A_258 = vector.broadcast %broadcast_in_dim3A_257 : i32 to vector<16xi32>
      %gather3A_259 = arith.constant 0 : i32
      %gather3A_260 = arith.constant 0 : i32
      %gather3A_261 = arith.constant 0 : i32
      %gather3A_262 = tpu.memref_slice %arg8[%gather3A_259, %gather3A_260, %gather3A_261] : memref<2x128x16xf32, #tpu.memory_space<vmem>> -> memref<1x128x16xf32, #tpu.memory_space<vmem>>
      %gather3A_263 = tpu.memref_squeeze %gather3A_262 : memref<1x128x16xf32, #tpu.memory_space<vmem>> -> memref<128x16xf32, #tpu.memory_space<vmem>>
      %gather3A_264 = tpu.vector_load_idx %gather3A_263[%add3A_118, %broadcast_in_dim3A_258] : memref<128x16xf32, #tpu.memory_space<vmem>>[vector<16xi32>, vector<16xi32>], vector<16xf32>,
      %broadcast_in_dim3A_265 = arith.constant 11 : i32
      %broadcast_in_dim3A_266 = vector.broadcast %broadcast_in_dim3A_265 : i32 to vector<16xi32>
      %gather3A_267 = arith.constant 0 : i32
      %gather3A_268 = arith.constant 0 : i32
      %gather3A_269 = arith.constant 0 : i32
      %gather3A_270 = tpu.memref_slice %arg9[%gather3A_267, %gather3A_268, %gather3A_269] : memref<2x128x16xf32, #tpu.memory_space<vmem>> -> memref<1x128x16xf32, #tpu.memory_space<vmem>>
      %gather3A_271 = tpu.memref_squeeze %gather3A_270 : memref<1x128x16xf32, #tpu.memory_space<vmem>> -> memref<128x16xf32, #tpu.memory_space<vmem>>
      %gather3A_272 = tpu.vector_load_idx %gather3A_271[%add3A_118, %broadcast_in_dim3A_266] : memref<128x16xf32, #tpu.memory_space<vmem>>[vector<16xi32>, vector<16xi32>], vector<16xf32>,
      %add3A_273 = arith.addf %gather3A_264, %gather3A_272 : vector<16xf32>
      %gt3A_274 = arith.constant 0.000000e+00 : f32
      %gt3A_275 = vector.broadcast %gt3A_274 : f32 to vector<16xf32>
      %gt3A_276 = arith.cmpf ogt, %add3A_273, %gt3A_275 : vector<16xf32>
      %mul3A_277 = arith.constant 2.000000e-01 : f32
      %mul3A_278 = vector.broadcast %mul3A_277 : f32 to vector<16xf32>
      %mul3A_279 = arith.mulf %add3A_273, %mul3A_278 : vector<16xf32>
      %select_n3A_280 = arith.select %gt3A_276, %add3A_273, %mul3A_279 : vector<16xi1>, vector<16xf32>
      %exp3A_281 = math.exp %select_n3A_280 : vector<16xf32>
      %broadcast_in_dim3A_282 = arith.constant 3 : i32
      %broadcast_in_dim3A_283 = vector.broadcast %broadcast_in_dim3A_282 : i32 to vector<16xi32>
      %gather3A_284 = arith.constant 0 : i32
      %gather3A_285 = arith.constant 0 : i32
      %gather3A_286 = arith.constant 0 : i32
      %gather3A_287 = tpu.memref_slice %arg8[%gather3A_284, %gather3A_285, %gather3A_286] : memref<2x128x16xf32, #tpu.memory_space<vmem>> -> memref<1x128x16xf32, #tpu.memory_space<vmem>>
      %gather3A_288 = tpu.memref_squeeze %gather3A_287 : memref<1x128x16xf32, #tpu.memory_space<vmem>> -> memref<128x16xf32, #tpu.memory_space<vmem>>
      %gather3A_289 = tpu.vector_load_idx %gather3A_288[%add3A_118, %broadcast_in_dim3A_283] : memref<128x16xf32, #tpu.memory_space<vmem>>[vector<16xi32>, vector<16xi32>], vector<16xf32>,
      %broadcast_in_dim3A_290 = arith.constant 3 : i32
      %broadcast_in_dim3A_291 = vector.broadcast %broadcast_in_dim3A_290 : i32 to vector<16xi32>
      %mul3A_292 = arith.mulf %gather3A_289, %exp3A_281 : vector<16xf32>
      %scatter3A_293 = arith.constant 0 : i32
      %scatter3A_294 = arith.constant 0 : i32
      %scatter3A_295 = arith.constant 0 : i32
      %scatter3A_296 = tpu.memref_slice %arg8[%scatter3A_293, %scatter3A_294, %scatter3A_295] : memref<2x128x16xf32, #tpu.memory_space<vmem>> -> memref<1x128x16xf32, #tpu.memory_space<vmem>>
      %scatter3A_297 = tpu.memref_squeeze %scatter3A_296 : memref<1x128x16xf32, #tpu.memory_space<vmem>> -> memref<128x16xf32, #tpu.memory_space<vmem>>
      tpu.vector_store_idx %scatter3A_297[%add3A_118, %broadcast_in_dim3A_291], %mul3A_292 : memref<128x16xf32, #tpu.memory_space<vmem>>[vector<16xi32>, vector<16xi32>], vector<16xf32>,
      %broadcast_in_dim3A_298 = arith.constant 7 : i32
      %broadcast_in_dim3A_299 = vector.broadcast %broadcast_in_dim3A_298 : i32 to vector<16xi32>
      %scatter3A_300 = arith.constant 0 : i32
      %scatter3A_301 = arith.constant 0 : i32
      %scatter3A_302 = arith.constant 0 : i32
      %scatter3A_303 = tpu.memref_slice %arg8[%scatter3A_300, %scatter3A_301, %scatter3A_302] : memref<2x128x16xf32, #tpu.memory_space<vmem>> -> memref<1x128x16xf32, #tpu.memory_space<vmem>>
      %scatter3A_304 = tpu.memref_squeeze %scatter3A_303 : memref<1x128x16xf32, #tpu.memory_space<vmem>> -> memref<128x16xf32, #tpu.memory_space<vmem>>
      tpu.vector_store_idx %scatter3A_304[%add3A_118, %broadcast_in_dim3A_299], %exp3A_281 : memref<128x16xf32, #tpu.memory_space<vmem>>[vector<16xi32>, vector<16xi32>], vector<16xf32>,
    }
    %scan3A_88 = arith.constant 8 : i32
    %run_scoped3A_89 = arith.constant 0 : i32
    %run_scoped3A_90 = arith.constant 78 : i32
    "tpu.region"() ({
      %run_scoped3A_112 = tpu.sem_alloc : memref<!tpu.dma_semaphore, #tpu.memory_space<semaphore_mem>>
      %dma_start3A_113 = arith.constant 0 : i32
      %dma_start3A_114 = arith.constant 0 : i32
      %dma_start3A_115 = tpu.memref_slice %arg8[%run_scoped3A_89, %dma_start3A_113, %dma_start3A_114] : memref<2x128x16xf32, #tpu.memory_space<vmem>> -> memref<1x128x16xf32, #tpu.memory_space<vmem>>
      %dma_start3A_116 = tpu.memref_squeeze %dma_start3A_115 : memref<1x128x16xf32, #tpu.memory_space<vmem>> -> memref<128x16xf32, #tpu.memory_space<vmem>>
      %dma_start3A_117 = arith.constant 0 : i32
      %dma_start3A_118 = tpu.memref_slice %arg7[%run_scoped3A_90, %dma_start3A_117] : memref<79x128xi32, #tpu.memory_space<vmem>> -> memref<1x128xi32, #tpu.memory_space<vmem>>
      %dma_start3A_119 = tpu.memref_squeeze %dma_start3A_118 : memref<1x128xi32, #tpu.memory_space<vmem>> -> memref<128xi32, #tpu.memory_space<vmem>>
      %dma_start3A_120 = arith.constant 0 : i32
      %dma_start3A_121 = arith.constant 0 : i32
      %dma_start3A_122 = tpu.memref_slice %arg10[%dma_start3A_120, %dma_start3A_121] : memref<10240x16xf32, #tpu.memory_space<vmem_shared>> -> memref<10240x16xf32, #tpu.memory_space<vmem_shared>>
      tpu.enqueue_indirect_dma source(%dma_start3A_116 : memref<128x16xf32, #tpu.memory_space<vmem>>) target(%dma_start3A_122 : memref<10240x16xf32, #tpu.memory_space<vmem_shared>>) offsets(%dma_start3A_119 : memref<128xi32, #tpu.memory_space<vmem>>) semaphore(%run_scoped3A_112 : memref<!tpu.dma_semaphore, #tpu.memory_space<semaphore_mem>>) {add = true}
      %dma_wait3A_123 = arith.constant 0 : i32
      %dma_wait3A_124 = arith.constant 0 : i32
      %dma_wait3A_125 = tpu.memref_slice %arg8[%run_scoped3A_89, %dma_wait3A_123, %dma_wait3A_124] : memref<2x128x16xf32, #tpu.memory_space<vmem>> -> memref<1x128x16xf32, #tpu.memory_space<vmem>>
      %dma_wait3A_126 = tpu.memref_squeeze %dma_wait3A_125 : memref<1x128x16xf32, #tpu.memory_space<vmem>> -> memref<128x16xf32, #tpu.memory_space<vmem>>
      %dma_wait3A_127 = arith.constant 0 : i32
      %dma_wait3A_128 = tpu.memref_slice %arg7[%run_scoped3A_90, %dma_wait3A_127] : memref<79x128xi32, #tpu.memory_space<vmem>> -> memref<1x128xi32, #tpu.memory_space<vmem>>
      %dma_wait3A_129 = tpu.memref_squeeze %dma_wait3A_128 : memref<1x128xi32, #tpu.memory_space<vmem>> -> memref<128xi32, #tpu.memory_space<vmem>>
      %dma_wait3A_130 = arith.constant 0 : i32
      %dma_wait3A_131 = arith.constant 0 : i32
      %dma_wait3A_132 = tpu.memref_slice %arg10[%dma_wait3A_130, %dma_wait3A_131] : memref<10240x16xf32, #tpu.memory_space<vmem_shared>> -> memref<10240x16xf32, #tpu.memory_space<vmem_shared>>
      tpu.wait_indirect_dma semaphore(%run_scoped3A_112 : memref<!tpu.dma_semaphore, #tpu.memory_space<semaphore_mem>>) src(%dma_wait3A_126 : memref<128x16xf32, #tpu.memory_space<vmem>>) dst(%dma_wait3A_132 : memref<10240x16xf32, #tpu.memory_space<vmem_shared>>)
      tpu.yield
    }) : () -> ()
    %barrier3A_91 = arith.constant 0 : index
    tpu.barrier barrier_id(%barrier3A_91)
    %mul3A_92 = arith.constant 640 : i32
    %mul3A_93 = arith.muli %arg1, %mul3A_92 : i32
    %add3A_94 = arith.constant 0 : i32
    %add3A_95 = arith.addi %mul3A_93, %add3A_94 : i32
    "tpu.region"() ({
      %run_scoped3A_112 = tpu.sem_alloc : memref<!tpu.dma_semaphore, #tpu.memory_space<semaphore_mem>>
      %dma_start3A_113 = arith.constant 0 : i32
      %dma_start3A_114 = tpu.memref_slice %arg5[%arg0, %add3A_95, %dma_start3A_113] : memref<2x10240x16xf32, #tpu.memory_space<hbm>> -> memref<1x128x16xf32, #tpu.memory_space<hbm>>
      %dma_start3A_115 = tpu.memref_squeeze %dma_start3A_114 : memref<1x128x16xf32, #tpu.memory_space<hbm>> -> memref<128x16xf32, #tpu.memory_space<hbm>>
      %dma_start3A_116 = arith.constant 0 : i32
      %dma_start3A_117 = tpu.memref_slice %arg10[%add3A_95, %dma_start3A_116] : memref<10240x16xf32, #tpu.memory_space<vmem_shared>> -> memref<128x16xf32, #tpu.memory_space<vmem_shared>>
      tpu.enqueue_dma source(%dma_start3A_117 : memref<128x16xf32, #tpu.memory_space<vmem_shared>>) target(%dma_start3A_115 : memref<128x16xf32, #tpu.memory_space<hbm>>) target_semaphore(%run_scoped3A_112 : memref<!tpu.dma_semaphore, #tpu.memory_space<semaphore_mem>>)
      %dma_wait3A_118 = arith.constant 0 : i32
      %dma_wait3A_119 = tpu.memref_slice %arg5[%arg0, %add3A_95, %dma_wait3A_118] : memref<2x10240x16xf32, #tpu.memory_space<hbm>> -> memref<1x128x16xf32, #tpu.memory_space<hbm>>
      %dma_wait3A_120 = tpu.memref_squeeze %dma_wait3A_119 : memref<1x128x16xf32, #tpu.memory_space<hbm>> -> memref<128x16xf32, #tpu.memory_space<hbm>>
      %dma_wait3A_121 = arith.constant 0 : i32
      %dma_wait3A_122 = tpu.memref_slice %arg10[%add3A_95, %dma_wait3A_121] : memref<10240x16xf32, #tpu.memory_space<vmem_shared>> -> memref<128x16xf32, #tpu.memory_space<vmem_shared>>
      tpu.wait_dma2 semaphore(%run_scoped3A_112 : memref<!tpu.dma_semaphore, #tpu.memory_space<semaphore_mem>>) src(%dma_wait3A_122 : memref<128x16xf32, #tpu.memory_space<vmem_shared>>) dst(%dma_wait3A_120 : memref<128x16xf32, #tpu.memory_space<hbm>>)
      tpu.yield
    }) : () -> ()
    %mul3A_96 = arith.constant 640 : i32
    %mul3A_97 = arith.muli %arg1, %mul3A_96 : i32
    %add3A_98 = arith.constant 128 : i32
    %add3A_99 = arith.addi %mul3A_97, %add3A_98 : i32
    "tpu.region"() ({
      %run_scoped3A_112 = tpu.sem_alloc : memref<!tpu.dma_semaphore, #tpu.memory_space<semaphore_mem>>
      %dma_start3A_113 = arith.constant 0 : i32
      %dma_start3A_114 = tpu.memref_slice %arg5[%arg0, %add3A_99, %dma_start3A_113] : memref<2x10240x16xf32, #tpu.memory_space<hbm>> -> memref<1x128x16xf32, #tpu.memory_space<hbm>>
      %dma_start3A_115 = tpu.memref_squeeze %dma_start3A_114 : memref<1x128x16xf32, #tpu.memory_space<hbm>> -> memref<128x16xf32, #tpu.memory_space<hbm>>
      %dma_start3A_116 = arith.constant 0 : i32
      %dma_start3A_117 = tpu.memref_slice %arg10[%add3A_99, %dma_start3A_116] : memref<10240x16xf32, #tpu.memory_space<vmem_shared>> -> memref<128x16xf32, #tpu.memory_space<vmem_shared>>
      tpu.enqueue_dma source(%dma_start3A_117 : memref<128x16xf32, #tpu.memory_space<vmem_shared>>) target(%dma_start3A_115 : memref<128x16xf32, #tpu.memory_space<hbm>>) target_semaphore(%run_scoped3A_112 : memref<!tpu.dma_semaphore, #tpu.memory_space<semaphore_mem>>)
      %dma_wait3A_118 = arith.constant 0 : i32
      %dma_wait3A_119 = tpu.memref_slice %arg5[%arg0, %add3A_99, %dma_wait3A_118] : memref<2x10240x16xf32, #tpu.memory_space<hbm>> -> memref<1x128x16xf32, #tpu.memory_space<hbm>>
      %dma_wait3A_120 = tpu.memref_squeeze %dma_wait3A_119 : memref<1x128x16xf32, #tpu.memory_space<hbm>> -> memref<128x16xf32, #tpu.memory_space<hbm>>
      %dma_wait3A_121 = arith.constant 0 : i32
      %dma_wait3A_122 = tpu.memref_slice %arg10[%add3A_99, %dma_wait3A_121] : memref<10240x16xf32, #tpu.memory_space<vmem_shared>> -> memref<128x16xf32, #tpu.memory_space<vmem_shared>>
      tpu.wait_dma2 semaphore(%run_scoped3A_112 : memref<!tpu.dma_semaphore, #tpu.memory_space<semaphore_mem>>) src(%dma_wait3A_122 : memref<128x16xf32, #tpu.memory_space<vmem_shared>>) dst(%dma_wait3A_120 : memref<128x16xf32, #tpu.memory_space<hbm>>)
      tpu.yield
    }) : () -> ()
    %mul3A_100 = arith.constant 640 : i32
    %mul3A_101 = arith.muli %arg1, %mul3A_100 : i32
    %add3A_102 = arith.constant 256 : i32
    %add3A_103 = arith.addi %mul3A_101, %add3A_102 : i32
    "tpu.region"() ({
      %run_scoped3A_112 = tpu.sem_alloc : memref<!tpu.dma_semaphore, #tpu.memory_space<semaphore_mem>>
      %dma_start3A_113 = arith.constant 0 : i32
      %dma_start3A_114 = tpu.memref_slice %arg5[%arg0, %add3A_103, %dma_start3A_113] : memref<2x10240x16xf32, #tpu.memory_space<hbm>> -> memref<1x128x16xf32, #tpu.memory_space<hbm>>
      %dma_start3A_115 = tpu.memref_squeeze %dma_start3A_114 : memref<1x128x16xf32, #tpu.memory_space<hbm>> -> memref<128x16xf32, #tpu.memory_space<hbm>>
      %dma_start3A_116 = arith.constant 0 : i32
      %dma_start3A_117 = tpu.memref_slice %arg10[%add3A_103, %dma_start3A_116] : memref<10240x16xf32, #tpu.memory_space<vmem_shared>> -> memref<128x16xf32, #tpu.memory_space<vmem_shared>>
      tpu.enqueue_dma source(%dma_start3A_117 : memref<128x16xf32, #tpu.memory_space<vmem_shared>>) target(%dma_start3A_115 : memref<128x16xf32, #tpu.memory_space<hbm>>) target_semaphore(%run_scoped3A_112 : memref<!tpu.dma_semaphore, #tpu.memory_space<semaphore_mem>>)
      %dma_wait3A_118 = arith.constant 0 : i32
      %dma_wait3A_119 = tpu.memref_slice %arg5[%arg0, %add3A_103, %dma_wait3A_118] : memref<2x10240x16xf32, #tpu.memory_space<hbm>> -> memref<1x128x16xf32, #tpu.memory_space<hbm>>
      %dma_wait3A_120 = tpu.memref_squeeze %dma_wait3A_119 : memref<1x128x16xf32, #tpu.memory_space<hbm>> -> memref<128x16xf32, #tpu.memory_space<hbm>>
      %dma_wait3A_121 = arith.constant 0 : i32
      %dma_wait3A_122 = tpu.memref_slice %arg10[%add3A_103, %dma_wait3A_121] : memref<10240x16xf32, #tpu.memory_space<vmem_shared>> -> memref<128x16xf32, #tpu.memory_space<vmem_shared>>
      tpu.wait_dma2 semaphore(%run_scoped3A_112 : memref<!tpu.dma_semaphore, #tpu.memory_space<semaphore_mem>>) src(%dma_wait3A_122 : memref<128x16xf32, #tpu.memory_space<vmem_shared>>) dst(%dma_wait3A_120 : memref<128x16xf32, #tpu.memory_space<hbm>>)
      tpu.yield
    }) : () -> ()
    %mul3A_104 = arith.constant 640 : i32
    %mul3A_105 = arith.muli %arg1, %mul3A_104 : i32
    %add3A_106 = arith.constant 384 : i32
    %add3A_107 = arith.addi %mul3A_105, %add3A_106 : i32
    "tpu.region"() ({
      %run_scoped3A_112 = tpu.sem_alloc : memref<!tpu.dma_semaphore, #tpu.memory_space<semaphore_mem>>
      %dma_start3A_113 = arith.constant 0 : i32
      %dma_start3A_114 = tpu.memref_slice %arg5[%arg0, %add3A_107, %dma_start3A_113] : memref<2x10240x16xf32, #tpu.memory_space<hbm>> -> memref<1x128x16xf32, #tpu.memory_space<hbm>>
      %dma_start3A_115 = tpu.memref_squeeze %dma_start3A_114 : memref<1x128x16xf32, #tpu.memory_space<hbm>> -> memref<128x16xf32, #tpu.memory_space<hbm>>
      %dma_start3A_116 = arith.constant 0 : i32
      %dma_start3A_117 = tpu.memref_slice %arg10[%add3A_107, %dma_start3A_116] : memref<10240x16xf32, #tpu.memory_space<vmem_shared>> -> memref<128x16xf32, #tpu.memory_space<vmem_shared>>
      tpu.enqueue_dma source(%dma_start3A_117 : memref<128x16xf32, #tpu.memory_space<vmem_shared>>) target(%dma_start3A_115 : memref<128x16xf32, #tpu.memory_space<hbm>>) target_semaphore(%run_scoped3A_112 : memref<!tpu.dma_semaphore, #tpu.memory_space<semaphore_mem>>)
      %dma_wait3A_118 = arith.constant 0 : i32
      %dma_wait3A_119 = tpu.memref_slice %arg5[%arg0, %add3A_107, %dma_wait3A_118] : memref<2x10240x16xf32, #tpu.memory_space<hbm>> -> memref<1x128x16xf32, #tpu.memory_space<hbm>>
      %dma_wait3A_120 = tpu.memref_squeeze %dma_wait3A_119 : memref<1x128x16xf32, #tpu.memory_space<hbm>> -> memref<128x16xf32, #tpu.memory_space<hbm>>
      %dma_wait3A_121 = arith.constant 0 : i32
      %dma_wait3A_122 = tpu.memref_slice %arg10[%add3A_107, %dma_wait3A_121] : memref<10240x16xf32, #tpu.memory_space<vmem_shared>> -> memref<128x16xf32, #tpu.memory_space<vmem_shared>>
      tpu.wait_dma2 semaphore(%run_scoped3A_112 : memref<!tpu.dma_semaphore, #tpu.memory_space<semaphore_mem>>) src(%dma_wait3A_122 : memref<128x16xf32, #tpu.memory_space<vmem_shared>>) dst(%dma_wait3A_120 : memref<128x16xf32, #tpu.memory_space<hbm>>)
      tpu.yield
    }) : () -> ()
    %mul3A_108 = arith.constant 640 : i32
    %mul3A_109 = arith.muli %arg1, %mul3A_108 : i32
    %add3A_110 = arith.constant 512 : i32
    %add3A_111 = arith.addi %mul3A_109, %add3A_110 : i32
    "tpu.region"() ({
      %run_scoped3A_112 = tpu.sem_alloc : memref<!tpu.dma_semaphore, #tpu.memory_space<semaphore_mem>>
      %dma_start3A_113 = arith.constant 0 : i32
      %dma_start3A_114 = tpu.memref_slice %arg5[%arg0, %add3A_111, %dma_start3A_113] : memref<2x10240x16xf32, #tpu.memory_space<hbm>> -> memref<1x128x16xf32, #tpu.memory_space<hbm>>
      %dma_start3A_115 = tpu.memref_squeeze %dma_start3A_114 : memref<1x128x16xf32, #tpu.memory_space<hbm>> -> memref<128x16xf32, #tpu.memory_space<hbm>>
      %dma_start3A_116 = arith.constant 0 : i32
      %dma_start3A_117 = tpu.memref_slice %arg10[%add3A_111, %dma_start3A_116] : memref<10240x16xf32, #tpu.memory_space<vmem_shared>> -> memref<128x16xf32, #tpu.memory_space<vmem_shared>>
      tpu.enqueue_dma source(%dma_start3A_117 : memref<128x16xf32, #tpu.memory_space<vmem_shared>>) target(%dma_start3A_115 : memref<128x16xf32, #tpu.memory_space<hbm>>) target_semaphore(%run_scoped3A_112 : memref<!tpu.dma_semaphore, #tpu.memory_space<semaphore_mem>>)
      %dma_wait3A_118 = arith.constant 0 : i32
      %dma_wait3A_119 = tpu.memref_slice %arg5[%arg0, %add3A_111, %dma_wait3A_118] : memref<2x10240x16xf32, #tpu.memory_space<hbm>> -> memref<1x128x16xf32, #tpu.memory_space<hbm>>
      %dma_wait3A_120 = tpu.memref_squeeze %dma_wait3A_119 : memref<1x128x16xf32, #tpu.memory_space<hbm>> -> memref<128x16xf32, #tpu.memory_space<hbm>>
      %dma_wait3A_121 = arith.constant 0 : i32
      %dma_wait3A_122 = tpu.memref_slice %arg10[%add3A_111, %dma_wait3A_121] : memref<10240x16xf32, #tpu.memory_space<vmem_shared>> -> memref<128x16xf32, #tpu.memory_space<vmem_shared>>
      tpu.wait_dma2 semaphore(%run_scoped3A_112 : memref<!tpu.dma_semaphore, #tpu.memory_space<semaphore_mem>>) src(%dma_wait3A_122 : memref<128x16xf32, #tpu.memory_space<vmem_shared>>) dst(%dma_wait3A_120 : memref<128x16xf32, #tpu.memory_space<hbm>>)
      tpu.yield
    }) : () -> ()
    return
  }
}

module attributes {stable_mosaic.version = 14 : i64} {
  func.func @_prep0_body(%arg0: i32, %arg1: memref<1024x128xf32, #tpu.memory_space<vmem>>, %arg2: memref<128x128xf32, #tpu.memory_space<vmem>>, %arg3: memref<128x128xf32, #tpu.memory_space<vmem>>, %arg4: memref<128x8xf32, #tpu.memory_space<vmem>>, %arg5: memref<1x128xf32, #tpu.memory_space<vmem>>, %arg6: memref<1024x80xf32, #tpu.memory_space<vmem>>, %arg7: memref<1024x80xf32, #tpu.memory_space<vmem>>, %arg8: memref<1024x16xf32, #tpu.memory_space<vmem>>, %arg9: memref<1024x128xf32, #tpu.memory_space<vmem>>) attributes {dimension_semantics = [#tpu.dimension_semantics<arbitrary>], iteration_bounds = array<i64: 10>, scalar_prefetch = 0 : i64, scratch_operands = 0 : i64, tpu.core_type = #tpu.core_type<tc>, window_params = [{transform_indices = @transform_0, window_bounds = array<i64: 1024, 128>}, {pipeline_mode = #tpu.pipeline_mode<synchronous>, transform_indices = @transform_1, window_bounds = array<i64: 128, 128>}, {pipeline_mode = #tpu.pipeline_mode<synchronous>, transform_indices = @transform_2, window_bounds = array<i64: 128, 128>}, {pipeline_mode = #tpu.pipeline_mode<synchronous>, transform_indices = @transform_3, window_bounds = array<i64: 128, 8>}, {pipeline_mode = #tpu.pipeline_mode<synchronous>, transform_indices = @transform_4, window_bounds = array<i64: 1, 128>}, {transform_indices = @transform_5, window_bounds = array<i64: 1024, 80>}, {transform_indices = @transform_6, window_bounds = array<i64: 1024, 80>}, {transform_indices = @transform_7, window_bounds = array<i64: 1024, 16>}, {transform_indices = @transform_8, window_bounds = array<i64: 1024, 128>}]} {
    %get3A = arith.constant 0 : index
    %get3A_0 = arith.constant 0 : index
    %get3A_1 = vector.load %arg1[%get3A, %get3A_0] : memref<1024x128xf32, #tpu.memory_space<vmem>>, vector<1024x128xf32>
    %get3A_2 = arith.constant 0 : index
    %get3A_3 = arith.constant 0 : index
    %get3A_4 = vector.load %arg2[%get3A_2, %get3A_3] : memref<128x128xf32, #tpu.memory_space<vmem>>, vector<128x128xf32>
    %dot_general3A = arith.constant dense<0.000000e+00> : vector<1024x128xf32>
    %dot_general3A_5 = tpu.matmul %get3A_1, %get3A_4, %dot_general3A {dimension_numbers = #tpu.dot_dimension_numbers<[1], [0], [0], [1], [0, 0, 1, 1], [], []>, transpose_lhs_hint = false} : vector<1024x128xf32>, vector<128x128xf32>, vector<1024x128xf32> -> vector<1024x128xf32>
    %get3A_6 = arith.constant 0 : index
    %get3A_7 = arith.constant 0 : index
    %get3A_8 = vector.load %arg4[%get3A_6, %get3A_7] : memref<128x8xf32, #tpu.memory_space<vmem>>, vector<128x8xf32>
    %dot_general3A_9 = arith.constant dense<0.000000e+00> : vector<1024x8xf32>
    %dot_general3A_10 = tpu.matmul %dot_general3A_5, %get3A_8, %dot_general3A_9 {dimension_numbers = #tpu.dot_dimension_numbers<[1], [0], [0], [1], [0, 0, 1, 1], [], []>, transpose_lhs_hint = false} : vector<1024x128xf32>, vector<128x8xf32>, vector<1024x8xf32> -> vector<1024x8xf32>
    %broadcast_in_dim3A = arith.constant 0.000000e+00 : f32
    %broadcast_in_dim3A_11 = vector.broadcast %broadcast_in_dim3A : f32 to vector<1024x14xf32>
    %slice3A = vector.extract_strided_slice %dot_general3A_5 {offsets = [0, 0], sizes = [1024, 64], strides = [1, 1]} : vector<1024x128xf32> to vector<1024x64xf32>
    %slice3A_12 = vector.extract_strided_slice %dot_general3A_10 {offsets = [0, 0], sizes = [1024, 2], strides = [1, 1]} : vector<1024x8xf32> to vector<1024x2xf32>
    %concatenate3A = tpu.concatenate %slice3A, %slice3A_12, %broadcast_in_dim3A_11 in 1 : vector<1024x64xf32>, vector<1024x2xf32>, vector<1024x14xf32> -> vector<1024x80xf32>
    %swap3A = arith.constant 0 : index
    %swap3A_13 = arith.constant 0 : index
    %swap3A_14 = vector.load %arg6[%swap3A, %swap3A_13] : memref<1024x80xf32, #tpu.memory_space<vmem>>, vector<1024x80xf32>
    tpu.vector_store %arg6[%swap3A, %swap3A_13], %concatenate3A {strides = array<i32>} : memref<1024x80xf32, #tpu.memory_space<vmem>>, vector<1024x80xf32>,
    %slice3A_15 = vector.extract_strided_slice %dot_general3A_5 {offsets = [0, 64], sizes = [1024, 64], strides = [1, 1]} : vector<1024x128xf32> to vector<1024x64xf32>
    %slice3A_16 = vector.extract_strided_slice %dot_general3A_10 {offsets = [0, 2], sizes = [1024, 2], strides = [1, 1]} : vector<1024x8xf32> to vector<1024x2xf32>
    %concatenate3A_17 = tpu.concatenate %slice3A_15, %slice3A_16, %broadcast_in_dim3A_11 in 1 : vector<1024x64xf32>, vector<1024x2xf32>, vector<1024x14xf32> -> vector<1024x80xf32>
    %swap3A_18 = arith.constant 0 : index
    %swap3A_19 = arith.constant 0 : index
    %swap3A_20 = vector.load %arg7[%swap3A_18, %swap3A_19] : memref<1024x80xf32, #tpu.memory_space<vmem>>, vector<1024x80xf32>
    tpu.vector_store %arg7[%swap3A_18, %swap3A_19], %concatenate3A_17 {strides = array<i32>} : memref<1024x80xf32, #tpu.memory_space<vmem>>, vector<1024x80xf32>,
    %slice3A_21 = vector.extract_strided_slice %dot_general3A_10 {offsets = [0, 4], sizes = [1024, 4], strides = [1, 1]} : vector<1024x8xf32> to vector<1024x4xf32>
    %slice3A_22 = vector.extract_strided_slice %broadcast_in_dim3A_11 {offsets = [0, 0], sizes = [1024, 12], strides = [1, 1]} : vector<1024x14xf32> to vector<1024x12xf32>
    %concatenate3A_23 = tpu.concatenate %slice3A_21, %slice3A_22 in 1 : vector<1024x4xf32>, vector<1024x12xf32> -> vector<1024x16xf32>
    %swap3A_24 = arith.constant 0 : index
    %swap3A_25 = arith.constant 0 : index
    %swap3A_26 = vector.load %arg8[%swap3A_24, %swap3A_25] : memref<1024x16xf32, #tpu.memory_space<vmem>>, vector<1024x16xf32>
    tpu.vector_store %arg8[%swap3A_24, %swap3A_25], %concatenate3A_23 {strides = array<i32>} : memref<1024x16xf32, #tpu.memory_space<vmem>>, vector<1024x16xf32>,
    %get3A_27 = arith.constant 0 : index
    %get3A_28 = arith.constant 0 : index
    %get3A_29 = vector.load %arg3[%get3A_27, %get3A_28] : memref<128x128xf32, #tpu.memory_space<vmem>>, vector<128x128xf32>
    %dot_general3A_30 = arith.constant dense<0.000000e+00> : vector<1024x128xf32>
    %dot_general3A_31 = tpu.matmul %get3A_1, %get3A_29, %dot_general3A_30 {dimension_numbers = #tpu.dot_dimension_numbers<[1], [0], [0], [1], [0, 0, 1, 1], [], []>, transpose_lhs_hint = false} : vector<1024x128xf32>, vector<128x128xf32>, vector<1024x128xf32> -> vector<1024x128xf32>
    %get3A_32 = arith.constant 0 : index
    %get3A_33 = arith.constant 0 : index
    %get3A_34 = vector.load %arg5[%get3A_32, %get3A_33] : memref<1x128xf32, #tpu.memory_space<vmem>>, vector<1x128xf32>
    %add3A = vector.broadcast %get3A_34 : vector<1x128xf32> to vector<1024x128xf32>
    %add3A_35 = arith.addf %dot_general3A_31, %add3A : vector<1024x128xf32>
    %swap3A_36 = arith.constant 0 : index
    %swap3A_37 = arith.constant 0 : index
    %swap3A_38 = vector.load %arg9[%swap3A_36, %swap3A_37] : memref<1024x128xf32, #tpu.memory_space<vmem>>, vector<1024x128xf32>
    tpu.vector_store %arg9[%swap3A_36, %swap3A_37], %add3A_35 {strides = array<i32>} : memref<1024x128xf32, #tpu.memory_space<vmem>>, vector<1024x128xf32>,
    return
  }
  func.func @transform_0(%arg0: i32) -> (i32, i32) {
    %c0_i32 = arith.constant 0 : i32
    %c0_i32_0 = arith.constant 0 : i32
    return %arg0, %c0_i32 : i32, i32
  }
  func.func @transform_1(%arg0: i32) -> (i32, i32) {
    %c0_i32 = arith.constant 0 : i32
    %c0_i32_0 = arith.constant 0 : i32
    %c0_i32_1 = arith.constant 0 : i32
    return %c0_i32, %c0_i32_0 : i32, i32
  }
  func.func @transform_2(%arg0: i32) -> (i32, i32) {
    %c0_i32 = arith.constant 0 : i32
    %c0_i32_0 = arith.constant 0 : i32
    %c0_i32_1 = arith.constant 0 : i32
    return %c0_i32, %c0_i32_0 : i32, i32
  }
  func.func @transform_3(%arg0: i32) -> (i32, i32) {
    %c0_i32 = arith.constant 0 : i32
    %c0_i32_0 = arith.constant 0 : i32
    %c0_i32_1 = arith.constant 0 : i32
    return %c0_i32, %c0_i32_0 : i32, i32
  }
  func.func @transform_4(%arg0: i32) -> (i32, i32) {
    %c0_i32 = arith.constant 0 : i32
    %c0_i32_0 = arith.constant 0 : i32
    %c0_i32_1 = arith.constant 0 : i32
    return %c0_i32, %c0_i32_0 : i32, i32
  }
  func.func @transform_5(%arg0: i32) -> (i32, i32) {
    %c0_i32 = arith.constant 0 : i32
    %c0_i32_0 = arith.constant 0 : i32
    return %arg0, %c0_i32 : i32, i32
  }
  func.func @transform_6(%arg0: i32) -> (i32, i32) {
    %c0_i32 = arith.constant 0 : i32
    %c0_i32_0 = arith.constant 0 : i32
    return %arg0, %c0_i32 : i32, i32
  }
  func.func @transform_7(%arg0: i32) -> (i32, i32) {
    %c0_i32 = arith.constant 0 : i32
    %c0_i32_0 = arith.constant 0 : i32
    return %arg0, %c0_i32 : i32, i32
  }
  func.func @transform_8(%arg0: i32) -> (i32, i32) {
    %c0_i32 = arith.constant 0 : i32
    %c0_i32_0 = arith.constant 0 : i32
    return %arg0, %c0_i32 : i32, i32
  }
}

module attributes {stable_mosaic.version = 14 : i64} {
  func.func @_comb0_body(%arg0: i32, %arg1: memref<1024x80xf32, #tpu.memory_space<vmem>>, %arg2: memref<1024x80xf32, #tpu.memory_space<vmem>>, %arg3: memref<1024x80xf32, #tpu.memory_space<vmem>>, %arg4: memref<1024x80xf32, #tpu.memory_space<vmem>>, %arg5: memref<1024x16xf32, #tpu.memory_space<vmem>>, %arg6: memref<1024x128xf32, #tpu.memory_space<vmem>>, %arg7: memref<4x128xf32, #tpu.memory_space<vmem>>, %arg8: memref<1x8xf32, #tpu.memory_space<vmem>>, %arg9: memref<128x8xf32, #tpu.memory_space<vmem>>, %arg10: memref<1x8xf32, #tpu.memory_space<vmem>>, %arg11: memref<1024x16xf32, #tpu.memory_space<vmem>>) attributes {dimension_semantics = [#tpu.dimension_semantics<arbitrary>], iteration_bounds = array<i64: 10>, scalar_prefetch = 0 : i64, scratch_operands = 0 : i64, tpu.core_type = #tpu.core_type<tc>, window_params = [{transform_indices = @transform_0, window_bounds = array<i64: 1024, 80>}, {transform_indices = @transform_1, window_bounds = array<i64: 1024, 80>}, {transform_indices = @transform_2, window_bounds = array<i64: 1024, 80>}, {transform_indices = @transform_3, window_bounds = array<i64: 1024, 80>}, {transform_indices = @transform_4, window_bounds = array<i64: 1024, 16>}, {transform_indices = @transform_5, window_bounds = array<i64: 1024, 128>}, {pipeline_mode = #tpu.pipeline_mode<synchronous>, transform_indices = @transform_6, window_bounds = array<i64: 4, 128>}, {pipeline_mode = #tpu.pipeline_mode<synchronous>, transform_indices = @transform_7, window_bounds = array<i64: 1, 8>}, {pipeline_mode = #tpu.pipeline_mode<synchronous>, transform_indices = @transform_8, window_bounds = array<i64: 128, 8>}, {pipeline_mode = #tpu.pipeline_mode<synchronous>, transform_indices = @transform_9, window_bounds = array<i64: 1, 8>}, {transform_indices = @transform_10, window_bounds = array<i64: 1024, 16>}]} {
    %get3A = arith.constant 0 : index
    %get3A_0 = arith.constant 0 : index
    %get3A_1 = vector.load %arg1[%get3A, %get3A_0] : memref<1024x80xf32, #tpu.memory_space<vmem>>, vector<1024x80xf32>
    %get3A_2 = arith.constant 0 : index
    %get3A_3 = arith.constant 0 : index
    %get3A_4 = vector.load %arg2[%get3A_2, %get3A_3] : memref<1024x80xf32, #tpu.memory_space<vmem>>, vector<1024x80xf32>
    %get3A_5 = arith.constant 0 : index
    %get3A_6 = arith.constant 0 : index
    %get3A_7 = vector.load %arg3[%get3A_5, %get3A_6] : memref<1024x80xf32, #tpu.memory_space<vmem>>, vector<1024x80xf32>
    %slice3A = vector.extract_strided_slice %get3A_7 {offsets = [0, 0], sizes = [1024, 64], strides = [1, 1]} : vector<1024x80xf32> to vector<1024x64xf32>
    %get3A_8 = arith.constant 0 : index
    %get3A_9 = arith.constant 0 : index
    %get3A_10 = vector.load %arg4[%get3A_8, %get3A_9] : memref<1024x80xf32, #tpu.memory_space<vmem>>, vector<1024x80xf32>
    %slice3A_11 = vector.extract_strided_slice %get3A_10 {offsets = [0, 0], sizes = [1024, 64], strides = [1, 1]} : vector<1024x80xf32> to vector<1024x64xf32>
    %concatenate3A = tpu.concatenate %slice3A, %slice3A_11 in 1 : vector<1024x64xf32>, vector<1024x64xf32> -> vector<1024x128xf32>
    %get3A_12 = arith.constant 0 : index
    %get3A_13 = arith.constant 0 : index
    %get3A_14 = vector.load %arg3[%get3A_12, %get3A_13] : memref<1024x80xf32, #tpu.memory_space<vmem>>, vector<1024x80xf32>
    %slice3A_15 = vector.extract_strided_slice %get3A_14 {offsets = [0, 64], sizes = [1024, 2], strides = [1, 1]} : vector<1024x80xf32> to vector<1024x2xf32>
    %get3A_16 = arith.constant 0 : index
    %get3A_17 = arith.constant 0 : index
    %get3A_18 = vector.load %arg4[%get3A_16, %get3A_17] : memref<1024x80xf32, #tpu.memory_space<vmem>>, vector<1024x80xf32>
    %slice3A_19 = vector.extract_strided_slice %get3A_18 {offsets = [0, 64], sizes = [1024, 2], strides = [1, 1]} : vector<1024x80xf32> to vector<1024x2xf32>
    %concatenate3A_20 = tpu.concatenate %slice3A_15, %slice3A_19 in 1 : vector<1024x2xf32>, vector<1024x2xf32> -> vector<1024x4xf32>
    %get3A_21 = arith.constant 0 : index
    %get3A_22 = arith.constant 0 : index
    %get3A_23 = vector.load %arg5[%get3A_21, %get3A_22] : memref<1024x16xf32, #tpu.memory_space<vmem>>, vector<1024x16xf32>
    %slice3A_24 = vector.extract_strided_slice %get3A_23 {offsets = [0, 0], sizes = [1024, 4], strides = [1, 1]} : vector<1024x16xf32> to vector<1024x4xf32>
    %add3A = arith.addf %concatenate3A_20, %slice3A_24 : vector<1024x4xf32>
    %gt3A = arith.constant 0.000000e+00 : f32
    %gt3A_25 = vector.broadcast %gt3A : f32 to vector<1024x4xf32>
    %gt3A_26 = arith.cmpf ogt, %add3A, %gt3A_25 : vector<1024x4xf32>
    %mul3A = arith.constant 2.000000e-01 : f32
    %mul3A_27 = vector.broadcast %mul3A : f32 to vector<1024x4xf32>
    %mul3A_28 = arith.mulf %mul3A_27, %add3A : vector<1024x4xf32>
    %select_n3A = arith.select %gt3A_26, %add3A, %mul3A_28 : vector<1024x4xi1>, vector<1024x4xf32>
    %exp3A = math.exp %select_n3A : vector<1024x4xf32>
    %get3A_29 = arith.constant 0 : index
    %get3A_30 = arith.constant 0 : index
    %get3A_31 = vector.load %arg7[%get3A_29, %get3A_30] : memref<4x128xf32, #tpu.memory_space<vmem>>, vector<4x128xf32>
    %slice3A_32 = vector.extract_strided_slice %get3A_1 {offsets = [0, 0], sizes = [1024, 64], strides = [1, 1]} : vector<1024x80xf32> to vector<1024x64xf32>
    %slice3A_33 = vector.extract_strided_slice %get3A_4 {offsets = [0, 0], sizes = [1024, 64], strides = [1, 1]} : vector<1024x80xf32> to vector<1024x64xf32>
    %concatenate3A_34 = tpu.concatenate %slice3A_32, %slice3A_33 in 1 : vector<1024x64xf32>, vector<1024x64xf32> -> vector<1024x128xf32>
    %dot_general3A = arith.constant dense<0.000000e+00> : vector<1024x128xf32>
    %dot_general3A_35 = tpu.matmul %exp3A, %get3A_31, %dot_general3A {dimension_numbers = #tpu.dot_dimension_numbers<[1], [0], [0], [1], [0, 0, 1, 1], [], []>, transpose_lhs_hint = false} : vector<1024x4xf32>, vector<4x128xf32>, vector<1024x128xf32> -> vector<1024x128xf32>
    %mul3A_36 = arith.mulf %dot_general3A_35, %concatenate3A : vector<1024x128xf32>
    %add3A_37 = arith.addf %concatenate3A_34, %mul3A_36 : vector<1024x128xf32>
    %slice3A_38 = vector.extract_strided_slice %get3A_1 {offsets = [0, 64], sizes = [1024, 2], strides = [1, 1]} : vector<1024x80xf32> to vector<1024x2xf32>
    %slice3A_39 = vector.extract_strided_slice %get3A_4 {offsets = [0, 64], sizes = [1024, 2], strides = [1, 1]} : vector<1024x80xf32> to vector<1024x2xf32>
    %concatenate3A_40 = tpu.concatenate %slice3A_38, %slice3A_39 in 1 : vector<1024x2xf32>, vector<1024x2xf32> -> vector<1024x4xf32>
    %add3A_41 = arith.addf %concatenate3A_40, %exp3A : vector<1024x4xf32>
    %dot_general3A_42 = arith.constant dense<0.000000e+00> : vector<1024x128xf32>
    %dot_general3A_43 = tpu.matmul %add3A_41, %get3A_31, %dot_general3A_42 {dimension_numbers = #tpu.dot_dimension_numbers<[1], [0], [0], [1], [0, 0, 1, 1], [], []>, transpose_lhs_hint = false} : vector<1024x4xf32>, vector<4x128xf32>, vector<1024x128xf32> -> vector<1024x128xf32>
    %add3A_44 = arith.constant 1.000000e-16 : f32
    %add3A_45 = vector.broadcast %add3A_44 : f32 to vector<1024x128xf32>
    %add3A_46 = arith.addf %dot_general3A_43, %add3A_45 : vector<1024x128xf32>
    %div3A = arith.divf %add3A_37, %add3A_46 : vector<1024x128xf32>
    %get3A_47 = arith.constant 0 : index
    %get3A_48 = arith.constant 0 : index
    %get3A_49 = vector.load %arg6[%get3A_47, %get3A_48] : memref<1024x128xf32, #tpu.memory_space<vmem>>, vector<1024x128xf32>
    %add3A_50 = arith.addf %div3A, %get3A_49 : vector<1024x128xf32>
    %gt3A_51 = arith.constant 0.000000e+00 : f32
    %gt3A_52 = vector.broadcast %gt3A_51 : f32 to vector<1024x128xf32>
    %gt3A_53 = arith.cmpf ogt, %add3A_50, %gt3A_52 : vector<1024x128xf32>
    %min3A = arith.constant 0.000000e+00 : f32
    %min3A_54 = vector.broadcast %min3A : f32 to vector<1024x128xf32>
    %min3A_55 = arith.minimumf %add3A_50, %min3A_54 : vector<1024x128xf32>
    %exp3A_56 = math.exp %min3A_55 : vector<1024x128xf32>
    %sub3A = arith.constant 1.000000e+00 : f32
    %sub3A_57 = vector.broadcast %sub3A : f32 to vector<1024x128xf32>
    %sub3A_58 = arith.subf %exp3A_56, %sub3A_57 : vector<1024x128xf32>
    %select_n3A_59 = arith.select %gt3A_53, %add3A_50, %sub3A_58 : vector<1024x128xi1>, vector<1024x128xf32>
    %get3A_60 = arith.constant 0 : index
    %get3A_61 = arith.constant 0 : index
    %get3A_62 = vector.load %arg9[%get3A_60, %get3A_61] : memref<128x8xf32, #tpu.memory_space<vmem>>, vector<128x8xf32>
    %dot_general3A_63 = arith.constant dense<0.000000e+00> : vector<1024x8xf32>
    %dot_general3A_64 = tpu.matmul %select_n3A_59, %get3A_62, %dot_general3A_63 {dimension_numbers = #tpu.dot_dimension_numbers<[1], [0], [0], [1], [0, 0, 1, 1], [], []>, transpose_lhs_hint = false} : vector<1024x128xf32>, vector<128x8xf32>, vector<1024x8xf32> -> vector<1024x8xf32>
    %get3A_65 = arith.constant 0 : index
    %get3A_66 = arith.constant 0 : index
    %get3A_67 = vector.load %arg10[%get3A_65, %get3A_66] : memref<1x8xf32, #tpu.memory_space<vmem>>, vector<1x8xf32>
    %add3A_68 = vector.broadcast %get3A_67 : vector<1x8xf32> to vector<1024x8xf32>
    %add3A_69 = arith.addf %dot_general3A_64, %add3A_68 : vector<1024x8xf32>
    %slice3A_70 = vector.extract_strided_slice %add3A_69 {offsets = [0, 0], sizes = [1024, 4], strides = [1, 1]} : vector<1024x8xf32> to vector<1024x4xf32>
    %get3A_71 = arith.constant 0 : index
    %get3A_72 = arith.constant 0 : index
    %get3A_73 = vector.load %arg8[%get3A_71, %get3A_72] : memref<1x8xf32, #tpu.memory_space<vmem>>, vector<1x8xf32>
    %broadcast_in_dim3A = arith.constant 0.000000e+00 : f32
    %broadcast_in_dim3A_74 = vector.broadcast %broadcast_in_dim3A : f32 to vector<1024x3xf32>
    %slice3A_75 = vector.extract_strided_slice %get3A_73 {offsets = [0, 0], sizes = [1, 4], strides = [1, 1]} : vector<1x8xf32> to vector<1x4xf32>
    %mul3A_76 = vector.broadcast %slice3A_75 : vector<1x4xf32> to vector<1024x4xf32>
    %mul3A_77 = arith.mulf %slice3A_70, %mul3A_76 : vector<1024x4xf32>
    %slice3A_78 = vector.extract_strided_slice %get3A_73 {offsets = [0, 4], sizes = [1, 4], strides = [1, 1]} : vector<1x8xf32> to vector<1x4xf32>
    %mul3A_79 = vector.broadcast %slice3A_78 : vector<1x4xf32> to vector<1024x4xf32>
    %mul3A_80 = arith.mulf %slice3A_70, %mul3A_79 : vector<1024x4xf32>
    %slice3A_81 = vector.extract_strided_slice %add3A_69 {offsets = [0, 4], sizes = [1024, 1], strides = [1, 1]} : vector<1024x8xf32> to vector<1024x1xf32>
    %concatenate3A_82 = tpu.concatenate %slice3A_70, %mul3A_77, %mul3A_80, %slice3A_81, %broadcast_in_dim3A_74 in 1 : vector<1024x4xf32>, vector<1024x4xf32>, vector<1024x4xf32>, vector<1024x1xf32>, vector<1024x3xf32> -> vector<1024x16xf32>
    %swap3A = arith.constant 0 : index
    %swap3A_83 = arith.constant 0 : index
    %swap3A_84 = vector.load %arg11[%swap3A, %swap3A_83] : memref<1024x16xf32, #tpu.memory_space<vmem>>, vector<1024x16xf32>
    tpu.vector_store %arg11[%swap3A, %swap3A_83], %concatenate3A_82 {strides = array<i32>} : memref<1024x16xf32, #tpu.memory_space<vmem>>, vector<1024x16xf32>,
    return
  }
  func.func @transform_0(%arg0: i32) -> (i32, i32) {
    %c0_i32 = arith.constant 0 : i32
    %c0_i32_0 = arith.constant 0 : i32
    return %arg0, %c0_i32 : i32, i32
  }
  func.func @transform_1(%arg0: i32) -> (i32, i32) {
    %c0_i32 = arith.constant 0 : i32
    %c0_i32_0 = arith.constant 0 : i32
    return %arg0, %c0_i32 : i32, i32
  }
  func.func @transform_2(%arg0: i32) -> (i32, i32) {
    %c0_i32 = arith.constant 0 : i32
    %c0_i32_0 = arith.constant 0 : i32
    return %arg0, %c0_i32 : i32, i32
  }
  func.func @transform_3(%arg0: i32) -> (i32, i32) {
    %c0_i32 = arith.constant 0 : i32
    %c0_i32_0 = arith.constant 0 : i32
    return %arg0, %c0_i32 : i32, i32
  }
  func.func @transform_4(%arg0: i32) -> (i32, i32) {
    %c0_i32 = arith.constant 0 : i32
    %c0_i32_0 = arith.constant 0 : i32
    return %arg0, %c0_i32 : i32, i32
  }
  func.func @transform_5(%arg0: i32) -> (i32, i32) {
    %c0_i32 = arith.constant 0 : i32
    %c0_i32_0 = arith.constant 0 : i32
    return %arg0, %c0_i32 : i32, i32
  }
  func.func @transform_6(%arg0: i32) -> (i32, i32) {
    %c0_i32 = arith.constant 0 : i32
    %c0_i32_0 = arith.constant 0 : i32
    %c0_i32_1 = arith.constant 0 : i32
    return %c0_i32, %c0_i32_0 : i32, i32
  }
  func.func @transform_7(%arg0: i32) -> (i32, i32) {
    %c0_i32 = arith.constant 0 : i32
    %c0_i32_0 = arith.constant 0 : i32
    %c0_i32_1 = arith.constant 0 : i32
    return %c0_i32, %c0_i32_0 : i32, i32
  }
  func.func @transform_8(%arg0: i32) -> (i32, i32) {
    %c0_i32 = arith.constant 0 : i32
    %c0_i32_0 = arith.constant 0 : i32
    %c0_i32_1 = arith.constant 0 : i32
    return %c0_i32, %c0_i32_0 : i32, i32
  }
  func.func @transform_9(%arg0: i32) -> (i32, i32) {
    %c0_i32 = arith.constant 0 : i32
    %c0_i32_0 = arith.constant 0 : i32
    %c0_i32_1 = arith.constant 0 : i32
    return %c0_i32, %c0_i32_0 : i32, i32
  }
  func.func @transform_10(%arg0: i32) -> (i32, i32) {
    %c0_i32 = arith.constant 0 : i32
    %c0_i32_0 = arith.constant 0 : i32
    return %arg0, %c0_i32 : i32, i32
  }
}

module attributes {stable_mosaic.version = 14 : i64} {
  func.func @_final_body(%arg0: i32, %arg1: memref<512x16xf32, #tpu.memory_space<vmem>>, %arg2: memref<512x16xf32, #tpu.memory_space<vmem>>, %arg3: memref<512x16xf32, #tpu.memory_space<vmem>>, %arg4: memref<512x1xf32, #tpu.memory_space<vmem>>) attributes {dimension_semantics = [#tpu.dimension_semantics<arbitrary>], iteration_bounds = array<i64: 20>, scalar_prefetch = 0 : i64, scratch_operands = 0 : i64, tpu.core_type = #tpu.core_type<tc>, window_params = [{transform_indices = @transform_0, window_bounds = array<i64: 512, 16>}, {transform_indices = @transform_1, window_bounds = array<i64: 512, 16>}, {transform_indices = @transform_2, window_bounds = array<i64: 512, 16>}, {transform_indices = @transform_3, window_bounds = array<i64: 512, 1>}]} {
    %get3A = arith.constant 0 : index
    %get3A_0 = arith.constant 0 : index
    %get3A_1 = vector.load %arg3[%get3A, %get3A_0] : memref<512x16xf32, #tpu.memory_space<vmem>>, vector<512x16xf32>
    %slice3A = vector.extract_strided_slice %get3A_1 {offsets = [0, 0], sizes = [512, 4], strides = [1, 1]} : vector<512x16xf32> to vector<512x4xf32>
    %slice3A_2 = vector.extract_strided_slice %get3A_1 {offsets = [0, 4], sizes = [512, 4], strides = [1, 1]} : vector<512x16xf32> to vector<512x4xf32>
    %slice3A_3 = vector.extract_strided_slice %get3A_1 {offsets = [0, 8], sizes = [512, 4], strides = [1, 1]} : vector<512x16xf32> to vector<512x4xf32>
    %add3A = arith.addf %slice3A_2, %slice3A_3 : vector<512x4xf32>
    %gt3A = arith.constant 0.000000e+00 : f32
    %gt3A_4 = vector.broadcast %gt3A : f32 to vector<512x4xf32>
    %gt3A_5 = arith.cmpf ogt, %add3A, %gt3A_4 : vector<512x4xf32>
    %mul3A = arith.constant 2.000000e-01 : f32
    %mul3A_6 = vector.broadcast %mul3A : f32 to vector<512x4xf32>
    %mul3A_7 = arith.mulf %mul3A_6, %add3A : vector<512x4xf32>
    %select_n3A = arith.select %gt3A_5, %add3A, %mul3A_7 : vector<512x4xi1>, vector<512x4xf32>
    %exp3A = math.exp %select_n3A : vector<512x4xf32>
    %get3A_8 = arith.constant 0 : index
    %get3A_9 = arith.constant 0 : index
    %get3A_10 = vector.load %arg1[%get3A_8, %get3A_9] : memref<512x16xf32, #tpu.memory_space<vmem>>, vector<512x16xf32>
    %get3A_11 = arith.constant 0 : index
    %get3A_12 = arith.constant 0 : index
    %get3A_13 = vector.load %arg2[%get3A_11, %get3A_12] : memref<512x16xf32, #tpu.memory_space<vmem>>, vector<512x16xf32>
    %slice3A_14 = vector.extract_strided_slice %get3A_10 {offsets = [0, 0], sizes = [512, 4], strides = [1, 1]} : vector<512x16xf32> to vector<512x4xf32>
    %slice3A_15 = vector.extract_strided_slice %get3A_13 {offsets = [0, 0], sizes = [512, 4], strides = [1, 1]} : vector<512x16xf32> to vector<512x4xf32>
    %add3A_16 = arith.addf %slice3A_14, %slice3A_15 : vector<512x4xf32>
    %mul3A_17 = arith.mulf %exp3A, %slice3A : vector<512x4xf32>
    %add3A_18 = arith.addf %add3A_16, %mul3A_17 : vector<512x4xf32>
    %slice3A_19 = vector.extract_strided_slice %get3A_10 {offsets = [0, 4], sizes = [512, 4], strides = [1, 1]} : vector<512x16xf32> to vector<512x4xf32>
    %slice3A_20 = vector.extract_strided_slice %get3A_13 {offsets = [0, 4], sizes = [512, 4], strides = [1, 1]} : vector<512x16xf32> to vector<512x4xf32>
    %add3A_21 = arith.addf %slice3A_19, %slice3A_20 : vector<512x4xf32>
    %add3A_22 = arith.addf %add3A_21, %exp3A : vector<512x4xf32>
    %add3A_23 = arith.constant 1.000000e-16 : f32
    %add3A_24 = vector.broadcast %add3A_23 : f32 to vector<512x4xf32>
    %add3A_25 = arith.addf %add3A_22, %add3A_24 : vector<512x4xf32>
    %div3A = arith.divf %add3A_18, %add3A_25 : vector<512x4xf32>
    %reduce_sum3A = arith.constant dense<0.000000e+00> : vector<512xf32>
    %reduce_sum3A_26 = vector.multi_reduction <add>, %div3A, %reduce_sum3A [1] : vector<512x4xf32> to vector<512xf32>
    %broadcast_in_dim3A = vector.shape_cast %reduce_sum3A_26 : vector<512xf32> to vector<512x1xf32>
    %div3A_27 = arith.constant 4.000000e+00 : f32
    %div3A_28 = vector.broadcast %div3A_27 : f32 to vector<512x1xf32>
    %div3A_29 = arith.divf %broadcast_in_dim3A, %div3A_28 : vector<512x1xf32>
    %slice3A_30 = vector.extract_strided_slice %get3A_1 {offsets = [0, 12], sizes = [512, 1], strides = [1, 1]} : vector<512x16xf32> to vector<512x1xf32>
    %add3A_31 = arith.addf %div3A_29, %slice3A_30 : vector<512x1xf32>
    %swap3A = arith.constant 0 : index
    %swap3A_32 = arith.constant 0 : index
    %swap3A_33 = vector.load %arg4[%swap3A, %swap3A_32] : memref<512x1xf32, #tpu.memory_space<vmem>>, vector<512x1xf32>
    tpu.vector_store %arg4[%swap3A, %swap3A_32], %add3A_31 {strides = array<i32>} : memref<512x1xf32, #tpu.memory_space<vmem>>, vector<512x1xf32>,
    return
  }
  func.func @transform_0(%arg0: i32) -> (i32, i32) {
    %c0_i32 = arith.constant 0 : i32
    %c0_i32_0 = arith.constant 0 : i32
    return %arg0, %c0_i32 : i32, i32
  }
  func.func @transform_1(%arg0: i32) -> (i32, i32) {
    %c0_i32 = arith.constant 0 : i32
    %c0_i32_0 = arith.constant 0 : i32
    return %arg0, %c0_i32 : i32, i32
  }
  func.func @transform_2(%arg0: i32) -> (i32, i32) {
    %c0_i32 = arith.constant 0 : i32
    %c0_i32_0 = arith.constant 0 : i32
    return %arg0, %c0_i32 : i32, i32
  }
  func.func @transform_3(%arg0: i32) -> (i32, i32) {
    %c0_i32 = arith.constant 0 : i32
    %c0_i32_0 = arith.constant 0 : i32
    return %arg0, %c0_i32 : i32, i32
  }
}

</mosaic_0001>

<sc_bundles>
// kernel: kernel.10.cloned.1.call-start
scs
__scs_entry_jumppad:
0x0: {  	(pc) =	sbr.rel $0x88, $3  }
0x1: {  	(tag) =	ssettag $0x0;
	lr =	simm.s32 $0x1  }
0x2: {  	[smem:$0x3F93] =	sst lr;
	_ =	strace $0xD0000000  }
0x3: {  	_ = 	snop  }
0x4: {  	_ = 	snop  }
0x5: {  	_ = 	snop  }
0x6: {  	_ = 	snop  }
0x7: {  	_ = 	snop  }
__scs_overlays_trampoline_lowered:
0x8: {  	[smem:$0x3FA2] =	sst s0  }
0x9: {  	[smem:$0x3FA3] =	sst s1  }
0xa: {  	[smem:$0x3FA4] =	sst s2  }
0xb: {  	[smem:$0x3FA5] =	sst s3  }
0xc: {  	[smem:$0x3FA6] =	sst s4  }
0xd: {  	[smem:$0x3FA7] =	sst s5  }
0xe: {  	[smem:$0x3FA8] =	sst s6  }
0xf: {  	[smem:$0x3FA9] =	sst s7  }
0x10: {  	[smem:$0x3FAA] =	sst s8  }
0x11: {  	[smem:$0x3FAB] =	sst s9;
	s0 =	simm.s32 @!p0 $0x0  }
0x12: {  	s1 =	sld [smem:$0x3F91];
	s0 =	simm.s32 @p0 $0x1  }
0x13: {  	[smem:$0x3FAC] =	sst s0;
	s0 =	simm.s32 @!p1 $0x0  }
0x14: {  	s2 =	sld [smem:$0x3F90];
	s0 =	simm.s32 @p1 $0x1  }
0x15: {  	[smem:$0x3FAD] =	sst s0;
	s0 =	simm.s32 @!p2 $0x0  }
0x16: {  	s3 =	sld [smem:$0x3FDB];
	s0 =	simm.s32 @p2 $0x1  }
0x17: {  	s4 =	simm.s32 $0x1BF5;
	[smem:$0x3FAF] =	sst s0  }
0x18: {  	s0 =	sld [smem:$0x3F92];
	_ =	swait.ge [sflag:s4], $0x0  }
0x19: {  	s7 =	sld [smem:$0x3F93]  }
0x1a: {  	s8 =	sadd.s32 $0xFFFFE003, lr  }
0x1b: {  	s9 =	sadd.s32 $0xFFFFFEF7, lr;
	s5 =	simm.s32 $0xFFFFFFFF;
	p2 =	slt.u32 s8, $0xFFFFF086  }
0x1c: {  	p1 =	slt.u32 s9, $0xF7A;
	s5 =	simm.s32 @!p2 $0x0  }
0x1d: {  	s5 =	simm.s32 @p1 $0x1;
	p0 =	seq.s32 s7, s2  }
0x1e: {  	s7 =	smul.u32 @!p0 $0xF7A, s2;
	p2 =	seq.s32 @!p0 s5, $0x0  }
0x1f: {  	s9 =	smul.u32 $0xF7A, s1;
	s8 =	simm.s32 @!p0 $0x1BF5;
	p2 =	por !p2, p0  }
0x20: {  	[sflag:s8] =	ssyncset.s32 @!p0 $0xFFFFF086;
	s6 =	sadd.s32 @!p0 s3, s7;
	s7 =	simm.s32 @!p0 $0x108  }
0x21: {  	s3 =	sadd.s32 s3, s9;
	s6 =	sadd.s32 @!p0 $0x88, s6;
	s7 =	simm.s32 @p2 $0x1082  }
0x22: {  	[simem:s7], [sflag:s8] =	dma.local @!p0 [hbm:s6], $0xF7A  }
0x23: {  	s9 =	sor.u32 $0xD0000000, s2;
	s6 =	simm.s32 $0x108;
	_ =	swait.ge @!p0 [sflag:s8], $0x0  }
0x24: {  	s3 =	sadd.s32 $0x88, s3;
	s6 =	simm.s32 @!p1 $0x1082;
	[sflag:s4] =	ssyncset.s32 $0xFFFFF086  }
0x25: {  	[simem:s6], [sflag:s4] =	dma.local [hbm:s3], $0xF7A  }
0x26: {  	[smem:$0x3F93] =	sst s1;
	(tag) =	ssettag s2;
	_ =	strace s9  }
0x27: {  	s1 =	sld [smem:$0x3FA3]  }
0x28: {  	s2 =	sld [smem:$0x3FA4]  }
0x29: {  	s4 =	sld [smem:$0x3FA6]  }
0x2a: {  	p0 =	seq.s32 s5, $0x0;
	s5 =	sld [smem:$0x3FA7]  }
0x2b: {  	s6 =	sld [smem:$0x3FA8]  }
0x2c: {  	s7 =	sld [smem:$0x3FA9]  }
0x2d: {  	s3 =	simm.s32 $0x108;
	s8 =	sld [smem:$0x3FAA]  }
0x2e: {  	s3 =	simm.s32 @!p0 $0x1082;
	s9 =	sld [smem:$0x3FAB]  }
0x2f: {  	lr =	sadd.s32 s0, s3;
	s0 =	sld [smem:$0x3FA2]  }
0x30: {  	s3 =	sld [smem:$0x3FA5]  }
0x31: {  	[smem:$0x3FAE] =	sst s10  }
0x32: {  	s10 =	sld [smem:$0x3FAC];
	_ =	sdelay $0x3  }
0x33: {  	p0 =	seq.s32 s10, $0x1;
	s10 =	sld [smem:$0x3FAE];
	_ =	sdelay $0x3  }
0x34: {  	[smem:$0x3FAE] =	sst s10  }
0x35: {  	s10 =	sld [smem:$0x3FAD];
	_ =	sdelay $0x3  }
0x36: {  	p1 =	seq.s32 s10, $0x1;
	s10 =	sld [smem:$0x3FAE];
	_ =	sdelay $0x3  }
0x37: {  	[smem:$0x3FAE] =	sst s10  }
0x38: {  	s10 =	sld [smem:$0x3FAF]  }
0x39: {  	_ = 	snop;
	(pc) =	sbr.ind lr, $3  }
0x3a: {  	_ = 	snop  }
0x3b: {  	_ = 	snop  }
0x3c: {  	p2 =	seq.s32 s10, $0x1;
	s10 =	sld [smem:$0x3FAE]  }
0x3d: {  	_ =	shalt  }
0x3e: {  	_ =	shalt  }
0x3f: {  	_ =	shalt  }
0x40: {  	_ =	shalt  }
0x41: {  	_ =	shalt  }
0x42: {  	_ =	shalt  }
0x43: {  	_ =	shalt  }
0x44: {  	_ =	shalt  }
0x45: {  	_ =	shalt  }
0x46: {  	_ =	shalt  }
0x47: {  	_ =	shalt  }
0x48: {  	_ =	shalt  }
0x49: {  	_ =	shalt  }
0x4a: {  	_ =	shalt  }
0x4b: {  	_ =	shalt  }
0x4c: {  	_ =	shalt  }
0x4d: {  	_ =	shalt  }
0x4e: {  	_ =	shalt  }
0x4f: {  	_ =	shalt  }
0x50: {  	_ =	shalt  }
0x51: {  	_ =	shalt  }
0x52: {  	_ =	shalt  }
0x53: {  	_ =	shalt  }
0x54: {  	_ =	shalt  }
0x55: {  	_ =	shalt  }
0x56: {  	_ =	shalt  }
0x57: {  	_ =	shalt  }
0x58: {  	_ =	shalt  }
0x59: {  	_ =	shalt  }
0x5a: {  	_ =	shalt  }
0x5b: {  	_ =	shalt  }
0x5c: {  	_ =	shalt  }
0x5d: {  	_ =	shalt  }
0x5e: {  	_ =	shalt  }
0x5f: {  	_ =	shalt  }
0x60: {  	_ =	shalt  }
0x61: {  	_ =	shalt  }
0x62: {  	_ =	shalt  }
0x63: {  	_ =	shalt  }
0x64: {  	_ =	shalt  }
0x65: {  	_ =	shalt  }
0x66: {  	_ =	shalt  }
0x67: {  	_ =	shalt  }
0x68: {  	_ =	shalt  }
0x69: {  	_ =	shalt  }
0x6a: {  	_ =	shalt  }
0x6b: {  	_ =	shalt  }
0x6c: {  	_ =	shalt  }
0x6d: {  	_ =	shalt  }
0x6e: {  	_ =	shalt  }
0x6f: {  	_ =	shalt  }
0x70: {  	_ =	shalt  }
0x71: {  	_ =	shalt  }
0x72: {  	_ =	shalt  }
0x73: {  	_ =	shalt  }
0x74: {  	_ =	shalt  }
0x75: {  	_ =	shalt  }
0x76: {  	_ =	shalt  }
0x77: {  	_ =	shalt  }
0x78: {  	_ =	shalt  }
0x79: {  	_ =	shalt  }
0x7a: {  	_ =	shalt  }
0x7b: {  	_ =	shalt  }
0x7c: {  	_ =	shalt  }
0x7d: {  	_ =	shalt  }
0x7e: {  	_ =	shalt  }
0x7f: {  	_ =	shalt  }
0x80: {  	_ =	shalt  }
0x81: {  	_ =	shalt  }
0x82: {  	_ =	shalt  }
0x83: {  	_ =	shalt  }
0x84: {  	_ =	shalt  }
0x85: {  	_ =	shalt  }
0x86: {  	_ =	shalt  }
0x87: {  	_ =	shalt  }
.Lfunc_end0:
.L_simem_size_0:
called_computation.1_lowered:
.L_overlay_start_0:
0x88: {  	s2 =	sld [smem:$0x3FD9]  }
0x89: {  	s3 =	sld [smem:$0x3FFE];
	_ =	sdelay $0x1  }
0x8a: {  	s1 =	srdreg.scid  }
0x8b: {  	s0 =	sand.u32 $0x1, s1  }
0x8c: {  	s16 =	sshll.u32 s0, $0xA;
	s2 =	sadd.s32 s3, s2  }
0x8d: {  	s2 =	sadd.s32 s2, s16  }
0x8e: {  	[smem:$0x3FBA] =	sst s2  }
0x8f: {  	_ = 	snop  }
0x90: {  	(tm) =	ssettm $0x1  }
0x91: {  	s17 =	sld [smem:$0x3FFB];
	_ =	sdelay $0x3  }
0x92: {  	_ =	strace s17  }
0x93: {  	s2 =	sld [smem:$0x3FFC];
	_ =	sdelay $0x3  }
0x94: {  	_ =	strace s2  }
0x95: {  	s2 =	sld [smem:$0x3FFD];
	_ =	sdelay $0x3  }
0x96: {  	_ =	strace s2  }
0x97: {  	_ =	strace $0x8FFFFFFF  }
0x98: {  	s18 =	sld [smem:$0x3FDB];
	_ =	sdelay $0x1  }
0x99: {  	s19 =	simm.s32 $_scs_section_size  }
0x9a: {  	s4 =	simm.s32 $_size__tile_overlayer_lowered;
	s5 =	simm.s32 $_tile_overlayer_lowered  }
0x9b: {  	s22 =	simm.s32 $0x1BFF;
	s21 =	sshll.u32 s5, $0x1;
	s2 =	sadd.s32 s19, s18  }
0x9c: {  	s6 =	simm.s32 $0x0;
	s20 =	sshll.u32 s4, $0x1;
	s4 =	sadd.s32 s21, s2  }
0x9d: {  	[timem:s6], [sflag:s22] =	dma.local [hbm:s4], s20  }
0x9e: {  	_ =	swait.ge [sflag:s22], s20  }
0x9f: {  	s3 =	ssub.s32 $0x0, s20;
	[sflag:s22] =	ssyncset.done $0x0  }
0xa0: {  	[sflag:s22] =	ssyncadd.s32 s3;
	_ =	sdelay $0x1  }
0xa1: {  	s23 =	simm.s32 $0x1B8B  }
0xa2: {  	_ =	swait.ge [sflag:s23], $0x1  }
0xa3: {  	[sflag:s23] =	ssyncset.done $0x0  }
0xa4: {  	s25 =	simm.s32 $0x1B8E;
	s24 =	sld [smem:$0x3FFE];
	[sflag:s23] =	ssyncadd.s32 $0xFFFFFFFF  }
0xa5: {  	s26 =	simm.s32 $execute0_lowered;
	[smem:$0x3FD2] =	sst s25  }
0xa6: {  	s4 =	sshll.u32 s26, $0x1;
	_ =	strace $0x80000049;
	[dreg:$0x1] =	wrdreg $0xFFFFFFFF  }
0xa7: {  	s28 =	simm.s32 $_size_execute0_lowered;
	s2 =	sadd.s32 s2, s4;
	[dreg:$0x0] =	wrdreg $0x0  }
0xa8: {  	s4 =	sshll.u32 s28, $0x1;
	[dreg:$0x2] =	wrdreg s2  }
0xa9: {  	[dreg:$0x3] =	wrdreg s4  }
0xaa: {  	[dreg:$0x4] =	wrdreg $0xC0  }
0xab: {  	_ =	task [dreg:s6], $0x5FFFF  }
0xac: {  	[dreg:$0x1] =	wrdreg $0xFFFFFFFF  }
0xad: {  	[dreg:$0x0] =	wrdreg $0x60  }
0xae: {  	[dreg:$0x2] =	wrdreg s24  }
0xaf: {  	[dreg:$0x3] =	wrdreg $0x6F000  }
0xb0: {  	[dreg:$0x4] =	wrdreg $0x9  }
0xb1: {  	_ =	task.clear_ibuf [dreg:s6], $0x5FFFF;
	_ =	strace $0x90000049  }
0xb2: {  	s29 =	simm.s32 $0x9;
	_ =	strace $0x8000004B  }
0xb3: {  	_ =	swait.ge [sflag:s29], $0x1  }
0xb4: {  	[sflag:s29] =	ssyncadd.s32 $0xFFFFFFFF  }
0xb5: {  	_ =	strace $0x9000004B  }
0xb6: {  	_ =	sfence  }
0xb7: {  	s30 =	sld [smem:$0x0];
	_ =	sdelay $0x2  }
0xb8: {  	s31 =	sshll.u32 s1, $0xD;
	s1 =	sshrl.u32 s1, $0x2  }
0xb9: {  	s3 =	sand.u32 $0x4000, s31;
	s1 =	sadd.s32 s1, s30  }
0xba: {  	s0 =	sor.u32 s3, s0;
	s1 =	sshll.u32 s1, $0x11  }
0xbb: {  	s0 =	sor.u32 s1, s0  }
0xbc: {  	s0 =	sadd.s32 $0x8F2B, s0  }
0xbd: {  	[sflag:s0] =	ssyncadd.remote.s32 $0x1  }
0xbe: {  	_ =	sfence.sel $0xFFFF  }
0xbf: {  	[dreg:$0x0] =	wrdreg $0xFFFFFFFF;
	(pc) =	sbr.abs _section_cstart, $3  }
0xc0: {  	[dreg:$0x1] =	wrdreg $0xFFFFFFFF  }
0xc1: {  	_ =	task.clear_ibuf [dreg:s6], $0x2FFFF;
	_ =	strace $0x9FFFFFFF  }
0xc2: {  	(tm) =	ssettm $0x7FFFFFFF  }
0xc3: {  	_ =	shalt  }
tec
execute0_lowered:
.L_overlay_start_1:
0x0: {  	(tag) =	ssettag $0x1  }
0x1: {  	s0 =	rddreg [dreg:$0x0];
	s1 =	srdreg.scid  }
0x2: {  	s7 =	stileid.u32;
	s2 =	rddreg [dreg:$0x1]  }
0x3: {  	s3 =	simm.s32 $0x0;
	s18 =	simm.s32 $0x4F00;
	s19 =	simm.s32 $0x5  }
0x4: {  	s21 =	simm.s32 $0x80;
	s22 =	simm.s32 $0x5F00;
	s23 =	simm.s32 $0x5700  }
0x5: {  	s28 =	simm.s32 $0x2;
	s29 =	simm.s32 $0x4;
	s1 =	sand.u32 $0x1, s1  }
0x6: {  	s4 =	sshll.u32 s7, $0x1;
	[smem:$0x7FF] =	sst s3;
	s10 =	smul.u32 $0x2800, s7  }
0x7: {  	s4 =	sor.u32 s1, s4;
	s6 =	ssub.s32 $0x2, s1;
	s1 =	smul.u32 $0x28000, s1  }
0x8: {  	s31 =	simm.s32 $0x0;
	_ =	strace $0x8000004A;
	s5 =	smul.u32 $0x4F0, s4  }
0x9: {  	s4 =	sadd.s32 $0x2A00, s0;
	s24 =	sshrl.u32 s6, $0x1;
	s12 =	sadd.s32 $0x800, s10  }
0xa: {  	s14 =	sadd.s32 $0x1000, s10;
	s15 =	sadd.s32 $0x1800, s10;
	s16 =	sadd.s32 $0x2000, s10  }
0xb: {  	s17 =	ssub.s32 s6, s24;
	s6 =	sadd.s32 s12, s2;
	s7 =	sadd.s32 s14, s2  }
0xc: {  	s8 =	sadd.s32 s15, s2;
	s9 =	sadd.s32 s16, s2;
	s12 =	sadd.s32 s1, s12  }
0xd: {  	s26 =	sadd.s32 s1, s14;
	s15 =	sadd.s32 s1, s15;
	s24 =	simm.s32 $0x6700  }
0xe: {  	s11 =	sadd.s32 s5, s0;
	s0 =	sadd.s32 $0x7A00, s0;
	s5 =	sadd.s32 s10, s2  }
0xf: {  	s10 =	sadd.s32 s10, s1;
	s25 =	sshrl.u32 s12, $0x3;
	s1 =	sadd.s32 s1, s16  }
0x10: {  	s30 =	sshrl.u32 s15, $0x3;
	s17 =	smax.u32 s17, $0x1;
	s13 =	sadd.s32 $0xE3800, s11  }
0x11: {  	s11 =	sadd.s32 $0xD9A00, s11;
	s10 =	sshrl.u32 s10, $0x3;
	s1 =	sshrl.u32 s1, $0x3  }
0x12: {  	s15 =	sadd.s32 s0, s30;
	[dreg:$0x3] =	wrdreg s13;
	s12 =	sadd.s32 s0, s10  }
0x13: {  	v1 =	vlaneseq.u32;
	s13 =	sadd.s32 s0, s25;
	s10 =	sshrl.u32 s26, $0x3;
	s16 =	sadd.s32 s0, s1  }
0x14: {  	v0 =	vimm.f32 $0.0e+00;
	v1 =	vmul.u32 $0x10, v1;
	s25 =	simm.s32 $0x1;
	s26 =	simm.s32 $0x3;
	s14 =	sadd.s32 s0, s10  }
.LBB2_1:
0x15: {  	s0 =	simm.s32 $0x40;
	s1 =	simm.s32 $0x0  }
.LBB2_2:
0x16: {  	p0 =	sne.s32 s0, $0x1FC0;
	[tilespmem:s1+$0x4F00] =	vst v0;
	s1 =	smov.u32 s0;
	s0 =	sadd.s32 $0x40, s0  }
.Ltmp0:
0x17: {  	(pc) =	sbr.rel @p0 .LBB2_2-.Ltmp0, $2  }
0x18: {  	_ =	sdelay $0x2  }
0x19: {  	s1 =	sshra.s32 s1, $0x2  }
0x1a: {  	[tilespmem:s1+$0x4F00] =	vst v0  }
0x1b: {  	[spmem:s5] =	stream.linear.scatter [tilespmem:s18], [sflag:$0x5], $0x800, $0x38;
	[tilespmem:$0x9700] =	vst v63  }
0x1c: {  	_ =	swait.ge [sflag:s19], $0x800  }
0x1d: {  	[sflag:s19] =	ssyncset.done $0x0  }
0x1e: {  	[sflag:s19] =	ssyncadd.s32 $0xFFFFF800  }
0x1f: {  	[spmem:s6] =	stream.linear.scatter [tilespmem:s18], [sflag:$0x5], $0x800, $0x38;
	[tilespmem:$0x9700] =	vst v63  }
0x20: {  	_ =	swait.ge [sflag:s19], $0x800  }
0x21: {  	[sflag:s19] =	ssyncset.done $0x0  }
0x22: {  	[sflag:s19] =	ssyncadd.s32 $0xFFFFF800  }
0x23: {  	[spmem:s7] =	stream.linear.scatter [tilespmem:s18], [sflag:$0x5], $0x800, $0x38;
	[tilespmem:$0x9700] =	vst v63  }
0x24: {  	_ =	swait.ge [sflag:s19], $0x800  }
0x25: {  	[sflag:s19] =	ssyncset.done $0x0  }
0x26: {  	[sflag:s19] =	ssyncadd.s32 $0xFFFFF800  }
0x27: {  	[spmem:s8] =	stream.linear.scatter [tilespmem:s18], [sflag:$0x5], $0x800, $0x38;
	[tilespmem:$0x9700] =	vst v63  }
0x28: {  	_ =	swait.ge [sflag:s19], $0x800  }
0x29: {  	[sflag:s19] =	ssyncset.done $0x0  }
0x2a: {  	[sflag:s19] =	ssyncadd.s32 $0xFFFFF800  }
0x2b: {  	[spmem:s9] =	stream.linear.scatter [tilespmem:s18], [sflag:$0x5], $0x800, $0x38;
	[tilespmem:$0x9700] =	vst v63  }
0x2c: {  	_ =	swait.ge [sflag:s19], $0x800  }
0x2d: {  	[sflag:s19] =	ssyncset.done $0x0  }
0x2e: {  	s0 =	rddreg [dreg:$0x3];
	[sflag:s19] =	ssyncadd.s32 $0xFFFFF800  }
0x2f: {  	[tilespmem:s31], [sflag:$0x5] =	stream.linear.gather [hbm4b:s0+s31], $0x2780, $0x38;
	[tilespmem:$0x9700] =	vst v63  }
0x30: {  	_ =	swait.ge [sflag:s19], $0x2780  }
0x31: {  	[sflag:s19] =	ssyncset.done $0x0  }
0x32: {  	s30 =	simm.s32 $0x2780;
	[sflag:s19] =	ssyncadd.s32 $0xFFFFD880  }
0x33: {  	[tilespmem:s30], [sflag:$0x5] =	stream.linear.gather [hbm4b:s11+s31], $0x2780, $0x38;
	[tilespmem:$0x9700] =	vst v63  }
0x34: {  	_ =	swait.ge [sflag:s19], $0x2780  }
0x35: {  	[sflag:s19] =	ssyncset.done $0x0  }
0x36: {  	[sflag:s19] =	ssyncadd.s32 $0xFFFFD880  }
0x37: {  	[bflag:$0x0] =	sbarrier.arrive $0xFFFF  }
0x38: {  	[tilespmem:s18], [sflag:$0x1] =	stream.indirect.gather [hbm4b:s4+s21], $0x10, s31, s21, $0xb8;
	[tilespmem:$0x9700] =	vst v63  }
0x39: {  	s1 =	simm.s32 $0x0  }
0x3a: {  	[tilespmem:s22], [sflag:$0x3] =	stream.indirect.gather [hbm4b:s4+s21], $0x10, s30, s21, $0xb8;
	[tilespmem:$0x9700] =	vst v63  }
.LBB2_4:
0x3b: {  	s0 =	sshll.u32 s1, $0x8  }
0x3c: {  	s10 =	sor.u32 $0x80, s0  }
0x3d: {  	[tilespmem:s23], [sflag:$0x2] =	stream.indirect.gather [hbm4b:s4+s21], $0x10, s10, s21, $0xb8;
	[tilespmem:$0x9700] =	vst v63  }
0x3e: {  	v2 =	vmov s31;
	s30 =	sadd.s32 $0x2800, s0  }
0x3f: {  	v2 =	vshll.u32 v2, $0x4;
	[tilespmem:s24], [sflag:$0x4] =	stream.indirect.gather [hbm4b:s4+s21], $0x10, s30, s21, $0xb8;
	[tilespmem:$0x9700] =	vst v63  }
0x40: {  	v2 =	vor.u32 v1, v2;
	_ =	swait.ge [sflag:s25], $0x800  }
0x41: {  	v3 =	vor.u32 $0x4, v2;
	[sflag:s25] =	ssyncset.done $0x0  }
0x42: {  	v4 =	vor.u32 $0x8, v2;
	[sflag:s25] =	ssyncadd.s32 $0xFFFFF800  }
0x43: {  	_ =	swait.ge [sflag:s26], $0x800  }
0x44: {  	[sflag:s26] =	ssyncset.done $0x0  }
0x45: {  	[sflag:s26] =	ssyncadd.s32 $0xFFFFF800  }
0x46: {  	v5 =	vld.idx.msk [tilespmem:v3+s18+$0x0], $0xffff  }
0x47: {  	v4 =	vld.idx.msk [tilespmem:v4+s22+$0x0], $0xffff;
	_ =	sdelay $0x4  }
0x48: {  	v4 =	vadd.f32 v4, v5;
	_ =	sdelay $0x1  }
0x49: {  	v5 =	vmul.f32 $2.000000030e-01, v4  }
0x4a: {  	vm0 =	vgt.f32 v4, $0.0e+00  }
0x4b: {  	v4 =	vsel vm0, v4, v5  }
0x4c: {  	v4 =	vmul.f32 $1.442695020e+00, v4;
	_ =	sdelay $0x1  }
0x4d: {  	(erf) = vpow2.f32 v4;
	_ =	sdelay $0x4  }
0x4e: {  	v4 =	vld.idx.msk [tilespmem:v2+s18+$0x0], $0xffff;
	_ =	sdelay $0x3  }
0x4f: {  	v5 =	vor.u32 $0x5, v2;
	v6 =	vpop (erf)  }
0x50: {  	v7 =	vor.u32 $0x9, v2;
	v4 =	vmul.f32 v6, v4;
	_ =	sdelay $0x1  }
0x51: {  	[tilespmem:v2+s18+$0x0] =	vst.idx.msk $0xffff, v4  }
0x52: {  	[tilespmem:v3+s18+$0x0] =	vst.idx.msk $0xffff, v6  }
0x53: {  	v3 =	vld.idx.msk [tilespmem:v5+s18+$0x0], $0xffff  }
0x54: {  	v4 =	vld.idx.msk [tilespmem:v7+s22+$0x0], $0xffff;
	_ =	sdelay $0x4  }
0x55: {  	v3 =	vadd.f32 v4, v3;
	_ =	sdelay $0x1  }
0x56: {  	v4 =	vmul.f32 $2.000000030e-01, v3  }
0x57: {  	vm13 =	vgt.f32 v3, $0.0e+00  }
0x58: {  	v3 =	vsel vm13, v3, v4  }
0x59: {  	v3 =	vmul.f32 $1.442695020e+00, v3;
	_ =	sdelay $0x1  }
0x5a: {  	v4 =	vor.u32 $0x1, v2;
	(erf) = vpow2.f32 v3;
	_ =	sdelay $0x4  }
0x5b: {  	v3 =	vld.idx.msk [tilespmem:v4+s18+$0x0], $0xffff;
	_ =	sdelay $0x3  }
0x5c: {  	v6 =	vor.u32 $0x6, v2;
	v7 =	vpop (erf)  }
0x5d: {  	v8 =	vor.u32 $0xA, v2;
	v3 =	vmul.f32 v7, v3;
	_ =	sdelay $0x1  }
0x5e: {  	[tilespmem:v4+s18+$0x0] =	vst.idx.msk $0xffff, v3  }
0x5f: {  	[tilespmem:v5+s18+$0x0] =	vst.idx.msk $0xffff, v7  }
0x60: {  	v3 =	vld.idx.msk [tilespmem:v6+s18+$0x0], $0xffff  }
0x61: {  	v4 =	vld.idx.msk [tilespmem:v8+s22+$0x0], $0xffff;
	_ =	sdelay $0x4  }
0x62: {  	v3 =	vadd.f32 v4, v3;
	_ =	sdelay $0x1  }
0x63: {  	v4 =	vmul.f32 $2.000000030e-01, v3  }
0x64: {  	vm14 =	vgt.f32 v3, $0.0e+00  }
0x65: {  	v3 =	vsel vm14, v3, v4  }
0x66: {  	v3 =	vmul.f32 $1.442695020e+00, v3;
	_ =	sdelay $0x1  }
0x67: {  	v4 =	vor.u32 $0x2, v2;
	(erf) = vpow2.f32 v3;
	_ =	sdelay $0x4  }
0x68: {  	v5 =	vld.idx.msk [tilespmem:v4+s18+$0x0], $0xffff;
	_ =	sdelay $0x3  }
0x69: {  	v3 =	vor.u32 $0x7, v2;
	v7 =	vpop (erf)  }
0x6a: {  	v63 =	vor.u32 $0xB, v2;
	v5 =	vmul.f32 v7, v5;
	_ =	sdelay $0x1  }
0x6b: {  	[tilespmem:v4+s18+$0x0] =	vst.idx.msk $0xffff, v5  }
0x6c: {  	[tilespmem:v6+s18+$0x0] =	vst.idx.msk $0xffff, v7  }
0x6d: {  	v4 =	vld.idx.msk [tilespmem:v3+s18+$0x0], $0xffff  }
0x6e: {  	v5 =	vld.idx.msk [tilespmem:v63+s22+$0x0], $0xffff;
	_ =	sdelay $0x4  }
0x6f: {  	v5 =	vadd.f32 v5, v4;
	_ =	sdelay $0x1  }
0x70: {  	v4 =	vor.u32 $0x3, v2;
	v2 =	vmul.f32 $2.000000030e-01, v5  }
0x71: {  	vm15 =	vgt.f32 v5, $0.0e+00  }
0x72: {  	v2 =	vsel vm15, v5, v2  }
0x73: {  	v2 =	vmul.f32 $1.442695020e+00, v2;
	_ =	sdelay $0x1  }
0x74: {  	(erf) = vpow2.f32 v2;
	_ =	sdelay $0x2  }
0x75: {  	s20 =	simm.s32 $0x10  }
0x76: {  	v5 =	vmov s20  }
0x77: {  	v6 =	vshll.u32 v5, $0x4;
	v5 =	vld.idx.msk [tilespmem:v4+s18+$0x0], $0xffff;
	_ =	sdelay $0x2  }
0x78: {  	s10 =	simm.s32 $0x20;
	v2 =	vor.u32 v1, v6  }
.LBB2_5:
0x79: {  	p0 =	sne.s32 s10, $0x70;
	v6 =	vor.u32 $0x4, v2;
	v7 =	vor.u32 $0x8, v2;
	v8 =	vpop (erf);
	s20 =	smov.u32 s10;
	s10 =	sadd.s32 $0x10, s10  }
0x7a: {  	v5 =	vmul.f32 v8, v5;
	_ =	sdelay $0x1  }
0x7b: {  	[tilespmem:v4+s18+$0x0] =	vst.idx.msk $0xffff, v5  }
0x7c: {  	[tilespmem:v3+s18+$0x0] =	vst.idx.msk $0xffff, v8  }
0x7d: {  	v3 =	vld.idx.msk [tilespmem:v6+s18+$0x0], $0xffff  }
0x7e: {  	v4 =	vld.idx.msk [tilespmem:v7+s22+$0x0], $0xffff;
	_ =	sdelay $0x5  }
0x7f: {  	v3 =	vadd.f32 v4, v3;
	_ =	sdelay $0x1  }
0x80: {  	vm0 =	vgt.f32 v3, $0.0e+00;
	v4 =	vmul.f32 $2.000000030e-01, v3;
	_ =	sdelay $0x1  }
0x81: {  	v3 =	vsel vm0, v3, v4  }
0x82: {  	v3 =	vmul.f32 $1.442695020e+00, v3;
	_ =	sdelay $0x1  }
0x83: {  	(erf) = vpow2.f32 v3;
	_ =	sdelay $0x2  }
0x84: {  	v3 =	vld.idx.msk [tilespmem:v2+s18+$0x0], $0xffff;
	_ =	sdelay $0x5  }
0x85: {  	v5 =	vor.u32 $0x9, v2;
	v4 =	vor.u32 $0x5, v2;
	v7 =	vpop (erf)  }
0x86: {  	v3 =	vmul.f32 v7, v3;
	_ =	sdelay $0x1  }
0x87: {  	[tilespmem:v2+s18+$0x0] =	vst.idx.msk $0xffff, v3  }
0x88: {  	[tilespmem:v6+s18+$0x0] =	vst.idx.msk $0xffff, v7  }
0x89: {  	v3 =	vld.idx.msk [tilespmem:v4+s18+$0x0], $0xffff  }
0x8a: {  	v5 =	vld.idx.msk [tilespmem:v5+s22+$0x0], $0xffff;
	_ =	sdelay $0x5  }
0x8b: {  	v3 =	vadd.f32 v5, v3;
	_ =	sdelay $0x1  }
0x8c: {  	vm0 =	vgt.f32 v3, $0.0e+00;
	v5 =	vmul.f32 $2.000000030e-01, v3;
	_ =	sdelay $0x1  }
0x8d: {  	v3 =	vsel vm0, v3, v5;
	v5 =	vor.u32 $0x1, v2  }
0x8e: {  	v3 =	vmul.f32 $1.442695020e+00, v3;
	_ =	sdelay $0x1  }
0x8f: {  	(erf) = vpow2.f32 v3;
	_ =	sdelay $0x1  }
0x90: {  	v3 =	vld.idx.msk [tilespmem:v5+s18+$0x0], $0xffff;
	_ =	sdelay $0x6  }
0x91: {  	v6 =	vor.u32 $0x6, v2;
	v7 =	vor.u32 $0xA, v2;
	v8 =	vpop (erf)  }
0x92: {  	v3 =	vmul.f32 v8, v3;
	_ =	sdelay $0x1  }
0x93: {  	[tilespmem:v5+s18+$0x0] =	vst.idx.msk $0xffff, v3  }
0x94: {  	[tilespmem:v4+s18+$0x0] =	vst.idx.msk $0xffff, v8  }
0x95: {  	v3 =	vld.idx.msk [tilespmem:v6+s18+$0x0], $0xffff  }
0x96: {  	v4 =	vld.idx.msk [tilespmem:v7+s22+$0x0], $0xffff;
	_ =	sdelay $0x5  }
0x97: {  	v3 =	vadd.f32 v4, v3;
	_ =	sdelay $0x1  }
0x98: {  	vm0 =	vgt.f32 v3, $0.0e+00;
	v4 =	vmul.f32 $2.000000030e-01, v3  }
0x99: {  	v5 =	vor.u32 $0x2, v2  }
0x9a: {  	v3 =	vsel vm0, v3, v4  }
0x9b: {  	v3 =	vmul.f32 $1.442695020e+00, v3;
	_ =	sdelay $0x1  }
0x9c: {  	(erf) = vpow2.f32 v3  }
0x9d: {  	v4 =	vld.idx.msk [tilespmem:v5+s18+$0x0], $0xffff;
	_ =	sdelay $0x7  }
0x9e: {  	v7 =	vor.u32 $0xB, v2;
	v3 =	vor.u32 $0x7, v2;
	v8 =	vpop (erf)  }
0x9f: {  	v9 =	vmul.f32 v8, v4  }
0xa0: {  	v4 =	vor.u32 $0x3, v2  }
0xa1: {  	[tilespmem:v5+s18+$0x0] =	vst.idx.msk $0xffff, v9  }
0xa2: {  	[tilespmem:v6+s18+$0x0] =	vst.idx.msk $0xffff, v8  }
0xa3: {  	v2 =	vld.idx.msk [tilespmem:v3+s18+$0x0], $0xffff  }
0xa4: {  	v6 =	vld.idx.msk [tilespmem:v7+s22+$0x0], $0xffff  }
0xa5: {  	v5 =	vld.idx.msk [tilespmem:v4+s18+$0x0], $0xffff;
	_ =	sdelay $0x4  }
0xa6: {  	v2 =	vadd.f32 v6, v2;
	_ =	sdelay $0x1  }
0xa7: {  	vm0 =	vgt.f32 v2, $0.0e+00;
	v6 =	vmul.f32 $2.000000030e-01, v2;
	_ =	sdelay $0x1  }
0xa8: {  	v2 =	vsel vm0, v2, v6  }
0xa9: {  	v2 =	vmul.f32 $1.442695020e+00, v2;
	_ =	sdelay $0x1  }
0xaa: {  	(erf) = vpow2.f32 v2;
	_ =	sdelay $0x3  }
.Ltmp1:
0xab: {  	(pc) =	sbr.rel @p0 .LBB2_5-.Ltmp1, $4  }
0xac: {  	_ = 	snop  }
0xad: {  	v2 =	vmov s20  }
0xae: {  	v2 =	vshll.u32 v2, $0x4  }
0xaf: {  	v2 =	vor.u32 v1, v2  }
0xb0: {  	_ = 	snop  }
0xb1: {  	v6 =	vor.u32 $0x4, v2;
	v7 =	vpop (erf)  }
0xb2: {  	v8 =	vor.u32 $0x8, v2;
	v5 =	vmul.f32 v7, v5;
	_ =	sdelay $0x1  }
0xb3: {  	[tilespmem:v4+s18+$0x0] =	vst.idx.msk $0xffff, v5  }
0xb4: {  	[tilespmem:v3+s18+$0x0] =	vst.idx.msk $0xffff, v7  }
0xb5: {  	v3 =	vld.idx.msk [tilespmem:v6+s18+$0x0], $0xffff  }
0xb6: {  	v4 =	vld.idx.msk [tilespmem:v8+s22+$0x0], $0xffff;
	_ =	sdelay $0x4  }
0xb7: {  	v3 =	vadd.f32 v4, v3;
	_ =	sdelay $0x1  }
0xb8: {  	v4 =	vmul.f32 $2.000000030e-01, v3  }
0xb9: {  	vm0 =	vgt.f32 v3, $0.0e+00  }
0xba: {  	v3 =	vsel vm0, v3, v4  }
0xbb: {  	v3 =	vmul.f32 $1.442695020e+00, v3;
	_ =	sdelay $0x1  }
0xbc: {  	(erf) = vpow2.f32 v3;
	_ =	sdelay $0x4  }
0xbd: {  	v3 =	vld.idx.msk [tilespmem:v2+s18+$0x0], $0xffff;
	_ =	sdelay $0x3  }
0xbe: {  	v4 =	vor.u32 $0x5, v2;
	v5 =	vpop (erf)  }
0xbf: {  	v7 =	vor.u32 $0x9, v2;
	v3 =	vmul.f32 v5, v3;
	_ =	sdelay $0x1  }
0xc0: {  	[tilespmem:v2+s18+$0x0] =	vst.idx.msk $0xffff, v3  }
0xc1: {  	[tilespmem:v6+s18+$0x0] =	vst.idx.msk $0xffff, v5  }
0xc2: {  	v3 =	vld.idx.msk [tilespmem:v4+s18+$0x0], $0xffff  }
0xc3: {  	v5 =	vld.idx.msk [tilespmem:v7+s22+$0x0], $0xffff;
	_ =	sdelay $0x4  }
0xc4: {  	v3 =	vadd.f32 v5, v3;
	_ =	sdelay $0x1  }
0xc5: {  	v5 =	vmul.f32 $2.000000030e-01, v3  }
0xc6: {  	vm9 =	vgt.f32 v3, $0.0e+00  }
0xc7: {  	v3 =	vsel vm9, v3, v5  }
0xc8: {  	v3 =	vmul.f32 $1.442695020e+00, v3;
	_ =	sdelay $0x1  }
0xc9: {  	v5 =	vor.u32 $0x1, v2;
	(erf) = vpow2.f32 v3;
	_ =	sdelay $0x4  }
0xca: {  	v3 =	vld.idx.msk [tilespmem:v5+s18+$0x0], $0xffff;
	_ =	sdelay $0x3  }
0xcb: {  	v6 =	vor.u32 $0x6, v2;
	v7 =	vpop (erf)  }
0xcc: {  	v60 =	vor.u32 $0xA, v2;
	v3 =	vmul.f32 v7, v3;
	_ =	sdelay $0x1  }
0xcd: {  	[tilespmem:v5+s18+$0x0] =	vst.idx.msk $0xffff, v3  }
0xce: {  	[tilespmem:v4+s18+$0x0] =	vst.idx.msk $0xffff, v7  }
0xcf: {  	v3 =	vld.idx.msk [tilespmem:v6+s18+$0x0], $0xffff  }
0xd0: {  	v4 =	vld.idx.msk [tilespmem:v60+s22+$0x0], $0xffff;
	_ =	sdelay $0x4  }
0xd1: {  	v3 =	vadd.f32 v4, v3;
	_ =	sdelay $0x1  }
0xd2: {  	v4 =	vmul.f32 $2.000000030e-01, v3  }
0xd3: {  	vm10 =	vgt.f32 v3, $0.0e+00  }
0xd4: {  	v3 =	vsel vm10, v3, v4  }
0xd5: {  	v3 =	vmul.f32 $1.442695020e+00, v3;
	_ =	sdelay $0x1  }
0xd6: {  	v4 =	vor.u32 $0x2, v2;
	(erf) = vpow2.f32 v3;
	_ =	sdelay $0x4  }
0xd7: {  	v3 =	vld.idx.msk [tilespmem:v4+s18+$0x0], $0xffff;
	_ =	sdelay $0x3  }
0xd8: {  	v5 =	vor.u32 $0x7, v2;
	v7 =	vpop (erf)  }
0xd9: {  	v61 =	vor.u32 $0xB, v2;
	v3 =	vmul.f32 v7, v3;
	_ =	sdelay $0x1  }
0xda: {  	[tilespmem:v4+s18+$0x0] =	vst.idx.msk $0xffff, v3  }
0xdb: {  	[tilespmem:v6+s18+$0x0] =	vst.idx.msk $0xffff, v7  }
0xdc: {  	v3 =	vld.idx.msk [tilespmem:v5+s18+$0x0], $0xffff  }
0xdd: {  	v4 =	vld.idx.msk [tilespmem:v61+s22+$0x0], $0xffff;
	_ =	sdelay $0x4  }
0xde: {  	v3 =	vadd.f32 v4, v3;
	_ =	sdelay $0x1  }
0xdf: {  	v4 =	vmul.f32 $2.000000030e-01, v3  }
0xe0: {  	vm11 =	vgt.f32 v3, $0.0e+00  }
0xe1: {  	v3 =	vsel vm11, v3, v4  }
0xe2: {  	v3 =	vmul.f32 $1.442695020e+00, v3;
	_ =	sdelay $0x1  }
0xe3: {  	v2 =	vor.u32 $0x3, v2;
	(erf) = vpow2.f32 v3;
	_ =	sdelay $0x4  }
0xe4: {  	v3 =	vld.idx.msk [tilespmem:v2+s18+$0x0], $0xffff;
	_ =	sdelay $0x3  }
0xe5: {  	v4 =	vpop (erf)  }
0xe6: {  	v3 =	vmul.f32 v4, v3;
	_ =	sdelay $0x1  }
0xe7: {  	s10 =	sand.u32 $0x3FFFFF00, s0;
	[tilespmem:v2+s18+$0x0] =	vst.idx.msk $0xffff, v3  }
0xe8: {  	s10 =	sadd.s32 $0x2780, s10;
	[tilespmem:v5+s18+$0x0] =	vst.idx.msk $0xffff, v4  }
0xe9: {  	[spmem:s2] =	stream.indirect.scatter.add.f32 [tilespmem:s18], [sflag:$0x5], $0x10, s10, s21, $0xb8;
	[tilespmem:$0x9700] =	vst v63  }
0xea: {  	_ =	swait.ge [sflag:s19], $0x800  }
0xeb: {  	[sflag:s19] =	ssyncset.done $0x0  }
0xec: {  	s20 =	sadd.s32 $0x100, s0;
	s10 =	simm.s32 $0x0;
	[sflag:s19] =	ssyncadd.s32 $0xFFFFF800  }
0xed: {  	[tilespmem:s18], [sflag:$0x1] =	stream.indirect.gather [hbm4b:s4+s21], $0x10, s20, s21, $0xb8;
	[tilespmem:$0x9700] =	vst v63  }
0xee: {  	v2 =	vmov s10;
	s20 =	sadd.s32 $0x2880, s0  }
0xef: {  	v2 =	vshll.u32 v2, $0x4;
	[tilespmem:s22], [sflag:$0x3] =	stream.indirect.gather [hbm4b:s4+s21], $0x10, s20, s21, $0xb8;
	[tilespmem:$0x9700] =	vst v63  }
0xf0: {  	v2 =	vor.u32 v1, v2;
	_ =	swait.ge [sflag:s28], $0x800  }
0xf1: {  	v3 =	vor.u32 $0x4, v2;
	[sflag:s28] =	ssyncset.done $0x0  }
0xf2: {  	v4 =	vor.u32 $0x8, v2;
	[sflag:s28] =	ssyncadd.s32 $0xFFFFF800  }
0xf3: {  	_ =	swait.ge [sflag:s29], $0x800  }
0xf4: {  	[sflag:s29] =	ssyncset.done $0x0  }
0xf5: {  	[sflag:s29] =	ssyncadd.s32 $0xFFFFF800  }
0xf6: {  	v5 =	vld.idx.msk [tilespmem:v3+s23+$0x0], $0xffff  }
0xf7: {  	v4 =	vld.idx.msk [tilespmem:v4+s24+$0x0], $0xffff;
	_ =	sdelay $0x4  }
0xf8: {  	v4 =	vadd.f32 v4, v5;
	_ =	sdelay $0x1  }
0xf9: {  	v5 =	vmul.f32 $2.000000030e-01, v4  }
0xfa: {  	vm12 =	vgt.f32 v4, $0.0e+00  }
0xfb: {  	v4 =	vsel vm12, v4, v5  }
0xfc: {  	v4 =	vmul.f32 $1.442695020e+00, v4;
	_ =	sdelay $0x1  }
0xfd: {  	(erf) = vpow2.f32 v4;
	_ =	sdelay $0x4  }
0xfe: {  	v4 =	vld.idx.msk [tilespmem:v2+s23+$0x0], $0xffff;
	_ =	sdelay $0x3  }
0xff: {  	v5 =	vor.u32 $0x5, v2;
	v6 =	vpop (erf)  }
0x100: {  	v7 =	vor.u32 $0x9, v2;
	v4 =	vmul.f32 v6, v4;
	_ =	sdelay $0x1  }
0x101: {  	[tilespmem:v2+s23+$0x0] =	vst.idx.msk $0xffff, v4  }
0x102: {  	[tilespmem:v3+s23+$0x0] =	vst.idx.msk $0xffff, v6  }
0x103: {  	v3 =	vld.idx.msk [tilespmem:v5+s23+$0x0], $0xffff  }
0x104: {  	v4 =	vld.idx.msk [tilespmem:v7+s24+$0x0], $0xffff;
	_ =	sdelay $0x4  }
0x105: {  	v3 =	vadd.f32 v4, v3;
	_ =	sdelay $0x1  }
0x106: {  	v4 =	vmul.f32 $2.000000030e-01, v3  }
0x107: {  	vm13 =	vgt.f32 v3, $0.0e+00  }
0x108: {  	v3 =	vsel vm13, v3, v4  }
0x109: {  	v3 =	vmul.f32 $1.442695020e+00, v3;
	_ =	sdelay $0x1  }
0x10a: {  	v4 =	vor.u32 $0x1, v2;
	(erf) = vpow2.f32 v3;
	_ =	sdelay $0x4  }
0x10b: {  	v3 =	vld.idx.msk [tilespmem:v4+s23+$0x0], $0xffff;
	_ =	sdelay $0x3  }
0x10c: {  	v6 =	vor.u32 $0x6, v2;
	v7 =	vpop (erf)  }
0x10d: {  	v62 =	vor.u32 $0xA, v2;
	v3 =	vmul.f32 v7, v3;
	_ =	sdelay $0x1  }
0x10e: {  	[tilespmem:v4+s23+$0x0] =	vst.idx.msk $0xffff, v3  }
0x10f: {  	[tilespmem:v5+s23+$0x0] =	vst.idx.msk $0xffff, v7  }
0x110: {  	v3 =	vld.idx.msk [tilespmem:v6+s23+$0x0], $0xffff  }
0x111: {  	v4 =	vld.idx.msk [tilespmem:v62+s24+$0x0], $0xffff;
	_ =	sdelay $0x4  }
0x112: {  	v3 =	vadd.f32 v4, v3;
	_ =	sdelay $0x1  }
0x113: {  	v4 =	vmul.f32 $2.000000030e-01, v3  }
0x114: {  	vm14 =	vgt.f32 v3, $0.0e+00  }
0x115: {  	v3 =	vsel vm14, v3, v4  }
0x116: {  	v3 =	vmul.f32 $1.442695020e+00, v3;
	_ =	sdelay $0x1  }
0x117: {  	v4 =	vor.u32 $0x2, v2;
	(erf) = vpow2.f32 v3;
	_ =	sdelay $0x4  }
0x118: {  	v5 =	vld.idx.msk [tilespmem:v4+s23+$0x0], $0xffff;
	_ =	sdelay $0x3  }
0x119: {  	v3 =	vor.u32 $0x7, v2;
	v7 =	vpop (erf)  }
0x11a: {  	v63 =	vor.u32 $0xB, v2;
	v5 =	vmul.f32 v7, v5;
	_ =	sdelay $0x1  }
0x11b: {  	[tilespmem:v4+s23+$0x0] =	vst.idx.msk $0xffff, v5  }
0x11c: {  	[tilespmem:v6+s23+$0x0] =	vst.idx.msk $0xffff, v7  }
0x11d: {  	v4 =	vld.idx.msk [tilespmem:v3+s23+$0x0], $0xffff  }
0x11e: {  	v5 =	vld.idx.msk [tilespmem:v63+s24+$0x0], $0xffff;
	_ =	sdelay $0x4  }
0x11f: {  	v5 =	vadd.f32 v5, v4;
	_ =	sdelay $0x1  }
0x120: {  	v4 =	vor.u32 $0x3, v2;
	v2 =	vmul.f32 $2.000000030e-01, v5  }
0x121: {  	vm15 =	vgt.f32 v5, $0.0e+00  }
0x122: {  	v2 =	vsel vm15, v5, v2  }
0x123: {  	v2 =	vmul.f32 $1.442695020e+00, v2;
	_ =	sdelay $0x1  }
0x124: {  	(erf) = vpow2.f32 v2;
	_ =	sdelay $0x2  }
0x125: {  	s20 =	simm.s32 $0x10  }
0x126: {  	v5 =	vmov s20  }
0x127: {  	v6 =	vshll.u32 v5, $0x4;
	v5 =	vld.idx.msk [tilespmem:v4+s23+$0x0], $0xffff;
	_ =	sdelay $0x2  }
0x128: {  	s0 =	simm.s32 $0x20;
	v2 =	vor.u32 v1, v6  }
.LBB2_7:
0x129: {  	p0 =	sne.s32 s0, $0x70;
	v6 =	vor.u32 $0x4, v2;
	v7 =	vor.u32 $0x8, v2;
	v8 =	vpop (erf);
	s10 =	smov.u32 s0;
	s0 =	sadd.s32 $0x10, s0  }
0x12a: {  	v5 =	vmul.f32 v8, v5;
	_ =	sdelay $0x1  }
0x12b: {  	[tilespmem:v4+s23+$0x0] =	vst.idx.msk $0xffff, v5  }
0x12c: {  	[tilespmem:v3+s23+$0x0] =	vst.idx.msk $0xffff, v8  }
0x12d: {  	v3 =	vld.idx.msk [tilespmem:v6+s23+$0x0], $0xffff  }
0x12e: {  	v4 =	vld.idx.msk [tilespmem:v7+s24+$0x0], $0xffff;
	_ =	sdelay $0x5  }
0x12f: {  	v3 =	vadd.f32 v4, v3;
	_ =	sdelay $0x1  }
0x130: {  	vm0 =	vgt.f32 v3, $0.0e+00;
	v4 =	vmul.f32 $2.000000030e-01, v3;
	_ =	sdelay $0x1  }
0x131: {  	v3 =	vsel vm0, v3, v4  }
0x132: {  	v3 =	vmul.f32 $1.442695020e+00, v3;
	_ =	sdelay $0x1  }
0x133: {  	(erf) = vpow2.f32 v3;
	_ =	sdelay $0x2  }
0x134: {  	v3 =	vld.idx.msk [tilespmem:v2+s23+$0x0], $0xffff;
	_ =	sdelay $0x5  }
0x135: {  	v5 =	vor.u32 $0x9, v2;
	v4 =	vor.u32 $0x5, v2;
	v7 =	vpop (erf)  }
0x136: {  	v3 =	vmul.f32 v7, v3;
	_ =	sdelay $0x1  }
0x137: {  	[tilespmem:v2+s23+$0x0] =	vst.idx.msk $0xffff, v3  }
0x138: {  	[tilespmem:v6+s23+$0x0] =	vst.idx.msk $0xffff, v7  }
0x139: {  	v3 =	vld.idx.msk [tilespmem:v4+s23+$0x0], $0xffff  }
0x13a: {  	v5 =	vld.idx.msk [tilespmem:v5+s24+$0x0], $0xffff;
	_ =	sdelay $0x5  }
0x13b: {  	v3 =	vadd.f32 v5, v3;
	_ =	sdelay $0x1  }
0x13c: {  	vm0 =	vgt.f32 v3, $0.0e+00;
	v5 =	vmul.f32 $2.000000030e-01, v3;
	_ =	sdelay $0x1  }
0x13d: {  	v3 =	vsel vm0, v3, v5;
	v5 =	vor.u32 $0x1, v2  }
0x13e: {  	v3 =	vmul.f32 $1.442695020e+00, v3;
	_ =	sdelay $0x1  }
0x13f: {  	(erf) = vpow2.f32 v3;
	_ =	sdelay $0x1  }
0x140: {  	v3 =	vld.idx.msk [tilespmem:v5+s23+$0x0], $0xffff;
	_ =	sdelay $0x6  }
0x141: {  	v6 =	vor.u32 $0x6, v2;
	v7 =	vor.u32 $0xA, v2;
	v8 =	vpop (erf)  }
0x142: {  	v3 =	vmul.f32 v8, v3;
	_ =	sdelay $0x1  }
0x143: {  	[tilespmem:v5+s23+$0x0] =	vst.idx.msk $0xffff, v3  }
0x144: {  	[tilespmem:v4+s23+$0x0] =	vst.idx.msk $0xffff, v8  }
0x145: {  	v3 =	vld.idx.msk [tilespmem:v6+s23+$0x0], $0xffff  }
0x146: {  	v4 =	vld.idx.msk [tilespmem:v7+s24+$0x0], $0xffff;
	_ =	sdelay $0x5  }
0x147: {  	v3 =	vadd.f32 v4, v3;
	_ =	sdelay $0x1  }
0x148: {  	vm0 =	vgt.f32 v3, $0.0e+00;
	v4 =	vmul.f32 $2.000000030e-01, v3  }
0x149: {  	v5 =	vor.u32 $0x2, v2  }
0x14a: {  	v3 =	vsel vm0, v3, v4  }
0x14b: {  	v3 =	vmul.f32 $1.442695020e+00, v3;
	_ =	sdelay $0x1  }
0x14c: {  	(erf) = vpow2.f32 v3  }
0x14d: {  	v4 =	vld.idx.msk [tilespmem:v5+s23+$0x0], $0xffff;
	_ =	sdelay $0x7  }
0x14e: {  	v7 =	vor.u32 $0xB, v2;
	v3 =	vor.u32 $0x7, v2;
	v8 =	vpop (erf)  }
0x14f: {  	v9 =	vmul.f32 v8, v4  }
0x150: {  	v4 =	vor.u32 $0x3, v2  }
0x151: {  	[tilespmem:v5+s23+$0x0] =	vst.idx.msk $0xffff, v9  }
0x152: {  	[tilespmem:v6+s23+$0x0] =	vst.idx.msk $0xffff, v8  }
0x153: {  	v2 =	vld.idx.msk [tilespmem:v3+s23+$0x0], $0xffff  }
0x154: {  	v6 =	vld.idx.msk [tilespmem:v7+s24+$0x0], $0xffff  }
0x155: {  	v5 =	vld.idx.msk [tilespmem:v4+s23+$0x0], $0xffff;
	_ =	sdelay $0x4  }
0x156: {  	v2 =	vadd.f32 v6, v2;
	_ =	sdelay $0x1  }
0x157: {  	vm0 =	vgt.f32 v2, $0.0e+00;
	v6 =	vmul.f32 $2.000000030e-01, v2;
	_ =	sdelay $0x1  }
0x158: {  	v2 =	vsel vm0, v2, v6  }
0x159: {  	v2 =	vmul.f32 $1.442695020e+00, v2;
	_ =	sdelay $0x1  }
0x15a: {  	(erf) = vpow2.f32 v2;
	_ =	sdelay $0x3  }
.Ltmp2:
0x15b: {  	(pc) =	sbr.rel @p0 .LBB2_7-.Ltmp2, $4  }
0x15c: {  	_ = 	snop  }
0x15d: {  	v2 =	vmov s10  }
0x15e: {  	v2 =	vshll.u32 v2, $0x4  }
0x15f: {  	v2 =	vor.u32 v1, v2  }
0x160: {  	_ = 	snop  }
0x161: {  	v6 =	vor.u32 $0x4, v2;
	v7 =	vpop (erf)  }
0x162: {  	v8 =	vor.u32 $0x8, v2;
	v5 =	vmul.f32 v7, v5;
	_ =	sdelay $0x1  }
0x163: {  	[tilespmem:v4+s23+$0x0] =	vst.idx.msk $0xffff, v5  }
0x164: {  	[tilespmem:v3+s23+$0x0] =	vst.idx.msk $0xffff, v7  }
0x165: {  	v3 =	vld.idx.msk [tilespmem:v6+s23+$0x0], $0xffff  }
0x166: {  	v4 =	vld.idx.msk [tilespmem:v8+s24+$0x0], $0xffff;
	_ =	sdelay $0x4  }
0x167: {  	v3 =	vadd.f32 v4, v3;
	_ =	sdelay $0x1  }
0x168: {  	v4 =	vmul.f32 $2.000000030e-01, v3  }
0x169: {  	vm0 =	vgt.f32 v3, $0.0e+00  }
0x16a: {  	v3 =	vsel vm0, v3, v4  }
0x16b: {  	v3 =	vmul.f32 $1.442695020e+00, v3;
	_ =	sdelay $0x1  }
0x16c: {  	(erf) = vpow2.f32 v3;
	_ =	sdelay $0x4  }
0x16d: {  	v3 =	vld.idx.msk [tilespmem:v2+s23+$0x0], $0xffff;
	_ =	sdelay $0x3  }
0x16e: {  	v52 =	vor.u32 $0x5, v2;
	v53 =	vpop (erf)  }
0x16f: {  	v54 =	vor.u32 $0x9, v2;
	v3 =	vmul.f32 v53, v3;
	_ =	sdelay $0x1  }
0x170: {  	[tilespmem:v2+s23+$0x0] =	vst.idx.msk $0xffff, v3  }
0x171: {  	[tilespmem:v6+s23+$0x0] =	vst.idx.msk $0xffff, v53  }
0x172: {  	v3 =	vld.idx.msk [tilespmem:v52+s23+$0x0], $0xffff  }
0x173: {  	v5 =	vld.idx.msk [tilespmem:v54+s24+$0x0], $0xffff;
	_ =	sdelay $0x4  }
0x174: {  	v3 =	vadd.f32 v5, v3;
	_ =	sdelay $0x1  }
0x175: {  	v5 =	vmul.f32 $2.000000030e-01, v3  }
0x176: {  	vm13 =	vgt.f32 v3, $0.0e+00  }
0x177: {  	v3 =	vsel vm13, v3, v5  }
0x178: {  	v3 =	vmul.f32 $1.442695020e+00, v3;
	_ =	sdelay $0x1  }
0x179: {  	v55 =	vor.u32 $0x1, v2;
	(erf) = vpow2.f32 v3;
	_ =	sdelay $0x4  }
0x17a: {  	v3 =	vld.idx.msk [tilespmem:v55+s23+$0x0], $0xffff;
	_ =	sdelay $0x3  }
0x17b: {  	v56 =	vor.u32 $0x6, v2;
	v57 =	vpop (erf)  }
0x17c: {  	v58 =	vor.u32 $0xA, v2;
	v3 =	vmul.f32 v57, v3;
	_ =	sdelay $0x1  }
0x17d: {  	[tilespmem:v55+s23+$0x0] =	vst.idx.msk $0xffff, v3  }
0x17e: {  	[tilespmem:v52+s23+$0x0] =	vst.idx.msk $0xffff, v57  }
0x17f: {  	v3 =	vld.idx.msk [tilespmem:v56+s23+$0x0], $0xffff  }
0x180: {  	v4 =	vld.idx.msk [tilespmem:v58+s24+$0x0], $0xffff;
	_ =	sdelay $0x4  }
0x181: {  	v3 =	vadd.f32 v4, v3;
	_ =	sdelay $0x1  }
0x182: {  	v4 =	vmul.f32 $2.000000030e-01, v3  }
0x183: {  	vm14 =	vgt.f32 v3, $0.0e+00  }
0x184: {  	v3 =	vsel vm14, v3, v4  }
0x185: {  	v3 =	vmul.f32 $1.442695020e+00, v3;
	_ =	sdelay $0x1  }
0x186: {  	v59 =	vor.u32 $0x2, v2;
	(erf) = vpow2.f32 v3;
	_ =	sdelay $0x4  }
0x187: {  	v3 =	vld.idx.msk [tilespmem:v59+s23+$0x0], $0xffff;
	_ =	sdelay $0x3  }
0x188: {  	v60 =	vor.u32 $0x7, v2;
	v61 =	vpop (erf)  }
0x189: {  	v62 =	vor.u32 $0xB, v2;
	v3 =	vmul.f32 v61, v3;
	_ =	sdelay $0x1  }
0x18a: {  	[tilespmem:v59+s23+$0x0] =	vst.idx.msk $0xffff, v3  }
0x18b: {  	[tilespmem:v56+s23+$0x0] =	vst.idx.msk $0xffff, v61  }
0x18c: {  	v3 =	vld.idx.msk [tilespmem:v60+s23+$0x0], $0xffff  }
0x18d: {  	v4 =	vld.idx.msk [tilespmem:v62+s24+$0x0], $0xffff;
	_ =	sdelay $0x4  }
0x18e: {  	v3 =	vadd.f32 v4, v3;
	_ =	sdelay $0x1  }
0x18f: {  	v4 =	vmul.f32 $2.000000030e-01, v3  }
0x190: {  	vm15 =	vgt.f32 v3, $0.0e+00  }
0x191: {  	v3 =	vsel vm15, v3, v4  }
0x192: {  	v3 =	vmul.f32 $1.442695020e+00, v3;
	_ =	sdelay $0x1  }
0x193: {  	v2 =	vor.u32 $0x3, v2;
	(erf) = vpow2.f32 v3;
	_ =	sdelay $0x4  }
0x194: {  	v3 =	vld.idx.msk [tilespmem:v2+s23+$0x0], $0xffff;
	_ =	sdelay $0x3  }
0x195: {  	v63 =	vpop (erf)  }
0x196: {  	v3 =	vmul.f32 v63, v3  }
0x197: {  	s1 =	sadd.s32 $0x1, s1  }
0x198: {  	p0 =	sne.s32 s1, $0x27;
	[tilespmem:v2+s23+$0x0] =	vst.idx.msk $0xffff, v3  }
.Ltmp3:
0x199: {  	[tilespmem:v60+s23+$0x0] =	vst.idx.msk $0xffff, v63;
	(pc) =	sbr.rel @p0 .LBB2_4-.Ltmp3, $4  }
0x19a: {  	[spmem:s2] =	stream.indirect.scatter.add.f32 [tilespmem:s23], [sflag:$0x5], $0x10, s30, s21, $0xb8;
	[tilespmem:$0x9700] =	vst v63  }
0x19b: {  	_ =	swait.ge [sflag:s19], $0x800  }
0x19c: {  	[sflag:s19] =	ssyncset.done $0x0  }
0x19d: {  	[sflag:s19] =	ssyncadd.s32 $0xFFFFF800  }
0x19e: {  	s0 =	simm.s32 $0x0  }
0x19f: {  	v2 =	vmov s0  }
0x1a0: {  	v2 =	vshll.u32 v2, $0x4  }
0x1a1: {  	_ =	swait.ge [sflag:s25], $0x800;
	v2 =	vor.u32 v1, v2  }
0x1a2: {  	[sflag:s25] =	ssyncset.done $0x0;
	v3 =	vor.u32 $0x4, v2  }
0x1a3: {  	[sflag:s25] =	ssyncadd.s32 $0xFFFFF800;
	v4 =	vor.u32 $0x8, v2  }
0x1a4: {  	_ =	swait.ge [sflag:s26], $0x800  }
0x1a5: {  	[sflag:s26] =	ssyncset.done $0x0  }
0x1a6: {  	[sflag:s26] =	ssyncadd.s32 $0xFFFFF800  }
0x1a7: {  	v5 =	vld.idx.msk [tilespmem:v3+s18+$0x0], $0xffff  }
0x1a8: {  	v4 =	vld.idx.msk [tilespmem:v4+s22+$0x0], $0xffff;
	_ =	sdelay $0x4  }
0x1a9: {  	v4 =	vadd.f32 v4, v5;
	_ =	sdelay $0x1  }
0x1aa: {  	v5 =	vmul.f32 $2.000000030e-01, v4  }
0x1ab: {  	vm0 =	vgt.f32 v4, $0.0e+00  }
0x1ac: {  	v4 =	vsel vm0, v4, v5  }
0x1ad: {  	v4 =	vmul.f32 $1.442695020e+00, v4;
	_ =	sdelay $0x1  }
0x1ae: {  	(erf) = vpow2.f32 v4;
	_ =	sdelay $0x4  }
0x1af: {  	v4 =	vld.idx.msk [tilespmem:v2+s18+$0x0], $0xffff;
	_ =	sdelay $0x3  }
0x1b0: {  	v5 =	vor.u32 $0x5, v2;
	v6 =	vpop (erf)  }
0x1b1: {  	v7 =	vor.u32 $0x9, v2;
	v4 =	vmul.f32 v6, v4;
	_ =	sdelay $0x1  }
0x1b2: {  	[tilespmem:v2+s18+$0x0] =	vst.idx.msk $0xffff, v4  }
0x1b3: {  	[tilespmem:v3+s18+$0x0] =	vst.idx.msk $0xffff, v6  }
0x1b4: {  	v3 =	vld.idx.msk [tilespmem:v5+s18+$0x0], $0xffff  }
0x1b5: {  	v4 =	vld.idx.msk [tilespmem:v7+s22+$0x0], $0xffff;
	_ =	sdelay $0x4  }
0x1b6: {  	v3 =	vadd.f32 v4, v3;
	_ =	sdelay $0x1  }
0x1b7: {  	v4 =	vmul.f32 $2.000000030e-01, v3  }
0x1b8: {  	vm13 =	vgt.f32 v3, $0.0e+00  }
0x1b9: {  	v3 =	vsel vm13, v3, v4  }
0x1ba: {  	v3 =	vmul.f32 $1.442695020e+00, v3;
	_ =	sdelay $0x1  }
0x1bb: {  	v4 =	vor.u32 $0x1, v2;
	(erf) = vpow2.f32 v3;
	_ =	sdelay $0x4  }
0x1bc: {  	v3 =	vld.idx.msk [tilespmem:v4+s18+$0x0], $0xffff;
	_ =	sdelay $0x3  }
0x1bd: {  	v6 =	vor.u32 $0x6, v2;
	v7 =	vpop (erf)  }
0x1be: {  	v8 =	vor.u32 $0xA, v2;
	v3 =	vmul.f32 v7, v3;
	_ =	sdelay $0x1  }
0x1bf: {  	[tilespmem:v4+s18+$0x0] =	vst.idx.msk $0xffff, v3  }
0x1c0: {  	[tilespmem:v5+s18+$0x0] =	vst.idx.msk $0xffff, v7  }
0x1c1: {  	v3 =	vld.idx.msk [tilespmem:v6+s18+$0x0], $0xffff  }
0x1c2: {  	v4 =	vld.idx.msk [tilespmem:v8+s22+$0x0], $0xffff;
	_ =	sdelay $0x4  }
0x1c3: {  	v3 =	vadd.f32 v4, v3;
	_ =	sdelay $0x1  }
0x1c4: {  	v4 =	vmul.f32 $2.000000030e-01, v3  }
0x1c5: {  	vm14 =	vgt.f32 v3, $0.0e+00  }
0x1c6: {  	v3 =	vsel vm14, v3, v4  }
0x1c7: {  	v3 =	vmul.f32 $1.442695020e+00, v3;
	_ =	sdelay $0x1  }
0x1c8: {  	v4 =	vor.u32 $0x2, v2;
	(erf) = vpow2.f32 v3;
	_ =	sdelay $0x4  }
0x1c9: {  	v5 =	vld.idx.msk [tilespmem:v4+s18+$0x0], $0xffff;
	_ =	sdelay $0x3  }
0x1ca: {  	v3 =	vor.u32 $0x7, v2;
	v7 =	vpop (erf)  }
0x1cb: {  	v63 =	vor.u32 $0xB, v2;
	v5 =	vmul.f32 v7, v5;
	_ =	sdelay $0x1  }
0x1cc: {  	[tilespmem:v4+s18+$0x0] =	vst.idx.msk $0xffff, v5  }
0x1cd: {  	[tilespmem:v6+s18+$0x0] =	vst.idx.msk $0xffff, v7  }
0x1ce: {  	v4 =	vld.idx.msk [tilespmem:v3+s18+$0x0], $0xffff  }
0x1cf: {  	v5 =	vld.idx.msk [tilespmem:v63+s22+$0x0], $0xffff;
	_ =	sdelay $0x4  }
0x1d0: {  	v5 =	vadd.f32 v5, v4;
	_ =	sdelay $0x1  }
0x1d1: {  	v4 =	vor.u32 $0x3, v2;
	v2 =	vmul.f32 $2.000000030e-01, v5  }
0x1d2: {  	vm15 =	vgt.f32 v5, $0.0e+00  }
0x1d3: {  	v2 =	vsel vm15, v5, v2  }
0x1d4: {  	v2 =	vmul.f32 $1.442695020e+00, v2;
	_ =	sdelay $0x1  }
0x1d5: {  	(erf) = vpow2.f32 v2;
	_ =	sdelay $0x2  }
0x1d6: {  	s30 =	simm.s32 $0x10  }
0x1d7: {  	v5 =	vmov s30  }
0x1d8: {  	v6 =	vshll.u32 v5, $0x4;
	v5 =	vld.idx.msk [tilespmem:v4+s18+$0x0], $0xffff;
	_ =	sdelay $0x2  }
0x1d9: {  	s0 =	simm.s32 $0x20;
	v2 =	vor.u32 v1, v6  }
.LBB2_10:
0x1da: {  	p0 =	sne.s32 s0, $0x70;
	v6 =	vor.u32 $0x4, v2;
	v7 =	vor.u32 $0x8, v2;
	v8 =	vpop (erf);
	s1 =	smov.u32 s0;
	s0 =	sadd.s32 $0x10, s0  }
0x1db: {  	v5 =	vmul.f32 v8, v5;
	_ =	sdelay $0x1  }
0x1dc: {  	[tilespmem:v4+s18+$0x0] =	vst.idx.msk $0xffff, v5  }
0x1dd: {  	[tilespmem:v3+s18+$0x0] =	vst.idx.msk $0xffff, v8  }
0x1de: {  	v3 =	vld.idx.msk [tilespmem:v6+s18+$0x0], $0xffff  }
0x1df: {  	v4 =	vld.idx.msk [tilespmem:v7+s22+$0x0], $0xffff;
	_ =	sdelay $0x5  }
0x1e0: {  	v3 =	vadd.f32 v4, v3;
	_ =	sdelay $0x1  }
0x1e1: {  	vm0 =	vgt.f32 v3, $0.0e+00;
	v4 =	vmul.f32 $2.000000030e-01, v3;
	_ =	sdelay $0x1  }
0x1e2: {  	v3 =	vsel vm0, v3, v4  }
0x1e3: {  	v3 =	vmul.f32 $1.442695020e+00, v3;
	_ =	sdelay $0x1  }
0x1e4: {  	(erf) = vpow2.f32 v3;
	_ =	sdelay $0x2  }
0x1e5: {  	v3 =	vld.idx.msk [tilespmem:v2+s18+$0x0], $0xffff;
	_ =	sdelay $0x5  }
0x1e6: {  	v5 =	vor.u32 $0x9, v2;
	v4 =	vor.u32 $0x5, v2;
	v7 =	vpop (erf)  }
0x1e7: {  	v3 =	vmul.f32 v7, v3;
	_ =	sdelay $0x1  }
0x1e8: {  	[tilespmem:v2+s18+$0x0] =	vst.idx.msk $0xffff, v3  }
0x1e9: {  	[tilespmem:v6+s18+$0x0] =	vst.idx.msk $0xffff, v7  }
0x1ea: {  	v3 =	vld.idx.msk [tilespmem:v4+s18+$0x0], $0xffff  }
0x1eb: {  	v5 =	vld.idx.msk [tilespmem:v5+s22+$0x0], $0xffff;
	_ =	sdelay $0x5  }
0x1ec: {  	v3 =	vadd.f32 v5, v3;
	_ =	sdelay $0x1  }
0x1ed: {  	vm0 =	vgt.f32 v3, $0.0e+00;
	v5 =	vmul.f32 $2.000000030e-01, v3;
	_ =	sdelay $0x1  }
0x1ee: {  	v3 =	vsel vm0, v3, v5;
	v5 =	vor.u32 $0x1, v2  }
0x1ef: {  	v3 =	vmul.f32 $1.442695020e+00, v3;
	_ =	sdelay $0x1  }
0x1f0: {  	(erf) = vpow2.f32 v3;
	_ =	sdelay $0x1  }
0x1f1: {  	v3 =	vld.idx.msk [tilespmem:v5+s18+$0x0], $0xffff;
	_ =	sdelay $0x6  }
0x1f2: {  	v6 =	vor.u32 $0x6, v2;
	v7 =	vor.u32 $0xA, v2;
	v8 =	vpop (erf)  }
0x1f3: {  	v3 =	vmul.f32 v8, v3;
	_ =	sdelay $0x1  }
0x1f4: {  	[tilespmem:v5+s18+$0x0] =	vst.idx.msk $0xffff, v3  }
0x1f5: {  	[tilespmem:v4+s18+$0x0] =	vst.idx.msk $0xffff, v8  }
0x1f6: {  	v3 =	vld.idx.msk [tilespmem:v6+s18+$0x0], $0xffff  }
0x1f7: {  	v4 =	vld.idx.msk [tilespmem:v7+s22+$0x0], $0xffff;
	_ =	sdelay $0x5  }
0x1f8: {  	v3 =	vadd.f32 v4, v3;
	_ =	sdelay $0x1  }
0x1f9: {  	vm0 =	vgt.f32 v3, $0.0e+00;
	v4 =	vmul.f32 $2.000000030e-01, v3  }
0x1fa: {  	v5 =	vor.u32 $0x2, v2  }
0x1fb: {  	v3 =	vsel vm0, v3, v4  }
0x1fc: {  	v3 =	vmul.f32 $1.442695020e+00, v3;
	_ =	sdelay $0x1  }
0x1fd: {  	(erf) = vpow2.f32 v3  }
0x1fe: {  	v4 =	vld.idx.msk [tilespmem:v5+s18+$0x0], $0xffff;
	_ =	sdelay $0x7  }
0x1ff: {  	v7 =	vor.u32 $0xB, v2;
	v3 =	vor.u32 $0x7, v2;
	v8 =	vpop (erf)  }
0x200: {  	v9 =	vmul.f32 v8, v4  }
0x201: {  	v4 =	vor.u32 $0x3, v2  }
0x202: {  	[tilespmem:v5+s18+$0x0] =	vst.idx.msk $0xffff, v9  }
0x203: {  	[tilespmem:v6+s18+$0x0] =	vst.idx.msk $0xffff, v8  }
0x204: {  	v2 =	vld.idx.msk [tilespmem:v3+s18+$0x0], $0xffff  }
0x205: {  	v6 =	vld.idx.msk [tilespmem:v7+s22+$0x0], $0xffff  }
0x206: {  	v5 =	vld.idx.msk [tilespmem:v4+s18+$0x0], $0xffff;
	_ =	sdelay $0x4  }
0x207: {  	v2 =	vadd.f32 v6, v2;
	_ =	sdelay $0x1  }
0x208: {  	vm0 =	vgt.f32 v2, $0.0e+00;
	v6 =	vmul.f32 $2.000000030e-01, v2;
	_ =	sdelay $0x1  }
0x209: {  	v2 =	vsel vm0, v2, v6  }
0x20a: {  	v2 =	vmul.f32 $1.442695020e+00, v2;
	_ =	sdelay $0x1  }
0x20b: {  	(erf) = vpow2.f32 v2;
	_ =	sdelay $0x3  }
.Ltmp4:
0x20c: {  	(pc) =	sbr.rel @p0 .LBB2_10-.Ltmp4, $4  }
0x20d: {  	_ = 	snop  }
0x20e: {  	v2 =	vmov s1  }
0x20f: {  	v2 =	vshll.u32 v2, $0x4  }
0x210: {  	v2 =	vor.u32 v1, v2  }
0x211: {  	_ = 	snop  }
0x212: {  	v6 =	vor.u32 $0x4, v2;
	v7 =	vpop (erf)  }
0x213: {  	v8 =	vor.u32 $0x8, v2;
	v5 =	vmul.f32 v7, v5;
	_ =	sdelay $0x1  }
0x214: {  	[tilespmem:v4+s18+$0x0] =	vst.idx.msk $0xffff, v5  }
0x215: {  	[tilespmem:v3+s18+$0x0] =	vst.idx.msk $0xffff, v7  }
0x216: {  	v3 =	vld.idx.msk [tilespmem:v6+s18+$0x0], $0xffff  }
0x217: {  	v4 =	vld.idx.msk [tilespmem:v8+s22+$0x0], $0xffff;
	_ =	sdelay $0x4  }
0x218: {  	v3 =	vadd.f32 v4, v3;
	_ =	sdelay $0x1  }
0x219: {  	v4 =	vmul.f32 $2.000000030e-01, v3  }
0x21a: {  	vm0 =	vgt.f32 v3, $0.0e+00  }
0x21b: {  	v3 =	vsel vm0, v3, v4  }
0x21c: {  	v3 =	vmul.f32 $1.442695020e+00, v3;
	_ =	sdelay $0x1  }
0x21d: {  	(erf) = vpow2.f32 v3;
	_ =	sdelay $0x4  }
0x21e: {  	v3 =	vld.idx.msk [tilespmem:v2+s18+$0x0], $0xffff;
	_ =	sdelay $0x3  }
0x21f: {  	v52 =	vor.u32 $0x5, v2;
	v53 =	vpop (erf)  }
0x220: {  	v54 =	vor.u32 $0x9, v2;
	v3 =	vmul.f32 v53, v3;
	_ =	sdelay $0x1  }
0x221: {  	[tilespmem:v2+s18+$0x0] =	vst.idx.msk $0xffff, v3  }
0x222: {  	[tilespmem:v6+s18+$0x0] =	vst.idx.msk $0xffff, v53  }
0x223: {  	v3 =	vld.idx.msk [tilespmem:v52+s18+$0x0], $0xffff  }
0x224: {  	v5 =	vld.idx.msk [tilespmem:v54+s22+$0x0], $0xffff;
	_ =	sdelay $0x4  }
0x225: {  	v3 =	vadd.f32 v5, v3;
	_ =	sdelay $0x1  }
0x226: {  	v5 =	vmul.f32 $2.000000030e-01, v3  }
0x227: {  	vm13 =	vgt.f32 v3, $0.0e+00  }
0x228: {  	v3 =	vsel vm13, v3, v5  }
0x229: {  	v3 =	vmul.f32 $1.442695020e+00, v3;
	_ =	sdelay $0x1  }
0x22a: {  	v55 =	vor.u32 $0x1, v2;
	(erf) = vpow2.f32 v3;
	_ =	sdelay $0x4  }
0x22b: {  	v3 =	vld.idx.msk [tilespmem:v55+s18+$0x0], $0xffff;
	_ =	sdelay $0x3  }
0x22c: {  	v56 =	vor.u32 $0x6, v2;
	v57 =	vpop (erf)  }
0x22d: {  	v58 =	vor.u32 $0xA, v2;
	v3 =	vmul.f32 v57, v3;
	_ =	sdelay $0x1  }
0x22e: {  	[tilespmem:v55+s18+$0x0] =	vst.idx.msk $0xffff, v3  }
0x22f: {  	[tilespmem:v52+s18+$0x0] =	vst.idx.msk $0xffff, v57  }
0x230: {  	v3 =	vld.idx.msk [tilespmem:v56+s18+$0x0], $0xffff  }
0x231: {  	v4 =	vld.idx.msk [tilespmem:v58+s22+$0x0], $0xffff;
	_ =	sdelay $0x4  }
0x232: {  	v3 =	vadd.f32 v4, v3;
	_ =	sdelay $0x1  }
0x233: {  	v4 =	vmul.f32 $2.000000030e-01, v3  }
0x234: {  	vm14 =	vgt.f32 v3, $0.0e+00  }
0x235: {  	v3 =	vsel vm14, v3, v4  }
0x236: {  	v3 =	vmul.f32 $1.442695020e+00, v3;
	_ =	sdelay $0x1  }
0x237: {  	v59 =	vor.u32 $0x2, v2;
	(erf) = vpow2.f32 v3;
	_ =	sdelay $0x4  }
0x238: {  	v3 =	vld.idx.msk [tilespmem:v59+s18+$0x0], $0xffff;
	_ =	sdelay $0x3  }
0x239: {  	v60 =	vor.u32 $0x7, v2;
	v61 =	vpop (erf)  }
0x23a: {  	v62 =	vor.u32 $0xB, v2;
	v3 =	vmul.f32 v61, v3;
	_ =	sdelay $0x1  }
0x23b: {  	[tilespmem:v59+s18+$0x0] =	vst.idx.msk $0xffff, v3  }
0x23c: {  	[tilespmem:v56+s18+$0x0] =	vst.idx.msk $0xffff, v61  }
0x23d: {  	v3 =	vld.idx.msk [tilespmem:v60+s18+$0x0], $0xffff  }
0x23e: {  	v4 =	vld.idx.msk [tilespmem:v62+s22+$0x0], $0xffff;
	_ =	sdelay $0x4  }
0x23f: {  	v3 =	vadd.f32 v4, v3;
	_ =	sdelay $0x1  }
0x240: {  	v4 =	vmul.f32 $2.000000030e-01, v3  }
0x241: {  	vm15 =	vgt.f32 v3, $0.0e+00  }
0x242: {  	v3 =	vsel vm15, v3, v4  }
0x243: {  	v3 =	vmul.f32 $1.442695020e+00, v3;
	_ =	sdelay $0x1  }
0x244: {  	v2 =	vor.u32 $0x3, v2;
	(erf) = vpow2.f32 v3;
	_ =	sdelay $0x4  }
0x245: {  	v3 =	vld.idx.msk [tilespmem:v2+s18+$0x0], $0xffff;
	_ =	sdelay $0x3  }
0x246: {  	v63 =	vpop (erf)  }
0x247: {  	v3 =	vmul.f32 v63, v3;
	_ =	sdelay $0x1  }
0x248: {  	[tilespmem:v2+s18+$0x0] =	vst.idx.msk $0xffff, v3  }
0x249: {  	s0 =	simm.s32 $0x4E80;
	[tilespmem:v60+s18+$0x0] =	vst.idx.msk $0xffff, v63  }
0x24a: {  	[spmem:s2] =	stream.indirect.scatter.add.f32 [tilespmem:s18], [sflag:$0x5], $0x10, s0, s21, $0xb8;
	[tilespmem:$0x9700] =	vst v63  }
0x24b: {  	_ =	swait.ge [sflag:s19], $0x800  }
0x24c: {  	s20 =	stileid.u32;
	[sflag:s19] =	ssyncset.done $0x0  }
0x24d: {  	s0 =	sshll.u32 s20, $0x6;
	[sflag:s19] =	ssyncadd.s32 $0xFFFFF800  }
0x24e: {  	s1 =	sshrl.u32 s5, $0x3;
	s0 =	sor.u32 $0x1C05, s0;
	[bflag:$0x0] =	sbarrier.arrive $0xFFFF  }
0x24f: {  	[hbm:s12], [sflag:s0] =	dma.local [spmem:s1], $0x100  }
0x250: {  	_ =	swait.ge [sflag:s19], $0x100  }
0x251: {  	[sflag:s19] =	ssyncset.done $0x0  }
0x252: {  	s30 =	sshrl.u32 s6, $0x3;
	[sflag:s19] =	ssyncadd.s32 $0xFFFFFF00  }
0x253: {  	[hbm:s13], [sflag:s0] =	dma.local [spmem:s30], $0x100  }
0x254: {  	_ =	swait.ge [sflag:s19], $0x100  }
0x255: {  	[sflag:s19] =	ssyncset.done $0x0  }
0x256: {  	s10 =	sshrl.u32 s7, $0x3;
	[sflag:s19] =	ssyncadd.s32 $0xFFFFFF00  }
0x257: {  	[hbm:s14], [sflag:s0] =	dma.local [spmem:s10], $0x100  }
0x258: {  	_ =	swait.ge [sflag:s19], $0x100  }
0x259: {  	[sflag:s19] =	ssyncset.done $0x0  }
0x25a: {  	s20 =	sshrl.u32 s8, $0x3;
	[sflag:s19] =	ssyncadd.s32 $0xFFFFFF00  }
0x25b: {  	[hbm:s15], [sflag:s0] =	dma.local [spmem:s20], $0x100  }
0x25c: {  	s3 =	sadd.s32 $0x1, s3;
	_ =	swait.ge [sflag:s19], $0x100  }
0x25d: {  	p0 =	sne.s32 s3, s17;
	[sflag:s19] =	ssyncset.done $0x0  }
.Ltmp5:
0x25e: {  	s30 =	sshrl.u32 s9, $0x3;
	[sflag:s19] =	ssyncadd.s32 $0xFFFFFF00;
	(pc) =	sbr.rel @p0 .LBB2_1-.Ltmp5, $4  }
0x25f: {  	[hbm:s16], [sflag:s0] =	dma.local [spmem:s30], $0x100  }
0x260: {  	_ =	swait.ge [sflag:s19], $0x100  }
0x261: {  	[sflag:s19] =	ssyncset.done $0x0  }
0x262: {  	[sflag:s19] =	ssyncadd.s32 $0xFFFFFF00  }
0x263: {  	_ =	sfence.sel $0x180000  }
0x264: {  	[bflag:$0x0] =	sbarrier.arrive $0xFFFF  }
0x265: {  	_ =	strace $0x9000004A  }
0x266: {  	s0 =	stileid.u32;
	[bflag:$0x2] =	sbarrier.arrive $0xFFFF  }
0x267: {  	p0 =	sne.s32 s0, $0x0;
	s0 =	rddreg [dreg:$0x2]  }
0x268: {  	s0 =	sadd.s32 @!p0 $0x100000, s0  }
0x269: {  	[sflag:s0] =	ssyncadd.tile.s32 @!p0 $0x1;
	_ =	shalt  }
.Lfunc_end2:
_tile_overlayer_lowered:
.L_overlay_start_2:
0x26a: {  	(tag) =	ssettag $0x2  }
0x26b: {  	s0 =	rddreg [dreg:$0x0];
	s2 =	stileid.u32  }
0x26c: {  	s1 =	rddreg [dreg:$0x1];
	p0 =	sne.s32 s2, $0x0  }
0x26d: {  	s3 =	rddreg [dreg:$0x2];
	[bflag:$0x3] =	sbarrier.arrive $0xFFFF;
	s2 =	simm.s32 @!p0 $0x1C05  }
0x26e: {  	[timem:s3], [sflag:s2] =	dma.local @!p0 [hbm:s0], s1  }
0x26f: {  	s0 =	simm.s32 @!p0 $0x5  }
0x270: {  	_ =	swait.ge @!p0 [sflag:s0], s1  }
0x271: {  	s1 =	ssub.s32 @!p0 $0x0, s1;
	[sflag:s0] =	ssyncset.done @!p0 $0x0  }
0x272: {  	[sflag:s0] =	ssyncadd.s32 @!p0 s1  }
0x273: {  	[bflag:$0x3] =	sbarrier.arrive $0xFFFF  }
0x274: {  	_ =	shalt  }

// kernel: kernel.7.cloned.1.call-start
scs
__scs_entry_jumppad:
0x0: {  	(pc) =	sbr.rel $0x88, $3  }
0x1: {  	(tag) =	ssettag $0x0;
	lr =	simm.s32 $0x1  }
0x2: {  	[smem:$0x3F93] =	sst lr;
	_ =	strace $0xD0000000  }
0x3: {  	_ = 	snop  }
0x4: {  	_ = 	snop  }
0x5: {  	_ = 	snop  }
0x6: {  	_ = 	snop  }
0x7: {  	_ = 	snop  }
__scs_overlays_trampoline_lowered:
0x8: {  	[smem:$0x3FA2] =	sst s0  }
0x9: {  	[smem:$0x3FA3] =	sst s1  }
0xa: {  	[smem:$0x3FA4] =	sst s2  }
0xb: {  	[smem:$0x3FA5] =	sst s3  }
0xc: {  	[smem:$0x3FA6] =	sst s4  }
0xd: {  	[smem:$0x3FA7] =	sst s5  }
0xe: {  	[smem:$0x3FA8] =	sst s6  }
0xf: {  	[smem:$0x3FA9] =	sst s7  }
0x10: {  	[smem:$0x3FAA] =	sst s8  }
0x11: {  	[smem:$0x3FAB] =	sst s9;
	s0 =	simm.s32 @!p0 $0x0  }
0x12: {  	s1 =	sld [smem:$0x3F91];
	s0 =	simm.s32 @p0 $0x1  }
0x13: {  	[smem:$0x3FAC] =	sst s0;
	s0 =	simm.s32 @!p1 $0x0  }
0x14: {  	s2 =	sld [smem:$0x3F90];
	s0 =	simm.s32 @p1 $0x1  }
0x15: {  	[smem:$0x3FAD] =	sst s0;
	s0 =	simm.s32 @!p2 $0x0  }
0x16: {  	s3 =	sld [smem:$0x3FDB];
	s0 =	simm.s32 @p2 $0x1  }
0x17: {  	s4 =	simm.s32 $0x1BF5;
	[smem:$0x3FAF] =	sst s0  }
0x18: {  	s0 =	sld [smem:$0x3F92];
	_ =	swait.ge [sflag:s4], $0x0  }
0x19: {  	s7 =	sld [smem:$0x3F93]  }
0x1a: {  	s8 =	sadd.s32 $0xFFFFE003, lr  }
0x1b: {  	s9 =	sadd.s32 $0xFFFFFEF7, lr;
	s5 =	simm.s32 $0xFFFFFFFF;
	p2 =	slt.u32 s8, $0xFFFFF086  }
0x1c: {  	p1 =	slt.u32 s9, $0xF7A;
	s5 =	simm.s32 @!p2 $0x0  }
0x1d: {  	s5 =	simm.s32 @p1 $0x1;
	p0 =	seq.s32 s7, s2  }
0x1e: {  	s7 =	smul.u32 @!p0 $0xF7A, s2;
	p2 =	seq.s32 @!p0 s5, $0x0  }
0x1f: {  	s9 =	smul.u32 $0xF7A, s1;
	s8 =	simm.s32 @!p0 $0x1BF5;
	p2 =	por !p2, p0  }
0x20: {  	[sflag:s8] =	ssyncset.s32 @!p0 $0xFFFFF086;
	s6 =	sadd.s32 @!p0 s3, s7;
	s7 =	simm.s32 @!p0 $0x108  }
0x21: {  	s3 =	sadd.s32 s3, s9;
	s6 =	sadd.s32 @!p0 $0x88, s6;
	s7 =	simm.s32 @p2 $0x1082  }
0x22: {  	[simem:s7], [sflag:s8] =	dma.local @!p0 [hbm:s6], $0xF7A  }
0x23: {  	s9 =	sor.u32 $0xD0000000, s2;
	s6 =	simm.s32 $0x108;
	_ =	swait.ge @!p0 [sflag:s8], $0x0  }
0x24: {  	s3 =	sadd.s32 $0x88, s3;
	s6 =	simm.s32 @!p1 $0x1082;
	[sflag:s4] =	ssyncset.s32 $0xFFFFF086  }
0x25: {  	[simem:s6], [sflag:s4] =	dma.local [hbm:s3], $0xF7A  }
0x26: {  	[smem:$0x3F93] =	sst s1;
	(tag) =	ssettag s2;
	_ =	strace s9  }
0x27: {  	s1 =	sld [smem:$0x3FA3]  }
0x28: {  	s2 =	sld [smem:$0x3FA4]  }
0x29: {  	s4 =	sld [smem:$0x3FA6]  }
0x2a: {  	p0 =	seq.s32 s5, $0x0;
	s5 =	sld [smem:$0x3FA7]  }
0x2b: {  	s6 =	sld [smem:$0x3FA8]  }
0x2c: {  	s7 =	sld [smem:$0x3FA9]  }
0x2d: {  	s3 =	simm.s32 $0x108;
	s8 =	sld [smem:$0x3FAA]  }
0x2e: {  	s3 =	simm.s32 @!p0 $0x1082;
	s9 =	sld [smem:$0x3FAB]  }
0x2f: {  	lr =	sadd.s32 s0, s3;
	s0 =	sld [smem:$0x3FA2]  }
0x30: {  	s3 =	sld [smem:$0x3FA5]  }
0x31: {  	[smem:$0x3FAE] =	sst s10  }
0x32: {  	s10 =	sld [smem:$0x3FAC];
	_ =	sdelay $0x3  }
0x33: {  	p0 =	seq.s32 s10, $0x1;
	s10 =	sld [smem:$0x3FAE];
	_ =	sdelay $0x3  }
0x34: {  	[smem:$0x3FAE] =	sst s10  }
0x35: {  	s10 =	sld [smem:$0x3FAD];
	_ =	sdelay $0x3  }
0x36: {  	p1 =	seq.s32 s10, $0x1;
	s10 =	sld [smem:$0x3FAE];
	_ =	sdelay $0x3  }
0x37: {  	[smem:$0x3FAE] =	sst s10  }
0x38: {  	s10 =	sld [smem:$0x3FAF]  }
0x39: {  	_ = 	snop;
	(pc) =	sbr.ind lr, $3  }
0x3a: {  	_ = 	snop  }
0x3b: {  	_ = 	snop  }
0x3c: {  	p2 =	seq.s32 s10, $0x1;
	s10 =	sld [smem:$0x3FAE]  }
0x3d: {  	_ =	shalt  }
0x3e: {  	_ =	shalt  }
0x3f: {  	_ =	shalt  }
0x40: {  	_ =	shalt  }
0x41: {  	_ =	shalt  }
0x42: {  	_ =	shalt  }
0x43: {  	_ =	shalt  }
0x44: {  	_ =	shalt  }
0x45: {  	_ =	shalt  }
0x46: {  	_ =	shalt  }
0x47: {  	_ =	shalt  }
0x48: {  	_ =	shalt  }
0x49: {  	_ =	shalt  }
0x4a: {  	_ =	shalt  }
0x4b: {  	_ =	shalt  }
0x4c: {  	_ =	shalt  }
0x4d: {  	_ =	shalt  }
0x4e: {  	_ =	shalt  }
0x4f: {  	_ =	shalt  }
0x50: {  	_ =	shalt  }
0x51: {  	_ =	shalt  }
0x52: {  	_ =	shalt  }
0x53: {  	_ =	shalt  }
0x54: {  	_ =	shalt  }
0x55: {  	_ =	shalt  }
0x56: {  	_ =	shalt  }
0x57: {  	_ =	shalt  }
0x58: {  	_ =	shalt  }
0x59: {  	_ =	shalt  }
0x5a: {  	_ =	shalt  }
0x5b: {  	_ =	shalt  }
0x5c: {  	_ =	shalt  }
0x5d: {  	_ =	shalt  }
0x5e: {  	_ =	shalt  }
0x5f: {  	_ =	shalt  }
0x60: {  	_ =	shalt  }
0x61: {  	_ =	shalt  }
0x62: {  	_ =	shalt  }
0x63: {  	_ =	shalt  }
0x64: {  	_ =	shalt  }
0x65: {  	_ =	shalt  }
0x66: {  	_ =	shalt  }
0x67: {  	_ =	shalt  }
0x68: {  	_ =	shalt  }
0x69: {  	_ =	shalt  }
0x6a: {  	_ =	shalt  }
0x6b: {  	_ =	shalt  }
0x6c: {  	_ =	shalt  }
0x6d: {  	_ =	shalt  }
0x6e: {  	_ =	shalt  }
0x6f: {  	_ =	shalt  }
0x70: {  	_ =	shalt  }
0x71: {  	_ =	shalt  }
0x72: {  	_ =	shalt  }
0x73: {  	_ =	shalt  }
0x74: {  	_ =	shalt  }
0x75: {  	_ =	shalt  }
0x76: {  	_ =	shalt  }
0x77: {  	_ =	shalt  }
0x78: {  	_ =	shalt  }
0x79: {  	_ =	shalt  }
0x7a: {  	_ =	shalt  }
0x7b: {  	_ =	shalt  }
0x7c: {  	_ =	shalt  }
0x7d: {  	_ =	shalt  }
0x7e: {  	_ =	shalt  }
0x7f: {  	_ =	shalt  }
0x80: {  	_ =	shalt  }
0x81: {  	_ =	shalt  }
0x82: {  	_ =	shalt  }
0x83: {  	_ =	shalt  }
0x84: {  	_ =	shalt  }
0x85: {  	_ =	shalt  }
0x86: {  	_ =	shalt  }
0x87: {  	_ =	shalt  }
.Lfunc_end0:
.L_simem_size_0:
called_computation_lowered:
.L_overlay_start_0:
0x88: {  	s2 =	sld [smem:$0x3FD9]  }
0x89: {  	s3 =	sld [smem:$0x3FFE];
	_ =	sdelay $0x1  }
0x8a: {  	s1 =	srdreg.scid  }
0x8b: {  	s0 =	sand.u32 $0x1, s1  }
0x8c: {  	s16 =	sshll.u32 s0, $0xA;
	s2 =	sadd.s32 s3, s2  }
0x8d: {  	s2 =	sadd.s32 s2, s16  }
0x8e: {  	[smem:$0x3FBA] =	sst s2  }
0x8f: {  	_ = 	snop  }
0x90: {  	(tm) =	ssettm $0x1  }
0x91: {  	s17 =	sld [smem:$0x3FFB];
	_ =	sdelay $0x3  }
0x92: {  	_ =	strace s17  }
0x93: {  	s2 =	sld [smem:$0x3FFC];
	_ =	sdelay $0x3  }
0x94: {  	_ =	strace s2  }
0x95: {  	s2 =	sld [smem:$0x3FFD];
	_ =	sdelay $0x3  }
0x96: {  	_ =	strace s2  }
0x97: {  	_ =	strace $0x8FFFFFFF  }
0x98: {  	s18 =	sld [smem:$0x3FDB];
	_ =	sdelay $0x1  }
0x99: {  	s19 =	simm.s32 $_scs_section_size  }
0x9a: {  	s4 =	simm.s32 $_size__tile_overlayer_lowered;
	s5 =	simm.s32 $_tile_overlayer_lowered  }
0x9b: {  	s22 =	simm.s32 $0x1BFF;
	s21 =	sshll.u32 s5, $0x1;
	s2 =	sadd.s32 s19, s18  }
0x9c: {  	s6 =	simm.s32 $0x0;
	s20 =	sshll.u32 s4, $0x1;
	s4 =	sadd.s32 s21, s2  }
0x9d: {  	[timem:s6], [sflag:s22] =	dma.local [hbm:s4], s20  }
0x9e: {  	_ =	swait.ge [sflag:s22], s20  }
0x9f: {  	s3 =	ssub.s32 $0x0, s20;
	[sflag:s22] =	ssyncset.done $0x0  }
0xa0: {  	[sflag:s22] =	ssyncadd.s32 s3;
	_ =	sdelay $0x1  }
0xa1: {  	s23 =	simm.s32 $0x1B8B  }
0xa2: {  	_ =	swait.ge [sflag:s23], $0x1  }
0xa3: {  	[sflag:s23] =	ssyncset.done $0x0  }
0xa4: {  	s25 =	simm.s32 $0x1B8E;
	s24 =	sld [smem:$0x3FFE];
	[sflag:s23] =	ssyncadd.s32 $0xFFFFFFFF  }
0xa5: {  	s26 =	simm.s32 $execute0_lowered;
	[smem:$0x3FD2] =	sst s25  }
0xa6: {  	s4 =	sshll.u32 s26, $0x1;
	_ =	strace $0x80000046;
	[dreg:$0x1] =	wrdreg $0xFFFFFFFF  }
0xa7: {  	s28 =	simm.s32 $_size_execute0_lowered;
	s2 =	sadd.s32 s2, s4;
	[dreg:$0x0] =	wrdreg $0x0  }
0xa8: {  	s4 =	sshll.u32 s28, $0x1;
	[dreg:$0x2] =	wrdreg s2  }
0xa9: {  	[dreg:$0x3] =	wrdreg s4  }
0xaa: {  	[dreg:$0x4] =	wrdreg $0xC0  }
0xab: {  	_ =	task [dreg:s6], $0x5FFFF  }
0xac: {  	[dreg:$0x1] =	wrdreg $0xFFFFFFFF  }
0xad: {  	[dreg:$0x0] =	wrdreg $0x60  }
0xae: {  	[dreg:$0x2] =	wrdreg s24  }
0xaf: {  	[dreg:$0x3] =	wrdreg $0xFE000  }
0xb0: {  	[dreg:$0x4] =	wrdreg $0x9  }
0xb1: {  	_ =	task.clear_ibuf [dreg:s6], $0x5FFFF;
	_ =	strace $0x90000046  }
0xb2: {  	s29 =	simm.s32 $0x9;
	_ =	strace $0x80000048  }
0xb3: {  	_ =	swait.ge [sflag:s29], $0x1  }
0xb4: {  	[sflag:s29] =	ssyncadd.s32 $0xFFFFFFFF  }
0xb5: {  	_ =	strace $0x90000048  }
0xb6: {  	_ =	sfence  }
0xb7: {  	s30 =	sld [smem:$0x0];
	_ =	sdelay $0x2  }
0xb8: {  	s31 =	sshll.u32 s1, $0xD;
	s1 =	sshrl.u32 s1, $0x2  }
0xb9: {  	s3 =	sand.u32 $0x4000, s31;
	s1 =	sadd.s32 s1, s30  }
0xba: {  	s0 =	sor.u32 s3, s0;
	s1 =	sshll.u32 s1, $0x11  }
0xbb: {  	s0 =	sor.u32 s1, s0  }
0xbc: {  	s0 =	sadd.s32 $0x8F2B, s0  }
0xbd: {  	[sflag:s0] =	ssyncadd.remote.s32 $0x1  }
0xbe: {  	_ =	sfence.sel $0xFFFF  }
0xbf: {  	[dreg:$0x0] =	wrdreg $0xFFFFFFFF;
	(pc) =	sbr.abs _section_cstart, $3  }
0xc0: {  	[dreg:$0x1] =	wrdreg $0xFFFFFFFF  }
0xc1: {  	_ =	task.clear_ibuf [dreg:s6], $0x2FFFF;
	_ =	strace $0x9FFFFFFF  }
0xc2: {  	(tm) =	ssettm $0x7FFFFFFF  }
0xc3: {  	_ =	shalt  }
tec
execute0_lowered:
.L_overlay_start_1:
0x0: {  	(tag) =	ssettag $0x1  }
0x1: {  	s0 =	rddreg [dreg:$0x0]  }
0x2: {  	s2 =	rddreg [dreg:$0x1];
	s3 =	simm.s32 $0x0  }
0x3: {  	s7 =	stileid.u32;
	s1 =	srdreg.scid;
	s28 =	simm.s32 $0x3  }
0x4: {  	s29 =	simm.s32 $0x2;
	s30 =	simm.s32 $0x4;
	s31 =	simm.s32 $0x0  }
0x5: {  	[smem:$0x7FF] =	sst s3;
	s5 =	smul.u32 $0x9E0, s7;
	s1 =	sand.u32 $0x1, s1  }
0x6: {  	s4 =	sadd.s32 $0xD4A00, s0;
	s10 =	smul.u32 $0xC800, s7;
	s12 =	sadd.s32 $0xED600, s0  }
0x7: {  	_ =	strace $0x80000047;
	s6 =	ssub.s32 $0x2, s1;
	p0 =	seq.s32 s1, $0x0  }
0x8: {  	s11 =	sadd.s32 s5, s0;
	s18 =	sshrl.u32 s6, $0x1;
	s14 =	sadd.s32 $0x2800, s10  }
0x9: {  	s15 =	sadd.s32 $0x5000, s10;
	s5 =	sadd.s32 s10, s2;
	s16 =	sadd.s32 $0x7800, s10  }
0xa: {  	s17 =	sadd.s32 $0xA000, s10;
	s13 =	ssub.s32 s6, s18;
	s6 =	sadd.s32 s14, s2  }
0xb: {  	s7 =	sadd.s32 s15, s2;
	s18 =	smul.u32 $0xC8000, s1;
	s19 =	sadd.s32 $0xE3800, s11  }
0xc: {  	s8 =	sadd.s32 s16, s2;
	s11 =	sadd.s32 $0xD9A00, s11;
	[dreg:$0x3] =	wrdreg s19  }
0xd: {  	s9 =	sadd.s32 s17, s2;
	s1 =	sshll.u32 s1, $0x1;
	[dreg:$0x4] =	wrdreg s11  }
0xe: {  	s11 =	simm.s32 $0xBBA00;
	s10 =	sadd.s32 s10, s18;
	s19 =	sadd.s32 s18, s14  }
0xf: {  	s21 =	sadd.s32 s18, s15;
	s23 =	sadd.s32 s18, s16;
	s25 =	sadd.s32 s18, s17  }
0x10: {  	s17 =	smax.u32 s13, $0x1;
	s11 =	simm.s32 @!p0 $0xA2A00;
	s10 =	sshrl.u32 s10, $0x3  }
0x11: {  	s20 =	sshrl.u32 s19, $0x3;
	s22 =	sshrl.u32 s21, $0x3;
	s24 =	sshrl.u32 s23, $0x3  }
0x12: {  	s26 =	sshrl.u32 s25, $0x3;
	s18 =	sadd.s32 s11, s0;
	s19 =	simm.s32 $0x9E00  }
0x13: {  	s21 =	simm.s32 $0x4F00;
	s23 =	simm.s32 $0xEE00;
	s25 =	simm.s32 $0xF600  }
0x14: {  	s10 =	sadd.s32 s12, s10;
	s15 =	sadd.s32 s12, s24;
	s16 =	sadd.s32 s12, s26  }
0x15: {  	s24 =	simm.s32 $0xC600;
	[dreg:$0x5] =	wrdreg s10;
	s10 =	sadd.s32 s12, s20  }
0x16: {  	v0 =	vmov s1;
	s26 =	simm.s32 $0x1;
	[dreg:$0x6] =	wrdreg s10;
	s10 =	sadd.s32 s12, s22  }
0x17: {  	v2 =	vimm.f32 $0.0e+00;
	v3 =	vlaneseq.u32;
	v1 =	vor.u32 $0x1, v0;
	s20 =	simm.s32 $0x5;
	s22 =	simm.s32 $0x80;
	[dreg:$0x7] =	wrdreg s10  }
.LBB2_1:
0x18: {  	s1 =	simm.s32 $0x240;
	s0 =	simm.s32 $0x40  }
.LBB2_2:
0x19: {  	p0 =	sne.s32 s1, $0x9FC0;
	[tilespmem:s0+$0x9E00] =	vst v2;
	s10 =	smov.u32 s1;
	s1 =	sadd.s32 $0x140, s1  }
.Ltmp0:
0x1a: {  	[tilespmem:s0+$0x9DF0] =	vst v2;
	(pc) =	sbr.rel @p0 .LBB2_2-.Ltmp0, $4  }
0x1b: {  	[tilespmem:s0+$0x9DE0] =	vst v2  }
0x1c: {  	[tilespmem:s0+$0x9DC0] =	vst v2  }
0x1d: {  	[tilespmem:s0+$0x9DD0] =	vst v2  }
0x1e: {  	s0 =	sshra.s32 s10, $0x2  }
0x1f: {  	[tilespmem:s0+$0x9E00] =	vst v2  }
0x20: {  	[tilespmem:s0+$0x9DF0] =	vst v2  }
0x21: {  	[tilespmem:s0+$0x9DE0] =	vst v2  }
0x22: {  	[tilespmem:s0+$0x9DC0] =	vst v2  }
0x23: {  	[tilespmem:s0+$0x9DD0] =	vst v2  }
0x24: {  	[spmem:s5] =	stream.linear.scatter [tilespmem:s19], [sflag:$0x5], $0x2800, $0x38;
	[tilespmem:$0x1C600] =	vst v63  }
0x25: {  	_ =	swait.ge [sflag:s20], $0x2800  }
0x26: {  	[sflag:s20] =	ssyncset.done $0x0  }
0x27: {  	[sflag:s20] =	ssyncadd.s32 $0xFFFFD800  }
0x28: {  	[spmem:s6] =	stream.linear.scatter [tilespmem:s19], [sflag:$0x5], $0x2800, $0x38;
	[tilespmem:$0x1C600] =	vst v63  }
0x29: {  	_ =	swait.ge [sflag:s20], $0x2800  }
0x2a: {  	[sflag:s20] =	ssyncset.done $0x0  }
0x2b: {  	[sflag:s20] =	ssyncadd.s32 $0xFFFFD800  }
0x2c: {  	[spmem:s7] =	stream.linear.scatter [tilespmem:s19], [sflag:$0x5], $0x2800, $0x38;
	[tilespmem:$0x1C600] =	vst v63  }
0x2d: {  	_ =	swait.ge [sflag:s20], $0x2800  }
0x2e: {  	[sflag:s20] =	ssyncset.done $0x0  }
0x2f: {  	[sflag:s20] =	ssyncadd.s32 $0xFFFFD800  }
0x30: {  	[spmem:s8] =	stream.linear.scatter [tilespmem:s19], [sflag:$0x5], $0x2800, $0x38;
	[tilespmem:$0x1C600] =	vst v63  }
0x31: {  	_ =	swait.ge [sflag:s20], $0x2800  }
0x32: {  	[sflag:s20] =	ssyncset.done $0x0  }
0x33: {  	[sflag:s20] =	ssyncadd.s32 $0xFFFFD800  }
0x34: {  	[spmem:s9] =	stream.linear.scatter [tilespmem:s19], [sflag:$0x5], $0x2800, $0x38;
	[tilespmem:$0x1C600] =	vst v63  }
0x35: {  	_ =	swait.ge [sflag:s20], $0x2800  }
0x36: {  	[sflag:s20] =	ssyncset.done $0x0  }
0x37: {  	s13 =	rddreg [dreg:$0x3];
	[sflag:s20] =	ssyncadd.s32 $0xFFFFD800  }
0x38: {  	[tilespmem:s31], [sflag:$0x5] =	stream.linear.gather [hbm4b:s13+s31], $0x4F00, $0x38;
	[tilespmem:$0x1C600] =	vst v63  }
0x39: {  	_ =	swait.ge [sflag:s20], $0x4F00  }
0x3a: {  	[sflag:s20] =	ssyncset.done $0x0  }
0x3b: {  	s14 =	rddreg [dreg:$0x4];
	[sflag:s20] =	ssyncadd.s32 $0xFFFFB100  }
0x3c: {  	[tilespmem:s21], [sflag:$0x5] =	stream.linear.gather [hbm4b:s14+s31], $0x4F00, $0x38;
	[tilespmem:$0x1C600] =	vst v63  }
0x3d: {  	_ =	swait.ge [sflag:s20], $0x4F00  }
0x3e: {  	[sflag:s20] =	ssyncset.done $0x0  }
0x3f: {  	[sflag:s20] =	ssyncadd.s32 $0xFFFFB100  }
0x40: {  	[bflag:$0x0] =	sbarrier.arrive $0xFFFF  }
0x41: {  	[tilespmem:s19], [sflag:$0x1] =	stream.indirect.gather [hbm4b:s18+s22], $0x50, s31, s22, $0xb8;
	[tilespmem:$0x1C600] =	vst v63  }
0x42: {  	s0 =	simm.s32 $0x0  }
0x43: {  	[tilespmem:s23], [sflag:$0x3] =	stream.indirect.gather [hbm4b:s4+s22], $0x10, s21, s22, $0xb8;
	[tilespmem:$0x1C600] =	vst v63  }
.LBB2_4:
0x44: {  	s10 =	sshll.u32 s0, $0xA  }
0x45: {  	s11 =	sshra.s32 s10, $0x2  }
0x46: {  	s1 =	sor.u32 $0x80, s11  }
0x47: {  	[tilespmem:s24], [sflag:$0x2] =	stream.indirect.gather [hbm4b:s18+s22], $0x50, s1, s22, $0xb8;
	[tilespmem:$0x1C600] =	vst v63  }
0x48: {  	s1 =	sadd.s32 $0x4F80, s11  }
0x49: {  	v4 =	vor.u32 s31, v3;
	[tilespmem:s25], [sflag:$0x4] =	stream.indirect.gather [hbm4b:s4+s22], $0x10, s1, s22, $0xb8;
	[tilespmem:$0x1C600] =	vst v63  }
0x4a: {  	v5 =	vmul.u32 $0x50, v4;
	v6 =	vshll.u32 v4, $0x4;
	_ =	swait.ge [sflag:s26], $0x2800  }
0x4b: {  	v4 =	vor.u32 v0, v6;
	[sflag:s26] =	ssyncset.done $0x0  }
0x4c: {  	v7 =	vadd.s32 $0x40, v5;
	[sflag:s26] =	ssyncadd.s32 $0xFFFFD800  }
0x4d: {  	_ =	swait.ge [sflag:s28], $0x800  }
0x4e: {  	[sflag:s28] =	ssyncset.done $0x0  }
0x4f: {  	[sflag:s28] =	ssyncadd.s32 $0xFFFFF800  }
0x50: {  	v4 =	vld.idx.msk [tilespmem:v4+s23+$0x0], $0xffff  }
0x51: {  	v8 =	vld.idx.msk [tilespmem:v7+s19+$0x0], $0xffff;
	_ =	sdelay $0x4  }
0x52: {  	v4 =	vadd.f32 v4, v8;
	_ =	sdelay $0x1  }
0x53: {  	v8 =	vmul.f32 $2.000000030e-01, v4  }
0x54: {  	vm0 =	vgt.f32 v4, $0.0e+00  }
0x55: {  	v4 =	vsel vm0, v4, v8  }
0x56: {  	v4 =	vmul.f32 $1.442695020e+00, v4;
	_ =	sdelay $0x1  }
0x57: {  	(erf) = vpow2.f32 v4;
	_ =	sdelay $0x5  }
0x58: {  	v4 =	vadd.s32 $0x41, v5  }
0x59: {  	v5 =	vor.u32 v1, v6;
	_ =	sdelay $0x1  }
0x5a: {  	v6 =	vpop (erf)  }
0x5b: {  	[tilespmem:v7+s19+$0x0] =	vst.idx.msk $0xffff, v6  }
0x5c: {  	v6 =	vld.idx.msk [tilespmem:v4+s19+$0x0], $0xffff  }
0x5d: {  	v5 =	vld.idx.msk [tilespmem:v5+s23+$0x0], $0xffff;
	_ =	sdelay $0x4  }
0x5e: {  	v5 =	vadd.f32 v5, v6;
	_ =	sdelay $0x1  }
0x5f: {  	v6 =	vmul.f32 $2.000000030e-01, v5  }
0x60: {  	vm15 =	vgt.f32 v5, $0.0e+00  }
0x61: {  	v5 =	vsel vm15, v5, v6  }
0x62: {  	v5 =	vmul.f32 $1.442695020e+00, v5;
	_ =	sdelay $0x1  }
0x63: {  	(erf) = vpow2.f32 v5;
	_ =	sdelay $0x2  }
0x64: {  	s12 =	simm.s32 $0x10  }
0x65: {  	v7 =	vor.u32 s12, v3  }
0x66: {  	v6 =	vmul.u32 $0x50, v7;
	v7 =	vshll.u32 v7, $0x4  }
0x67: {  	v8 =	vor.u32 v0, v7  }
0x68: {  	s12 =	simm.s32 $0x20;
	v5 =	vadd.s32 $0x40, v6  }
.LBB2_5:
0x69: {  	_ = 	snop  }
0x6a: {  	p0 =	sne.s32 s12, $0x70;
	s13 =	smov.u32 s12;
	s12 =	sadd.s32 $0x10, s12;
	v9 =	vpop (erf)  }
0x6b: {  	[tilespmem:v4+s19+$0x0] =	vst.idx.msk $0xffff, v9  }
0x6c: {  	v4 =	vld.idx.msk [tilespmem:v8+s23+$0x0], $0xffff  }
0x6d: {  	v8 =	vld.idx.msk [tilespmem:v5+s19+$0x0], $0xffff;
	_ =	sdelay $0x5  }
0x6e: {  	v4 =	vadd.f32 v4, v8;
	_ =	sdelay $0x1  }
0x6f: {  	v8 =	vmul.f32 $2.000000030e-01, v4  }
0x70: {  	vm0 =	vgt.f32 v4, $0.0e+00  }
0x71: {  	v4 =	vsel vm0, v4, v8  }
0x72: {  	v4 =	vmul.f32 $1.442695020e+00, v4;
	_ =	sdelay $0x1  }
0x73: {  	(erf) = vpow2.f32 v4;
	_ =	sdelay $0x5  }
0x74: {  	v4 =	vadd.s32 $0x41, v6;
	v6 =	vor.u32 v1, v7;
	_ =	sdelay $0x2  }
0x75: {  	v7 =	vpop (erf)  }
0x76: {  	[tilespmem:v5+s19+$0x0] =	vst.idx.msk $0xffff, v7  }
0x77: {  	v5 =	vld.idx.msk [tilespmem:v4+s19+$0x0], $0xffff  }
0x78: {  	v6 =	vld.idx.msk [tilespmem:v6+s23+$0x0], $0xffff;
	_ =	sdelay $0x5  }
0x79: {  	v5 =	vadd.f32 v6, v5;
	_ =	sdelay $0x1  }
0x7a: {  	vm0 =	vgt.f32 v5, $0.0e+00;
	v6 =	vmul.f32 $2.000000030e-01, v5;
	_ =	sdelay $0x1  }
0x7b: {  	v5 =	vsel vm0, v5, v6  }
0x7c: {  	v5 =	vmul.f32 $1.442695020e+00, v5;
	_ =	sdelay $0x1  }
0x7d: {  	(erf) = vpow2.f32 v5;
	_ =	sdelay $0x2  }
.Ltmp1:
0x7e: {  	(pc) =	sbr.rel @p0 .LBB2_5-.Ltmp1, $4  }
0x7f: {  	v5 =	vor.u32 s13, v3  }
0x80: {  	v6 =	vmul.u32 $0x50, v5;
	v7 =	vshll.u32 v5, $0x4  }
0x81: {  	v8 =	vor.u32 v0, v7  }
0x82: {  	v5 =	vadd.s32 $0x40, v6  }
0x83: {  	_ =	sdelay $0x2  }
0x84: {  	v9 =	vpop (erf)  }
0x85: {  	[tilespmem:v4+s19+$0x0] =	vst.idx.msk $0xffff, v9  }
0x86: {  	v4 =	vld.idx.msk [tilespmem:v8+s23+$0x0], $0xffff  }
0x87: {  	v8 =	vld.idx.msk [tilespmem:v5+s19+$0x0], $0xffff;
	_ =	sdelay $0x4  }
0x88: {  	v4 =	vadd.f32 v4, v8;
	_ =	sdelay $0x1  }
0x89: {  	v8 =	vmul.f32 $2.000000030e-01, v4  }
0x8a: {  	vm0 =	vgt.f32 v4, $0.0e+00  }
0x8b: {  	v4 =	vsel vm0, v4, v8  }
0x8c: {  	v4 =	vmul.f32 $1.442695020e+00, v4;
	_ =	sdelay $0x1  }
0x8d: {  	(erf) = vpow2.f32 v4;
	_ =	sdelay $0x5  }
0x8e: {  	v4 =	vadd.s32 $0x41, v6  }
0x8f: {  	v6 =	vor.u32 v1, v7;
	_ =	sdelay $0x1  }
0x90: {  	v7 =	vpop (erf)  }
0x91: {  	[tilespmem:v5+s19+$0x0] =	vst.idx.msk $0xffff, v7  }
0x92: {  	v5 =	vld.idx.msk [tilespmem:v4+s19+$0x0], $0xffff  }
0x93: {  	v6 =	vld.idx.msk [tilespmem:v6+s23+$0x0], $0xffff;
	_ =	sdelay $0x4  }
0x94: {  	v5 =	vadd.f32 v6, v5;
	_ =	sdelay $0x1  }
0x95: {  	v6 =	vmul.f32 $2.000000030e-01, v5  }
0x96: {  	vm15 =	vgt.f32 v5, $0.0e+00  }
0x97: {  	v5 =	vsel vm15, v5, v6  }
0x98: {  	v5 =	vmul.f32 $1.442695020e+00, v5;
	_ =	sdelay $0x1  }
0x99: {  	(erf) = vpow2.f32 v5;
	_ =	sdelay $0x8  }
0x9a: {  	v5 =	vpop (erf)  }
0x9b: {  	s12 =	simm.s32 $0x0;
	[tilespmem:v4+s19+$0x0] =	vst.idx.msk $0xffff, v5  }
0x9c: {  	v5 =	vld [tilespmem:s12+$0x9E40];
	_ =	sdelay $0x1  }
0x9d: {  	v4 =	vld [tilespmem:s12+$0x9E00]  }
0x9e: {  	v6 =	vld [tilespmem:s12+$0x9E10]  }
0x9f: {  	v7 =	vld [tilespmem:s12+$0x9E20]  }
0xa0: {  	v9 =	vld [tilespmem:s12+$0x9E30];
	v8 =	vbroadcast v5, $0x0;
	_ =	sdelay $0x1  }
0xa1: {  	s13 =	simm.s32 $0x50;
	v11 =	vbroadcast v5, $0x1;
	v10 =	vmul.f32 v8, v4  }
0xa2: {  	v4 =	vld [tilespmem:s13+$0x9E40];
	v8 =	vmul.f32 v6, v8  }
0xa3: {  	v6 =	vmul.f32 v7, v11;
	[tilespmem:s12+$0x9E00] =	vst v10  }
0xa4: {  	s14 =	simm.s32 $0x280;
	v7 =	vmul.f32 v9, v11;
	v5 =	vld [tilespmem:s13+$0x9E00];
	[tilespmem:s12+$0x9E10] =	vst v8  }
.LBB2_7:
0xa5: {  	p0 =	sne.s32 s14, $0x9EC0;
	v8 =	vld [tilespmem:s13+$0x9E10];
	[tilespmem:s12+$0x9E20] =	vst v6  }
0xa6: {  	v6 =	vld [tilespmem:s13+$0x9E20];
	[tilespmem:s12+$0x9E30] =	vst v7;
	s12 =	smov.u32 s13  }
0xa7: {  	v7 =	vbroadcast v4, $0x0;
	v9 =	vld [tilespmem:s12+$0x9E30]  }
.Ltmp2:
0xa8: {  	(pc) =	sbr.rel @p0 .LBB2_7-.Ltmp2, $4  }
0xa9: {  	s13 =	sshra.s32 s14, $0x2;
	v10 =	vbroadcast v4, $0x1;
	v5 =	vmul.f32 v7, v5  }
0xaa: {  	v4 =	vld [tilespmem:s13+$0x9E40];
	v7 =	vmul.f32 v8, v7  }
0xab: {  	[tilespmem:s12+$0x9E00] =	vst v5;
	v6 =	vmul.f32 v6, v10  }
0xac: {  	s14 =	sadd.s32 $0x140, s14;
	v5 =	vld [tilespmem:s13+$0x9E00];
	[tilespmem:s12+$0x9E10] =	vst v7;
	v7 =	vmul.f32 v9, v10  }
0xad: {  	v8 =	vld [tilespmem:s13+$0x9E10];
	[tilespmem:s12+$0x9E20] =	vst v6  }
0xae: {  	v6 =	vld [tilespmem:s13+$0x9E20];
	[tilespmem:s12+$0x9E30] =	vst v7  }
0xaf: {  	v7 =	vbroadcast v4, $0x0;
	v9 =	vld [tilespmem:s13+$0x9E30];
	_ =	sdelay $0x1  }
0xb0: {  	v4 =	vbroadcast v4, $0x1;
	v5 =	vmul.f32 v7, v5  }
0xb1: {  	v7 =	vmul.f32 v8, v7  }
0xb2: {  	[tilespmem:s13+$0x9E00] =	vst v5;
	v5 =	vmul.f32 v6, v4  }
0xb3: {  	[tilespmem:s13+$0x9E10] =	vst v7;
	v4 =	vmul.f32 v9, v4  }
0xb4: {  	[tilespmem:s13+$0x9E20] =	vst v5  }
0xb5: {  	s11 =	sadd.s32 $0x4F00, s11;
	[tilespmem:s13+$0x9E30] =	vst v4  }
0xb6: {  	[spmem:s2] =	stream.indirect.scatter.add.f32 [tilespmem:s19], [sflag:$0x5], $0x50, s11, s22, $0xb8;
	[tilespmem:$0x1C600] =	vst v63  }
0xb7: {  	p0 =	seq.s32 s0, $0x4E;
	_ =	swait.ge [sflag:s20], $0x2800  }
0xb8: {  	s10 =	sadd.s32 @!p0 $0x400, s10;
	s12 =	simm.s32 @!p0 $0x9E00;
	[sflag:s20] =	ssyncset.done $0x0  }
0xb9: {  	s10 =	sshra.s32 @!p0 s10, $0x2;
	s11 =	simm.s32 @!p0 $0x80;
	[sflag:s20] =	ssyncadd.s32 $0xFFFFD800  }
0xba: {  	[tilespmem:s12], [sflag:$0x1] =	stream.indirect.gather @!p0 [hbm4b:s18+s11], $0x50, s10, s11, $0xb8;
	[tilespmem:$0x1C600] =	vst v63  }
0xbb: {  	s14 =	simm.s32 $0x0;
	s10 =	sadd.s32 @!p0 $0x4F00, s10;
	s12 =	simm.s32 @!p0 $0xEE00  }
0xbc: {  	v4 =	vor.u32 s14, v3;
	[tilespmem:s12], [sflag:$0x3] =	stream.indirect.gather @!p0 [hbm4b:s4+s11], $0x10, s10, s11, $0xb8;
	[tilespmem:$0x1C600] =	vst v63  }
0xbd: {  	v5 =	vmul.u32 $0x50, v4;
	v6 =	vshll.u32 v4, $0x4;
	_ =	swait.ge [sflag:s29], $0x2800  }
0xbe: {  	v4 =	vor.u32 v0, v6;
	[sflag:s29] =	ssyncset.done $0x0  }
0xbf: {  	v7 =	vadd.s32 $0x40, v5;
	[sflag:s29] =	ssyncadd.s32 $0xFFFFD800  }
0xc0: {  	_ =	swait.ge [sflag:s30], $0x800  }
0xc1: {  	[sflag:s30] =	ssyncset.done $0x0  }
0xc2: {  	[sflag:s30] =	ssyncadd.s32 $0xFFFFF800  }
0xc3: {  	v4 =	vld.idx.msk [tilespmem:v4+s25+$0x0], $0xffff  }
0xc4: {  	v8 =	vld.idx.msk [tilespmem:v7+s24+$0x0], $0xffff;
	_ =	sdelay $0x4  }
0xc5: {  	v4 =	vadd.f32 v4, v8;
	_ =	sdelay $0x1  }
0xc6: {  	v8 =	vmul.f32 $2.000000030e-01, v4  }
0xc7: {  	vm0 =	vgt.f32 v4, $0.0e+00  }
0xc8: {  	v4 =	vsel vm0, v4, v8  }
0xc9: {  	v4 =	vmul.f32 $1.442695020e+00, v4;
	_ =	sdelay $0x1  }
0xca: {  	(erf) = vpow2.f32 v4;
	_ =	sdelay $0x5  }
0xcb: {  	v4 =	vadd.s32 $0x41, v5  }
0xcc: {  	v5 =	vor.u32 v1, v6;
	_ =	sdelay $0x1  }
0xcd: {  	v6 =	vpop (erf)  }
0xce: {  	[tilespmem:v7+s24+$0x0] =	vst.idx.msk $0xffff, v6  }
0xcf: {  	v6 =	vld.idx.msk [tilespmem:v4+s24+$0x0], $0xffff  }
0xd0: {  	v5 =	vld.idx.msk [tilespmem:v5+s25+$0x0], $0xffff;
	_ =	sdelay $0x4  }
0xd1: {  	v5 =	vadd.f32 v5, v6;
	_ =	sdelay $0x1  }
0xd2: {  	v6 =	vmul.f32 $2.000000030e-01, v5  }
0xd3: {  	vm15 =	vgt.f32 v5, $0.0e+00  }
0xd4: {  	v5 =	vsel vm15, v5, v6  }
0xd5: {  	v5 =	vmul.f32 $1.442695020e+00, v5;
	_ =	sdelay $0x1  }
0xd6: {  	(erf) = vpow2.f32 v5;
	_ =	sdelay $0x2  }
0xd7: {  	s14 =	simm.s32 $0x10  }
0xd8: {  	v7 =	vor.u32 s14, v3  }
0xd9: {  	v6 =	vmul.u32 $0x50, v7;
	v7 =	vshll.u32 v7, $0x4  }
0xda: {  	v8 =	vor.u32 v0, v7  }
0xdb: {  	s10 =	simm.s32 $0x20;
	v5 =	vadd.s32 $0x40, v6  }
.LBB2_9:
0xdc: {  	_ = 	snop  }
0xdd: {  	p0 =	sne.s32 s10, $0x70;
	s11 =	smov.u32 s10;
	s10 =	sadd.s32 $0x10, s10;
	v9 =	vpop (erf)  }
0xde: {  	[tilespmem:v4+s24+$0x0] =	vst.idx.msk $0xffff, v9  }
0xdf: {  	v4 =	vld.idx.msk [tilespmem:v8+s25+$0x0], $0xffff  }
0xe0: {  	v8 =	vld.idx.msk [tilespmem:v5+s24+$0x0], $0xffff;
	_ =	sdelay $0x5  }
0xe1: {  	v4 =	vadd.f32 v4, v8;
	_ =	sdelay $0x1  }
0xe2: {  	v8 =	vmul.f32 $2.000000030e-01, v4  }
0xe3: {  	vm0 =	vgt.f32 v4, $0.0e+00  }
0xe4: {  	v4 =	vsel vm0, v4, v8  }
0xe5: {  	v4 =	vmul.f32 $1.442695020e+00, v4;
	_ =	sdelay $0x1  }
0xe6: {  	(erf) = vpow2.f32 v4;
	_ =	sdelay $0x5  }
0xe7: {  	v4 =	vadd.s32 $0x41, v6;
	v6 =	vor.u32 v1, v7;
	_ =	sdelay $0x2  }
0xe8: {  	v7 =	vpop (erf)  }
0xe9: {  	[tilespmem:v5+s24+$0x0] =	vst.idx.msk $0xffff, v7  }
0xea: {  	v5 =	vld.idx.msk [tilespmem:v4+s24+$0x0], $0xffff  }
0xeb: {  	v6 =	vld.idx.msk [tilespmem:v6+s25+$0x0], $0xffff;
	_ =	sdelay $0x5  }
0xec: {  	v5 =	vadd.f32 v6, v5;
	_ =	sdelay $0x1  }
0xed: {  	vm0 =	vgt.f32 v5, $0.0e+00;
	v6 =	vmul.f32 $2.000000030e-01, v5;
	_ =	sdelay $0x1  }
0xee: {  	v5 =	vsel vm0, v5, v6  }
0xef: {  	v5 =	vmul.f32 $1.442695020e+00, v5;
	_ =	sdelay $0x1  }
0xf0: {  	(erf) = vpow2.f32 v5;
	_ =	sdelay $0x2  }
.Ltmp3:
0xf1: {  	(pc) =	sbr.rel @p0 .LBB2_9-.Ltmp3, $4  }
0xf2: {  	v5 =	vor.u32 s11, v3  }
0xf3: {  	v6 =	vmul.u32 $0x50, v5;
	v7 =	vshll.u32 v5, $0x4  }
0xf4: {  	v8 =	vor.u32 v0, v7  }
0xf5: {  	v5 =	vadd.s32 $0x40, v6  }
0xf6: {  	_ =	sdelay $0x2  }
0xf7: {  	v9 =	vpop (erf)  }
0xf8: {  	[tilespmem:v4+s24+$0x0] =	vst.idx.msk $0xffff, v9  }
0xf9: {  	v4 =	vld.idx.msk [tilespmem:v8+s25+$0x0], $0xffff  }
0xfa: {  	v8 =	vld.idx.msk [tilespmem:v5+s24+$0x0], $0xffff;
	_ =	sdelay $0x4  }
0xfb: {  	v4 =	vadd.f32 v4, v8;
	_ =	sdelay $0x1  }
0xfc: {  	v8 =	vmul.f32 $2.000000030e-01, v4  }
0xfd: {  	vm0 =	vgt.f32 v4, $0.0e+00  }
0xfe: {  	v4 =	vsel vm0, v4, v8  }
0xff: {  	v4 =	vmul.f32 $1.442695020e+00, v4;
	_ =	sdelay $0x1  }
0x100: {  	(erf) = vpow2.f32 v4;
	_ =	sdelay $0x5  }
0x101: {  	v4 =	vadd.s32 $0x41, v6  }
0x102: {  	v6 =	vor.u32 v1, v7;
	_ =	sdelay $0x1  }
0x103: {  	v7 =	vpop (erf)  }
0x104: {  	[tilespmem:v5+s24+$0x0] =	vst.idx.msk $0xffff, v7  }
0x105: {  	v5 =	vld.idx.msk [tilespmem:v4+s24+$0x0], $0xffff  }
0x106: {  	v6 =	vld.idx.msk [tilespmem:v6+s25+$0x0], $0xffff;
	_ =	sdelay $0x4  }
0x107: {  	v5 =	vadd.f32 v6, v5;
	_ =	sdelay $0x1  }
0x108: {  	v6 =	vmul.f32 $2.000000030e-01, v5  }
0x109: {  	vm15 =	vgt.f32 v5, $0.0e+00  }
0x10a: {  	v5 =	vsel vm15, v5, v6  }
0x10b: {  	v5 =	vmul.f32 $1.442695020e+00, v5;
	_ =	sdelay $0x1  }
0x10c: {  	(erf) = vpow2.f32 v5;
	_ =	sdelay $0x8  }
0x10d: {  	v5 =	vpop (erf)  }
0x10e: {  	s10 =	simm.s32 $0x0;
	[tilespmem:v4+s24+$0x0] =	vst.idx.msk $0xffff, v5  }
0x10f: {  	v5 =	vld [tilespmem:s10+$0xC640];
	_ =	sdelay $0x1  }
0x110: {  	v4 =	vld [tilespmem:s10+$0xC600]  }
0x111: {  	v6 =	vld [tilespmem:s10+$0xC610]  }
0x112: {  	v7 =	vld [tilespmem:s10+$0xC620]  }
0x113: {  	v9 =	vld [tilespmem:s10+$0xC630];
	v8 =	vbroadcast v5, $0x0;
	_ =	sdelay $0x1  }
0x114: {  	s11 =	simm.s32 $0x50;
	v11 =	vbroadcast v5, $0x1;
	v10 =	vmul.f32 v8, v4  }
0x115: {  	v4 =	vld [tilespmem:s11+$0xC640];
	v8 =	vmul.f32 v6, v8  }
0x116: {  	v6 =	vmul.f32 v7, v11;
	[tilespmem:s10+$0xC600] =	vst v10  }
0x117: {  	s12 =	simm.s32 $0x280;
	v7 =	vmul.f32 v9, v11;
	v5 =	vld [tilespmem:s11+$0xC600];
	[tilespmem:s10+$0xC610] =	vst v8  }
.LBB2_11:
0x118: {  	p0 =	sne.s32 s12, $0x9EC0;
	v8 =	vld [tilespmem:s11+$0xC610];
	[tilespmem:s10+$0xC620] =	vst v6  }
0x119: {  	v6 =	vld [tilespmem:s11+$0xC620];
	[tilespmem:s10+$0xC630] =	vst v7;
	s10 =	smov.u32 s11  }
0x11a: {  	v7 =	vbroadcast v4, $0x0;
	v9 =	vld [tilespmem:s10+$0xC630]  }
.Ltmp4:
0x11b: {  	(pc) =	sbr.rel @p0 .LBB2_11-.Ltmp4, $4  }
0x11c: {  	s11 =	sshra.s32 s12, $0x2;
	v10 =	vbroadcast v4, $0x1;
	v5 =	vmul.f32 v7, v5  }
0x11d: {  	v4 =	vld [tilespmem:s11+$0xC640];
	v7 =	vmul.f32 v8, v7  }
0x11e: {  	[tilespmem:s10+$0xC600] =	vst v5;
	v6 =	vmul.f32 v6, v10  }
0x11f: {  	s12 =	sadd.s32 $0x140, s12;
	v5 =	vld [tilespmem:s11+$0xC600];
	[tilespmem:s10+$0xC610] =	vst v7;
	v7 =	vmul.f32 v9, v10  }
0x120: {  	v8 =	vld [tilespmem:s11+$0xC610];
	[tilespmem:s10+$0xC620] =	vst v6  }
0x121: {  	v6 =	vld [tilespmem:s11+$0xC620];
	[tilespmem:s10+$0xC630] =	vst v7  }
0x122: {  	v63 =	vbroadcast v4, $0x0;
	v9 =	vld [tilespmem:s11+$0xC630];
	_ =	sdelay $0x1  }
0x123: {  	v4 =	vbroadcast v4, $0x1;
	v5 =	vmul.f32 v63, v5  }
0x124: {  	v7 =	vmul.f32 v8, v63  }
0x125: {  	[tilespmem:s11+$0xC600] =	vst v5;
	v5 =	vmul.f32 v6, v4  }
0x126: {  	s0 =	sadd.s32 $0x1, s0;
	[tilespmem:s11+$0xC610] =	vst v7;
	v4 =	vmul.f32 v9, v4  }
0x127: {  	p0 =	sne.s32 s0, $0x4F;
	[tilespmem:s11+$0xC620] =	vst v5  }
.Ltmp5:
0x128: {  	[tilespmem:s11+$0xC630] =	vst v4;
	(pc) =	sbr.rel @p0 .LBB2_4-.Ltmp5, $4  }
0x129: {  	[spmem:s2] =	stream.indirect.scatter.add.f32 [tilespmem:s24], [sflag:$0x5], $0x50, s1, s22, $0xb8;
	[tilespmem:$0x1C600] =	vst v63  }
0x12a: {  	_ =	swait.ge [sflag:s20], $0x2800  }
0x12b: {  	[sflag:s20] =	ssyncset.done $0x0  }
0x12c: {  	[sflag:s20] =	ssyncadd.s32 $0xFFFFD800  }
0x12d: {  	s0 =	stileid.u32  }
0x12e: {  	[bflag:$0x0] =	sbarrier.arrive $0xFFFF;
	s0 =	sshll.u32 s0, $0x6  }
0x12f: {  	s1 =	sshrl.u32 s5, $0x3;
	s10 =	rddreg [dreg:$0x5];
	s0 =	sor.u32 $0x1C05, s0  }
0x130: {  	[hbm:s10], [sflag:s0] =	dma.local [spmem:s1], $0x500  }
0x131: {  	_ =	swait.ge [sflag:s20], $0x500  }
0x132: {  	[sflag:s20] =	ssyncset.done $0x0  }
0x133: {  	s13 =	sshrl.u32 s6, $0x3;
	s14 =	rddreg [dreg:$0x6];
	[sflag:s20] =	ssyncadd.s32 $0xFFFFFB00  }
0x134: {  	[hbm:s14], [sflag:s0] =	dma.local [spmem:s13], $0x500  }
0x135: {  	_ =	swait.ge [sflag:s20], $0x500  }
0x136: {  	[sflag:s20] =	ssyncset.done $0x0  }
0x137: {  	s11 =	sshrl.u32 s7, $0x3;
	s12 =	rddreg [dreg:$0x7];
	[sflag:s20] =	ssyncadd.s32 $0xFFFFFB00  }
0x138: {  	[hbm:s12], [sflag:s0] =	dma.local [spmem:s11], $0x500  }
0x139: {  	_ =	swait.ge [sflag:s20], $0x500  }
0x13a: {  	[sflag:s20] =	ssyncset.done $0x0  }
0x13b: {  	s13 =	sshrl.u32 s8, $0x3;
	[sflag:s20] =	ssyncadd.s32 $0xFFFFFB00  }
0x13c: {  	[hbm:s15], [sflag:s0] =	dma.local [spmem:s13], $0x500  }
0x13d: {  	s3 =	sadd.s32 $0x1, s3;
	_ =	swait.ge [sflag:s20], $0x500  }
0x13e: {  	p0 =	sne.s32 s3, s17;
	[sflag:s20] =	ssyncset.done $0x0  }
.Ltmp6:
0x13f: {  	s14 =	sshrl.u32 s9, $0x3;
	[sflag:s20] =	ssyncadd.s32 $0xFFFFFB00;
	(pc) =	sbr.rel @p0 .LBB2_1-.Ltmp6, $4  }
0x140: {  	[hbm:s16], [sflag:s0] =	dma.local [spmem:s14], $0x500  }
0x141: {  	_ =	swait.ge [sflag:s20], $0x500  }
0x142: {  	[sflag:s20] =	ssyncset.done $0x0  }
0x143: {  	[sflag:s20] =	ssyncadd.s32 $0xFFFFFB00  }
0x144: {  	_ =	sfence.sel $0x180000  }
0x145: {  	[bflag:$0x0] =	sbarrier.arrive $0xFFFF  }
0x146: {  	_ =	strace $0x90000047  }
0x147: {  	s0 =	stileid.u32;
	[bflag:$0x2] =	sbarrier.arrive $0xFFFF  }
0x148: {  	p0 =	sne.s32 s0, $0x0;
	s0 =	rddreg [dreg:$0x2]  }
0x149: {  	s0 =	sadd.s32 @!p0 $0x100000, s0  }
0x14a: {  	[sflag:s0] =	ssyncadd.tile.s32 @!p0 $0x1;
	_ =	shalt  }
.Lfunc_end2:
_tile_overlayer_lowered:
.L_overlay_start_2:
0x14b: {  	(tag) =	ssettag $0x2  }
0x14c: {  	s0 =	rddreg [dreg:$0x0];
	s2 =	stileid.u32  }
0x14d: {  	s1 =	rddreg [dreg:$0x1];
	p0 =	sne.s32 s2, $0x0  }
0x14e: {  	s3 =	rddreg [dreg:$0x2];
	[bflag:$0x3] =	sbarrier.arrive $0xFFFF;
	s2 =	simm.s32 @!p0 $0x1C05  }
0x14f: {  	[timem:s3], [sflag:s2] =	dma.local @!p0 [hbm:s0], s1  }
0x150: {  	s0 =	simm.s32 @!p0 $0x5  }
0x151: {  	_ =	swait.ge @!p0 [sflag:s0], s1  }
0x152: {  	s1 =	ssub.s32 @!p0 $0x0, s1;
	[sflag:s0] =	ssyncset.done @!p0 $0x0  }
0x153: {  	[sflag:s0] =	ssyncadd.s32 @!p0 s1  }
0x154: {  	[bflag:$0x3] =	sbarrier.arrive $0xFFFF  }
0x155: {  	_ =	shalt  }

</sc_bundles>
